<compile_context>
chip_gen: v7x
topology: tpu7x:2x2x1
jax: 0.10.2.dev20260603
libtpu: 0.0.44.dev20260713+nightly
codegen_flags: <defaults>
</compile_context>

<pallas_src>
import functools

import jax
import jax.numpy as jnp
from jax import lax
from jax.experimental import pallas as pl
from jax.experimental.pallas import tpu as pltpu
from jax.experimental.pallas import tpu_sc as plsc

_TT = 1024
_KC = 2736
_NKC = 3
_NSUB = 6
_SUB = 456
_RPS = _SUB // 8


def _argmin_body(cb_ref, z_ref, zn_ref, cn_ref, out_ref, acc_v, acc_i):
    k = pl.program_id(1)
    nk = pl.num_programs(1)
    start = k * _KC - 16 * (k // 2)
    last = k == nk - 1
    zb = -2.0 * z_ref[0]
    zn = zn_ref[...]
    run_v = jnp.full((8, _TT), jnp.inf, jnp.float32)
    run_r = jnp.zeros((8, _TT), jnp.int32)
    for sub in range(_NSUB):
        g = lax.dot_general(
            cb_ref[pl.ds(start + sub * _SUB, _SUB), :], zb,
            (((1,), (0,)), ((), ())),
            preferred_element_type=jnp.float32,
        )
        cn_sub = cn_ref[pl.ds(start + sub * _SUB, _SUB), :]
        for r in range(_RPS):
            row0 = r * 8
            x = zn + g[row0:row0 + 8, :] + cn_sub[row0:row0 + 8, :]
            if sub == 0 and r < 2:
                x = jnp.where(last, jnp.inf, x)
            lt = x < run_v
            run_v = jnp.where(lt, x, run_v)
            run_r = jnp.where(lt, jnp.int32(sub * _RPS + r), run_r)
    srow = lax.broadcasted_iota(jnp.int32, (8, _TT), 0)
    idx = run_r * 8 + srow + start
    m = jnp.min(run_v, axis=0, keepdims=True)
    a = jnp.min(jnp.where(run_v == m, idx, jnp.int32(2 ** 30)),
                axis=0, keepdims=True)

    @pl.when(k == 0)
    def _():
        acc_v[...] = m.astype(jnp.bfloat16).astype(jnp.float32)
        acc_i[...] = a

    @pl.when(k > 0)
    def _():
        accw = acc_v[...]
        keep = accw <= m
        acc_v[...] = jnp.where(keep, accw, m).astype(
            jnp.bfloat16).astype(jnp.float32)
        acc_i[...] = jnp.where(keep, acc_i[...], a)

    @pl.when(k == nk - 1)
    def _():
        out_ref[...] = acc_i[...]


def _argmin_indices(z, zn, cb_pad, cn):
    b, c_dim, t_len = z.shape
    n_tok = b * t_len
    nt = n_tok // _TT
    per_b = t_len // _TT
    kpad = cb_pad.shape[0]
    idx2d = pl.pallas_call(
        _argmin_body,
        grid=(nt, _NKC),
        in_specs=[
            pl.BlockSpec((kpad, c_dim), lambda t, k: (0, 0)),
            pl.BlockSpec((1, c_dim, _TT),
                         lambda t, k: (t // per_b, 0, t % per_b)),
            pl.BlockSpec((1, _TT), lambda t, k: (0, t)),
            pl.BlockSpec((kpad, 1), lambda t, k: (0, 0)),
        ],
        out_specs=pl.BlockSpec((1, _TT), lambda t, k: (0, t)),
        out_shape=jax.ShapeDtypeStruct((1, n_tok), jnp.int32),
        scratch_shapes=[
            pltpu.VMEM((1, _TT), jnp.float32),
            pltpu.VMEM((1, _TT), jnp.int32),
        ],
        compiler_params=pltpu.CompilerParams(
            dimension_semantics=("parallel", "arbitrary")),
    )(cb_pad, z, zn, cn)
    return idx2d.reshape(n_tok)


def _sc_gather(table, idx):
    n_tok = idx.shape[0]
    d = table.shape[1]
    info = plsc.get_sparse_core_info()
    nw = info.num_cores * info.num_subcores
    b_per_w = n_tok // nw
    chunk = 128
    n_chunks = b_per_w // chunk
    mesh = plsc.VectorSubcoreMesh(core_axis_name="c", subcore_axis_name="s")

    @functools.partial(
        pl.kernel, mesh=mesh,
        out_type=jax.ShapeDtypeStruct((n_tok, d), jnp.float32),
        scratch_types=[
            pltpu.VMEM((chunk,), jnp.int32),
            pltpu.VMEM((chunk,), jnp.int32),
            pltpu.VMEM((chunk, d), jnp.float32),
            pltpu.VMEM((chunk, d), jnp.float32),
            pltpu.SemaphoreType.DMA,
            pltpu.SemaphoreType.DMA,
            pltpu.SemaphoreType.DMA,
            pltpu.SemaphoreType.DMA,
        ],
    )
    def gather_kernel(table_hbm, idx_hbm, out_hbm,
                      idx0, idx1, rows0, rows1, g0, g1, s0, s1):
        wid = lax.axis_index("s") * info.num_cores + lax.axis_index("c")
        base = wid * b_per_w
        idxs, rows, gsem, ssem = (idx0, idx1), (rows0, rows1), (g0, g1), (s0, s1)
        gd = [None, None]
        sd = [None, None]
        for ci in range(n_chunks + 1):
            b = ci % 2
            if ci < n_chunks:
                if sd[b] is not None:
                    sd[b].wait()
                off = base + ci * chunk
                pltpu.sync_copy(idx_hbm.at[pl.ds(off, chunk)], idxs[b])
                gd[b] = pltpu.async_copy(table_hbm.at[idxs[b]], rows[b],
                                         gsem[b])
            if ci >= 1:
                pb = (ci - 1) % 2
                gd[pb].wait()
                poff = base + (ci - 1) * chunk
                sd[pb] = pltpu.async_copy(rows[pb],
                                          out_hbm.at[pl.ds(poff, chunk)],
                                          ssem[pb])
        sd[(n_chunks - 2) % 2].wait()
        sd[(n_chunks - 1) % 2].wait()

    return gather_kernel(table, idx)


def kernel(z, codebook):
    b, c, t = z.shape
    zn = jnp.sum(jnp.transpose(z, (0, 2, 1)) ** 2, axis=2).reshape(1, -1)
    cn = jnp.sum(codebook ** 2, axis=1, keepdims=True)
    indices = _argmin_indices(z, zn, codebook, cn)
    z_q_flat = _sc_gather(codebook, indices)
    z_q = jnp.transpose(z_q_flat.reshape(b, t, c), (0, 2, 1))
    return (z_q, indices.reshape(b, t))

# --- scband reference (transcript-rebuilt; emitter-appended) ---
"""Pipeline reference for scband-quantization-layer-35562329211518 (READ-ONLY COPY).

The authoritative reference and input builder live on the scoring server;
editing this copy changes nothing except your own understanding.
"""

import jax, jax.numpy as jnp
import numpy as np


def setup_inputs(seed: int = 0) -> dict:
    key = jax.random.key(seed)
    k1, k2 = jax.random.split(key)
    z = jax.random.normal(k1, (16, 256, 1024), dtype=jnp.float32)
    codebook = jax.random.normal(k2, (8192, 256), dtype=jnp.float32)
    return {"z": z, "codebook": codebook}


def reference(z, codebook):
    B, C, T = z.shape
    z_t = jnp.transpose(z, (0, 2, 1))
    z_flat = z_t.reshape(-1, C)
    distances = (
        jnp.sum(z_flat ** 2, axis=1, keepdims=True)
        - 2.0 * (z_flat @ codebook.T)
        + jnp.sum(codebook ** 2, axis=1, keepdims=True).T
    )
    indices = jnp.argmin(distances, axis=1)
    z_q_flat = jnp.take(codebook, indices, axis=0)
    z_q = jnp.transpose(z_q_flat.reshape(B, T, C), (0, 2, 1))
    indices_reshaped = indices.reshape(B, T)
    return (z_q, indices_reshaped)

if __name__ == "__main__":
    import jax
    _d = setup_inputs()
    print(jax.jit(kernel)(*tuple(_d.values())))

</pallas_src>

<mosaic_0001>
#map = affine_map<(d0, d1) -> (0, 0)>
#map1 = affine_map<(d0, d1) -> (0)>
module attributes {stable_mosaic.version = 14 : i64} {
  func.func @gather_kernel(%arg0: i32, %arg1: i32, %arg2: memref<8192x256xf32, #tpu.memory_space<hbm>>, %arg3: memref<16384xi32, #tpu.memory_space<hbm>>, %arg4: memref<16384x256xf32, #tpu.memory_space<hbm>>, %arg5: memref<128xi32, #tpu.memory_space<vmem>>, %arg6: memref<128xi32, #tpu.memory_space<vmem>>, %arg7: memref<128x256xf32, #tpu.memory_space<vmem>>, %arg8: memref<128x256xf32, #tpu.memory_space<vmem>>, %arg9: memref<!tpu.dma_semaphore, #tpu.memory_space<semaphore_mem>>, %arg10: memref<!tpu.dma_semaphore, #tpu.memory_space<semaphore_mem>>, %arg11: memref<!tpu.dma_semaphore, #tpu.memory_space<semaphore_mem>>, %arg12: memref<!tpu.dma_semaphore, #tpu.memory_space<semaphore_mem>>) attributes {dimension_semantics = [#tpu.dimension_semantics<core_parallel>, #tpu.dimension_semantics<subcore_parallel>], iteration_bounds = array<i64: 2, 16>, scalar_prefetch = 0 : i64, scratch_operands = 8 : i64, tpu.core_type = #tpu.core_type<sc_vector_subcore>, window_params = [{transform_indices = #map}, {transform_indices = #map1}, {transform_indices = #map}]} {
    %mul3A = arith.constant 2 : i32
    %mul3A_0 = arith.muli %arg1, %mul3A : i32
    %add3A = arith.addi %mul3A_0, %arg0 : i32
    %mul3A_1 = arith.constant 512 : i32
    %mul3A_2 = arith.muli %add3A, %mul3A_1 : i32
    %add3A_3 = arith.constant 0 : i32
    %add3A_4 = arith.addi %mul3A_2, %add3A_3 : i32
    "tpu.region"() ({
      %run_scoped3A = tpu.sem_alloc : memref<!tpu.dma_semaphore, #tpu.memory_space<semaphore_mem>>
      %dma_start3A_73 = tpu.memref_slice %arg3[%add3A_4] : memref<16384xi32, #tpu.memory_space<hbm>> -> memref<128xi32, #tpu.memory_space<hbm>>
      %dma_start3A_74 = tpu.memref_slice %arg3[%add3A_4] : memref<16384xi32, #tpu.memory_space<hbm>> -> memref<128xi32, #tpu.memory_space<hbm>>
      tpu.enqueue_dma source(%dma_start3A_74 : memref<128xi32, #tpu.memory_space<hbm>>) target(%arg5 : memref<128xi32, #tpu.memory_space<vmem>>) target_semaphore(%run_scoped3A : memref<!tpu.dma_semaphore, #tpu.memory_space<semaphore_mem>>)
      %dma_wait3A_75 = tpu.memref_slice %arg3[%add3A_4] : memref<16384xi32, #tpu.memory_space<hbm>> -> memref<128xi32, #tpu.memory_space<hbm>>
      %dma_wait3A_76 = tpu.memref_slice %arg3[%add3A_4] : memref<16384xi32, #tpu.memory_space<hbm>> -> memref<128xi32, #tpu.memory_space<hbm>>
      tpu.wait_dma2 semaphore(%run_scoped3A : memref<!tpu.dma_semaphore, #tpu.memory_space<semaphore_mem>>) src(%dma_wait3A_76 : memref<128xi32, #tpu.memory_space<hbm>>) dst(%arg5 : memref<128xi32, #tpu.memory_space<vmem>>)
      tpu.yield
    }) : () -> ()
    %dma_start3A = arith.constant 0 : i32
    %dma_start3A_5 = arith.constant 0 : i32
    %dma_start3A_6 = tpu.memref_slice %arg2[%dma_start3A, %dma_start3A_5] : memref<8192x256xf32, #tpu.memory_space<hbm>> -> memref<8192x256xf32, #tpu.memory_space<hbm>>
    tpu.enqueue_indirect_dma source(%dma_start3A_6 : memref<8192x256xf32, #tpu.memory_space<hbm>>) target(%arg7 : memref<128x256xf32, #tpu.memory_space<vmem>>) offsets(%arg5 : memref<128xi32, #tpu.memory_space<vmem>>) semaphore(%arg9 : memref<!tpu.dma_semaphore, #tpu.memory_space<semaphore_mem>>)
    %add3A_7 = arith.constant 128 : i32
    %add3A_8 = arith.addi %mul3A_2, %add3A_7 : i32
    "tpu.region"() ({
      %run_scoped3A = tpu.sem_alloc : memref<!tpu.dma_semaphore, #tpu.memory_space<semaphore_mem>>
      %dma_start3A_73 = tpu.memref_slice %arg3[%add3A_8] : memref<16384xi32, #tpu.memory_space<hbm>> -> memref<128xi32, #tpu.memory_space<hbm>>
      %dma_start3A_74 = tpu.memref_slice %arg3[%add3A_8] : memref<16384xi32, #tpu.memory_space<hbm>> -> memref<128xi32, #tpu.memory_space<hbm>>
      tpu.enqueue_dma source(%dma_start3A_74 : memref<128xi32, #tpu.memory_space<hbm>>) target(%arg6 : memref<128xi32, #tpu.memory_space<vmem>>) target_semaphore(%run_scoped3A : memref<!tpu.dma_semaphore, #tpu.memory_space<semaphore_mem>>)
      %dma_wait3A_75 = tpu.memref_slice %arg3[%add3A_8] : memref<16384xi32, #tpu.memory_space<hbm>> -> memref<128xi32, #tpu.memory_space<hbm>>
      %dma_wait3A_76 = tpu.memref_slice %arg3[%add3A_8] : memref<16384xi32, #tpu.memory_space<hbm>> -> memref<128xi32, #tpu.memory_space<hbm>>
      tpu.wait_dma2 semaphore(%run_scoped3A : memref<!tpu.dma_semaphore, #tpu.memory_space<semaphore_mem>>) src(%dma_wait3A_76 : memref<128xi32, #tpu.memory_space<hbm>>) dst(%arg6 : memref<128xi32, #tpu.memory_space<vmem>>)
      tpu.yield
    }) : () -> ()
    %dma_start3A_9 = arith.constant 0 : i32
    %dma_start3A_10 = arith.constant 0 : i32
    %dma_start3A_11 = tpu.memref_slice %arg2[%dma_start3A_9, %dma_start3A_10] : memref<8192x256xf32, #tpu.memory_space<hbm>> -> memref<8192x256xf32, #tpu.memory_space<hbm>>
    tpu.enqueue_indirect_dma source(%dma_start3A_11 : memref<8192x256xf32, #tpu.memory_space<hbm>>) target(%arg8 : memref<128x256xf32, #tpu.memory_space<vmem>>) offsets(%arg6 : memref<128xi32, #tpu.memory_space<vmem>>) semaphore(%arg10 : memref<!tpu.dma_semaphore, #tpu.memory_space<semaphore_mem>>)
    %dma_wait3A = arith.constant 0 : i32
    %dma_wait3A_12 = arith.constant 0 : i32
    %dma_wait3A_13 = tpu.memref_slice %arg2[%dma_wait3A, %dma_wait3A_12] : memref<8192x256xf32, #tpu.memory_space<hbm>> -> memref<8192x256xf32, #tpu.memory_space<hbm>>
    tpu.wait_indirect_dma semaphore(%arg9 : memref<!tpu.dma_semaphore, #tpu.memory_space<semaphore_mem>>) src(%dma_wait3A_13 : memref<8192x256xf32, #tpu.memory_space<hbm>>) dst(%arg7 : memref<128x256xf32, #tpu.memory_space<vmem>>)
    %add3A_14 = arith.constant 0 : i32
    %add3A_15 = arith.addi %mul3A_2, %add3A_14 : i32
    %dma_start3A_16 = arith.constant 0 : i32
    %dma_start3A_17 = tpu.memref_slice %arg4[%add3A_15, %dma_start3A_16] : memref<16384x256xf32, #tpu.memory_space<hbm>> -> memref<128x256xf32, #tpu.memory_space<hbm>>
    %dma_start3A_18 = arith.constant 0 : i32
    %dma_start3A_19 = tpu.memref_slice %arg4[%add3A_15, %dma_start3A_18] : memref<16384x256xf32, #tpu.memory_space<hbm>> -> memref<128x256xf32, #tpu.memory_space<hbm>>
    tpu.enqueue_dma source(%arg7 : memref<128x256xf32, #tpu.memory_space<vmem>>) target(%dma_start3A_19 : memref<128x256xf32, #tpu.memory_space<hbm>>) target_semaphore(%arg11 : memref<!tpu.dma_semaphore, #tpu.memory_space<semaphore_mem>>)
    %dma_wait3A_20 = arith.constant 0 : i32
    %dma_wait3A_21 = tpu.memref_slice %arg4[%add3A_15, %dma_wait3A_20] : memref<16384x256xf32, #tpu.memory_space<hbm>> -> memref<128x256xf32, #tpu.memory_space<hbm>>
    %dma_wait3A_22 = arith.constant 0 : i32
    %dma_wait3A_23 = tpu.memref_slice %arg4[%add3A_15, %dma_wait3A_22] : memref<16384x256xf32, #tpu.memory_space<hbm>> -> memref<128x256xf32, #tpu.memory_space<hbm>>
    tpu.wait_dma2 semaphore(%arg11 : memref<!tpu.dma_semaphore, #tpu.memory_space<semaphore_mem>>) src(%arg7 : memref<128x256xf32, #tpu.memory_space<vmem>>) dst(%dma_wait3A_23 : memref<128x256xf32, #tpu.memory_space<hbm>>)
    %add3A_24 = arith.constant 256 : i32
    %add3A_25 = arith.addi %mul3A_2, %add3A_24 : i32
    "tpu.region"() ({
      %run_scoped3A = tpu.sem_alloc : memref<!tpu.dma_semaphore, #tpu.memory_space<semaphore_mem>>
      %dma_start3A_73 = tpu.memref_slice %arg3[%add3A_25] : memref<16384xi32, #tpu.memory_space<hbm>> -> memref<128xi32, #tpu.memory_space<hbm>>
      %dma_start3A_74 = tpu.memref_slice %arg3[%add3A_25] : memref<16384xi32, #tpu.memory_space<hbm>> -> memref<128xi32, #tpu.memory_space<hbm>>
      tpu.enqueue_dma source(%dma_start3A_74 : memref<128xi32, #tpu.memory_space<hbm>>) target(%arg5 : memref<128xi32, #tpu.memory_space<vmem>>) target_semaphore(%run_scoped3A : memref<!tpu.dma_semaphore, #tpu.memory_space<semaphore_mem>>)
      %dma_wait3A_75 = tpu.memref_slice %arg3[%add3A_25] : memref<16384xi32, #tpu.memory_space<hbm>> -> memref<128xi32, #tpu.memory_space<hbm>>
      %dma_wait3A_76 = tpu.memref_slice %arg3[%add3A_25] : memref<16384xi32, #tpu.memory_space<hbm>> -> memref<128xi32, #tpu.memory_space<hbm>>
      tpu.wait_dma2 semaphore(%run_scoped3A : memref<!tpu.dma_semaphore, #tpu.memory_space<semaphore_mem>>) src(%dma_wait3A_76 : memref<128xi32, #tpu.memory_space<hbm>>) dst(%arg5 : memref<128xi32, #tpu.memory_space<vmem>>)
      tpu.yield
    }) : () -> ()
    %dma_start3A_26 = arith.constant 0 : i32
    %dma_start3A_27 = arith.constant 0 : i32
    %dma_start3A_28 = tpu.memref_slice %arg2[%dma_start3A_26, %dma_start3A_27] : memref<8192x256xf32, #tpu.memory_space<hbm>> -> memref<8192x256xf32, #tpu.memory_space<hbm>>
    tpu.enqueue_indirect_dma source(%dma_start3A_28 : memref<8192x256xf32, #tpu.memory_space<hbm>>) target(%arg7 : memref<128x256xf32, #tpu.memory_space<vmem>>) offsets(%arg5 : memref<128xi32, #tpu.memory_space<vmem>>) semaphore(%arg9 : memref<!tpu.dma_semaphore, #tpu.memory_space<semaphore_mem>>)
    %dma_wait3A_29 = arith.constant 0 : i32
    %dma_wait3A_30 = arith.constant 0 : i32
    %dma_wait3A_31 = tpu.memref_slice %arg2[%dma_wait3A_29, %dma_wait3A_30] : memref<8192x256xf32, #tpu.memory_space<hbm>> -> memref<8192x256xf32, #tpu.memory_space<hbm>>
    tpu.wait_indirect_dma semaphore(%arg10 : memref<!tpu.dma_semaphore, #tpu.memory_space<semaphore_mem>>) src(%dma_wait3A_31 : memref<8192x256xf32, #tpu.memory_space<hbm>>) dst(%arg8 : memref<128x256xf32, #tpu.memory_space<vmem>>)
    %add3A_32 = arith.constant 128 : i32
    %add3A_33 = arith.addi %mul3A_2, %add3A_32 : i32
    %dma_start3A_34 = arith.constant 0 : i32
    %dma_start3A_35 = tpu.memref_slice %arg4[%add3A_33, %dma_start3A_34] : memref<16384x256xf32, #tpu.memory_space<hbm>> -> memref<128x256xf32, #tpu.memory_space<hbm>>
    %dma_start3A_36 = arith.constant 0 : i32
    %dma_start3A_37 = tpu.memref_slice %arg4[%add3A_33, %dma_start3A_36] : memref<16384x256xf32, #tpu.memory_space<hbm>> -> memref<128x256xf32, #tpu.memory_space<hbm>>
    tpu.enqueue_dma source(%arg8 : memref<128x256xf32, #tpu.memory_space<vmem>>) target(%dma_start3A_37 : memref<128x256xf32, #tpu.memory_space<hbm>>) target_semaphore(%arg12 : memref<!tpu.dma_semaphore, #tpu.memory_space<semaphore_mem>>)
    %dma_wait3A_38 = arith.constant 0 : i32
    %dma_wait3A_39 = tpu.memref_slice %arg4[%add3A_33, %dma_wait3A_38] : memref<16384x256xf32, #tpu.memory_space<hbm>> -> memref<128x256xf32, #tpu.memory_space<hbm>>
    %dma_wait3A_40 = arith.constant 0 : i32
    %dma_wait3A_41 = tpu.memref_slice %arg4[%add3A_33, %dma_wait3A_40] : memref<16384x256xf32, #tpu.memory_space<hbm>> -> memref<128x256xf32, #tpu.memory_space<hbm>>
    tpu.wait_dma2 semaphore(%arg12 : memref<!tpu.dma_semaphore, #tpu.memory_space<semaphore_mem>>) src(%arg8 : memref<128x256xf32, #tpu.memory_space<vmem>>) dst(%dma_wait3A_41 : memref<128x256xf32, #tpu.memory_space<hbm>>)
    %add3A_42 = arith.constant 384 : i32
    %add3A_43 = arith.addi %mul3A_2, %add3A_42 : i32
    "tpu.region"() ({
      %run_scoped3A = tpu.sem_alloc : memref<!tpu.dma_semaphore, #tpu.memory_space<semaphore_mem>>
      %dma_start3A_73 = tpu.memref_slice %arg3[%add3A_43] : memref<16384xi32, #tpu.memory_space<hbm>> -> memref<128xi32, #tpu.memory_space<hbm>>
      %dma_start3A_74 = tpu.memref_slice %arg3[%add3A_43] : memref<16384xi32, #tpu.memory_space<hbm>> -> memref<128xi32, #tpu.memory_space<hbm>>
      tpu.enqueue_dma source(%dma_start3A_74 : memref<128xi32, #tpu.memory_space<hbm>>) target(%arg6 : memref<128xi32, #tpu.memory_space<vmem>>) target_semaphore(%run_scoped3A : memref<!tpu.dma_semaphore, #tpu.memory_space<semaphore_mem>>)
      %dma_wait3A_75 = tpu.memref_slice %arg3[%add3A_43] : memref<16384xi32, #tpu.memory_space<hbm>> -> memref<128xi32, #tpu.memory_space<hbm>>
      %dma_wait3A_76 = tpu.memref_slice %arg3[%add3A_43] : memref<16384xi32, #tpu.memory_space<hbm>> -> memref<128xi32, #tpu.memory_space<hbm>>
      tpu.wait_dma2 semaphore(%run_scoped3A : memref<!tpu.dma_semaphore, #tpu.memory_space<semaphore_mem>>) src(%dma_wait3A_76 : memref<128xi32, #tpu.memory_space<hbm>>) dst(%arg6 : memref<128xi32, #tpu.memory_space<vmem>>)
      tpu.yield
    }) : () -> ()
    %dma_start3A_44 = arith.constant 0 : i32
    %dma_start3A_45 = arith.constant 0 : i32
    %dma_start3A_46 = tpu.memref_slice %arg2[%dma_start3A_44, %dma_start3A_45] : memref<8192x256xf32, #tpu.memory_space<hbm>> -> memref<8192x256xf32, #tpu.memory_space<hbm>>
    tpu.enqueue_indirect_dma source(%dma_start3A_46 : memref<8192x256xf32, #tpu.memory_space<hbm>>) target(%arg8 : memref<128x256xf32, #tpu.memory_space<vmem>>) offsets(%arg6 : memref<128xi32, #tpu.memory_space<vmem>>) semaphore(%arg10 : memref<!tpu.dma_semaphore, #tpu.memory_space<semaphore_mem>>)
    %dma_wait3A_47 = arith.constant 0 : i32
    %dma_wait3A_48 = arith.constant 0 : i32
    %dma_wait3A_49 = tpu.memref_slice %arg2[%dma_wait3A_47, %dma_wait3A_48] : memref<8192x256xf32, #tpu.memory_space<hbm>> -> memref<8192x256xf32, #tpu.memory_space<hbm>>
    tpu.wait_indirect_dma semaphore(%arg9 : memref<!tpu.dma_semaphore, #tpu.memory_space<semaphore_mem>>) src(%dma_wait3A_49 : memref<8192x256xf32, #tpu.memory_space<hbm>>) dst(%arg7 : memref<128x256xf32, #tpu.memory_space<vmem>>)
    %add3A_50 = arith.constant 256 : i32
    %add3A_51 = arith.addi %mul3A_2, %add3A_50 : i32
    %dma_start3A_52 = arith.constant 0 : i32
    %dma_start3A_53 = tpu.memref_slice %arg4[%add3A_51, %dma_start3A_52] : memref<16384x256xf32, #tpu.memory_space<hbm>> -> memref<128x256xf32, #tpu.memory_space<hbm>>
    %dma_start3A_54 = arith.constant 0 : i32
    %dma_start3A_55 = tpu.memref_slice %arg4[%add3A_51, %dma_start3A_54] : memref<16384x256xf32, #tpu.memory_space<hbm>> -> memref<128x256xf32, #tpu.memory_space<hbm>>
    tpu.enqueue_dma source(%arg7 : memref<128x256xf32, #tpu.memory_space<vmem>>) target(%dma_start3A_55 : memref<128x256xf32, #tpu.memory_space<hbm>>) target_semaphore(%arg11 : memref<!tpu.dma_semaphore, #tpu.memory_space<semaphore_mem>>)
    %dma_wait3A_56 = arith.constant 0 : i32
    %dma_wait3A_57 = arith.constant 0 : i32
    %dma_wait3A_58 = tpu.memref_slice %arg2[%dma_wait3A_56, %dma_wait3A_57] : memref<8192x256xf32, #tpu.memory_space<hbm>> -> memref<8192x256xf32, #tpu.memory_space<hbm>>
    tpu.wait_indirect_dma semaphore(%arg10 : memref<!tpu.dma_semaphore, #tpu.memory_space<semaphore_mem>>) src(%dma_wait3A_58 : memref<8192x256xf32, #tpu.memory_space<hbm>>) dst(%arg8 : memref<128x256xf32, #tpu.memory_space<vmem>>)
    %add3A_59 = arith.constant 384 : i32
    %add3A_60 = arith.addi %mul3A_2, %add3A_59 : i32
    %dma_start3A_61 = arith.constant 0 : i32
    %dma_start3A_62 = tpu.memref_slice %arg4[%add3A_60, %dma_start3A_61] : memref<16384x256xf32, #tpu.memory_space<hbm>> -> memref<128x256xf32, #tpu.memory_space<hbm>>
    %dma_start3A_63 = arith.constant 0 : i32
    %dma_start3A_64 = tpu.memref_slice %arg4[%add3A_60, %dma_start3A_63] : memref<16384x256xf32, #tpu.memory_space<hbm>> -> memref<128x256xf32, #tpu.memory_space<hbm>>
    tpu.enqueue_dma source(%arg8 : memref<128x256xf32, #tpu.memory_space<vmem>>) target(%dma_start3A_64 : memref<128x256xf32, #tpu.memory_space<hbm>>) target_semaphore(%arg12 : memref<!tpu.dma_semaphore, #tpu.memory_space<semaphore_mem>>)
    %dma_wait3A_65 = arith.constant 0 : i32
    %dma_wait3A_66 = tpu.memref_slice %arg4[%add3A_51, %dma_wait3A_65] : memref<16384x256xf32, #tpu.memory_space<hbm>> -> memref<128x256xf32, #tpu.memory_space<hbm>>
    %dma_wait3A_67 = arith.constant 0 : i32
    %dma_wait3A_68 = tpu.memref_slice %arg4[%add3A_51, %dma_wait3A_67] : memref<16384x256xf32, #tpu.memory_space<hbm>> -> memref<128x256xf32, #tpu.memory_space<hbm>>
    tpu.wait_dma2 semaphore(%arg11 : memref<!tpu.dma_semaphore, #tpu.memory_space<semaphore_mem>>) src(%arg7 : memref<128x256xf32, #tpu.memory_space<vmem>>) dst(%dma_wait3A_68 : memref<128x256xf32, #tpu.memory_space<hbm>>)
    %dma_wait3A_69 = arith.constant 0 : i32
    %dma_wait3A_70 = tpu.memref_slice %arg4[%add3A_60, %dma_wait3A_69] : memref<16384x256xf32, #tpu.memory_space<hbm>> -> memref<128x256xf32, #tpu.memory_space<hbm>>
    %dma_wait3A_71 = arith.constant 0 : i32
    %dma_wait3A_72 = tpu.memref_slice %arg4[%add3A_60, %dma_wait3A_71] : memref<16384x256xf32, #tpu.memory_space<hbm>> -> memref<128x256xf32, #tpu.memory_space<hbm>>
    tpu.wait_dma2 semaphore(%arg12 : memref<!tpu.dma_semaphore, #tpu.memory_space<semaphore_mem>>) src(%arg8 : memref<128x256xf32, #tpu.memory_space<vmem>>) dst(%dma_wait3A_72 : memref<128x256xf32, #tpu.memory_space<hbm>>)
    return
  }
}

module attributes {stable_mosaic.version = 14 : i64} {
  func.func @_argmin_body(%arg0: i32, %arg1: i32, %arg2: memref<8192x256xf32, #tpu.memory_space<vmem>>, %arg3: memref<1x256x1024xf32, #tpu.memory_space<vmem>>, %arg4: memref<1x1024xf32, #tpu.memory_space<vmem>>, %arg5: memref<8192x1xf32, #tpu.memory_space<vmem>>, %arg6: memref<1x1024xi32, #tpu.memory_space<vmem>>, %arg7: memref<1x1024xf32, #tpu.memory_space<vmem>>, %arg8: memref<1x1024xi32, #tpu.memory_space<vmem>>) attributes {dimension_semantics = [#tpu.dimension_semantics<parallel>, #tpu.dimension_semantics<arbitrary>], iteration_bounds = array<i64: 16, 3>, scalar_prefetch = 0 : i64, scratch_operands = 2 : i64, tpu.core_type = #tpu.core_type<tc>, window_params = [{pipeline_mode = #tpu.pipeline_mode<synchronous>, transform_indices = @transform_0, window_bounds = array<i64: 8192, 256>}, {transform_indices = @transform_1, window_bounds = array<i64: 1, 256, 1024>}, {transform_indices = @transform_2, window_bounds = array<i64: 1, 1024>}, {pipeline_mode = #tpu.pipeline_mode<synchronous>, transform_indices = @transform_3, window_bounds = array<i64: 8192, 1>}, {transform_indices = @transform_4, window_bounds = array<i64: 1, 1024>}]} {
    %mul3A = arith.constant 2736 : i32
    %mul3A_0 = arith.muli %arg1, %mul3A : i32
    %jit3A = arith.constant 2 : i32
    %div3A = arith.divsi %arg1, %jit3A : i32
    %sign3A = arith.constant 0 : i32
    %sign3A_1 = arith.cmpi sgt, %arg1, %sign3A : i32
    %sign3A_2 = arith.extui %sign3A_1 : i1 to i32
    %sign3A_3 = arith.constant 0 : i32
    %sign3A_4 = arith.cmpi slt, %arg1, %sign3A_3 : i32
    %sign3A_5 = arith.extui %sign3A_4 : i1 to i32
    %sign3A_6 = arith.subi %sign3A_2, %sign3A_5 : i32
    %sign3A_7 = arith.constant 0 : i32
    %sign3A_8 = arith.cmpi sgt, %jit3A, %sign3A_7 : i32
    %sign3A_9 = arith.extui %sign3A_8 : i1 to i32
    %sign3A_10 = arith.constant 0 : i32
    %sign3A_11 = arith.cmpi slt, %jit3A, %sign3A_10 : i32
    %sign3A_12 = arith.extui %sign3A_11 : i1 to i32
    %sign3A_13 = arith.subi %sign3A_9, %sign3A_12 : i32
    %ne3A = arith.cmpi ne, %sign3A_6, %sign3A_13 : i32
    %rem3A = arith.remsi %arg1, %jit3A : i32
    %ne3A_14 = arith.constant 0 : i32
    %ne3A_15 = arith.cmpi ne, %rem3A, %ne3A_14 : i32
    %and3A = arith.andi %ne3A, %ne3A_15 : i1
    %sub3A = arith.constant 1 : i32
    %sub3A_16 = arith.subi %div3A, %sub3A : i32
    %select_n3A = arith.select %and3A, %sub3A_16, %div3A : i32
    %mul3A_17 = arith.constant 16 : i32
    %mul3A_18 = arith.muli %mul3A_17, %select_n3A : i32
    %sub3A_19 = arith.subi %mul3A_0, %mul3A_18 : i32
    %eq3A = arith.constant 2 : i32
    %eq3A_20 = arith.cmpi eq, %arg1, %eq3A : i32
    %get3A = arith.constant 0 : index
    %get3A_21 = arith.constant 0 : index
    %get3A_22 = arith.constant 0 : index
    %get3A_23 = vector.load %arg3[%get3A, %get3A_21, %get3A_22] : memref<1x256x1024xf32, #tpu.memory_space<vmem>>, vector<1x256x1024xf32>
    %get3A_24 = vector.shape_cast %get3A_23 : vector<1x256x1024xf32> to vector<256x1024xf32>
    %mul3A_25 = arith.constant -2.000000e+00 : f32
    %mul3A_26 = vector.broadcast %mul3A_25 : f32 to vector<256x1024xf32>
    %mul3A_27 = arith.mulf %mul3A_26, %get3A_24 : vector<256x1024xf32>
    %get3A_28 = arith.constant 0 : index
    %get3A_29 = arith.constant 0 : index
    %get3A_30 = vector.load %arg4[%get3A_28, %get3A_29] : memref<1x1024xf32, #tpu.memory_space<vmem>>, vector<1x1024xf32>
    %broadcast_in_dim3A = arith.constant 0x7F800000 : f32
    %broadcast_in_dim3A_31 = vector.broadcast %broadcast_in_dim3A : f32 to vector<8x1024xf32>
    %broadcast_in_dim3A_32 = arith.constant 0 : i32
    %broadcast_in_dim3A_33 = vector.broadcast %broadcast_in_dim3A_32 : i32 to vector<8x1024xi32>
    %add3A = arith.constant 0 : i32
    %add3A_34 = arith.addi %sub3A_19, %add3A : i32
    %get3A_35 = arith.index_cast %add3A_34 : i32 to index
    %get3A_36 = arith.constant 0 : index
    %get3A_37 = vector.load %arg2[%get3A_35, %get3A_36] : memref<8192x256xf32, #tpu.memory_space<vmem>>, vector<456x256xf32>
    %dot_general3A = arith.constant dense<0.000000e+00> : vector<456x1024xf32>
    %dot_general3A_38 = tpu.matmul %get3A_37, %mul3A_27, %dot_general3A {dimension_numbers = #tpu.dot_dimension_numbers<[1], [0], [0], [1], [0, 0, 1, 1], [], []>, transpose_lhs_hint = false} : vector<456x256xf32>, vector<256x1024xf32>, vector<456x1024xf32> -> vector<456x1024xf32>
    %add3A_39 = arith.constant 0 : i32
    %add3A_40 = arith.addi %sub3A_19, %add3A_39 : i32
    %get3A_41 = arith.index_cast %add3A_40 : i32 to index
    %get3A_42 = arith.constant 0 : index
    %get3A_43 = vector.load %arg5[%get3A_41, %get3A_42] : memref<8192x1xf32, #tpu.memory_space<vmem>>, vector<456x1xf32>
    %slice3A = vector.extract_strided_slice %dot_general3A_38 {offsets = [0, 0], sizes = [8, 1024], strides = [1, 1]} : vector<456x1024xf32> to vector<8x1024xf32>
    %add3A_44 = vector.broadcast %get3A_30 : vector<1x1024xf32> to vector<8x1024xf32>
    %add3A_45 = arith.addf %add3A_44, %slice3A : vector<8x1024xf32>
    %slice3A_46 = vector.extract_strided_slice %get3A_43 {offsets = [0, 0], sizes = [8, 1], strides = [1, 1]} : vector<456x1xf32> to vector<8x1xf32>
    %add3A_47 = vector.broadcast %slice3A_46 : vector<8x1xf32> to vector<8x1024xf32>
    %add3A_48 = arith.addf %add3A_45, %add3A_47 : vector<8x1024xf32>
    %jit3A_49 = arith.constant 0x7F800000 : f32
    %broadcast_in_dim3A_50 = vector.broadcast %jit3A_49 : f32 to vector<8x1024xf32>
    %select_n3A_51 = arith.select %eq3A_20, %broadcast_in_dim3A_50, %add3A_48 : vector<8x1024xf32>
    %lt3A = arith.cmpf olt, %select_n3A_51, %broadcast_in_dim3A_31 : vector<8x1024xf32>
    %select_n3A_52 = arith.select %lt3A, %select_n3A_51, %broadcast_in_dim3A_31 : vector<8x1024xi1>, vector<8x1024xf32>
    %jit3A_53 = arith.constant 0 : i32
    %broadcast_in_dim3A_54 = vector.broadcast %jit3A_53 : i32 to vector<8x1024xi32>
    %select_n3A_55 = arith.select %lt3A, %broadcast_in_dim3A_54, %broadcast_in_dim3A_33 : vector<8x1024xi1>, vector<8x1024xi32>
    %slice3A_56 = vector.extract_strided_slice %dot_general3A_38 {offsets = [8, 0], sizes = [8, 1024], strides = [1, 1]} : vector<456x1024xf32> to vector<8x1024xf32>
    %add3A_57 = vector.broadcast %get3A_30 : vector<1x1024xf32> to vector<8x1024xf32>
    %add3A_58 = arith.addf %add3A_57, %slice3A_56 : vector<8x1024xf32>
    %slice3A_59 = vector.extract_strided_slice %get3A_43 {offsets = [8, 0], sizes = [8, 1], strides = [1, 1]} : vector<456x1xf32> to vector<8x1xf32>
    %add3A_60 = vector.broadcast %slice3A_59 : vector<8x1xf32> to vector<8x1024xf32>
    %add3A_61 = arith.addf %add3A_58, %add3A_60 : vector<8x1024xf32>
    %jit3A_62 = arith.constant 0x7F800000 : f32
    %broadcast_in_dim3A_63 = vector.broadcast %jit3A_62 : f32 to vector<8x1024xf32>
    %select_n3A_64 = arith.select %eq3A_20, %broadcast_in_dim3A_63, %add3A_61 : vector<8x1024xf32>
    %lt3A_65 = arith.cmpf olt, %select_n3A_64, %select_n3A_52 : vector<8x1024xf32>
    %select_n3A_66 = arith.select %lt3A_65, %select_n3A_64, %select_n3A_52 : vector<8x1024xi1>, vector<8x1024xf32>
    %jit3A_67 = arith.constant 1 : i32
    %broadcast_in_dim3A_68 = vector.broadcast %jit3A_67 : i32 to vector<8x1024xi32>
    %select_n3A_69 = arith.select %lt3A_65, %broadcast_in_dim3A_68, %select_n3A_55 : vector<8x1024xi1>, vector<8x1024xi32>
    %slice3A_70 = vector.extract_strided_slice %dot_general3A_38 {offsets = [16, 0], sizes = [8, 1024], strides = [1, 1]} : vector<456x1024xf32> to vector<8x1024xf32>
    %add3A_71 = vector.broadcast %get3A_30 : vector<1x1024xf32> to vector<8x1024xf32>
    %add3A_72 = arith.addf %add3A_71, %slice3A_70 : vector<8x1024xf32>
    %slice3A_73 = vector.extract_strided_slice %get3A_43 {offsets = [16, 0], sizes = [8, 1], strides = [1, 1]} : vector<456x1xf32> to vector<8x1xf32>
    %add3A_74 = vector.broadcast %slice3A_73 : vector<8x1xf32> to vector<8x1024xf32>
    %add3A_75 = arith.addf %add3A_72, %add3A_74 : vector<8x1024xf32>
    %lt3A_76 = arith.cmpf olt, %add3A_75, %select_n3A_66 : vector<8x1024xf32>
    %select_n3A_77 = arith.select %lt3A_76, %add3A_75, %select_n3A_66 : vector<8x1024xi1>, vector<8x1024xf32>
    %jit3A_78 = arith.constant 2 : i32
    %broadcast_in_dim3A_79 = vector.broadcast %jit3A_78 : i32 to vector<8x1024xi32>
    %select_n3A_80 = arith.select %lt3A_76, %broadcast_in_dim3A_79, %select_n3A_69 : vector<8x1024xi1>, vector<8x1024xi32>
    %slice3A_81 = vector.extract_strided_slice %dot_general3A_38 {offsets = [24, 0], sizes = [8, 1024], strides = [1, 1]} : vector<456x1024xf32> to vector<8x1024xf32>
    %add3A_82 = vector.broadcast %get3A_30 : vector<1x1024xf32> to vector<8x1024xf32>
    %add3A_83 = arith.addf %add3A_82, %slice3A_81 : vector<8x1024xf32>
    %slice3A_84 = vector.extract_strided_slice %get3A_43 {offsets = [24, 0], sizes = [8, 1], strides = [1, 1]} : vector<456x1xf32> to vector<8x1xf32>
    %add3A_85 = vector.broadcast %slice3A_84 : vector<8x1xf32> to vector<8x1024xf32>
    %add3A_86 = arith.addf %add3A_83, %add3A_85 : vector<8x1024xf32>
    %lt3A_87 = arith.cmpf olt, %add3A_86, %select_n3A_77 : vector<8x1024xf32>
    %select_n3A_88 = arith.select %lt3A_87, %add3A_86, %select_n3A_77 : vector<8x1024xi1>, vector<8x1024xf32>
    %jit3A_89 = arith.constant 3 : i32
    %broadcast_in_dim3A_90 = vector.broadcast %jit3A_89 : i32 to vector<8x1024xi32>
    %select_n3A_91 = arith.select %lt3A_87, %broadcast_in_dim3A_90, %select_n3A_80 : vector<8x1024xi1>, vector<8x1024xi32>
    %slice3A_92 = vector.extract_strided_slice %dot_general3A_38 {offsets = [32, 0], sizes = [8, 1024], strides = [1, 1]} : vector<456x1024xf32> to vector<8x1024xf32>
    %add3A_93 = vector.broadcast %get3A_30 : vector<1x1024xf32> to vector<8x1024xf32>
    %add3A_94 = arith.addf %add3A_93, %slice3A_92 : vector<8x1024xf32>
    %slice3A_95 = vector.extract_strided_slice %get3A_43 {offsets = [32, 0], sizes = [8, 1], strides = [1, 1]} : vector<456x1xf32> to vector<8x1xf32>
    %add3A_96 = vector.broadcast %slice3A_95 : vector<8x1xf32> to vector<8x1024xf32>
    %add3A_97 = arith.addf %add3A_94, %add3A_96 : vector<8x1024xf32>
    %lt3A_98 = arith.cmpf olt, %add3A_97, %select_n3A_88 : vector<8x1024xf32>
    %select_n3A_99 = arith.select %lt3A_98, %add3A_97, %select_n3A_88 : vector<8x1024xi1>, vector<8x1024xf32>
    %jit3A_100 = arith.constant 4 : i32
    %broadcast_in_dim3A_101 = vector.broadcast %jit3A_100 : i32 to vector<8x1024xi32>
    %select_n3A_102 = arith.select %lt3A_98, %broadcast_in_dim3A_101, %select_n3A_91 : vector<8x1024xi1>, vector<8x1024xi32>
    %slice3A_103 = vector.extract_strided_slice %dot_general3A_38 {offsets = [40, 0], sizes = [8, 1024], strides = [1, 1]} : vector<456x1024xf32> to vector<8x1024xf32>
    %add3A_104 = vector.broadcast %get3A_30 : vector<1x1024xf32> to vector<8x1024xf32>
    %add3A_105 = arith.addf %add3A_104, %slice3A_103 : vector<8x1024xf32>
    %slice3A_106 = vector.extract_strided_slice %get3A_43 {offsets = [40, 0], sizes = [8, 1], strides = [1, 1]} : vector<456x1xf32> to vector<8x1xf32>
    %add3A_107 = vector.broadcast %slice3A_106 : vector<8x1xf32> to vector<8x1024xf32>
    %add3A_108 = arith.addf %add3A_105, %add3A_107 : vector<8x1024xf32>
    %lt3A_109 = arith.cmpf olt, %add3A_108, %select_n3A_99 : vector<8x1024xf32>
    %select_n3A_110 = arith.select %lt3A_109, %add3A_108, %select_n3A_99 : vector<8x1024xi1>, vector<8x1024xf32>
    %jit3A_111 = arith.constant 5 : i32
    %broadcast_in_dim3A_112 = vector.broadcast %jit3A_111 : i32 to vector<8x1024xi32>
    %select_n3A_113 = arith.select %lt3A_109, %broadcast_in_dim3A_112, %select_n3A_102 : vector<8x1024xi1>, vector<8x1024xi32>
    %slice3A_114 = vector.extract_strided_slice %dot_general3A_38 {offsets = [48, 0], sizes = [8, 1024], strides = [1, 1]} : vector<456x1024xf32> to vector<8x1024xf32>
    %add3A_115 = vector.broadcast %get3A_30 : vector<1x1024xf32> to vector<8x1024xf32>
    %add3A_116 = arith.addf %add3A_115, %slice3A_114 : vector<8x1024xf32>
    %slice3A_117 = vector.extract_strided_slice %get3A_43 {offsets = [48, 0], sizes = [8, 1], strides = [1, 1]} : vector<456x1xf32> to vector<8x1xf32>
    %add3A_118 = vector.broadcast %slice3A_117 : vector<8x1xf32> to vector<8x1024xf32>
    %add3A_119 = arith.addf %add3A_116, %add3A_118 : vector<8x1024xf32>
    %lt3A_120 = arith.cmpf olt, %add3A_119, %select_n3A_110 : vector<8x1024xf32>
    %select_n3A_121 = arith.select %lt3A_120, %add3A_119, %select_n3A_110 : vector<8x1024xi1>, vector<8x1024xf32>
    %jit3A_122 = arith.constant 6 : i32
    %broadcast_in_dim3A_123 = vector.broadcast %jit3A_122 : i32 to vector<8x1024xi32>
    %select_n3A_124 = arith.select %lt3A_120, %broadcast_in_dim3A_123, %select_n3A_113 : vector<8x1024xi1>, vector<8x1024xi32>
    %slice3A_125 = vector.extract_strided_slice %dot_general3A_38 {offsets = [56, 0], sizes = [8, 1024], strides = [1, 1]} : vector<456x1024xf32> to vector<8x1024xf32>
    %add3A_126 = vector.broadcast %get3A_30 : vector<1x1024xf32> to vector<8x1024xf32>
    %add3A_127 = arith.addf %add3A_126, %slice3A_125 : vector<8x1024xf32>
    %slice3A_128 = vector.extract_strided_slice %get3A_43 {offsets = [56, 0], sizes = [8, 1], strides = [1, 1]} : vector<456x1xf32> to vector<8x1xf32>
    %add3A_129 = vector.broadcast %slice3A_128 : vector<8x1xf32> to vector<8x1024xf32>
    %add3A_130 = arith.addf %add3A_127, %add3A_129 : vector<8x1024xf32>
    %lt3A_131 = arith.cmpf olt, %add3A_130, %select_n3A_121 : vector<8x1024xf32>
    %select_n3A_132 = arith.select %lt3A_131, %add3A_130, %select_n3A_121 : vector<8x1024xi1>, vector<8x1024xf32>
    %jit3A_133 = arith.constant 7 : i32
    %broadcast_in_dim3A_134 = vector.broadcast %jit3A_133 : i32 to vector<8x1024xi32>
    %select_n3A_135 = arith.select %lt3A_131, %broadcast_in_dim3A_134, %select_n3A_124 : vector<8x1024xi1>, vector<8x1024xi32>
    %slice3A_136 = vector.extract_strided_slice %dot_general3A_38 {offsets = [64, 0], sizes = [8, 1024], strides = [1, 1]} : vector<456x1024xf32> to vector<8x1024xf32>
    %add3A_137 = vector.broadcast %get3A_30 : vector<1x1024xf32> to vector<8x1024xf32>
    %add3A_138 = arith.addf %add3A_137, %slice3A_136 : vector<8x1024xf32>
    %slice3A_139 = vector.extract_strided_slice %get3A_43 {offsets = [64, 0], sizes = [8, 1], strides = [1, 1]} : vector<456x1xf32> to vector<8x1xf32>
    %add3A_140 = vector.broadcast %slice3A_139 : vector<8x1xf32> to vector<8x1024xf32>
    %add3A_141 = arith.addf %add3A_138, %add3A_140 : vector<8x1024xf32>
    %lt3A_142 = arith.cmpf olt, %add3A_141, %select_n3A_132 : vector<8x1024xf32>
    %select_n3A_143 = arith.select %lt3A_142, %add3A_141, %select_n3A_132 : vector<8x1024xi1>, vector<8x1024xf32>
    %jit3A_144 = arith.constant 8 : i32
    %broadcast_in_dim3A_145 = vector.broadcast %jit3A_144 : i32 to vector<8x1024xi32>
    %select_n3A_146 = arith.select %lt3A_142, %broadcast_in_dim3A_145, %select_n3A_135 : vector<8x1024xi1>, vector<8x1024xi32>
    %slice3A_147 = vector.extract_strided_slice %dot_general3A_38 {offsets = [72, 0], sizes = [8, 1024], strides = [1, 1]} : vector<456x1024xf32> to vector<8x1024xf32>
    %add3A_148 = vector.broadcast %get3A_30 : vector<1x1024xf32> to vector<8x1024xf32>
    %add3A_149 = arith.addf %add3A_148, %slice3A_147 : vector<8x1024xf32>
    %slice3A_150 = vector.extract_strided_slice %get3A_43 {offsets = [72, 0], sizes = [8, 1], strides = [1, 1]} : vector<456x1xf32> to vector<8x1xf32>
    %add3A_151 = vector.broadcast %slice3A_150 : vector<8x1xf32> to vector<8x1024xf32>
    %add3A_152 = arith.addf %add3A_149, %add3A_151 : vector<8x1024xf32>
    %lt3A_153 = arith.cmpf olt, %add3A_152, %select_n3A_143 : vector<8x1024xf32>
    %select_n3A_154 = arith.select %lt3A_153, %add3A_152, %select_n3A_143 : vector<8x1024xi1>, vector<8x1024xf32>
    %jit3A_155 = arith.constant 9 : i32
    %broadcast_in_dim3A_156 = vector.broadcast %jit3A_155 : i32 to vector<8x1024xi32>
    %select_n3A_157 = arith.select %lt3A_153, %broadcast_in_dim3A_156, %select_n3A_146 : vector<8x1024xi1>, vector<8x1024xi32>
    %slice3A_158 = vector.extract_strided_slice %dot_general3A_38 {offsets = [80, 0], sizes = [8, 1024], strides = [1, 1]} : vector<456x1024xf32> to vector<8x1024xf32>
    %add3A_159 = vector.broadcast %get3A_30 : vector<1x1024xf32> to vector<8x1024xf32>
    %add3A_160 = arith.addf %add3A_159, %slice3A_158 : vector<8x1024xf32>
    %slice3A_161 = vector.extract_strided_slice %get3A_43 {offsets = [80, 0], sizes = [8, 1], strides = [1, 1]} : vector<456x1xf32> to vector<8x1xf32>
    %add3A_162 = vector.broadcast %slice3A_161 : vector<8x1xf32> to vector<8x1024xf32>
    %add3A_163 = arith.addf %add3A_160, %add3A_162 : vector<8x1024xf32>
    %lt3A_164 = arith.cmpf olt, %add3A_163, %select_n3A_154 : vector<8x1024xf32>
    %select_n3A_165 = arith.select %lt3A_164, %add3A_163, %select_n3A_154 : vector<8x1024xi1>, vector<8x1024xf32>
    %jit3A_166 = arith.constant 10 : i32
    %broadcast_in_dim3A_167 = vector.broadcast %jit3A_166 : i32 to vector<8x1024xi32>
    %select_n3A_168 = arith.select %lt3A_164, %broadcast_in_dim3A_167, %select_n3A_157 : vector<8x1024xi1>, vector<8x1024xi32>
    %slice3A_169 = vector.extract_strided_slice %dot_general3A_38 {offsets = [88, 0], sizes = [8, 1024], strides = [1, 1]} : vector<456x1024xf32> to vector<8x1024xf32>
    %add3A_170 = vector.broadcast %get3A_30 : vector<1x1024xf32> to vector<8x1024xf32>
    %add3A_171 = arith.addf %add3A_170, %slice3A_169 : vector<8x1024xf32>
    %slice3A_172 = vector.extract_strided_slice %get3A_43 {offsets = [88, 0], sizes = [8, 1], strides = [1, 1]} : vector<456x1xf32> to vector<8x1xf32>
    %add3A_173 = vector.broadcast %slice3A_172 : vector<8x1xf32> to vector<8x1024xf32>
    %add3A_174 = arith.addf %add3A_171, %add3A_173 : vector<8x1024xf32>
    %lt3A_175 = arith.cmpf olt, %add3A_174, %select_n3A_165 : vector<8x1024xf32>
    %select_n3A_176 = arith.select %lt3A_175, %add3A_174, %select_n3A_165 : vector<8x1024xi1>, vector<8x1024xf32>
    %jit3A_177 = arith.constant 11 : i32
    %broadcast_in_dim3A_178 = vector.broadcast %jit3A_177 : i32 to vector<8x1024xi32>
    %select_n3A_179 = arith.select %lt3A_175, %broadcast_in_dim3A_178, %select_n3A_168 : vector<8x1024xi1>, vector<8x1024xi32>
    %slice3A_180 = vector.extract_strided_slice %dot_general3A_38 {offsets = [96, 0], sizes = [8, 1024], strides = [1, 1]} : vector<456x1024xf32> to vector<8x1024xf32>
    %add3A_181 = vector.broadcast %get3A_30 : vector<1x1024xf32> to vector<8x1024xf32>
    %add3A_182 = arith.addf %add3A_181, %slice3A_180 : vector<8x1024xf32>
    %slice3A_183 = vector.extract_strided_slice %get3A_43 {offsets = [96, 0], sizes = [8, 1], strides = [1, 1]} : vector<456x1xf32> to vector<8x1xf32>
    %add3A_184 = vector.broadcast %slice3A_183 : vector<8x1xf32> to vector<8x1024xf32>
    %add3A_185 = arith.addf %add3A_182, %add3A_184 : vector<8x1024xf32>
    %lt3A_186 = arith.cmpf olt, %add3A_185, %select_n3A_176 : vector<8x1024xf32>
    %select_n3A_187 = arith.select %lt3A_186, %add3A_185, %select_n3A_176 : vector<8x1024xi1>, vector<8x1024xf32>
    %jit3A_188 = arith.constant 12 : i32
    %broadcast_in_dim3A_189 = vector.broadcast %jit3A_188 : i32 to vector<8x1024xi32>
    %select_n3A_190 = arith.select %lt3A_186, %broadcast_in_dim3A_189, %select_n3A_179 : vector<8x1024xi1>, vector<8x1024xi32>
    %slice3A_191 = vector.extract_strided_slice %dot_general3A_38 {offsets = [104, 0], sizes = [8, 1024], strides = [1, 1]} : vector<456x1024xf32> to vector<8x1024xf32>
    %add3A_192 = vector.broadcast %get3A_30 : vector<1x1024xf32> to vector<8x1024xf32>
    %add3A_193 = arith.addf %add3A_192, %slice3A_191 : vector<8x1024xf32>
    %slice3A_194 = vector.extract_strided_slice %get3A_43 {offsets = [104, 0], sizes = [8, 1], strides = [1, 1]} : vector<456x1xf32> to vector<8x1xf32>
    %add3A_195 = vector.broadcast %slice3A_194 : vector<8x1xf32> to vector<8x1024xf32>
    %add3A_196 = arith.addf %add3A_193, %add3A_195 : vector<8x1024xf32>
    %lt3A_197 = arith.cmpf olt, %add3A_196, %select_n3A_187 : vector<8x1024xf32>
    %select_n3A_198 = arith.select %lt3A_197, %add3A_196, %select_n3A_187 : vector<8x1024xi1>, vector<8x1024xf32>
    %jit3A_199 = arith.constant 13 : i32
    %broadcast_in_dim3A_200 = vector.broadcast %jit3A_199 : i32 to vector<8x1024xi32>
    %select_n3A_201 = arith.select %lt3A_197, %broadcast_in_dim3A_200, %select_n3A_190 : vector<8x1024xi1>, vector<8x1024xi32>
    %slice3A_202 = vector.extract_strided_slice %dot_general3A_38 {offsets = [112, 0], sizes = [8, 1024], strides = [1, 1]} : vector<456x1024xf32> to vector<8x1024xf32>
    %add3A_203 = vector.broadcast %get3A_30 : vector<1x1024xf32> to vector<8x1024xf32>
    %add3A_204 = arith.addf %add3A_203, %slice3A_202 : vector<8x1024xf32>
    %slice3A_205 = vector.extract_strided_slice %get3A_43 {offsets = [112, 0], sizes = [8, 1], strides = [1, 1]} : vector<456x1xf32> to vector<8x1xf32>
    %add3A_206 = vector.broadcast %slice3A_205 : vector<8x1xf32> to vector<8x1024xf32>
    %add3A_207 = arith.addf %add3A_204, %add3A_206 : vector<8x1024xf32>
    %lt3A_208 = arith.cmpf olt, %add3A_207, %select_n3A_198 : vector<8x1024xf32>
    %select_n3A_209 = arith.select %lt3A_208, %add3A_207, %select_n3A_198 : vector<8x1024xi1>, vector<8x1024xf32>
    %jit3A_210 = arith.constant 14 : i32
    %broadcast_in_dim3A_211 = vector.broadcast %jit3A_210 : i32 to vector<8x1024xi32>
    %select_n3A_212 = arith.select %lt3A_208, %broadcast_in_dim3A_211, %select_n3A_201 : vector<8x1024xi1>, vector<8x1024xi32>
    %slice3A_213 = vector.extract_strided_slice %dot_general3A_38 {offsets = [120, 0], sizes = [8, 1024], strides = [1, 1]} : vector<456x1024xf32> to vector<8x1024xf32>
    %add3A_214 = vector.broadcast %get3A_30 : vector<1x1024xf32> to vector<8x1024xf32>
    %add3A_215 = arith.addf %add3A_214, %slice3A_213 : vector<8x1024xf32>
    %slice3A_216 = vector.extract_strided_slice %get3A_43 {offsets = [120, 0], sizes = [8, 1], strides = [1, 1]} : vector<456x1xf32> to vector<8x1xf32>
    %add3A_217 = vector.broadcast %slice3A_216 : vector<8x1xf32> to vector<8x1024xf32>
    %add3A_218 = arith.addf %add3A_215, %add3A_217 : vector<8x1024xf32>
    %lt3A_219 = arith.cmpf olt, %add3A_218, %select_n3A_209 : vector<8x1024xf32>
    %select_n3A_220 = arith.select %lt3A_219, %add3A_218, %select_n3A_209 : vector<8x1024xi1>, vector<8x1024xf32>
    %jit3A_221 = arith.constant 15 : i32
    %broadcast_in_dim3A_222 = vector.broadcast %jit3A_221 : i32 to vector<8x1024xi32>
    %select_n3A_223 = arith.select %lt3A_219, %broadcast_in_dim3A_222, %select_n3A_212 : vector<8x1024xi1>, vector<8x1024xi32>
    %slice3A_224 = vector.extract_strided_slice %dot_general3A_38 {offsets = [128, 0], sizes = [8, 1024], strides = [1, 1]} : vector<456x1024xf32> to vector<8x1024xf32>
    %add3A_225 = vector.broadcast %get3A_30 : vector<1x1024xf32> to vector<8x1024xf32>
    %add3A_226 = arith.addf %add3A_225, %slice3A_224 : vector<8x1024xf32>
    %slice3A_227 = vector.extract_strided_slice %get3A_43 {offsets = [128, 0], sizes = [8, 1], strides = [1, 1]} : vector<456x1xf32> to vector<8x1xf32>
    %add3A_228 = vector.broadcast %slice3A_227 : vector<8x1xf32> to vector<8x1024xf32>
    %add3A_229 = arith.addf %add3A_226, %add3A_228 : vector<8x1024xf32>
    %lt3A_230 = arith.cmpf olt, %add3A_229, %select_n3A_220 : vector<8x1024xf32>
    %select_n3A_231 = arith.select %lt3A_230, %add3A_229, %select_n3A_220 : vector<8x1024xi1>, vector<8x1024xf32>
    %jit3A_232 = arith.constant 16 : i32
    %broadcast_in_dim3A_233 = vector.broadcast %jit3A_232 : i32 to vector<8x1024xi32>
    %select_n3A_234 = arith.select %lt3A_230, %broadcast_in_dim3A_233, %select_n3A_223 : vector<8x1024xi1>, vector<8x1024xi32>
    %slice3A_235 = vector.extract_strided_slice %dot_general3A_38 {offsets = [136, 0], sizes = [8, 1024], strides = [1, 1]} : vector<456x1024xf32> to vector<8x1024xf32>
    %add3A_236 = vector.broadcast %get3A_30 : vector<1x1024xf32> to vector<8x1024xf32>
    %add3A_237 = arith.addf %add3A_236, %slice3A_235 : vector<8x1024xf32>
    %slice3A_238 = vector.extract_strided_slice %get3A_43 {offsets = [136, 0], sizes = [8, 1], strides = [1, 1]} : vector<456x1xf32> to vector<8x1xf32>
    %add3A_239 = vector.broadcast %slice3A_238 : vector<8x1xf32> to vector<8x1024xf32>
    %add3A_240 = arith.addf %add3A_237, %add3A_239 : vector<8x1024xf32>
    %lt3A_241 = arith.cmpf olt, %add3A_240, %select_n3A_231 : vector<8x1024xf32>
    %select_n3A_242 = arith.select %lt3A_241, %add3A_240, %select_n3A_231 : vector<8x1024xi1>, vector<8x1024xf32>
    %jit3A_243 = arith.constant 17 : i32
    %broadcast_in_dim3A_244 = vector.broadcast %jit3A_243 : i32 to vector<8x1024xi32>
    %select_n3A_245 = arith.select %lt3A_241, %broadcast_in_dim3A_244, %select_n3A_234 : vector<8x1024xi1>, vector<8x1024xi32>
    %slice3A_246 = vector.extract_strided_slice %dot_general3A_38 {offsets = [144, 0], sizes = [8, 1024], strides = [1, 1]} : vector<456x1024xf32> to vector<8x1024xf32>
    %add3A_247 = vector.broadcast %get3A_30 : vector<1x1024xf32> to vector<8x1024xf32>
    %add3A_248 = arith.addf %add3A_247, %slice3A_246 : vector<8x1024xf32>
    %slice3A_249 = vector.extract_strided_slice %get3A_43 {offsets = [144, 0], sizes = [8, 1], strides = [1, 1]} : vector<456x1xf32> to vector<8x1xf32>
    %add3A_250 = vector.broadcast %slice3A_249 : vector<8x1xf32> to vector<8x1024xf32>
    %add3A_251 = arith.addf %add3A_248, %add3A_250 : vector<8x1024xf32>
    %lt3A_252 = arith.cmpf olt, %add3A_251, %select_n3A_242 : vector<8x1024xf32>
    %select_n3A_253 = arith.select %lt3A_252, %add3A_251, %select_n3A_242 : vector<8x1024xi1>, vector<8x1024xf32>
    %jit3A_254 = arith.constant 18 : i32
    %broadcast_in_dim3A_255 = vector.broadcast %jit3A_254 : i32 to vector<8x1024xi32>
    %select_n3A_256 = arith.select %lt3A_252, %broadcast_in_dim3A_255, %select_n3A_245 : vector<8x1024xi1>, vector<8x1024xi32>
    %slice3A_257 = vector.extract_strided_slice %dot_general3A_38 {offsets = [152, 0], sizes = [8, 1024], strides = [1, 1]} : vector<456x1024xf32> to vector<8x1024xf32>
    %add3A_258 = vector.broadcast %get3A_30 : vector<1x1024xf32> to vector<8x1024xf32>
    %add3A_259 = arith.addf %add3A_258, %slice3A_257 : vector<8x1024xf32>
    %slice3A_260 = vector.extract_strided_slice %get3A_43 {offsets = [152, 0], sizes = [8, 1], strides = [1, 1]} : vector<456x1xf32> to vector<8x1xf32>
    %add3A_261 = vector.broadcast %slice3A_260 : vector<8x1xf32> to vector<8x1024xf32>
    %add3A_262 = arith.addf %add3A_259, %add3A_261 : vector<8x1024xf32>
    %lt3A_263 = arith.cmpf olt, %add3A_262, %select_n3A_253 : vector<8x1024xf32>
    %select_n3A_264 = arith.select %lt3A_263, %add3A_262, %select_n3A_253 : vector<8x1024xi1>, vector<8x1024xf32>
    %jit3A_265 = arith.constant 19 : i32
    %broadcast_in_dim3A_266 = vector.broadcast %jit3A_265 : i32 to vector<8x1024xi32>
    %select_n3A_267 = arith.select %lt3A_263, %broadcast_in_dim3A_266, %select_n3A_256 : vector<8x1024xi1>, vector<8x1024xi32>
    %slice3A_268 = vector.extract_strided_slice %dot_general3A_38 {offsets = [160, 0], sizes = [8, 1024], strides = [1, 1]} : vector<456x1024xf32> to vector<8x1024xf32>
    %add3A_269 = vector.broadcast %get3A_30 : vector<1x1024xf32> to vector<8x1024xf32>
    %add3A_270 = arith.addf %add3A_269, %slice3A_268 : vector<8x1024xf32>
    %slice3A_271 = vector.extract_strided_slice %get3A_43 {offsets = [160, 0], sizes = [8, 1], strides = [1, 1]} : vector<456x1xf32> to vector<8x1xf32>
    %add3A_272 = vector.broadcast %slice3A_271 : vector<8x1xf32> to vector<8x1024xf32>
    %add3A_273 = arith.addf %add3A_270, %add3A_272 : vector<8x1024xf32>
    %lt3A_274 = arith.cmpf olt, %add3A_273, %select_n3A_264 : vector<8x1024xf32>
    %select_n3A_275 = arith.select %lt3A_274, %add3A_273, %select_n3A_264 : vector<8x1024xi1>, vector<8x1024xf32>
    %jit3A_276 = arith.constant 20 : i32
    %broadcast_in_dim3A_277 = vector.broadcast %jit3A_276 : i32 to vector<8x1024xi32>
    %select_n3A_278 = arith.select %lt3A_274, %broadcast_in_dim3A_277, %select_n3A_267 : vector<8x1024xi1>, vector<8x1024xi32>
    %slice3A_279 = vector.extract_strided_slice %dot_general3A_38 {offsets = [168, 0], sizes = [8, 1024], strides = [1, 1]} : vector<456x1024xf32> to vector<8x1024xf32>
    %add3A_280 = vector.broadcast %get3A_30 : vector<1x1024xf32> to vector<8x1024xf32>
    %add3A_281 = arith.addf %add3A_280, %slice3A_279 : vector<8x1024xf32>
    %slice3A_282 = vector.extract_strided_slice %get3A_43 {offsets = [168, 0], sizes = [8, 1], strides = [1, 1]} : vector<456x1xf32> to vector<8x1xf32>
    %add3A_283 = vector.broadcast %slice3A_282 : vector<8x1xf32> to vector<8x1024xf32>
    %add3A_284 = arith.addf %add3A_281, %add3A_283 : vector<8x1024xf32>
    %lt3A_285 = arith.cmpf olt, %add3A_284, %select_n3A_275 : vector<8x1024xf32>
    %select_n3A_286 = arith.select %lt3A_285, %add3A_284, %select_n3A_275 : vector<8x1024xi1>, vector<8x1024xf32>
    %jit3A_287 = arith.constant 21 : i32
    %broadcast_in_dim3A_288 = vector.broadcast %jit3A_287 : i32 to vector<8x1024xi32>
    %select_n3A_289 = arith.select %lt3A_285, %broadcast_in_dim3A_288, %select_n3A_278 : vector<8x1024xi1>, vector<8x1024xi32>
    %slice3A_290 = vector.extract_strided_slice %dot_general3A_38 {offsets = [176, 0], sizes = [8, 1024], strides = [1, 1]} : vector<456x1024xf32> to vector<8x1024xf32>
    %add3A_291 = vector.broadcast %get3A_30 : vector<1x1024xf32> to vector<8x1024xf32>
    %add3A_292 = arith.addf %add3A_291, %slice3A_290 : vector<8x1024xf32>
    %slice3A_293 = vector.extract_strided_slice %get3A_43 {offsets = [176, 0], sizes = [8, 1], strides = [1, 1]} : vector<456x1xf32> to vector<8x1xf32>
    %add3A_294 = vector.broadcast %slice3A_293 : vector<8x1xf32> to vector<8x1024xf32>
    %add3A_295 = arith.addf %add3A_292, %add3A_294 : vector<8x1024xf32>
    %lt3A_296 = arith.cmpf olt, %add3A_295, %select_n3A_286 : vector<8x1024xf32>
    %select_n3A_297 = arith.select %lt3A_296, %add3A_295, %select_n3A_286 : vector<8x1024xi1>, vector<8x1024xf32>
    %jit3A_298 = arith.constant 22 : i32
    %broadcast_in_dim3A_299 = vector.broadcast %jit3A_298 : i32 to vector<8x1024xi32>
    %select_n3A_300 = arith.select %lt3A_296, %broadcast_in_dim3A_299, %select_n3A_289 : vector<8x1024xi1>, vector<8x1024xi32>
    %slice3A_301 = vector.extract_strided_slice %dot_general3A_38 {offsets = [184, 0], sizes = [8, 1024], strides = [1, 1]} : vector<456x1024xf32> to vector<8x1024xf32>
    %add3A_302 = vector.broadcast %get3A_30 : vector<1x1024xf32> to vector<8x1024xf32>
    %add3A_303 = arith.addf %add3A_302, %slice3A_301 : vector<8x1024xf32>
    %slice3A_304 = vector.extract_strided_slice %get3A_43 {offsets = [184, 0], sizes = [8, 1], strides = [1, 1]} : vector<456x1xf32> to vector<8x1xf32>
    %add3A_305 = vector.broadcast %slice3A_304 : vector<8x1xf32> to vector<8x1024xf32>
    %add3A_306 = arith.addf %add3A_303, %add3A_305 : vector<8x1024xf32>
    %lt3A_307 = arith.cmpf olt, %add3A_306, %select_n3A_297 : vector<8x1024xf32>
    %select_n3A_308 = arith.select %lt3A_307, %add3A_306, %select_n3A_297 : vector<8x1024xi1>, vector<8x1024xf32>
    %jit3A_309 = arith.constant 23 : i32
    %broadcast_in_dim3A_310 = vector.broadcast %jit3A_309 : i32 to vector<8x1024xi32>
    %select_n3A_311 = arith.select %lt3A_307, %broadcast_in_dim3A_310, %select_n3A_300 : vector<8x1024xi1>, vector<8x1024xi32>
    %slice3A_312 = vector.extract_strided_slice %dot_general3A_38 {offsets = [192, 0], sizes = [8, 1024], strides = [1, 1]} : vector<456x1024xf32> to vector<8x1024xf32>
    %add3A_313 = vector.broadcast %get3A_30 : vector<1x1024xf32> to vector<8x1024xf32>
    %add3A_314 = arith.addf %add3A_313, %slice3A_312 : vector<8x1024xf32>
    %slice3A_315 = vector.extract_strided_slice %get3A_43 {offsets = [192, 0], sizes = [8, 1], strides = [1, 1]} : vector<456x1xf32> to vector<8x1xf32>
    %add3A_316 = vector.broadcast %slice3A_315 : vector<8x1xf32> to vector<8x1024xf32>
    %add3A_317 = arith.addf %add3A_314, %add3A_316 : vector<8x1024xf32>
    %lt3A_318 = arith.cmpf olt, %add3A_317, %select_n3A_308 : vector<8x1024xf32>
    %select_n3A_319 = arith.select %lt3A_318, %add3A_317, %select_n3A_308 : vector<8x1024xi1>, vector<8x1024xf32>
    %jit3A_320 = arith.constant 24 : i32
    %broadcast_in_dim3A_321 = vector.broadcast %jit3A_320 : i32 to vector<8x1024xi32>
    %select_n3A_322 = arith.select %lt3A_318, %broadcast_in_dim3A_321, %select_n3A_311 : vector<8x1024xi1>, vector<8x1024xi32>
    %slice3A_323 = vector.extract_strided_slice %dot_general3A_38 {offsets = [200, 0], sizes = [8, 1024], strides = [1, 1]} : vector<456x1024xf32> to vector<8x1024xf32>
    %add3A_324 = vector.broadcast %get3A_30 : vector<1x1024xf32> to vector<8x1024xf32>
    %add3A_325 = arith.addf %add3A_324, %slice3A_323 : vector<8x1024xf32>
    %slice3A_326 = vector.extract_strided_slice %get3A_43 {offsets = [200, 0], sizes = [8, 1], strides = [1, 1]} : vector<456x1xf32> to vector<8x1xf32>
    %add3A_327 = vector.broadcast %slice3A_326 : vector<8x1xf32> to vector<8x1024xf32>
    %add3A_328 = arith.addf %add3A_325, %add3A_327 : vector<8x1024xf32>
    %lt3A_329 = arith.cmpf olt, %add3A_328, %select_n3A_319 : vector<8x1024xf32>
    %select_n3A_330 = arith.select %lt3A_329, %add3A_328, %select_n3A_319 : vector<8x1024xi1>, vector<8x1024xf32>
    %jit3A_331 = arith.constant 25 : i32
    %broadcast_in_dim3A_332 = vector.broadcast %jit3A_331 : i32 to vector<8x1024xi32>
    %select_n3A_333 = arith.select %lt3A_329, %broadcast_in_dim3A_332, %select_n3A_322 : vector<8x1024xi1>, vector<8x1024xi32>
    %slice3A_334 = vector.extract_strided_slice %dot_general3A_38 {offsets = [208, 0], sizes = [8, 1024], strides = [1, 1]} : vector<456x1024xf32> to vector<8x1024xf32>
    %add3A_335 = vector.broadcast %get3A_30 : vector<1x1024xf32> to vector<8x1024xf32>
    %add3A_336 = arith.addf %add3A_335, %slice3A_334 : vector<8x1024xf32>
    %slice3A_337 = vector.extract_strided_slice %get3A_43 {offsets = [208, 0], sizes = [8, 1], strides = [1, 1]} : vector<456x1xf32> to vector<8x1xf32>
    %add3A_338 = vector.broadcast %slice3A_337 : vector<8x1xf32> to vector<8x1024xf32>
    %add3A_339 = arith.addf %add3A_336, %add3A_338 : vector<8x1024xf32>
    %lt3A_340 = arith.cmpf olt, %add3A_339, %select_n3A_330 : vector<8x1024xf32>
    %select_n3A_341 = arith.select %lt3A_340, %add3A_339, %select_n3A_330 : vector<8x1024xi1>, vector<8x1024xf32>
    %jit3A_342 = arith.constant 26 : i32
    %broadcast_in_dim3A_343 = vector.broadcast %jit3A_342 : i32 to vector<8x1024xi32>
    %select_n3A_344 = arith.select %lt3A_340, %broadcast_in_dim3A_343, %select_n3A_333 : vector<8x1024xi1>, vector<8x1024xi32>
    %slice3A_345 = vector.extract_strided_slice %dot_general3A_38 {offsets = [216, 0], sizes = [8, 1024], strides = [1, 1]} : vector<456x1024xf32> to vector<8x1024xf32>
    %add3A_346 = vector.broadcast %get3A_30 : vector<1x1024xf32> to vector<8x1024xf32>
    %add3A_347 = arith.addf %add3A_346, %slice3A_345 : vector<8x1024xf32>
    %slice3A_348 = vector.extract_strided_slice %get3A_43 {offsets = [216, 0], sizes = [8, 1], strides = [1, 1]} : vector<456x1xf32> to vector<8x1xf32>
    %add3A_349 = vector.broadcast %slice3A_348 : vector<8x1xf32> to vector<8x1024xf32>
    %add3A_350 = arith.addf %add3A_347, %add3A_349 : vector<8x1024xf32>
    %lt3A_351 = arith.cmpf olt, %add3A_350, %select_n3A_341 : vector<8x1024xf32>
    %select_n3A_352 = arith.select %lt3A_351, %add3A_350, %select_n3A_341 : vector<8x1024xi1>, vector<8x1024xf32>
    %jit3A_353 = arith.constant 27 : i32
    %broadcast_in_dim3A_354 = vector.broadcast %jit3A_353 : i32 to vector<8x1024xi32>
    %select_n3A_355 = arith.select %lt3A_351, %broadcast_in_dim3A_354, %select_n3A_344 : vector<8x1024xi1>, vector<8x1024xi32>
    %slice3A_356 = vector.extract_strided_slice %dot_general3A_38 {offsets = [224, 0], sizes = [8, 1024], strides = [1, 1]} : vector<456x1024xf32> to vector<8x1024xf32>
    %add3A_357 = vector.broadcast %get3A_30 : vector<1x1024xf32> to vector<8x1024xf32>
    %add3A_358 = arith.addf %add3A_357, %slice3A_356 : vector<8x1024xf32>
    %slice3A_359 = vector.extract_strided_slice %get3A_43 {offsets = [224, 0], sizes = [8, 1], strides = [1, 1]} : vector<456x1xf32> to vector<8x1xf32>
    %add3A_360 = vector.broadcast %slice3A_359 : vector<8x1xf32> to vector<8x1024xf32>
    %add3A_361 = arith.addf %add3A_358, %add3A_360 : vector<8x1024xf32>
    %lt3A_362 = arith.cmpf olt, %add3A_361, %select_n3A_352 : vector<8x1024xf32>
    %select_n3A_363 = arith.select %lt3A_362, %add3A_361, %select_n3A_352 : vector<8x1024xi1>, vector<8x1024xf32>
    %jit3A_364 = arith.constant 28 : i32
    %broadcast_in_dim3A_365 = vector.broadcast %jit3A_364 : i32 to vector<8x1024xi32>
    %select_n3A_366 = arith.select %lt3A_362, %broadcast_in_dim3A_365, %select_n3A_355 : vector<8x1024xi1>, vector<8x1024xi32>
    %slice3A_367 = vector.extract_strided_slice %dot_general3A_38 {offsets = [232, 0], sizes = [8, 1024], strides = [1, 1]} : vector<456x1024xf32> to vector<8x1024xf32>
    %add3A_368 = vector.broadcast %get3A_30 : vector<1x1024xf32> to vector<8x1024xf32>
    %add3A_369 = arith.addf %add3A_368, %slice3A_367 : vector<8x1024xf32>
    %slice3A_370 = vector.extract_strided_slice %get3A_43 {offsets = [232, 0], sizes = [8, 1], strides = [1, 1]} : vector<456x1xf32> to vector<8x1xf32>
    %add3A_371 = vector.broadcast %slice3A_370 : vector<8x1xf32> to vector<8x1024xf32>
    %add3A_372 = arith.addf %add3A_369, %add3A_371 : vector<8x1024xf32>
    %lt3A_373 = arith.cmpf olt, %add3A_372, %select_n3A_363 : vector<8x1024xf32>
    %select_n3A_374 = arith.select %lt3A_373, %add3A_372, %select_n3A_363 : vector<8x1024xi1>, vector<8x1024xf32>
    %jit3A_375 = arith.constant 29 : i32
    %broadcast_in_dim3A_376 = vector.broadcast %jit3A_375 : i32 to vector<8x1024xi32>
    %select_n3A_377 = arith.select %lt3A_373, %broadcast_in_dim3A_376, %select_n3A_366 : vector<8x1024xi1>, vector<8x1024xi32>
    %slice3A_378 = vector.extract_strided_slice %dot_general3A_38 {offsets = [240, 0], sizes = [8, 1024], strides = [1, 1]} : vector<456x1024xf32> to vector<8x1024xf32>
    %add3A_379 = vector.broadcast %get3A_30 : vector<1x1024xf32> to vector<8x1024xf32>
    %add3A_380 = arith.addf %add3A_379, %slice3A_378 : vector<8x1024xf32>
    %slice3A_381 = vector.extract_strided_slice %get3A_43 {offsets = [240, 0], sizes = [8, 1], strides = [1, 1]} : vector<456x1xf32> to vector<8x1xf32>
    %add3A_382 = vector.broadcast %slice3A_381 : vector<8x1xf32> to vector<8x1024xf32>
    %add3A_383 = arith.addf %add3A_380, %add3A_382 : vector<8x1024xf32>
    %lt3A_384 = arith.cmpf olt, %add3A_383, %select_n3A_374 : vector<8x1024xf32>
    %select_n3A_385 = arith.select %lt3A_384, %add3A_383, %select_n3A_374 : vector<8x1024xi1>, vector<8x1024xf32>
    %jit3A_386 = arith.constant 30 : i32
    %broadcast_in_dim3A_387 = vector.broadcast %jit3A_386 : i32 to vector<8x1024xi32>
    %select_n3A_388 = arith.select %lt3A_384, %broadcast_in_dim3A_387, %select_n3A_377 : vector<8x1024xi1>, vector<8x1024xi32>
    %slice3A_389 = vector.extract_strided_slice %dot_general3A_38 {offsets = [248, 0], sizes = [8, 1024], strides = [1, 1]} : vector<456x1024xf32> to vector<8x1024xf32>
    %add3A_390 = vector.broadcast %get3A_30 : vector<1x1024xf32> to vector<8x1024xf32>
    %add3A_391 = arith.addf %add3A_390, %slice3A_389 : vector<8x1024xf32>
    %slice3A_392 = vector.extract_strided_slice %get3A_43 {offsets = [248, 0], sizes = [8, 1], strides = [1, 1]} : vector<456x1xf32> to vector<8x1xf32>
    %add3A_393 = vector.broadcast %slice3A_392 : vector<8x1xf32> to vector<8x1024xf32>
    %add3A_394 = arith.addf %add3A_391, %add3A_393 : vector<8x1024xf32>
    %lt3A_395 = arith.cmpf olt, %add3A_394, %select_n3A_385 : vector<8x1024xf32>
    %select_n3A_396 = arith.select %lt3A_395, %add3A_394, %select_n3A_385 : vector<8x1024xi1>, vector<8x1024xf32>
    %jit3A_397 = arith.constant 31 : i32
    %broadcast_in_dim3A_398 = vector.broadcast %jit3A_397 : i32 to vector<8x1024xi32>
    %select_n3A_399 = arith.select %lt3A_395, %broadcast_in_dim3A_398, %select_n3A_388 : vector<8x1024xi1>, vector<8x1024xi32>
    %slice3A_400 = vector.extract_strided_slice %dot_general3A_38 {offsets = [256, 0], sizes = [8, 1024], strides = [1, 1]} : vector<456x1024xf32> to vector<8x1024xf32>
    %add3A_401 = vector.broadcast %get3A_30 : vector<1x1024xf32> to vector<8x1024xf32>
    %add3A_402 = arith.addf %add3A_401, %slice3A_400 : vector<8x1024xf32>
    %slice3A_403 = vector.extract_strided_slice %get3A_43 {offsets = [256, 0], sizes = [8, 1], strides = [1, 1]} : vector<456x1xf32> to vector<8x1xf32>
    %add3A_404 = vector.broadcast %slice3A_403 : vector<8x1xf32> to vector<8x1024xf32>
    %add3A_405 = arith.addf %add3A_402, %add3A_404 : vector<8x1024xf32>
    %lt3A_406 = arith.cmpf olt, %add3A_405, %select_n3A_396 : vector<8x1024xf32>
    %select_n3A_407 = arith.select %lt3A_406, %add3A_405, %select_n3A_396 : vector<8x1024xi1>, vector<8x1024xf32>
    %jit3A_408 = arith.constant 32 : i32
    %broadcast_in_dim3A_409 = vector.broadcast %jit3A_408 : i32 to vector<8x1024xi32>
    %select_n3A_410 = arith.select %lt3A_406, %broadcast_in_dim3A_409, %select_n3A_399 : vector<8x1024xi1>, vector<8x1024xi32>
    %slice3A_411 = vector.extract_strided_slice %dot_general3A_38 {offsets = [264, 0], sizes = [8, 1024], strides = [1, 1]} : vector<456x1024xf32> to vector<8x1024xf32>
    %add3A_412 = vector.broadcast %get3A_30 : vector<1x1024xf32> to vector<8x1024xf32>
    %add3A_413 = arith.addf %add3A_412, %slice3A_411 : vector<8x1024xf32>
    %slice3A_414 = vector.extract_strided_slice %get3A_43 {offsets = [264, 0], sizes = [8, 1], strides = [1, 1]} : vector<456x1xf32> to vector<8x1xf32>
    %add3A_415 = vector.broadcast %slice3A_414 : vector<8x1xf32> to vector<8x1024xf32>
    %add3A_416 = arith.addf %add3A_413, %add3A_415 : vector<8x1024xf32>
    %lt3A_417 = arith.cmpf olt, %add3A_416, %select_n3A_407 : vector<8x1024xf32>
    %select_n3A_418 = arith.select %lt3A_417, %add3A_416, %select_n3A_407 : vector<8x1024xi1>, vector<8x1024xf32>
    %jit3A_419 = arith.constant 33 : i32
    %broadcast_in_dim3A_420 = vector.broadcast %jit3A_419 : i32 to vector<8x1024xi32>
    %select_n3A_421 = arith.select %lt3A_417, %broadcast_in_dim3A_420, %select_n3A_410 : vector<8x1024xi1>, vector<8x1024xi32>
    %slice3A_422 = vector.extract_strided_slice %dot_general3A_38 {offsets = [272, 0], sizes = [8, 1024], strides = [1, 1]} : vector<456x1024xf32> to vector<8x1024xf32>
    %add3A_423 = vector.broadcast %get3A_30 : vector<1x1024xf32> to vector<8x1024xf32>
    %add3A_424 = arith.addf %add3A_423, %slice3A_422 : vector<8x1024xf32>
    %slice3A_425 = vector.extract_strided_slice %get3A_43 {offsets = [272, 0], sizes = [8, 1], strides = [1, 1]} : vector<456x1xf32> to vector<8x1xf32>
    %add3A_426 = vector.broadcast %slice3A_425 : vector<8x1xf32> to vector<8x1024xf32>
    %add3A_427 = arith.addf %add3A_424, %add3A_426 : vector<8x1024xf32>
    %lt3A_428 = arith.cmpf olt, %add3A_427, %select_n3A_418 : vector<8x1024xf32>
    %select_n3A_429 = arith.select %lt3A_428, %add3A_427, %select_n3A_418 : vector<8x1024xi1>, vector<8x1024xf32>
    %jit3A_430 = arith.constant 34 : i32
    %broadcast_in_dim3A_431 = vector.broadcast %jit3A_430 : i32 to vector<8x1024xi32>
    %select_n3A_432 = arith.select %lt3A_428, %broadcast_in_dim3A_431, %select_n3A_421 : vector<8x1024xi1>, vector<8x1024xi32>
    %slice3A_433 = vector.extract_strided_slice %dot_general3A_38 {offsets = [280, 0], sizes = [8, 1024], strides = [1, 1]} : vector<456x1024xf32> to vector<8x1024xf32>
    %add3A_434 = vector.broadcast %get3A_30 : vector<1x1024xf32> to vector<8x1024xf32>
    %add3A_435 = arith.addf %add3A_434, %slice3A_433 : vector<8x1024xf32>
    %slice3A_436 = vector.extract_strided_slice %get3A_43 {offsets = [280, 0], sizes = [8, 1], strides = [1, 1]} : vector<456x1xf32> to vector<8x1xf32>
    %add3A_437 = vector.broadcast %slice3A_436 : vector<8x1xf32> to vector<8x1024xf32>
    %add3A_438 = arith.addf %add3A_435, %add3A_437 : vector<8x1024xf32>
    %lt3A_439 = arith.cmpf olt, %add3A_438, %select_n3A_429 : vector<8x1024xf32>
    %select_n3A_440 = arith.select %lt3A_439, %add3A_438, %select_n3A_429 : vector<8x1024xi1>, vector<8x1024xf32>
    %jit3A_441 = arith.constant 35 : i32
    %broadcast_in_dim3A_442 = vector.broadcast %jit3A_441 : i32 to vector<8x1024xi32>
    %select_n3A_443 = arith.select %lt3A_439, %broadcast_in_dim3A_442, %select_n3A_432 : vector<8x1024xi1>, vector<8x1024xi32>
    %slice3A_444 = vector.extract_strided_slice %dot_general3A_38 {offsets = [288, 0], sizes = [8, 1024], strides = [1, 1]} : vector<456x1024xf32> to vector<8x1024xf32>
    %add3A_445 = vector.broadcast %get3A_30 : vector<1x1024xf32> to vector<8x1024xf32>
    %add3A_446 = arith.addf %add3A_445, %slice3A_444 : vector<8x1024xf32>
    %slice3A_447 = vector.extract_strided_slice %get3A_43 {offsets = [288, 0], sizes = [8, 1], strides = [1, 1]} : vector<456x1xf32> to vector<8x1xf32>
    %add3A_448 = vector.broadcast %slice3A_447 : vector<8x1xf32> to vector<8x1024xf32>
    %add3A_449 = arith.addf %add3A_446, %add3A_448 : vector<8x1024xf32>
    %lt3A_450 = arith.cmpf olt, %add3A_449, %select_n3A_440 : vector<8x1024xf32>
    %select_n3A_451 = arith.select %lt3A_450, %add3A_449, %select_n3A_440 : vector<8x1024xi1>, vector<8x1024xf32>
    %jit3A_452 = arith.constant 36 : i32
    %broadcast_in_dim3A_453 = vector.broadcast %jit3A_452 : i32 to vector<8x1024xi32>
    %select_n3A_454 = arith.select %lt3A_450, %broadcast_in_dim3A_453, %select_n3A_443 : vector<8x1024xi1>, vector<8x1024xi32>
    %slice3A_455 = vector.extract_strided_slice %dot_general3A_38 {offsets = [296, 0], sizes = [8, 1024], strides = [1, 1]} : vector<456x1024xf32> to vector<8x1024xf32>
    %add3A_456 = vector.broadcast %get3A_30 : vector<1x1024xf32> to vector<8x1024xf32>
    %add3A_457 = arith.addf %add3A_456, %slice3A_455 : vector<8x1024xf32>
    %slice3A_458 = vector.extract_strided_slice %get3A_43 {offsets = [296, 0], sizes = [8, 1], strides = [1, 1]} : vector<456x1xf32> to vector<8x1xf32>
    %add3A_459 = vector.broadcast %slice3A_458 : vector<8x1xf32> to vector<8x1024xf32>
    %add3A_460 = arith.addf %add3A_457, %add3A_459 : vector<8x1024xf32>
    %lt3A_461 = arith.cmpf olt, %add3A_460, %select_n3A_451 : vector<8x1024xf32>
    %select_n3A_462 = arith.select %lt3A_461, %add3A_460, %select_n3A_451 : vector<8x1024xi1>, vector<8x1024xf32>
    %jit3A_463 = arith.constant 37 : i32
    %broadcast_in_dim3A_464 = vector.broadcast %jit3A_463 : i32 to vector<8x1024xi32>
    %select_n3A_465 = arith.select %lt3A_461, %broadcast_in_dim3A_464, %select_n3A_454 : vector<8x1024xi1>, vector<8x1024xi32>
    %slice3A_466 = vector.extract_strided_slice %dot_general3A_38 {offsets = [304, 0], sizes = [8, 1024], strides = [1, 1]} : vector<456x1024xf32> to vector<8x1024xf32>
    %add3A_467 = vector.broadcast %get3A_30 : vector<1x1024xf32> to vector<8x1024xf32>
    %add3A_468 = arith.addf %add3A_467, %slice3A_466 : vector<8x1024xf32>
    %slice3A_469 = vector.extract_strided_slice %get3A_43 {offsets = [304, 0], sizes = [8, 1], strides = [1, 1]} : vector<456x1xf32> to vector<8x1xf32>
    %add3A_470 = vector.broadcast %slice3A_469 : vector<8x1xf32> to vector<8x1024xf32>
    %add3A_471 = arith.addf %add3A_468, %add3A_470 : vector<8x1024xf32>
    %lt3A_472 = arith.cmpf olt, %add3A_471, %select_n3A_462 : vector<8x1024xf32>
    %select_n3A_473 = arith.select %lt3A_472, %add3A_471, %select_n3A_462 : vector<8x1024xi1>, vector<8x1024xf32>
    %jit3A_474 = arith.constant 38 : i32
    %broadcast_in_dim3A_475 = vector.broadcast %jit3A_474 : i32 to vector<8x1024xi32>
    %select_n3A_476 = arith.select %lt3A_472, %broadcast_in_dim3A_475, %select_n3A_465 : vector<8x1024xi1>, vector<8x1024xi32>
    %slice3A_477 = vector.extract_strided_slice %dot_general3A_38 {offsets = [312, 0], sizes = [8, 1024], strides = [1, 1]} : vector<456x1024xf32> to vector<8x1024xf32>
    %add3A_478 = vector.broadcast %get3A_30 : vector<1x1024xf32> to vector<8x1024xf32>
    %add3A_479 = arith.addf %add3A_478, %slice3A_477 : vector<8x1024xf32>
    %slice3A_480 = vector.extract_strided_slice %get3A_43 {offsets = [312, 0], sizes = [8, 1], strides = [1, 1]} : vector<456x1xf32> to vector<8x1xf32>
    %add3A_481 = vector.broadcast %slice3A_480 : vector<8x1xf32> to vector<8x1024xf32>
    %add3A_482 = arith.addf %add3A_479, %add3A_481 : vector<8x1024xf32>
    %lt3A_483 = arith.cmpf olt, %add3A_482, %select_n3A_473 : vector<8x1024xf32>
    %select_n3A_484 = arith.select %lt3A_483, %add3A_482, %select_n3A_473 : vector<8x1024xi1>, vector<8x1024xf32>
    %jit3A_485 = arith.constant 39 : i32
    %broadcast_in_dim3A_486 = vector.broadcast %jit3A_485 : i32 to vector<8x1024xi32>
    %select_n3A_487 = arith.select %lt3A_483, %broadcast_in_dim3A_486, %select_n3A_476 : vector<8x1024xi1>, vector<8x1024xi32>
    %slice3A_488 = vector.extract_strided_slice %dot_general3A_38 {offsets = [320, 0], sizes = [8, 1024], strides = [1, 1]} : vector<456x1024xf32> to vector<8x1024xf32>
    %add3A_489 = vector.broadcast %get3A_30 : vector<1x1024xf32> to vector<8x1024xf32>
    %add3A_490 = arith.addf %add3A_489, %slice3A_488 : vector<8x1024xf32>
    %slice3A_491 = vector.extract_strided_slice %get3A_43 {offsets = [320, 0], sizes = [8, 1], strides = [1, 1]} : vector<456x1xf32> to vector<8x1xf32>
    %add3A_492 = vector.broadcast %slice3A_491 : vector<8x1xf32> to vector<8x1024xf32>
    %add3A_493 = arith.addf %add3A_490, %add3A_492 : vector<8x1024xf32>
    %lt3A_494 = arith.cmpf olt, %add3A_493, %select_n3A_484 : vector<8x1024xf32>
    %select_n3A_495 = arith.select %lt3A_494, %add3A_493, %select_n3A_484 : vector<8x1024xi1>, vector<8x1024xf32>
    %jit3A_496 = arith.constant 40 : i32
    %broadcast_in_dim3A_497 = vector.broadcast %jit3A_496 : i32 to vector<8x1024xi32>
    %select_n3A_498 = arith.select %lt3A_494, %broadcast_in_dim3A_497, %select_n3A_487 : vector<8x1024xi1>, vector<8x1024xi32>
    %slice3A_499 = vector.extract_strided_slice %dot_general3A_38 {offsets = [328, 0], sizes = [8, 1024], strides = [1, 1]} : vector<456x1024xf32> to vector<8x1024xf32>
    %add3A_500 = vector.broadcast %get3A_30 : vector<1x1024xf32> to vector<8x1024xf32>
    %add3A_501 = arith.addf %add3A_500, %slice3A_499 : vector<8x1024xf32>
    %slice3A_502 = vector.extract_strided_slice %get3A_43 {offsets = [328, 0], sizes = [8, 1], strides = [1, 1]} : vector<456x1xf32> to vector<8x1xf32>
    %add3A_503 = vector.broadcast %slice3A_502 : vector<8x1xf32> to vector<8x1024xf32>
    %add3A_504 = arith.addf %add3A_501, %add3A_503 : vector<8x1024xf32>
    %lt3A_505 = arith.cmpf olt, %add3A_504, %select_n3A_495 : vector<8x1024xf32>
    %select_n3A_506 = arith.select %lt3A_505, %add3A_504, %select_n3A_495 : vector<8x1024xi1>, vector<8x1024xf32>
    %jit3A_507 = arith.constant 41 : i32
    %broadcast_in_dim3A_508 = vector.broadcast %jit3A_507 : i32 to vector<8x1024xi32>
    %select_n3A_509 = arith.select %lt3A_505, %broadcast_in_dim3A_508, %select_n3A_498 : vector<8x1024xi1>, vector<8x1024xi32>
    %slice3A_510 = vector.extract_strided_slice %dot_general3A_38 {offsets = [336, 0], sizes = [8, 1024], strides = [1, 1]} : vector<456x1024xf32> to vector<8x1024xf32>
    %add3A_511 = vector.broadcast %get3A_30 : vector<1x1024xf32> to vector<8x1024xf32>
    %add3A_512 = arith.addf %add3A_511, %slice3A_510 : vector<8x1024xf32>
    %slice3A_513 = vector.extract_strided_slice %get3A_43 {offsets = [336, 0], sizes = [8, 1], strides = [1, 1]} : vector<456x1xf32> to vector<8x1xf32>
    %add3A_514 = vector.broadcast %slice3A_513 : vector<8x1xf32> to vector<8x1024xf32>
    %add3A_515 = arith.addf %add3A_512, %add3A_514 : vector<8x1024xf32>
    %lt3A_516 = arith.cmpf olt, %add3A_515, %select_n3A_506 : vector<8x1024xf32>
    %select_n3A_517 = arith.select %lt3A_516, %add3A_515, %select_n3A_506 : vector<8x1024xi1>, vector<8x1024xf32>
    %jit3A_518 = arith.constant 42 : i32
    %broadcast_in_dim3A_519 = vector.broadcast %jit3A_518 : i32 to vector<8x1024xi32>
    %select_n3A_520 = arith.select %lt3A_516, %broadcast_in_dim3A_519, %select_n3A_509 : vector<8x1024xi1>, vector<8x1024xi32>
    %slice3A_521 = vector.extract_strided_slice %dot_general3A_38 {offsets = [344, 0], sizes = [8, 1024], strides = [1, 1]} : vector<456x1024xf32> to vector<8x1024xf32>
    %add3A_522 = vector.broadcast %get3A_30 : vector<1x1024xf32> to vector<8x1024xf32>
    %add3A_523 = arith.addf %add3A_522, %slice3A_521 : vector<8x1024xf32>
    %slice3A_524 = vector.extract_strided_slice %get3A_43 {offsets = [344, 0], sizes = [8, 1], strides = [1, 1]} : vector<456x1xf32> to vector<8x1xf32>
    %add3A_525 = vector.broadcast %slice3A_524 : vector<8x1xf32> to vector<8x1024xf32>
    %add3A_526 = arith.addf %add3A_523, %add3A_525 : vector<8x1024xf32>
    %lt3A_527 = arith.cmpf olt, %add3A_526, %select_n3A_517 : vector<8x1024xf32>
    %select_n3A_528 = arith.select %lt3A_527, %add3A_526, %select_n3A_517 : vector<8x1024xi1>, vector<8x1024xf32>
    %jit3A_529 = arith.constant 43 : i32
    %broadcast_in_dim3A_530 = vector.broadcast %jit3A_529 : i32 to vector<8x1024xi32>
    %select_n3A_531 = arith.select %lt3A_527, %broadcast_in_dim3A_530, %select_n3A_520 : vector<8x1024xi1>, vector<8x1024xi32>
    %slice3A_532 = vector.extract_strided_slice %dot_general3A_38 {offsets = [352, 0], sizes = [8, 1024], strides = [1, 1]} : vector<456x1024xf32> to vector<8x1024xf32>
    %add3A_533 = vector.broadcast %get3A_30 : vector<1x1024xf32> to vector<8x1024xf32>
    %add3A_534 = arith.addf %add3A_533, %slice3A_532 : vector<8x1024xf32>
    %slice3A_535 = vector.extract_strided_slice %get3A_43 {offsets = [352, 0], sizes = [8, 1], strides = [1, 1]} : vector<456x1xf32> to vector<8x1xf32>
    %add3A_536 = vector.broadcast %slice3A_535 : vector<8x1xf32> to vector<8x1024xf32>
    %add3A_537 = arith.addf %add3A_534, %add3A_536 : vector<8x1024xf32>
    %lt3A_538 = arith.cmpf olt, %add3A_537, %select_n3A_528 : vector<8x1024xf32>
    %select_n3A_539 = arith.select %lt3A_538, %add3A_537, %select_n3A_528 : vector<8x1024xi1>, vector<8x1024xf32>
    %jit3A_540 = arith.constant 44 : i32
    %broadcast_in_dim3A_541 = vector.broadcast %jit3A_540 : i32 to vector<8x1024xi32>
    %select_n3A_542 = arith.select %lt3A_538, %broadcast_in_dim3A_541, %select_n3A_531 : vector<8x1024xi1>, vector<8x1024xi32>
    %slice3A_543 = vector.extract_strided_slice %dot_general3A_38 {offsets = [360, 0], sizes = [8, 1024], strides = [1, 1]} : vector<456x1024xf32> to vector<8x1024xf32>
    %add3A_544 = vector.broadcast %get3A_30 : vector<1x1024xf32> to vector<8x1024xf32>
    %add3A_545 = arith.addf %add3A_544, %slice3A_543 : vector<8x1024xf32>
    %slice3A_546 = vector.extract_strided_slice %get3A_43 {offsets = [360, 0], sizes = [8, 1], strides = [1, 1]} : vector<456x1xf32> to vector<8x1xf32>
    %add3A_547 = vector.broadcast %slice3A_546 : vector<8x1xf32> to vector<8x1024xf32>
    %add3A_548 = arith.addf %add3A_545, %add3A_547 : vector<8x1024xf32>
    %lt3A_549 = arith.cmpf olt, %add3A_548, %select_n3A_539 : vector<8x1024xf32>
    %select_n3A_550 = arith.select %lt3A_549, %add3A_548, %select_n3A_539 : vector<8x1024xi1>, vector<8x1024xf32>
    %jit3A_551 = arith.constant 45 : i32
    %broadcast_in_dim3A_552 = vector.broadcast %jit3A_551 : i32 to vector<8x1024xi32>
    %select_n3A_553 = arith.select %lt3A_549, %broadcast_in_dim3A_552, %select_n3A_542 : vector<8x1024xi1>, vector<8x1024xi32>
    %slice3A_554 = vector.extract_strided_slice %dot_general3A_38 {offsets = [368, 0], sizes = [8, 1024], strides = [1, 1]} : vector<456x1024xf32> to vector<8x1024xf32>
    %add3A_555 = vector.broadcast %get3A_30 : vector<1x1024xf32> to vector<8x1024xf32>
    %add3A_556 = arith.addf %add3A_555, %slice3A_554 : vector<8x1024xf32>
    %slice3A_557 = vector.extract_strided_slice %get3A_43 {offsets = [368, 0], sizes = [8, 1], strides = [1, 1]} : vector<456x1xf32> to vector<8x1xf32>
    %add3A_558 = vector.broadcast %slice3A_557 : vector<8x1xf32> to vector<8x1024xf32>
    %add3A_559 = arith.addf %add3A_556, %add3A_558 : vector<8x1024xf32>
    %lt3A_560 = arith.cmpf olt, %add3A_559, %select_n3A_550 : vector<8x1024xf32>
    %select_n3A_561 = arith.select %lt3A_560, %add3A_559, %select_n3A_550 : vector<8x1024xi1>, vector<8x1024xf32>
    %jit3A_562 = arith.constant 46 : i32
    %broadcast_in_dim3A_563 = vector.broadcast %jit3A_562 : i32 to vector<8x1024xi32>
    %select_n3A_564 = arith.select %lt3A_560, %broadcast_in_dim3A_563, %select_n3A_553 : vector<8x1024xi1>, vector<8x1024xi32>
    %slice3A_565 = vector.extract_strided_slice %dot_general3A_38 {offsets = [376, 0], sizes = [8, 1024], strides = [1, 1]} : vector<456x1024xf32> to vector<8x1024xf32>
    %add3A_566 = vector.broadcast %get3A_30 : vector<1x1024xf32> to vector<8x1024xf32>
    %add3A_567 = arith.addf %add3A_566, %slice3A_565 : vector<8x1024xf32>
    %slice3A_568 = vector.extract_strided_slice %get3A_43 {offsets = [376, 0], sizes = [8, 1], strides = [1, 1]} : vector<456x1xf32> to vector<8x1xf32>
    %add3A_569 = vector.broadcast %slice3A_568 : vector<8x1xf32> to vector<8x1024xf32>
    %add3A_570 = arith.addf %add3A_567, %add3A_569 : vector<8x1024xf32>
    %lt3A_571 = arith.cmpf olt, %add3A_570, %select_n3A_561 : vector<8x1024xf32>
    %select_n3A_572 = arith.select %lt3A_571, %add3A_570, %select_n3A_561 : vector<8x1024xi1>, vector<8x1024xf32>
    %jit3A_573 = arith.constant 47 : i32
    %broadcast_in_dim3A_574 = vector.broadcast %jit3A_573 : i32 to vector<8x1024xi32>
    %select_n3A_575 = arith.select %lt3A_571, %broadcast_in_dim3A_574, %select_n3A_564 : vector<8x1024xi1>, vector<8x1024xi32>
    %slice3A_576 = vector.extract_strided_slice %dot_general3A_38 {offsets = [384, 0], sizes = [8, 1024], strides = [1, 1]} : vector<456x1024xf32> to vector<8x1024xf32>
    %add3A_577 = vector.broadcast %get3A_30 : vector<1x1024xf32> to vector<8x1024xf32>
    %add3A_578 = arith.addf %add3A_577, %slice3A_576 : vector<8x1024xf32>
    %slice3A_579 = vector.extract_strided_slice %get3A_43 {offsets = [384, 0], sizes = [8, 1], strides = [1, 1]} : vector<456x1xf32> to vector<8x1xf32>
    %add3A_580 = vector.broadcast %slice3A_579 : vector<8x1xf32> to vector<8x1024xf32>
    %add3A_581 = arith.addf %add3A_578, %add3A_580 : vector<8x1024xf32>
    %lt3A_582 = arith.cmpf olt, %add3A_581, %select_n3A_572 : vector<8x1024xf32>
    %select_n3A_583 = arith.select %lt3A_582, %add3A_581, %select_n3A_572 : vector<8x1024xi1>, vector<8x1024xf32>
    %jit3A_584 = arith.constant 48 : i32
    %broadcast_in_dim3A_585 = vector.broadcast %jit3A_584 : i32 to vector<8x1024xi32>
    %select_n3A_586 = arith.select %lt3A_582, %broadcast_in_dim3A_585, %select_n3A_575 : vector<8x1024xi1>, vector<8x1024xi32>
    %slice3A_587 = vector.extract_strided_slice %dot_general3A_38 {offsets = [392, 0], sizes = [8, 1024], strides = [1, 1]} : vector<456x1024xf32> to vector<8x1024xf32>
    %add3A_588 = vector.broadcast %get3A_30 : vector<1x1024xf32> to vector<8x1024xf32>
    %add3A_589 = arith.addf %add3A_588, %slice3A_587 : vector<8x1024xf32>
    %slice3A_590 = vector.extract_strided_slice %get3A_43 {offsets = [392, 0], sizes = [8, 1], strides = [1, 1]} : vector<456x1xf32> to vector<8x1xf32>
    %add3A_591 = vector.broadcast %slice3A_590 : vector<8x1xf32> to vector<8x1024xf32>
    %add3A_592 = arith.addf %add3A_589, %add3A_591 : vector<8x1024xf32>
    %lt3A_593 = arith.cmpf olt, %add3A_592, %select_n3A_583 : vector<8x1024xf32>
    %select_n3A_594 = arith.select %lt3A_593, %add3A_592, %select_n3A_583 : vector<8x1024xi1>, vector<8x1024xf32>
    %jit3A_595 = arith.constant 49 : i32
    %broadcast_in_dim3A_596 = vector.broadcast %jit3A_595 : i32 to vector<8x1024xi32>
    %select_n3A_597 = arith.select %lt3A_593, %broadcast_in_dim3A_596, %select_n3A_586 : vector<8x1024xi1>, vector<8x1024xi32>
    %slice3A_598 = vector.extract_strided_slice %dot_general3A_38 {offsets = [400, 0], sizes = [8, 1024], strides = [1, 1]} : vector<456x1024xf32> to vector<8x1024xf32>
    %add3A_599 = vector.broadcast %get3A_30 : vector<1x1024xf32> to vector<8x1024xf32>
    %add3A_600 = arith.addf %add3A_599, %slice3A_598 : vector<8x1024xf32>
    %slice3A_601 = vector.extract_strided_slice %get3A_43 {offsets = [400, 0], sizes = [8, 1], strides = [1, 1]} : vector<456x1xf32> to vector<8x1xf32>
    %add3A_602 = vector.broadcast %slice3A_601 : vector<8x1xf32> to vector<8x1024xf32>
    %add3A_603 = arith.addf %add3A_600, %add3A_602 : vector<8x1024xf32>
    %lt3A_604 = arith.cmpf olt, %add3A_603, %select_n3A_594 : vector<8x1024xf32>
    %select_n3A_605 = arith.select %lt3A_604, %add3A_603, %select_n3A_594 : vector<8x1024xi1>, vector<8x1024xf32>
    %jit3A_606 = arith.constant 50 : i32
    %broadcast_in_dim3A_607 = vector.broadcast %jit3A_606 : i32 to vector<8x1024xi32>
    %select_n3A_608 = arith.select %lt3A_604, %broadcast_in_dim3A_607, %select_n3A_597 : vector<8x1024xi1>, vector<8x1024xi32>
    %slice3A_609 = vector.extract_strided_slice %dot_general3A_38 {offsets = [408, 0], sizes = [8, 1024], strides = [1, 1]} : vector<456x1024xf32> to vector<8x1024xf32>
    %add3A_610 = vector.broadcast %get3A_30 : vector<1x1024xf32> to vector<8x1024xf32>
    %add3A_611 = arith.addf %add3A_610, %slice3A_609 : vector<8x1024xf32>
    %slice3A_612 = vector.extract_strided_slice %get3A_43 {offsets = [408, 0], sizes = [8, 1], strides = [1, 1]} : vector<456x1xf32> to vector<8x1xf32>
    %add3A_613 = vector.broadcast %slice3A_612 : vector<8x1xf32> to vector<8x1024xf32>
    %add3A_614 = arith.addf %add3A_611, %add3A_613 : vector<8x1024xf32>
    %lt3A_615 = arith.cmpf olt, %add3A_614, %select_n3A_605 : vector<8x1024xf32>
    %select_n3A_616 = arith.select %lt3A_615, %add3A_614, %select_n3A_605 : vector<8x1024xi1>, vector<8x1024xf32>
    %jit3A_617 = arith.constant 51 : i32
    %broadcast_in_dim3A_618 = vector.broadcast %jit3A_617 : i32 to vector<8x1024xi32>
    %select_n3A_619 = arith.select %lt3A_615, %broadcast_in_dim3A_618, %select_n3A_608 : vector<8x1024xi1>, vector<8x1024xi32>
    %slice3A_620 = vector.extract_strided_slice %dot_general3A_38 {offsets = [416, 0], sizes = [8, 1024], strides = [1, 1]} : vector<456x1024xf32> to vector<8x1024xf32>
    %add3A_621 = vector.broadcast %get3A_30 : vector<1x1024xf32> to vector<8x1024xf32>
    %add3A_622 = arith.addf %add3A_621, %slice3A_620 : vector<8x1024xf32>
    %slice3A_623 = vector.extract_strided_slice %get3A_43 {offsets = [416, 0], sizes = [8, 1], strides = [1, 1]} : vector<456x1xf32> to vector<8x1xf32>
    %add3A_624 = vector.broadcast %slice3A_623 : vector<8x1xf32> to vector<8x1024xf32>
    %add3A_625 = arith.addf %add3A_622, %add3A_624 : vector<8x1024xf32>
    %lt3A_626 = arith.cmpf olt, %add3A_625, %select_n3A_616 : vector<8x1024xf32>
    %select_n3A_627 = arith.select %lt3A_626, %add3A_625, %select_n3A_616 : vector<8x1024xi1>, vector<8x1024xf32>
    %jit3A_628 = arith.constant 52 : i32
    %broadcast_in_dim3A_629 = vector.broadcast %jit3A_628 : i32 to vector<8x1024xi32>
    %select_n3A_630 = arith.select %lt3A_626, %broadcast_in_dim3A_629, %select_n3A_619 : vector<8x1024xi1>, vector<8x1024xi32>
    %slice3A_631 = vector.extract_strided_slice %dot_general3A_38 {offsets = [424, 0], sizes = [8, 1024], strides = [1, 1]} : vector<456x1024xf32> to vector<8x1024xf32>
    %add3A_632 = vector.broadcast %get3A_30 : vector<1x1024xf32> to vector<8x1024xf32>
    %add3A_633 = arith.addf %add3A_632, %slice3A_631 : vector<8x1024xf32>
    %slice3A_634 = vector.extract_strided_slice %get3A_43 {offsets = [424, 0], sizes = [8, 1], strides = [1, 1]} : vector<456x1xf32> to vector<8x1xf32>
    %add3A_635 = vector.broadcast %slice3A_634 : vector<8x1xf32> to vector<8x1024xf32>
    %add3A_636 = arith.addf %add3A_633, %add3A_635 : vector<8x1024xf32>
    %lt3A_637 = arith.cmpf olt, %add3A_636, %select_n3A_627 : vector<8x1024xf32>
    %select_n3A_638 = arith.select %lt3A_637, %add3A_636, %select_n3A_627 : vector<8x1024xi1>, vector<8x1024xf32>
    %jit3A_639 = arith.constant 53 : i32
    %broadcast_in_dim3A_640 = vector.broadcast %jit3A_639 : i32 to vector<8x1024xi32>
    %select_n3A_641 = arith.select %lt3A_637, %broadcast_in_dim3A_640, %select_n3A_630 : vector<8x1024xi1>, vector<8x1024xi32>
    %slice3A_642 = vector.extract_strided_slice %dot_general3A_38 {offsets = [432, 0], sizes = [8, 1024], strides = [1, 1]} : vector<456x1024xf32> to vector<8x1024xf32>
    %add3A_643 = vector.broadcast %get3A_30 : vector<1x1024xf32> to vector<8x1024xf32>
    %add3A_644 = arith.addf %add3A_643, %slice3A_642 : vector<8x1024xf32>
    %slice3A_645 = vector.extract_strided_slice %get3A_43 {offsets = [432, 0], sizes = [8, 1], strides = [1, 1]} : vector<456x1xf32> to vector<8x1xf32>
    %add3A_646 = vector.broadcast %slice3A_645 : vector<8x1xf32> to vector<8x1024xf32>
    %add3A_647 = arith.addf %add3A_644, %add3A_646 : vector<8x1024xf32>
    %lt3A_648 = arith.cmpf olt, %add3A_647, %select_n3A_638 : vector<8x1024xf32>
    %select_n3A_649 = arith.select %lt3A_648, %add3A_647, %select_n3A_638 : vector<8x1024xi1>, vector<8x1024xf32>
    %jit3A_650 = arith.constant 54 : i32
    %broadcast_in_dim3A_651 = vector.broadcast %jit3A_650 : i32 to vector<8x1024xi32>
    %select_n3A_652 = arith.select %lt3A_648, %broadcast_in_dim3A_651, %select_n3A_641 : vector<8x1024xi1>, vector<8x1024xi32>
    %slice3A_653 = vector.extract_strided_slice %dot_general3A_38 {offsets = [440, 0], sizes = [8, 1024], strides = [1, 1]} : vector<456x1024xf32> to vector<8x1024xf32>
    %add3A_654 = vector.broadcast %get3A_30 : vector<1x1024xf32> to vector<8x1024xf32>
    %add3A_655 = arith.addf %add3A_654, %slice3A_653 : vector<8x1024xf32>
    %slice3A_656 = vector.extract_strided_slice %get3A_43 {offsets = [440, 0], sizes = [8, 1], strides = [1, 1]} : vector<456x1xf32> to vector<8x1xf32>
    %add3A_657 = vector.broadcast %slice3A_656 : vector<8x1xf32> to vector<8x1024xf32>
    %add3A_658 = arith.addf %add3A_655, %add3A_657 : vector<8x1024xf32>
    %lt3A_659 = arith.cmpf olt, %add3A_658, %select_n3A_649 : vector<8x1024xf32>
    %select_n3A_660 = arith.select %lt3A_659, %add3A_658, %select_n3A_649 : vector<8x1024xi1>, vector<8x1024xf32>
    %jit3A_661 = arith.constant 55 : i32
    %broadcast_in_dim3A_662 = vector.broadcast %jit3A_661 : i32 to vector<8x1024xi32>
    %select_n3A_663 = arith.select %lt3A_659, %broadcast_in_dim3A_662, %select_n3A_652 : vector<8x1024xi1>, vector<8x1024xi32>
    %slice3A_664 = vector.extract_strided_slice %dot_general3A_38 {offsets = [448, 0], sizes = [8, 1024], strides = [1, 1]} : vector<456x1024xf32> to vector<8x1024xf32>
    %add3A_665 = vector.broadcast %get3A_30 : vector<1x1024xf32> to vector<8x1024xf32>
    %add3A_666 = arith.addf %add3A_665, %slice3A_664 : vector<8x1024xf32>
    %slice3A_667 = vector.extract_strided_slice %get3A_43 {offsets = [448, 0], sizes = [8, 1], strides = [1, 1]} : vector<456x1xf32> to vector<8x1xf32>
    %add3A_668 = vector.broadcast %slice3A_667 : vector<8x1xf32> to vector<8x1024xf32>
    %add3A_669 = arith.addf %add3A_666, %add3A_668 : vector<8x1024xf32>
    %lt3A_670 = arith.cmpf olt, %add3A_669, %select_n3A_660 : vector<8x1024xf32>
    %select_n3A_671 = arith.select %lt3A_670, %add3A_669, %select_n3A_660 : vector<8x1024xi1>, vector<8x1024xf32>
    %jit3A_672 = arith.constant 56 : i32
    %broadcast_in_dim3A_673 = vector.broadcast %jit3A_672 : i32 to vector<8x1024xi32>
    %select_n3A_674 = arith.select %lt3A_670, %broadcast_in_dim3A_673, %select_n3A_663 : vector<8x1024xi1>, vector<8x1024xi32>
    %add3A_675 = arith.constant 456 : i32
    %add3A_676 = arith.addi %sub3A_19, %add3A_675 : i32
    %get3A_677 = arith.index_cast %add3A_676 : i32 to index
    %get3A_678 = arith.constant 0 : index
    %get3A_679 = vector.load %arg2[%get3A_677, %get3A_678] : memref<8192x256xf32, #tpu.memory_space<vmem>>, vector<456x256xf32>
    %dot_general3A_680 = arith.constant dense<0.000000e+00> : vector<456x1024xf32>
    %dot_general3A_681 = tpu.matmul %get3A_679, %mul3A_27, %dot_general3A_680 {dimension_numbers = #tpu.dot_dimension_numbers<[1], [0], [0], [1], [0, 0, 1, 1], [], []>, transpose_lhs_hint = false} : vector<456x256xf32>, vector<256x1024xf32>, vector<456x1024xf32> -> vector<456x1024xf32>
    %add3A_682 = arith.constant 456 : i32
    %add3A_683 = arith.addi %sub3A_19, %add3A_682 : i32
    %get3A_684 = arith.index_cast %add3A_683 : i32 to index
    %get3A_685 = arith.constant 0 : index
    %get3A_686 = vector.load %arg5[%get3A_684, %get3A_685] : memref<8192x1xf32, #tpu.memory_space<vmem>>, vector<456x1xf32>
    %slice3A_687 = vector.extract_strided_slice %dot_general3A_681 {offsets = [0, 0], sizes = [8, 1024], strides = [1, 1]} : vector<456x1024xf32> to vector<8x1024xf32>
    %add3A_688 = vector.broadcast %get3A_30 : vector<1x1024xf32> to vector<8x1024xf32>
    %add3A_689 = arith.addf %add3A_688, %slice3A_687 : vector<8x1024xf32>
    %slice3A_690 = vector.extract_strided_slice %get3A_686 {offsets = [0, 0], sizes = [8, 1], strides = [1, 1]} : vector<456x1xf32> to vector<8x1xf32>
    %add3A_691 = vector.broadcast %slice3A_690 : vector<8x1xf32> to vector<8x1024xf32>
    %add3A_692 = arith.addf %add3A_689, %add3A_691 : vector<8x1024xf32>
    %lt3A_693 = arith.cmpf olt, %add3A_692, %select_n3A_671 : vector<8x1024xf32>
    %select_n3A_694 = arith.select %lt3A_693, %add3A_692, %select_n3A_671 : vector<8x1024xi1>, vector<8x1024xf32>
    %jit3A_695 = arith.constant 57 : i32
    %broadcast_in_dim3A_696 = vector.broadcast %jit3A_695 : i32 to vector<8x1024xi32>
    %select_n3A_697 = arith.select %lt3A_693, %broadcast_in_dim3A_696, %select_n3A_674 : vector<8x1024xi1>, vector<8x1024xi32>
    %slice3A_698 = vector.extract_strided_slice %dot_general3A_681 {offsets = [8, 0], sizes = [8, 1024], strides = [1, 1]} : vector<456x1024xf32> to vector<8x1024xf32>
    %add3A_699 = vector.broadcast %get3A_30 : vector<1x1024xf32> to vector<8x1024xf32>
    %add3A_700 = arith.addf %add3A_699, %slice3A_698 : vector<8x1024xf32>
    %slice3A_701 = vector.extract_strided_slice %get3A_686 {offsets = [8, 0], sizes = [8, 1], strides = [1, 1]} : vector<456x1xf32> to vector<8x1xf32>
    %add3A_702 = vector.broadcast %slice3A_701 : vector<8x1xf32> to vector<8x1024xf32>
    %add3A_703 = arith.addf %add3A_700, %add3A_702 : vector<8x1024xf32>
    %lt3A_704 = arith.cmpf olt, %add3A_703, %select_n3A_694 : vector<8x1024xf32>
    %select_n3A_705 = arith.select %lt3A_704, %add3A_703, %select_n3A_694 : vector<8x1024xi1>, vector<8x1024xf32>
    %jit3A_706 = arith.constant 58 : i32
    %broadcast_in_dim3A_707 = vector.broadcast %jit3A_706 : i32 to vector<8x1024xi32>
    %select_n3A_708 = arith.select %lt3A_704, %broadcast_in_dim3A_707, %select_n3A_697 : vector<8x1024xi1>, vector<8x1024xi32>
    %slice3A_709 = vector.extract_strided_slice %dot_general3A_681 {offsets = [16, 0], sizes = [8, 1024], strides = [1, 1]} : vector<456x1024xf32> to vector<8x1024xf32>
    %add3A_710 = vector.broadcast %get3A_30 : vector<1x1024xf32> to vector<8x1024xf32>
    %add3A_711 = arith.addf %add3A_710, %slice3A_709 : vector<8x1024xf32>
    %slice3A_712 = vector.extract_strided_slice %get3A_686 {offsets = [16, 0], sizes = [8, 1], strides = [1, 1]} : vector<456x1xf32> to vector<8x1xf32>
    %add3A_713 = vector.broadcast %slice3A_712 : vector<8x1xf32> to vector<8x1024xf32>
    %add3A_714 = arith.addf %add3A_711, %add3A_713 : vector<8x1024xf32>
    %lt3A_715 = arith.cmpf olt, %add3A_714, %select_n3A_705 : vector<8x1024xf32>
    %select_n3A_716 = arith.select %lt3A_715, %add3A_714, %select_n3A_705 : vector<8x1024xi1>, vector<8x1024xf32>
    %jit3A_717 = arith.constant 59 : i32
    %broadcast_in_dim3A_718 = vector.broadcast %jit3A_717 : i32 to vector<8x1024xi32>
    %select_n3A_719 = arith.select %lt3A_715, %broadcast_in_dim3A_718, %select_n3A_708 : vector<8x1024xi1>, vector<8x1024xi32>
    %slice3A_720 = vector.extract_strided_slice %dot_general3A_681 {offsets = [24, 0], sizes = [8, 1024], strides = [1, 1]} : vector<456x1024xf32> to vector<8x1024xf32>
    %add3A_721 = vector.broadcast %get3A_30 : vector<1x1024xf32> to vector<8x1024xf32>
    %add3A_722 = arith.addf %add3A_721, %slice3A_720 : vector<8x1024xf32>
    %slice3A_723 = vector.extract_strided_slice %get3A_686 {offsets = [24, 0], sizes = [8, 1], strides = [1, 1]} : vector<456x1xf32> to vector<8x1xf32>
    %add3A_724 = vector.broadcast %slice3A_723 : vector<8x1xf32> to vector<8x1024xf32>
    %add3A_725 = arith.addf %add3A_722, %add3A_724 : vector<8x1024xf32>
    %lt3A_726 = arith.cmpf olt, %add3A_725, %select_n3A_716 : vector<8x1024xf32>
    %select_n3A_727 = arith.select %lt3A_726, %add3A_725, %select_n3A_716 : vector<8x1024xi1>, vector<8x1024xf32>
    %jit3A_728 = arith.constant 60 : i32
    %broadcast_in_dim3A_729 = vector.broadcast %jit3A_728 : i32 to vector<8x1024xi32>
    %select_n3A_730 = arith.select %lt3A_726, %broadcast_in_dim3A_729, %select_n3A_719 : vector<8x1024xi1>, vector<8x1024xi32>
    %slice3A_731 = vector.extract_strided_slice %dot_general3A_681 {offsets = [32, 0], sizes = [8, 1024], strides = [1, 1]} : vector<456x1024xf32> to vector<8x1024xf32>
    %add3A_732 = vector.broadcast %get3A_30 : vector<1x1024xf32> to vector<8x1024xf32>
    %add3A_733 = arith.addf %add3A_732, %slice3A_731 : vector<8x1024xf32>
    %slice3A_734 = vector.extract_strided_slice %get3A_686 {offsets = [32, 0], sizes = [8, 1], strides = [1, 1]} : vector<456x1xf32> to vector<8x1xf32>
    %add3A_735 = vector.broadcast %slice3A_734 : vector<8x1xf32> to vector<8x1024xf32>
    %add3A_736 = arith.addf %add3A_733, %add3A_735 : vector<8x1024xf32>
    %lt3A_737 = arith.cmpf olt, %add3A_736, %select_n3A_727 : vector<8x1024xf32>
    %select_n3A_738 = arith.select %lt3A_737, %add3A_736, %select_n3A_727 : vector<8x1024xi1>, vector<8x1024xf32>
    %jit3A_739 = arith.constant 61 : i32
    %broadcast_in_dim3A_740 = vector.broadcast %jit3A_739 : i32 to vector<8x1024xi32>
    %select_n3A_741 = arith.select %lt3A_737, %broadcast_in_dim3A_740, %select_n3A_730 : vector<8x1024xi1>, vector<8x1024xi32>
    %slice3A_742 = vector.extract_strided_slice %dot_general3A_681 {offsets = [40, 0], sizes = [8, 1024], strides = [1, 1]} : vector<456x1024xf32> to vector<8x1024xf32>
    %add3A_743 = vector.broadcast %get3A_30 : vector<1x1024xf32> to vector<8x1024xf32>
    %add3A_744 = arith.addf %add3A_743, %slice3A_742 : vector<8x1024xf32>
    %slice3A_745 = vector.extract_strided_slice %get3A_686 {offsets = [40, 0], sizes = [8, 1], strides = [1, 1]} : vector<456x1xf32> to vector<8x1xf32>
    %add3A_746 = vector.broadcast %slice3A_745 : vector<8x1xf32> to vector<8x1024xf32>
    %add3A_747 = arith.addf %add3A_744, %add3A_746 : vector<8x1024xf32>
    %lt3A_748 = arith.cmpf olt, %add3A_747, %select_n3A_738 : vector<8x1024xf32>
    %select_n3A_749 = arith.select %lt3A_748, %add3A_747, %select_n3A_738 : vector<8x1024xi1>, vector<8x1024xf32>
    %jit3A_750 = arith.constant 62 : i32
    %broadcast_in_dim3A_751 = vector.broadcast %jit3A_750 : i32 to vector<8x1024xi32>
    %select_n3A_752 = arith.select %lt3A_748, %broadcast_in_dim3A_751, %select_n3A_741 : vector<8x1024xi1>, vector<8x1024xi32>
    %slice3A_753 = vector.extract_strided_slice %dot_general3A_681 {offsets = [48, 0], sizes = [8, 1024], strides = [1, 1]} : vector<456x1024xf32> to vector<8x1024xf32>
    %add3A_754 = vector.broadcast %get3A_30 : vector<1x1024xf32> to vector<8x1024xf32>
    %add3A_755 = arith.addf %add3A_754, %slice3A_753 : vector<8x1024xf32>
    %slice3A_756 = vector.extract_strided_slice %get3A_686 {offsets = [48, 0], sizes = [8, 1], strides = [1, 1]} : vector<456x1xf32> to vector<8x1xf32>
    %add3A_757 = vector.broadcast %slice3A_756 : vector<8x1xf32> to vector<8x1024xf32>
    %add3A_758 = arith.addf %add3A_755, %add3A_757 : vector<8x1024xf32>
    %lt3A_759 = arith.cmpf olt, %add3A_758, %select_n3A_749 : vector<8x1024xf32>
    %select_n3A_760 = arith.select %lt3A_759, %add3A_758, %select_n3A_749 : vector<8x1024xi1>, vector<8x1024xf32>
    %jit3A_761 = arith.constant 63 : i32
    %broadcast_in_dim3A_762 = vector.broadcast %jit3A_761 : i32 to vector<8x1024xi32>
    %select_n3A_763 = arith.select %lt3A_759, %broadcast_in_dim3A_762, %select_n3A_752 : vector<8x1024xi1>, vector<8x1024xi32>
    %slice3A_764 = vector.extract_strided_slice %dot_general3A_681 {offsets = [56, 0], sizes = [8, 1024], strides = [1, 1]} : vector<456x1024xf32> to vector<8x1024xf32>
    %add3A_765 = vector.broadcast %get3A_30 : vector<1x1024xf32> to vector<8x1024xf32>
    %add3A_766 = arith.addf %add3A_765, %slice3A_764 : vector<8x1024xf32>
    %slice3A_767 = vector.extract_strided_slice %get3A_686 {offsets = [56, 0], sizes = [8, 1], strides = [1, 1]} : vector<456x1xf32> to vector<8x1xf32>
    %add3A_768 = vector.broadcast %slice3A_767 : vector<8x1xf32> to vector<8x1024xf32>
    %add3A_769 = arith.addf %add3A_766, %add3A_768 : vector<8x1024xf32>
    %lt3A_770 = arith.cmpf olt, %add3A_769, %select_n3A_760 : vector<8x1024xf32>
    %select_n3A_771 = arith.select %lt3A_770, %add3A_769, %select_n3A_760 : vector<8x1024xi1>, vector<8x1024xf32>
    %jit3A_772 = arith.constant 64 : i32
    %broadcast_in_dim3A_773 = vector.broadcast %jit3A_772 : i32 to vector<8x1024xi32>
    %select_n3A_774 = arith.select %lt3A_770, %broadcast_in_dim3A_773, %select_n3A_763 : vector<8x1024xi1>, vector<8x1024xi32>
    %slice3A_775 = vector.extract_strided_slice %dot_general3A_681 {offsets = [64, 0], sizes = [8, 1024], strides = [1, 1]} : vector<456x1024xf32> to vector<8x1024xf32>
    %add3A_776 = vector.broadcast %get3A_30 : vector<1x1024xf32> to vector<8x1024xf32>
    %add3A_777 = arith.addf %add3A_776, %slice3A_775 : vector<8x1024xf32>
    %slice3A_778 = vector.extract_strided_slice %get3A_686 {offsets = [64, 0], sizes = [8, 1], strides = [1, 1]} : vector<456x1xf32> to vector<8x1xf32>
    %add3A_779 = vector.broadcast %slice3A_778 : vector<8x1xf32> to vector<8x1024xf32>
    %add3A_780 = arith.addf %add3A_777, %add3A_779 : vector<8x1024xf32>
    %lt3A_781 = arith.cmpf olt, %add3A_780, %select_n3A_771 : vector<8x1024xf32>
    %select_n3A_782 = arith.select %lt3A_781, %add3A_780, %select_n3A_771 : vector<8x1024xi1>, vector<8x1024xf32>
    %jit3A_783 = arith.constant 65 : i32
    %broadcast_in_dim3A_784 = vector.broadcast %jit3A_783 : i32 to vector<8x1024xi32>
    %select_n3A_785 = arith.select %lt3A_781, %broadcast_in_dim3A_784, %select_n3A_774 : vector<8x1024xi1>, vector<8x1024xi32>
    %slice3A_786 = vector.extract_strided_slice %dot_general3A_681 {offsets = [72, 0], sizes = [8, 1024], strides = [1, 1]} : vector<456x1024xf32> to vector<8x1024xf32>
    %add3A_787 = vector.broadcast %get3A_30 : vector<1x1024xf32> to vector<8x1024xf32>
    %add3A_788 = arith.addf %add3A_787, %slice3A_786 : vector<8x1024xf32>
    %slice3A_789 = vector.extract_strided_slice %get3A_686 {offsets = [72, 0], sizes = [8, 1], strides = [1, 1]} : vector<456x1xf32> to vector<8x1xf32>
    %add3A_790 = vector.broadcast %slice3A_789 : vector<8x1xf32> to vector<8x1024xf32>
    %add3A_791 = arith.addf %add3A_788, %add3A_790 : vector<8x1024xf32>
    %lt3A_792 = arith.cmpf olt, %add3A_791, %select_n3A_782 : vector<8x1024xf32>
    %select_n3A_793 = arith.select %lt3A_792, %add3A_791, %select_n3A_782 : vector<8x1024xi1>, vector<8x1024xf32>
    %jit3A_794 = arith.constant 66 : i32
    %broadcast_in_dim3A_795 = vector.broadcast %jit3A_794 : i32 to vector<8x1024xi32>
    %select_n3A_796 = arith.select %lt3A_792, %broadcast_in_dim3A_795, %select_n3A_785 : vector<8x1024xi1>, vector<8x1024xi32>
    %slice3A_797 = vector.extract_strided_slice %dot_general3A_681 {offsets = [80, 0], sizes = [8, 1024], strides = [1, 1]} : vector<456x1024xf32> to vector<8x1024xf32>
    %add3A_798 = vector.broadcast %get3A_30 : vector<1x1024xf32> to vector<8x1024xf32>
    %add3A_799 = arith.addf %add3A_798, %slice3A_797 : vector<8x1024xf32>
    %slice3A_800 = vector.extract_strided_slice %get3A_686 {offsets = [80, 0], sizes = [8, 1], strides = [1, 1]} : vector<456x1xf32> to vector<8x1xf32>
    %add3A_801 = vector.broadcast %slice3A_800 : vector<8x1xf32> to vector<8x1024xf32>
    %add3A_802 = arith.addf %add3A_799, %add3A_801 : vector<8x1024xf32>
    %lt3A_803 = arith.cmpf olt, %add3A_802, %select_n3A_793 : vector<8x1024xf32>
    %select_n3A_804 = arith.select %lt3A_803, %add3A_802, %select_n3A_793 : vector<8x1024xi1>, vector<8x1024xf32>
    %jit3A_805 = arith.constant 67 : i32
    %broadcast_in_dim3A_806 = vector.broadcast %jit3A_805 : i32 to vector<8x1024xi32>
    %select_n3A_807 = arith.select %lt3A_803, %broadcast_in_dim3A_806, %select_n3A_796 : vector<8x1024xi1>, vector<8x1024xi32>
    %slice3A_808 = vector.extract_strided_slice %dot_general3A_681 {offsets = [88, 0], sizes = [8, 1024], strides = [1, 1]} : vector<456x1024xf32> to vector<8x1024xf32>
    %add3A_809 = vector.broadcast %get3A_30 : vector<1x1024xf32> to vector<8x1024xf32>
    %add3A_810 = arith.addf %add3A_809, %slice3A_808 : vector<8x1024xf32>
    %slice3A_811 = vector.extract_strided_slice %get3A_686 {offsets = [88, 0], sizes = [8, 1], strides = [1, 1]} : vector<456x1xf32> to vector<8x1xf32>
    %add3A_812 = vector.broadcast %slice3A_811 : vector<8x1xf32> to vector<8x1024xf32>
    %add3A_813 = arith.addf %add3A_810, %add3A_812 : vector<8x1024xf32>
    %lt3A_814 = arith.cmpf olt, %add3A_813, %select_n3A_804 : vector<8x1024xf32>
    %select_n3A_815 = arith.select %lt3A_814, %add3A_813, %select_n3A_804 : vector<8x1024xi1>, vector<8x1024xf32>
    %jit3A_816 = arith.constant 68 : i32
    %broadcast_in_dim3A_817 = vector.broadcast %jit3A_816 : i32 to vector<8x1024xi32>
    %select_n3A_818 = arith.select %lt3A_814, %broadcast_in_dim3A_817, %select_n3A_807 : vector<8x1024xi1>, vector<8x1024xi32>
    %slice3A_819 = vector.extract_strided_slice %dot_general3A_681 {offsets = [96, 0], sizes = [8, 1024], strides = [1, 1]} : vector<456x1024xf32> to vector<8x1024xf32>
    %add3A_820 = vector.broadcast %get3A_30 : vector<1x1024xf32> to vector<8x1024xf32>
    %add3A_821 = arith.addf %add3A_820, %slice3A_819 : vector<8x1024xf32>
    %slice3A_822 = vector.extract_strided_slice %get3A_686 {offsets = [96, 0], sizes = [8, 1], strides = [1, 1]} : vector<456x1xf32> to vector<8x1xf32>
    %add3A_823 = vector.broadcast %slice3A_822 : vector<8x1xf32> to vector<8x1024xf32>
    %add3A_824 = arith.addf %add3A_821, %add3A_823 : vector<8x1024xf32>
    %lt3A_825 = arith.cmpf olt, %add3A_824, %select_n3A_815 : vector<8x1024xf32>
    %select_n3A_826 = arith.select %lt3A_825, %add3A_824, %select_n3A_815 : vector<8x1024xi1>, vector<8x1024xf32>
    %jit3A_827 = arith.constant 69 : i32
    %broadcast_in_dim3A_828 = vector.broadcast %jit3A_827 : i32 to vector<8x1024xi32>
    %select_n3A_829 = arith.select %lt3A_825, %broadcast_in_dim3A_828, %select_n3A_818 : vector<8x1024xi1>, vector<8x1024xi32>
    %slice3A_830 = vector.extract_strided_slice %dot_general3A_681 {offsets = [104, 0], sizes = [8, 1024], strides = [1, 1]} : vector<456x1024xf32> to vector<8x1024xf32>
    %add3A_831 = vector.broadcast %get3A_30 : vector<1x1024xf32> to vector<8x1024xf32>
    %add3A_832 = arith.addf %add3A_831, %slice3A_830 : vector<8x1024xf32>
    %slice3A_833 = vector.extract_strided_slice %get3A_686 {offsets = [104, 0], sizes = [8, 1], strides = [1, 1]} : vector<456x1xf32> to vector<8x1xf32>
    %add3A_834 = vector.broadcast %slice3A_833 : vector<8x1xf32> to vector<8x1024xf32>
    %add3A_835 = arith.addf %add3A_832, %add3A_834 : vector<8x1024xf32>
    %lt3A_836 = arith.cmpf olt, %add3A_835, %select_n3A_826 : vector<8x1024xf32>
    %select_n3A_837 = arith.select %lt3A_836, %add3A_835, %select_n3A_826 : vector<8x1024xi1>, vector<8x1024xf32>
    %jit3A_838 = arith.constant 70 : i32
    %broadcast_in_dim3A_839 = vector.broadcast %jit3A_838 : i32 to vector<8x1024xi32>
    %select_n3A_840 = arith.select %lt3A_836, %broadcast_in_dim3A_839, %select_n3A_829 : vector<8x1024xi1>, vector<8x1024xi32>
    %slice3A_841 = vector.extract_strided_slice %dot_general3A_681 {offsets = [112, 0], sizes = [8, 1024], strides = [1, 1]} : vector<456x1024xf32> to vector<8x1024xf32>
    %add3A_842 = vector.broadcast %get3A_30 : vector<1x1024xf32> to vector<8x1024xf32>
    %add3A_843 = arith.addf %add3A_842, %slice3A_841 : vector<8x1024xf32>
    %slice3A_844 = vector.extract_strided_slice %get3A_686 {offsets = [112, 0], sizes = [8, 1], strides = [1, 1]} : vector<456x1xf32> to vector<8x1xf32>
    %add3A_845 = vector.broadcast %slice3A_844 : vector<8x1xf32> to vector<8x1024xf32>
    %add3A_846 = arith.addf %add3A_843, %add3A_845 : vector<8x1024xf32>
    %lt3A_847 = arith.cmpf olt, %add3A_846, %select_n3A_837 : vector<8x1024xf32>
    %select_n3A_848 = arith.select %lt3A_847, %add3A_846, %select_n3A_837 : vector<8x1024xi1>, vector<8x1024xf32>
    %jit3A_849 = arith.constant 71 : i32
    %broadcast_in_dim3A_850 = vector.broadcast %jit3A_849 : i32 to vector<8x1024xi32>
    %select_n3A_851 = arith.select %lt3A_847, %broadcast_in_dim3A_850, %select_n3A_840 : vector<8x1024xi1>, vector<8x1024xi32>
    %slice3A_852 = vector.extract_strided_slice %dot_general3A_681 {offsets = [120, 0], sizes = [8, 1024], strides = [1, 1]} : vector<456x1024xf32> to vector<8x1024xf32>
    %add3A_853 = vector.broadcast %get3A_30 : vector<1x1024xf32> to vector<8x1024xf32>
    %add3A_854 = arith.addf %add3A_853, %slice3A_852 : vector<8x1024xf32>
    %slice3A_855 = vector.extract_strided_slice %get3A_686 {offsets = [120, 0], sizes = [8, 1], strides = [1, 1]} : vector<456x1xf32> to vector<8x1xf32>
    %add3A_856 = vector.broadcast %slice3A_855 : vector<8x1xf32> to vector<8x1024xf32>
    %add3A_857 = arith.addf %add3A_854, %add3A_856 : vector<8x1024xf32>
    %lt3A_858 = arith.cmpf olt, %add3A_857, %select_n3A_848 : vector<8x1024xf32>
    %select_n3A_859 = arith.select %lt3A_858, %add3A_857, %select_n3A_848 : vector<8x1024xi1>, vector<8x1024xf32>
    %jit3A_860 = arith.constant 72 : i32
    %broadcast_in_dim3A_861 = vector.broadcast %jit3A_860 : i32 to vector<8x1024xi32>
    %select_n3A_862 = arith.select %lt3A_858, %broadcast_in_dim3A_861, %select_n3A_851 : vector<8x1024xi1>, vector<8x1024xi32>
    %slice3A_863 = vector.extract_strided_slice %dot_general3A_681 {offsets = [128, 0], sizes = [8, 1024], strides = [1, 1]} : vector<456x1024xf32> to vector<8x1024xf32>
    %add3A_864 = vector.broadcast %get3A_30 : vector<1x1024xf32> to vector<8x1024xf32>
    %add3A_865 = arith.addf %add3A_864, %slice3A_863 : vector<8x1024xf32>
    %slice3A_866 = vector.extract_strided_slice %get3A_686 {offsets = [128, 0], sizes = [8, 1], strides = [1, 1]} : vector<456x1xf32> to vector<8x1xf32>
    %add3A_867 = vector.broadcast %slice3A_866 : vector<8x1xf32> to vector<8x1024xf32>
    %add3A_868 = arith.addf %add3A_865, %add3A_867 : vector<8x1024xf32>
    %lt3A_869 = arith.cmpf olt, %add3A_868, %select_n3A_859 : vector<8x1024xf32>
    %select_n3A_870 = arith.select %lt3A_869, %add3A_868, %select_n3A_859 : vector<8x1024xi1>, vector<8x1024xf32>
    %jit3A_871 = arith.constant 73 : i32
    %broadcast_in_dim3A_872 = vector.broadcast %jit3A_871 : i32 to vector<8x1024xi32>
    %select_n3A_873 = arith.select %lt3A_869, %broadcast_in_dim3A_872, %select_n3A_862 : vector<8x1024xi1>, vector<8x1024xi32>
    %slice3A_874 = vector.extract_strided_slice %dot_general3A_681 {offsets = [136, 0], sizes = [8, 1024], strides = [1, 1]} : vector<456x1024xf32> to vector<8x1024xf32>
    %add3A_875 = vector.broadcast %get3A_30 : vector<1x1024xf32> to vector<8x1024xf32>
    %add3A_876 = arith.addf %add3A_875, %slice3A_874 : vector<8x1024xf32>
    %slice3A_877 = vector.extract_strided_slice %get3A_686 {offsets = [136, 0], sizes = [8, 1], strides = [1, 1]} : vector<456x1xf32> to vector<8x1xf32>
    %add3A_878 = vector.broadcast %slice3A_877 : vector<8x1xf32> to vector<8x1024xf32>
    %add3A_879 = arith.addf %add3A_876, %add3A_878 : vector<8x1024xf32>
    %lt3A_880 = arith.cmpf olt, %add3A_879, %select_n3A_870 : vector<8x1024xf32>
    %select_n3A_881 = arith.select %lt3A_880, %add3A_879, %select_n3A_870 : vector<8x1024xi1>, vector<8x1024xf32>
    %jit3A_882 = arith.constant 74 : i32
    %broadcast_in_dim3A_883 = vector.broadcast %jit3A_882 : i32 to vector<8x1024xi32>
    %select_n3A_884 = arith.select %lt3A_880, %broadcast_in_dim3A_883, %select_n3A_873 : vector<8x1024xi1>, vector<8x1024xi32>
    %slice3A_885 = vector.extract_strided_slice %dot_general3A_681 {offsets = [144, 0], sizes = [8, 1024], strides = [1, 1]} : vector<456x1024xf32> to vector<8x1024xf32>
    %add3A_886 = vector.broadcast %get3A_30 : vector<1x1024xf32> to vector<8x1024xf32>
    %add3A_887 = arith.addf %add3A_886, %slice3A_885 : vector<8x1024xf32>
    %slice3A_888 = vector.extract_strided_slice %get3A_686 {offsets = [144, 0], sizes = [8, 1], strides = [1, 1]} : vector<456x1xf32> to vector<8x1xf32>
    %add3A_889 = vector.broadcast %slice3A_888 : vector<8x1xf32> to vector<8x1024xf32>
    %add3A_890 = arith.addf %add3A_887, %add3A_889 : vector<8x1024xf32>
    %lt3A_891 = arith.cmpf olt, %add3A_890, %select_n3A_881 : vector<8x1024xf32>
    %select_n3A_892 = arith.select %lt3A_891, %add3A_890, %select_n3A_881 : vector<8x1024xi1>, vector<8x1024xf32>
    %jit3A_893 = arith.constant 75 : i32
    %broadcast_in_dim3A_894 = vector.broadcast %jit3A_893 : i32 to vector<8x1024xi32>
    %select_n3A_895 = arith.select %lt3A_891, %broadcast_in_dim3A_894, %select_n3A_884 : vector<8x1024xi1>, vector<8x1024xi32>
    %slice3A_896 = vector.extract_strided_slice %dot_general3A_681 {offsets = [152, 0], sizes = [8, 1024], strides = [1, 1]} : vector<456x1024xf32> to vector<8x1024xf32>
    %add3A_897 = vector.broadcast %get3A_30 : vector<1x1024xf32> to vector<8x1024xf32>
    %add3A_898 = arith.addf %add3A_897, %slice3A_896 : vector<8x1024xf32>
    %slice3A_899 = vector.extract_strided_slice %get3A_686 {offsets = [152, 0], sizes = [8, 1], strides = [1, 1]} : vector<456x1xf32> to vector<8x1xf32>
    %add3A_900 = vector.broadcast %slice3A_899 : vector<8x1xf32> to vector<8x1024xf32>
    %add3A_901 = arith.addf %add3A_898, %add3A_900 : vector<8x1024xf32>
    %lt3A_902 = arith.cmpf olt, %add3A_901, %select_n3A_892 : vector<8x1024xf32>
    %select_n3A_903 = arith.select %lt3A_902, %add3A_901, %select_n3A_892 : vector<8x1024xi1>, vector<8x1024xf32>
    %jit3A_904 = arith.constant 76 : i32
    %broadcast_in_dim3A_905 = vector.broadcast %jit3A_904 : i32 to vector<8x1024xi32>
    %select_n3A_906 = arith.select %lt3A_902, %broadcast_in_dim3A_905, %select_n3A_895 : vector<8x1024xi1>, vector<8x1024xi32>
    %slice3A_907 = vector.extract_strided_slice %dot_general3A_681 {offsets = [160, 0], sizes = [8, 1024], strides = [1, 1]} : vector<456x1024xf32> to vector<8x1024xf32>
    %add3A_908 = vector.broadcast %get3A_30 : vector<1x1024xf32> to vector<8x1024xf32>
    %add3A_909 = arith.addf %add3A_908, %slice3A_907 : vector<8x1024xf32>
    %slice3A_910 = vector.extract_strided_slice %get3A_686 {offsets = [160, 0], sizes = [8, 1], strides = [1, 1]} : vector<456x1xf32> to vector<8x1xf32>
    %add3A_911 = vector.broadcast %slice3A_910 : vector<8x1xf32> to vector<8x1024xf32>
    %add3A_912 = arith.addf %add3A_909, %add3A_911 : vector<8x1024xf32>
    %lt3A_913 = arith.cmpf olt, %add3A_912, %select_n3A_903 : vector<8x1024xf32>
    %select_n3A_914 = arith.select %lt3A_913, %add3A_912, %select_n3A_903 : vector<8x1024xi1>, vector<8x1024xf32>
    %jit3A_915 = arith.constant 77 : i32
    %broadcast_in_dim3A_916 = vector.broadcast %jit3A_915 : i32 to vector<8x1024xi32>
    %select_n3A_917 = arith.select %lt3A_913, %broadcast_in_dim3A_916, %select_n3A_906 : vector<8x1024xi1>, vector<8x1024xi32>
    %slice3A_918 = vector.extract_strided_slice %dot_general3A_681 {offsets = [168, 0], sizes = [8, 1024], strides = [1, 1]} : vector<456x1024xf32> to vector<8x1024xf32>
    %add3A_919 = vector.broadcast %get3A_30 : vector<1x1024xf32> to vector<8x1024xf32>
    %add3A_920 = arith.addf %add3A_919, %slice3A_918 : vector<8x1024xf32>
    %slice3A_921 = vector.extract_strided_slice %get3A_686 {offsets = [168, 0], sizes = [8, 1], strides = [1, 1]} : vector<456x1xf32> to vector<8x1xf32>
    %add3A_922 = vector.broadcast %slice3A_921 : vector<8x1xf32> to vector<8x1024xf32>
    %add3A_923 = arith.addf %add3A_920, %add3A_922 : vector<8x1024xf32>
    %lt3A_924 = arith.cmpf olt, %add3A_923, %select_n3A_914 : vector<8x1024xf32>
    %select_n3A_925 = arith.select %lt3A_924, %add3A_923, %select_n3A_914 : vector<8x1024xi1>, vector<8x1024xf32>
    %jit3A_926 = arith.constant 78 : i32
    %broadcast_in_dim3A_927 = vector.broadcast %jit3A_926 : i32 to vector<8x1024xi32>
    %select_n3A_928 = arith.select %lt3A_924, %broadcast_in_dim3A_927, %select_n3A_917 : vector<8x1024xi1>, vector<8x1024xi32>
    %slice3A_929 = vector.extract_strided_slice %dot_general3A_681 {offsets = [176, 0], sizes = [8, 1024], strides = [1, 1]} : vector<456x1024xf32> to vector<8x1024xf32>
    %add3A_930 = vector.broadcast %get3A_30 : vector<1x1024xf32> to vector<8x1024xf32>
    %add3A_931 = arith.addf %add3A_930, %slice3A_929 : vector<8x1024xf32>
    %slice3A_932 = vector.extract_strided_slice %get3A_686 {offsets = [176, 0], sizes = [8, 1], strides = [1, 1]} : vector<456x1xf32> to vector<8x1xf32>
    %add3A_933 = vector.broadcast %slice3A_932 : vector<8x1xf32> to vector<8x1024xf32>
    %add3A_934 = arith.addf %add3A_931, %add3A_933 : vector<8x1024xf32>
    %lt3A_935 = arith.cmpf olt, %add3A_934, %select_n3A_925 : vector<8x1024xf32>
    %select_n3A_936 = arith.select %lt3A_935, %add3A_934, %select_n3A_925 : vector<8x1024xi1>, vector<8x1024xf32>
    %jit3A_937 = arith.constant 79 : i32
    %broadcast_in_dim3A_938 = vector.broadcast %jit3A_937 : i32 to vector<8x1024xi32>
    %select_n3A_939 = arith.select %lt3A_935, %broadcast_in_dim3A_938, %select_n3A_928 : vector<8x1024xi1>, vector<8x1024xi32>
    %slice3A_940 = vector.extract_strided_slice %dot_general3A_681 {offsets = [184, 0], sizes = [8, 1024], strides = [1, 1]} : vector<456x1024xf32> to vector<8x1024xf32>
    %add3A_941 = vector.broadcast %get3A_30 : vector<1x1024xf32> to vector<8x1024xf32>
    %add3A_942 = arith.addf %add3A_941, %slice3A_940 : vector<8x1024xf32>
    %slice3A_943 = vector.extract_strided_slice %get3A_686 {offsets = [184, 0], sizes = [8, 1], strides = [1, 1]} : vector<456x1xf32> to vector<8x1xf32>
    %add3A_944 = vector.broadcast %slice3A_943 : vector<8x1xf32> to vector<8x1024xf32>
    %add3A_945 = arith.addf %add3A_942, %add3A_944 : vector<8x1024xf32>
    %lt3A_946 = arith.cmpf olt, %add3A_945, %select_n3A_936 : vector<8x1024xf32>
    %select_n3A_947 = arith.select %lt3A_946, %add3A_945, %select_n3A_936 : vector<8x1024xi1>, vector<8x1024xf32>
    %jit3A_948 = arith.constant 80 : i32
    %broadcast_in_dim3A_949 = vector.broadcast %jit3A_948 : i32 to vector<8x1024xi32>
    %select_n3A_950 = arith.select %lt3A_946, %broadcast_in_dim3A_949, %select_n3A_939 : vector<8x1024xi1>, vector<8x1024xi32>
    %slice3A_951 = vector.extract_strided_slice %dot_general3A_681 {offsets = [192, 0], sizes = [8, 1024], strides = [1, 1]} : vector<456x1024xf32> to vector<8x1024xf32>
    %add3A_952 = vector.broadcast %get3A_30 : vector<1x1024xf32> to vector<8x1024xf32>
    %add3A_953 = arith.addf %add3A_952, %slice3A_951 : vector<8x1024xf32>
    %slice3A_954 = vector.extract_strided_slice %get3A_686 {offsets = [192, 0], sizes = [8, 1], strides = [1, 1]} : vector<456x1xf32> to vector<8x1xf32>
    %add3A_955 = vector.broadcast %slice3A_954 : vector<8x1xf32> to vector<8x1024xf32>
    %add3A_956 = arith.addf %add3A_953, %add3A_955 : vector<8x1024xf32>
    %lt3A_957 = arith.cmpf olt, %add3A_956, %select_n3A_947 : vector<8x1024xf32>
    %select_n3A_958 = arith.select %lt3A_957, %add3A_956, %select_n3A_947 : vector<8x1024xi1>, vector<8x1024xf32>
    %jit3A_959 = arith.constant 81 : i32
    %broadcast_in_dim3A_960 = vector.broadcast %jit3A_959 : i32 to vector<8x1024xi32>
    %select_n3A_961 = arith.select %lt3A_957, %broadcast_in_dim3A_960, %select_n3A_950 : vector<8x1024xi1>, vector<8x1024xi32>
    %slice3A_962 = vector.extract_strided_slice %dot_general3A_681 {offsets = [200, 0], sizes = [8, 1024], strides = [1, 1]} : vector<456x1024xf32> to vector<8x1024xf32>
    %add3A_963 = vector.broadcast %get3A_30 : vector<1x1024xf32> to vector<8x1024xf32>
    %add3A_964 = arith.addf %add3A_963, %slice3A_962 : vector<8x1024xf32>
    %slice3A_965 = vector.extract_strided_slice %get3A_686 {offsets = [200, 0], sizes = [8, 1], strides = [1, 1]} : vector<456x1xf32> to vector<8x1xf32>
    %add3A_966 = vector.broadcast %slice3A_965 : vector<8x1xf32> to vector<8x1024xf32>
    %add3A_967 = arith.addf %add3A_964, %add3A_966 : vector<8x1024xf32>
    %lt3A_968 = arith.cmpf olt, %add3A_967, %select_n3A_958 : vector<8x1024xf32>
    %select_n3A_969 = arith.select %lt3A_968, %add3A_967, %select_n3A_958 : vector<8x1024xi1>, vector<8x1024xf32>
    %jit3A_970 = arith.constant 82 : i32
    %broadcast_in_dim3A_971 = vector.broadcast %jit3A_970 : i32 to vector<8x1024xi32>
    %select_n3A_972 = arith.select %lt3A_968, %broadcast_in_dim3A_971, %select_n3A_961 : vector<8x1024xi1>, vector<8x1024xi32>
    %slice3A_973 = vector.extract_strided_slice %dot_general3A_681 {offsets = [208, 0], sizes = [8, 1024], strides = [1, 1]} : vector<456x1024xf32> to vector<8x1024xf32>
    %add3A_974 = vector.broadcast %get3A_30 : vector<1x1024xf32> to vector<8x1024xf32>
    %add3A_975 = arith.addf %add3A_974, %slice3A_973 : vector<8x1024xf32>
    %slice3A_976 = vector.extract_strided_slice %get3A_686 {offsets = [208, 0], sizes = [8, 1], strides = [1, 1]} : vector<456x1xf32> to vector<8x1xf32>
    %add3A_977 = vector.broadcast %slice3A_976 : vector<8x1xf32> to vector<8x1024xf32>
    %add3A_978 = arith.addf %add3A_975, %add3A_977 : vector<8x1024xf32>
    %lt3A_979 = arith.cmpf olt, %add3A_978, %select_n3A_969 : vector<8x1024xf32>
    %select_n3A_980 = arith.select %lt3A_979, %add3A_978, %select_n3A_969 : vector<8x1024xi1>, vector<8x1024xf32>
    %jit3A_981 = arith.constant 83 : i32
    %broadcast_in_dim3A_982 = vector.broadcast %jit3A_981 : i32 to vector<8x1024xi32>
    %select_n3A_983 = arith.select %lt3A_979, %broadcast_in_dim3A_982, %select_n3A_972 : vector<8x1024xi1>, vector<8x1024xi32>
    %slice3A_984 = vector.extract_strided_slice %dot_general3A_681 {offsets = [216, 0], sizes = [8, 1024], strides = [1, 1]} : vector<456x1024xf32> to vector<8x1024xf32>
    %add3A_985 = vector.broadcast %get3A_30 : vector<1x1024xf32> to vector<8x1024xf32>
    %add3A_986 = arith.addf %add3A_985, %slice3A_984 : vector<8x1024xf32>
    %slice3A_987 = vector.extract_strided_slice %get3A_686 {offsets = [216, 0], sizes = [8, 1], strides = [1, 1]} : vector<456x1xf32> to vector<8x1xf32>
    %add3A_988 = vector.broadcast %slice3A_987 : vector<8x1xf32> to vector<8x1024xf32>
    %add3A_989 = arith.addf %add3A_986, %add3A_988 : vector<8x1024xf32>
    %lt3A_990 = arith.cmpf olt, %add3A_989, %select_n3A_980 : vector<8x1024xf32>
    %select_n3A_991 = arith.select %lt3A_990, %add3A_989, %select_n3A_980 : vector<8x1024xi1>, vector<8x1024xf32>
    %jit3A_992 = arith.constant 84 : i32
    %broadcast_in_dim3A_993 = vector.broadcast %jit3A_992 : i32 to vector<8x1024xi32>
    %select_n3A_994 = arith.select %lt3A_990, %broadcast_in_dim3A_993, %select_n3A_983 : vector<8x1024xi1>, vector<8x1024xi32>
    %slice3A_995 = vector.extract_strided_slice %dot_general3A_681 {offsets = [224, 0], sizes = [8, 1024], strides = [1, 1]} : vector<456x1024xf32> to vector<8x1024xf32>
    %add3A_996 = vector.broadcast %get3A_30 : vector<1x1024xf32> to vector<8x1024xf32>
    %add3A_997 = arith.addf %add3A_996, %slice3A_995 : vector<8x1024xf32>
    %slice3A_998 = vector.extract_strided_slice %get3A_686 {offsets = [224, 0], sizes = [8, 1], strides = [1, 1]} : vector<456x1xf32> to vector<8x1xf32>
    %add3A_999 = vector.broadcast %slice3A_998 : vector<8x1xf32> to vector<8x1024xf32>
    %add3A_1000 = arith.addf %add3A_997, %add3A_999 : vector<8x1024xf32>
    %lt3A_1001 = arith.cmpf olt, %add3A_1000, %select_n3A_991 : vector<8x1024xf32>
    %select_n3A_1002 = arith.select %lt3A_1001, %add3A_1000, %select_n3A_991 : vector<8x1024xi1>, vector<8x1024xf32>
    %jit3A_1003 = arith.constant 85 : i32
    %broadcast_in_dim3A_1004 = vector.broadcast %jit3A_1003 : i32 to vector<8x1024xi32>
    %select_n3A_1005 = arith.select %lt3A_1001, %broadcast_in_dim3A_1004, %select_n3A_994 : vector<8x1024xi1>, vector<8x1024xi32>
    %slice3A_1006 = vector.extract_strided_slice %dot_general3A_681 {offsets = [232, 0], sizes = [8, 1024], strides = [1, 1]} : vector<456x1024xf32> to vector<8x1024xf32>
    %add3A_1007 = vector.broadcast %get3A_30 : vector<1x1024xf32> to vector<8x1024xf32>
    %add3A_1008 = arith.addf %add3A_1007, %slice3A_1006 : vector<8x1024xf32>
    %slice3A_1009 = vector.extract_strided_slice %get3A_686 {offsets = [232, 0], sizes = [8, 1], strides = [1, 1]} : vector<456x1xf32> to vector<8x1xf32>
    %add3A_1010 = vector.broadcast %slice3A_1009 : vector<8x1xf32> to vector<8x1024xf32>
    %add3A_1011 = arith.addf %add3A_1008, %add3A_1010 : vector<8x1024xf32>
    %lt3A_1012 = arith.cmpf olt, %add3A_1011, %select_n3A_1002 : vector<8x1024xf32>
    %select_n3A_1013 = arith.select %lt3A_1012, %add3A_1011, %select_n3A_1002 : vector<8x1024xi1>, vector<8x1024xf32>
    %jit3A_1014 = arith.constant 86 : i32
    %broadcast_in_dim3A_1015 = vector.broadcast %jit3A_1014 : i32 to vector<8x1024xi32>
    %select_n3A_1016 = arith.select %lt3A_1012, %broadcast_in_dim3A_1015, %select_n3A_1005 : vector<8x1024xi1>, vector<8x1024xi32>
    %slice3A_1017 = vector.extract_strided_slice %dot_general3A_681 {offsets = [240, 0], sizes = [8, 1024], strides = [1, 1]} : vector<456x1024xf32> to vector<8x1024xf32>
    %add3A_1018 = vector.broadcast %get3A_30 : vector<1x1024xf32> to vector<8x1024xf32>
    %add3A_1019 = arith.addf %add3A_1018, %slice3A_1017 : vector<8x1024xf32>
    %slice3A_1020 = vector.extract_strided_slice %get3A_686 {offsets = [240, 0], sizes = [8, 1], strides = [1, 1]} : vector<456x1xf32> to vector<8x1xf32>
    %add3A_1021 = vector.broadcast %slice3A_1020 : vector<8x1xf32> to vector<8x1024xf32>
    %add3A_1022 = arith.addf %add3A_1019, %add3A_1021 : vector<8x1024xf32>
    %lt3A_1023 = arith.cmpf olt, %add3A_1022, %select_n3A_1013 : vector<8x1024xf32>
    %select_n3A_1024 = arith.select %lt3A_1023, %add3A_1022, %select_n3A_1013 : vector<8x1024xi1>, vector<8x1024xf32>
    %jit3A_1025 = arith.constant 87 : i32
    %broadcast_in_dim3A_1026 = vector.broadcast %jit3A_1025 : i32 to vector<8x1024xi32>
    %select_n3A_1027 = arith.select %lt3A_1023, %broadcast_in_dim3A_1026, %select_n3A_1016 : vector<8x1024xi1>, vector<8x1024xi32>
    %slice3A_1028 = vector.extract_strided_slice %dot_general3A_681 {offsets = [248, 0], sizes = [8, 1024], strides = [1, 1]} : vector<456x1024xf32> to vector<8x1024xf32>
    %add3A_1029 = vector.broadcast %get3A_30 : vector<1x1024xf32> to vector<8x1024xf32>
    %add3A_1030 = arith.addf %add3A_1029, %slice3A_1028 : vector<8x1024xf32>
    %slice3A_1031 = vector.extract_strided_slice %get3A_686 {offsets = [248, 0], sizes = [8, 1], strides = [1, 1]} : vector<456x1xf32> to vector<8x1xf32>
    %add3A_1032 = vector.broadcast %slice3A_1031 : vector<8x1xf32> to vector<8x1024xf32>
    %add3A_1033 = arith.addf %add3A_1030, %add3A_1032 : vector<8x1024xf32>
    %lt3A_1034 = arith.cmpf olt, %add3A_1033, %select_n3A_1024 : vector<8x1024xf32>
    %select_n3A_1035 = arith.select %lt3A_1034, %add3A_1033, %select_n3A_1024 : vector<8x1024xi1>, vector<8x1024xf32>
    %jit3A_1036 = arith.constant 88 : i32
    %broadcast_in_dim3A_1037 = vector.broadcast %jit3A_1036 : i32 to vector<8x1024xi32>
    %select_n3A_1038 = arith.select %lt3A_1034, %broadcast_in_dim3A_1037, %select_n3A_1027 : vector<8x1024xi1>, vector<8x1024xi32>
    %slice3A_1039 = vector.extract_strided_slice %dot_general3A_681 {offsets = [256, 0], sizes = [8, 1024], strides = [1, 1]} : vector<456x1024xf32> to vector<8x1024xf32>
    %add3A_1040 = vector.broadcast %get3A_30 : vector<1x1024xf32> to vector<8x1024xf32>
    %add3A_1041 = arith.addf %add3A_1040, %slice3A_1039 : vector<8x1024xf32>
    %slice3A_1042 = vector.extract_strided_slice %get3A_686 {offsets = [256, 0], sizes = [8, 1], strides = [1, 1]} : vector<456x1xf32> to vector<8x1xf32>
    %add3A_1043 = vector.broadcast %slice3A_1042 : vector<8x1xf32> to vector<8x1024xf32>
    %add3A_1044 = arith.addf %add3A_1041, %add3A_1043 : vector<8x1024xf32>
    %lt3A_1045 = arith.cmpf olt, %add3A_1044, %select_n3A_1035 : vector<8x1024xf32>
    %select_n3A_1046 = arith.select %lt3A_1045, %add3A_1044, %select_n3A_1035 : vector<8x1024xi1>, vector<8x1024xf32>
    %jit3A_1047 = arith.constant 89 : i32
    %broadcast_in_dim3A_1048 = vector.broadcast %jit3A_1047 : i32 to vector<8x1024xi32>
    %select_n3A_1049 = arith.select %lt3A_1045, %broadcast_in_dim3A_1048, %select_n3A_1038 : vector<8x1024xi1>, vector<8x1024xi32>
    %slice3A_1050 = vector.extract_strided_slice %dot_general3A_681 {offsets = [264, 0], sizes = [8, 1024], strides = [1, 1]} : vector<456x1024xf32> to vector<8x1024xf32>
    %add3A_1051 = vector.broadcast %get3A_30 : vector<1x1024xf32> to vector<8x1024xf32>
    %add3A_1052 = arith.addf %add3A_1051, %slice3A_1050 : vector<8x1024xf32>
    %slice3A_1053 = vector.extract_strided_slice %get3A_686 {offsets = [264, 0], sizes = [8, 1], strides = [1, 1]} : vector<456x1xf32> to vector<8x1xf32>
    %add3A_1054 = vector.broadcast %slice3A_1053 : vector<8x1xf32> to vector<8x1024xf32>
    %add3A_1055 = arith.addf %add3A_1052, %add3A_1054 : vector<8x1024xf32>
    %lt3A_1056 = arith.cmpf olt, %add3A_1055, %select_n3A_1046 : vector<8x1024xf32>
    %select_n3A_1057 = arith.select %lt3A_1056, %add3A_1055, %select_n3A_1046 : vector<8x1024xi1>, vector<8x1024xf32>
    %jit3A_1058 = arith.constant 90 : i32
    %broadcast_in_dim3A_1059 = vector.broadcast %jit3A_1058 : i32 to vector<8x1024xi32>
    %select_n3A_1060 = arith.select %lt3A_1056, %broadcast_in_dim3A_1059, %select_n3A_1049 : vector<8x1024xi1>, vector<8x1024xi32>
    %slice3A_1061 = vector.extract_strided_slice %dot_general3A_681 {offsets = [272, 0], sizes = [8, 1024], strides = [1, 1]} : vector<456x1024xf32> to vector<8x1024xf32>
    %add3A_1062 = vector.broadcast %get3A_30 : vector<1x1024xf32> to vector<8x1024xf32>
    %add3A_1063 = arith.addf %add3A_1062, %slice3A_1061 : vector<8x1024xf32>
    %slice3A_1064 = vector.extract_strided_slice %get3A_686 {offsets = [272, 0], sizes = [8, 1], strides = [1, 1]} : vector<456x1xf32> to vector<8x1xf32>
    %add3A_1065 = vector.broadcast %slice3A_1064 : vector<8x1xf32> to vector<8x1024xf32>
    %add3A_1066 = arith.addf %add3A_1063, %add3A_1065 : vector<8x1024xf32>
    %lt3A_1067 = arith.cmpf olt, %add3A_1066, %select_n3A_1057 : vector<8x1024xf32>
    %select_n3A_1068 = arith.select %lt3A_1067, %add3A_1066, %select_n3A_1057 : vector<8x1024xi1>, vector<8x1024xf32>
    %jit3A_1069 = arith.constant 91 : i32
    %broadcast_in_dim3A_1070 = vector.broadcast %jit3A_1069 : i32 to vector<8x1024xi32>
    %select_n3A_1071 = arith.select %lt3A_1067, %broadcast_in_dim3A_1070, %select_n3A_1060 : vector<8x1024xi1>, vector<8x1024xi32>
    %slice3A_1072 = vector.extract_strided_slice %dot_general3A_681 {offsets = [280, 0], sizes = [8, 1024], strides = [1, 1]} : vector<456x1024xf32> to vector<8x1024xf32>
    %add3A_1073 = vector.broadcast %get3A_30 : vector<1x1024xf32> to vector<8x1024xf32>
    %add3A_1074 = arith.addf %add3A_1073, %slice3A_1072 : vector<8x1024xf32>
    %slice3A_1075 = vector.extract_strided_slice %get3A_686 {offsets = [280, 0], sizes = [8, 1], strides = [1, 1]} : vector<456x1xf32> to vector<8x1xf32>
    %add3A_1076 = vector.broadcast %slice3A_1075 : vector<8x1xf32> to vector<8x1024xf32>
    %add3A_1077 = arith.addf %add3A_1074, %add3A_1076 : vector<8x1024xf32>
    %lt3A_1078 = arith.cmpf olt, %add3A_1077, %select_n3A_1068 : vector<8x1024xf32>
    %select_n3A_1079 = arith.select %lt3A_1078, %add3A_1077, %select_n3A_1068 : vector<8x1024xi1>, vector<8x1024xf32>
    %jit3A_1080 = arith.constant 92 : i32
    %broadcast_in_dim3A_1081 = vector.broadcast %jit3A_1080 : i32 to vector<8x1024xi32>
    %select_n3A_1082 = arith.select %lt3A_1078, %broadcast_in_dim3A_1081, %select_n3A_1071 : vector<8x1024xi1>, vector<8x1024xi32>
    %slice3A_1083 = vector.extract_strided_slice %dot_general3A_681 {offsets = [288, 0], sizes = [8, 1024], strides = [1, 1]} : vector<456x1024xf32> to vector<8x1024xf32>
    %add3A_1084 = vector.broadcast %get3A_30 : vector<1x1024xf32> to vector<8x1024xf32>
    %add3A_1085 = arith.addf %add3A_1084, %slice3A_1083 : vector<8x1024xf32>
    %slice3A_1086 = vector.extract_strided_slice %get3A_686 {offsets = [288, 0], sizes = [8, 1], strides = [1, 1]} : vector<456x1xf32> to vector<8x1xf32>
    %add3A_1087 = vector.broadcast %slice3A_1086 : vector<8x1xf32> to vector<8x1024xf32>
    %add3A_1088 = arith.addf %add3A_1085, %add3A_1087 : vector<8x1024xf32>
    %lt3A_1089 = arith.cmpf olt, %add3A_1088, %select_n3A_1079 : vector<8x1024xf32>
    %select_n3A_1090 = arith.select %lt3A_1089, %add3A_1088, %select_n3A_1079 : vector<8x1024xi1>, vector<8x1024xf32>
    %jit3A_1091 = arith.constant 93 : i32
    %broadcast_in_dim3A_1092 = vector.broadcast %jit3A_1091 : i32 to vector<8x1024xi32>
    %select_n3A_1093 = arith.select %lt3A_1089, %broadcast_in_dim3A_1092, %select_n3A_1082 : vector<8x1024xi1>, vector<8x1024xi32>
    %slice3A_1094 = vector.extract_strided_slice %dot_general3A_681 {offsets = [296, 0], sizes = [8, 1024], strides = [1, 1]} : vector<456x1024xf32> to vector<8x1024xf32>
    %add3A_1095 = vector.broadcast %get3A_30 : vector<1x1024xf32> to vector<8x1024xf32>
    %add3A_1096 = arith.addf %add3A_1095, %slice3A_1094 : vector<8x1024xf32>
    %slice3A_1097 = vector.extract_strided_slice %get3A_686 {offsets = [296, 0], sizes = [8, 1], strides = [1, 1]} : vector<456x1xf32> to vector<8x1xf32>
    %add3A_1098 = vector.broadcast %slice3A_1097 : vector<8x1xf32> to vector<8x1024xf32>
    %add3A_1099 = arith.addf %add3A_1096, %add3A_1098 : vector<8x1024xf32>
    %lt3A_1100 = arith.cmpf olt, %add3A_1099, %select_n3A_1090 : vector<8x1024xf32>
    %select_n3A_1101 = arith.select %lt3A_1100, %add3A_1099, %select_n3A_1090 : vector<8x1024xi1>, vector<8x1024xf32>
    %jit3A_1102 = arith.constant 94 : i32
    %broadcast_in_dim3A_1103 = vector.broadcast %jit3A_1102 : i32 to vector<8x1024xi32>
    %select_n3A_1104 = arith.select %lt3A_1100, %broadcast_in_dim3A_1103, %select_n3A_1093 : vector<8x1024xi1>, vector<8x1024xi32>
    %slice3A_1105 = vector.extract_strided_slice %dot_general3A_681 {offsets = [304, 0], sizes = [8, 1024], strides = [1, 1]} : vector<456x1024xf32> to vector<8x1024xf32>
    %add3A_1106 = vector.broadcast %get3A_30 : vector<1x1024xf32> to vector<8x1024xf32>
    %add3A_1107 = arith.addf %add3A_1106, %slice3A_1105 : vector<8x1024xf32>
    %slice3A_1108 = vector.extract_strided_slice %get3A_686 {offsets = [304, 0], sizes = [8, 1], strides = [1, 1]} : vector<456x1xf32> to vector<8x1xf32>
    %add3A_1109 = vector.broadcast %slice3A_1108 : vector<8x1xf32> to vector<8x1024xf32>
    %add3A_1110 = arith.addf %add3A_1107, %add3A_1109 : vector<8x1024xf32>
    %lt3A_1111 = arith.cmpf olt, %add3A_1110, %select_n3A_1101 : vector<8x1024xf32>
    %select_n3A_1112 = arith.select %lt3A_1111, %add3A_1110, %select_n3A_1101 : vector<8x1024xi1>, vector<8x1024xf32>
    %jit3A_1113 = arith.constant 95 : i32
    %broadcast_in_dim3A_1114 = vector.broadcast %jit3A_1113 : i32 to vector<8x1024xi32>
    %select_n3A_1115 = arith.select %lt3A_1111, %broadcast_in_dim3A_1114, %select_n3A_1104 : vector<8x1024xi1>, vector<8x1024xi32>
    %slice3A_1116 = vector.extract_strided_slice %dot_general3A_681 {offsets = [312, 0], sizes = [8, 1024], strides = [1, 1]} : vector<456x1024xf32> to vector<8x1024xf32>
    %add3A_1117 = vector.broadcast %get3A_30 : vector<1x1024xf32> to vector<8x1024xf32>
    %add3A_1118 = arith.addf %add3A_1117, %slice3A_1116 : vector<8x1024xf32>
    %slice3A_1119 = vector.extract_strided_slice %get3A_686 {offsets = [312, 0], sizes = [8, 1], strides = [1, 1]} : vector<456x1xf32> to vector<8x1xf32>
    %add3A_1120 = vector.broadcast %slice3A_1119 : vector<8x1xf32> to vector<8x1024xf32>
    %add3A_1121 = arith.addf %add3A_1118, %add3A_1120 : vector<8x1024xf32>
    %lt3A_1122 = arith.cmpf olt, %add3A_1121, %select_n3A_1112 : vector<8x1024xf32>
    %select_n3A_1123 = arith.select %lt3A_1122, %add3A_1121, %select_n3A_1112 : vector<8x1024xi1>, vector<8x1024xf32>
    %jit3A_1124 = arith.constant 96 : i32
    %broadcast_in_dim3A_1125 = vector.broadcast %jit3A_1124 : i32 to vector<8x1024xi32>
    %select_n3A_1126 = arith.select %lt3A_1122, %broadcast_in_dim3A_1125, %select_n3A_1115 : vector<8x1024xi1>, vector<8x1024xi32>
    %slice3A_1127 = vector.extract_strided_slice %dot_general3A_681 {offsets = [320, 0], sizes = [8, 1024], strides = [1, 1]} : vector<456x1024xf32> to vector<8x1024xf32>
    %add3A_1128 = vector.broadcast %get3A_30 : vector<1x1024xf32> to vector<8x1024xf32>
    %add3A_1129 = arith.addf %add3A_1128, %slice3A_1127 : vector<8x1024xf32>
    %slice3A_1130 = vector.extract_strided_slice %get3A_686 {offsets = [320, 0], sizes = [8, 1], strides = [1, 1]} : vector<456x1xf32> to vector<8x1xf32>
    %add3A_1131 = vector.broadcast %slice3A_1130 : vector<8x1xf32> to vector<8x1024xf32>
    %add3A_1132 = arith.addf %add3A_1129, %add3A_1131 : vector<8x1024xf32>
    %lt3A_1133 = arith.cmpf olt, %add3A_1132, %select_n3A_1123 : vector<8x1024xf32>
    %select_n3A_1134 = arith.select %lt3A_1133, %add3A_1132, %select_n3A_1123 : vector<8x1024xi1>, vector<8x1024xf32>
    %jit3A_1135 = arith.constant 97 : i32
    %broadcast_in_dim3A_1136 = vector.broadcast %jit3A_1135 : i32 to vector<8x1024xi32>
    %select_n3A_1137 = arith.select %lt3A_1133, %broadcast_in_dim3A_1136, %select_n3A_1126 : vector<8x1024xi1>, vector<8x1024xi32>
    %slice3A_1138 = vector.extract_strided_slice %dot_general3A_681 {offsets = [328, 0], sizes = [8, 1024], strides = [1, 1]} : vector<456x1024xf32> to vector<8x1024xf32>
    %add3A_1139 = vector.broadcast %get3A_30 : vector<1x1024xf32> to vector<8x1024xf32>
    %add3A_1140 = arith.addf %add3A_1139, %slice3A_1138 : vector<8x1024xf32>
    %slice3A_1141 = vector.extract_strided_slice %get3A_686 {offsets = [328, 0], sizes = [8, 1], strides = [1, 1]} : vector<456x1xf32> to vector<8x1xf32>
    %add3A_1142 = vector.broadcast %slice3A_1141 : vector<8x1xf32> to vector<8x1024xf32>
    %add3A_1143 = arith.addf %add3A_1140, %add3A_1142 : vector<8x1024xf32>
    %lt3A_1144 = arith.cmpf olt, %add3A_1143, %select_n3A_1134 : vector<8x1024xf32>
    %select_n3A_1145 = arith.select %lt3A_1144, %add3A_1143, %select_n3A_1134 : vector<8x1024xi1>, vector<8x1024xf32>
    %jit3A_1146 = arith.constant 98 : i32
    %broadcast_in_dim3A_1147 = vector.broadcast %jit3A_1146 : i32 to vector<8x1024xi32>
    %select_n3A_1148 = arith.select %lt3A_1144, %broadcast_in_dim3A_1147, %select_n3A_1137 : vector<8x1024xi1>, vector<8x1024xi32>
    %slice3A_1149 = vector.extract_strided_slice %dot_general3A_681 {offsets = [336, 0], sizes = [8, 1024], strides = [1, 1]} : vector<456x1024xf32> to vector<8x1024xf32>
    %add3A_1150 = vector.broadcast %get3A_30 : vector<1x1024xf32> to vector<8x1024xf32>
    %add3A_1151 = arith.addf %add3A_1150, %slice3A_1149 : vector<8x1024xf32>
    %slice3A_1152 = vector.extract_strided_slice %get3A_686 {offsets = [336, 0], sizes = [8, 1], strides = [1, 1]} : vector<456x1xf32> to vector<8x1xf32>
    %add3A_1153 = vector.broadcast %slice3A_1152 : vector<8x1xf32> to vector<8x1024xf32>
    %add3A_1154 = arith.addf %add3A_1151, %add3A_1153 : vector<8x1024xf32>
    %lt3A_1155 = arith.cmpf olt, %add3A_1154, %select_n3A_1145 : vector<8x1024xf32>
    %select_n3A_1156 = arith.select %lt3A_1155, %add3A_1154, %select_n3A_1145 : vector<8x1024xi1>, vector<8x1024xf32>
    %jit3A_1157 = arith.constant 99 : i32
    %broadcast_in_dim3A_1158 = vector.broadcast %jit3A_1157 : i32 to vector<8x1024xi32>
    %select_n3A_1159 = arith.select %lt3A_1155, %broadcast_in_dim3A_1158, %select_n3A_1148 : vector<8x1024xi1>, vector<8x1024xi32>
    %slice3A_1160 = vector.extract_strided_slice %dot_general3A_681 {offsets = [344, 0], sizes = [8, 1024], strides = [1, 1]} : vector<456x1024xf32> to vector<8x1024xf32>
    %add3A_1161 = vector.broadcast %get3A_30 : vector<1x1024xf32> to vector<8x1024xf32>
    %add3A_1162 = arith.addf %add3A_1161, %slice3A_1160 : vector<8x1024xf32>
    %slice3A_1163 = vector.extract_strided_slice %get3A_686 {offsets = [344, 0], sizes = [8, 1], strides = [1, 1]} : vector<456x1xf32> to vector<8x1xf32>
    %add3A_1164 = vector.broadcast %slice3A_1163 : vector<8x1xf32> to vector<8x1024xf32>
    %add3A_1165 = arith.addf %add3A_1162, %add3A_1164 : vector<8x1024xf32>
    %lt3A_1166 = arith.cmpf olt, %add3A_1165, %select_n3A_1156 : vector<8x1024xf32>
    %select_n3A_1167 = arith.select %lt3A_1166, %add3A_1165, %select_n3A_1156 : vector<8x1024xi1>, vector<8x1024xf32>
    %jit3A_1168 = arith.constant 100 : i32
    %broadcast_in_dim3A_1169 = vector.broadcast %jit3A_1168 : i32 to vector<8x1024xi32>
    %select_n3A_1170 = arith.select %lt3A_1166, %broadcast_in_dim3A_1169, %select_n3A_1159 : vector<8x1024xi1>, vector<8x1024xi32>
    %slice3A_1171 = vector.extract_strided_slice %dot_general3A_681 {offsets = [352, 0], sizes = [8, 1024], strides = [1, 1]} : vector<456x1024xf32> to vector<8x1024xf32>
    %add3A_1172 = vector.broadcast %get3A_30 : vector<1x1024xf32> to vector<8x1024xf32>
    %add3A_1173 = arith.addf %add3A_1172, %slice3A_1171 : vector<8x1024xf32>
    %slice3A_1174 = vector.extract_strided_slice %get3A_686 {offsets = [352, 0], sizes = [8, 1], strides = [1, 1]} : vector<456x1xf32> to vector<8x1xf32>
    %add3A_1175 = vector.broadcast %slice3A_1174 : vector<8x1xf32> to vector<8x1024xf32>
    %add3A_1176 = arith.addf %add3A_1173, %add3A_1175 : vector<8x1024xf32>
    %lt3A_1177 = arith.cmpf olt, %add3A_1176, %select_n3A_1167 : vector<8x1024xf32>
    %select_n3A_1178 = arith.select %lt3A_1177, %add3A_1176, %select_n3A_1167 : vector<8x1024xi1>, vector<8x1024xf32>
    %jit3A_1179 = arith.constant 101 : i32
    %broadcast_in_dim3A_1180 = vector.broadcast %jit3A_1179 : i32 to vector<8x1024xi32>
    %select_n3A_1181 = arith.select %lt3A_1177, %broadcast_in_dim3A_1180, %select_n3A_1170 : vector<8x1024xi1>, vector<8x1024xi32>
    %slice3A_1182 = vector.extract_strided_slice %dot_general3A_681 {offsets = [360, 0], sizes = [8, 1024], strides = [1, 1]} : vector<456x1024xf32> to vector<8x1024xf32>
    %add3A_1183 = vector.broadcast %get3A_30 : vector<1x1024xf32> to vector<8x1024xf32>
    %add3A_1184 = arith.addf %add3A_1183, %slice3A_1182 : vector<8x1024xf32>
    %slice3A_1185 = vector.extract_strided_slice %get3A_686 {offsets = [360, 0], sizes = [8, 1], strides = [1, 1]} : vector<456x1xf32> to vector<8x1xf32>
    %add3A_1186 = vector.broadcast %slice3A_1185 : vector<8x1xf32> to vector<8x1024xf32>
    %add3A_1187 = arith.addf %add3A_1184, %add3A_1186 : vector<8x1024xf32>
    %lt3A_1188 = arith.cmpf olt, %add3A_1187, %select_n3A_1178 : vector<8x1024xf32>
    %select_n3A_1189 = arith.select %lt3A_1188, %add3A_1187, %select_n3A_1178 : vector<8x1024xi1>, vector<8x1024xf32>
    %jit3A_1190 = arith.constant 102 : i32
    %broadcast_in_dim3A_1191 = vector.broadcast %jit3A_1190 : i32 to vector<8x1024xi32>
    %select_n3A_1192 = arith.select %lt3A_1188, %broadcast_in_dim3A_1191, %select_n3A_1181 : vector<8x1024xi1>, vector<8x1024xi32>
    %slice3A_1193 = vector.extract_strided_slice %dot_general3A_681 {offsets = [368, 0], sizes = [8, 1024], strides = [1, 1]} : vector<456x1024xf32> to vector<8x1024xf32>
    %add3A_1194 = vector.broadcast %get3A_30 : vector<1x1024xf32> to vector<8x1024xf32>
    %add3A_1195 = arith.addf %add3A_1194, %slice3A_1193 : vector<8x1024xf32>
    %slice3A_1196 = vector.extract_strided_slice %get3A_686 {offsets = [368, 0], sizes = [8, 1], strides = [1, 1]} : vector<456x1xf32> to vector<8x1xf32>
    %add3A_1197 = vector.broadcast %slice3A_1196 : vector<8x1xf32> to vector<8x1024xf32>
    %add3A_1198 = arith.addf %add3A_1195, %add3A_1197 : vector<8x1024xf32>
    %lt3A_1199 = arith.cmpf olt, %add3A_1198, %select_n3A_1189 : vector<8x1024xf32>
    %select_n3A_1200 = arith.select %lt3A_1199, %add3A_1198, %select_n3A_1189 : vector<8x1024xi1>, vector<8x1024xf32>
    %jit3A_1201 = arith.constant 103 : i32
    %broadcast_in_dim3A_1202 = vector.broadcast %jit3A_1201 : i32 to vector<8x1024xi32>
    %select_n3A_1203 = arith.select %lt3A_1199, %broadcast_in_dim3A_1202, %select_n3A_1192 : vector<8x1024xi1>, vector<8x1024xi32>
    %slice3A_1204 = vector.extract_strided_slice %dot_general3A_681 {offsets = [376, 0], sizes = [8, 1024], strides = [1, 1]} : vector<456x1024xf32> to vector<8x1024xf32>
    %add3A_1205 = vector.broadcast %get3A_30 : vector<1x1024xf32> to vector<8x1024xf32>
    %add3A_1206 = arith.addf %add3A_1205, %slice3A_1204 : vector<8x1024xf32>
    %slice3A_1207 = vector.extract_strided_slice %get3A_686 {offsets = [376, 0], sizes = [8, 1], strides = [1, 1]} : vector<456x1xf32> to vector<8x1xf32>
    %add3A_1208 = vector.broadcast %slice3A_1207 : vector<8x1xf32> to vector<8x1024xf32>
    %add3A_1209 = arith.addf %add3A_1206, %add3A_1208 : vector<8x1024xf32>
    %lt3A_1210 = arith.cmpf olt, %add3A_1209, %select_n3A_1200 : vector<8x1024xf32>
    %select_n3A_1211 = arith.select %lt3A_1210, %add3A_1209, %select_n3A_1200 : vector<8x1024xi1>, vector<8x1024xf32>
    %jit3A_1212 = arith.constant 104 : i32
    %broadcast_in_dim3A_1213 = vector.broadcast %jit3A_1212 : i32 to vector<8x1024xi32>
    %select_n3A_1214 = arith.select %lt3A_1210, %broadcast_in_dim3A_1213, %select_n3A_1203 : vector<8x1024xi1>, vector<8x1024xi32>
    %slice3A_1215 = vector.extract_strided_slice %dot_general3A_681 {offsets = [384, 0], sizes = [8, 1024], strides = [1, 1]} : vector<456x1024xf32> to vector<8x1024xf32>
    %add3A_1216 = vector.broadcast %get3A_30 : vector<1x1024xf32> to vector<8x1024xf32>
    %add3A_1217 = arith.addf %add3A_1216, %slice3A_1215 : vector<8x1024xf32>
    %slice3A_1218 = vector.extract_strided_slice %get3A_686 {offsets = [384, 0], sizes = [8, 1], strides = [1, 1]} : vector<456x1xf32> to vector<8x1xf32>
    %add3A_1219 = vector.broadcast %slice3A_1218 : vector<8x1xf32> to vector<8x1024xf32>
    %add3A_1220 = arith.addf %add3A_1217, %add3A_1219 : vector<8x1024xf32>
    %lt3A_1221 = arith.cmpf olt, %add3A_1220, %select_n3A_1211 : vector<8x1024xf32>
    %select_n3A_1222 = arith.select %lt3A_1221, %add3A_1220, %select_n3A_1211 : vector<8x1024xi1>, vector<8x1024xf32>
    %jit3A_1223 = arith.constant 105 : i32
    %broadcast_in_dim3A_1224 = vector.broadcast %jit3A_1223 : i32 to vector<8x1024xi32>
    %select_n3A_1225 = arith.select %lt3A_1221, %broadcast_in_dim3A_1224, %select_n3A_1214 : vector<8x1024xi1>, vector<8x1024xi32>
    %slice3A_1226 = vector.extract_strided_slice %dot_general3A_681 {offsets = [392, 0], sizes = [8, 1024], strides = [1, 1]} : vector<456x1024xf32> to vector<8x1024xf32>
    %add3A_1227 = vector.broadcast %get3A_30 : vector<1x1024xf32> to vector<8x1024xf32>
    %add3A_1228 = arith.addf %add3A_1227, %slice3A_1226 : vector<8x1024xf32>
    %slice3A_1229 = vector.extract_strided_slice %get3A_686 {offsets = [392, 0], sizes = [8, 1], strides = [1, 1]} : vector<456x1xf32> to vector<8x1xf32>
    %add3A_1230 = vector.broadcast %slice3A_1229 : vector<8x1xf32> to vector<8x1024xf32>
    %add3A_1231 = arith.addf %add3A_1228, %add3A_1230 : vector<8x1024xf32>
    %lt3A_1232 = arith.cmpf olt, %add3A_1231, %select_n3A_1222 : vector<8x1024xf32>
    %select_n3A_1233 = arith.select %lt3A_1232, %add3A_1231, %select_n3A_1222 : vector<8x1024xi1>, vector<8x1024xf32>
    %jit3A_1234 = arith.constant 106 : i32
    %broadcast_in_dim3A_1235 = vector.broadcast %jit3A_1234 : i32 to vector<8x1024xi32>
    %select_n3A_1236 = arith.select %lt3A_1232, %broadcast_in_dim3A_1235, %select_n3A_1225 : vector<8x1024xi1>, vector<8x1024xi32>
    %slice3A_1237 = vector.extract_strided_slice %dot_general3A_681 {offsets = [400, 0], sizes = [8, 1024], strides = [1, 1]} : vector<456x1024xf32> to vector<8x1024xf32>
    %add3A_1238 = vector.broadcast %get3A_30 : vector<1x1024xf32> to vector<8x1024xf32>
    %add3A_1239 = arith.addf %add3A_1238, %slice3A_1237 : vector<8x1024xf32>
    %slice3A_1240 = vector.extract_strided_slice %get3A_686 {offsets = [400, 0], sizes = [8, 1], strides = [1, 1]} : vector<456x1xf32> to vector<8x1xf32>
    %add3A_1241 = vector.broadcast %slice3A_1240 : vector<8x1xf32> to vector<8x1024xf32>
    %add3A_1242 = arith.addf %add3A_1239, %add3A_1241 : vector<8x1024xf32>
    %lt3A_1243 = arith.cmpf olt, %add3A_1242, %select_n3A_1233 : vector<8x1024xf32>
    %select_n3A_1244 = arith.select %lt3A_1243, %add3A_1242, %select_n3A_1233 : vector<8x1024xi1>, vector<8x1024xf32>
    %jit3A_1245 = arith.constant 107 : i32
    %broadcast_in_dim3A_1246 = vector.broadcast %jit3A_1245 : i32 to vector<8x1024xi32>
    %select_n3A_1247 = arith.select %lt3A_1243, %broadcast_in_dim3A_1246, %select_n3A_1236 : vector<8x1024xi1>, vector<8x1024xi32>
    %slice3A_1248 = vector.extract_strided_slice %dot_general3A_681 {offsets = [408, 0], sizes = [8, 1024], strides = [1, 1]} : vector<456x1024xf32> to vector<8x1024xf32>
    %add3A_1249 = vector.broadcast %get3A_30 : vector<1x1024xf32> to vector<8x1024xf32>
    %add3A_1250 = arith.addf %add3A_1249, %slice3A_1248 : vector<8x1024xf32>
    %slice3A_1251 = vector.extract_strided_slice %get3A_686 {offsets = [408, 0], sizes = [8, 1], strides = [1, 1]} : vector<456x1xf32> to vector<8x1xf32>
    %add3A_1252 = vector.broadcast %slice3A_1251 : vector<8x1xf32> to vector<8x1024xf32>
    %add3A_1253 = arith.addf %add3A_1250, %add3A_1252 : vector<8x1024xf32>
    %lt3A_1254 = arith.cmpf olt, %add3A_1253, %select_n3A_1244 : vector<8x1024xf32>
    %select_n3A_1255 = arith.select %lt3A_1254, %add3A_1253, %select_n3A_1244 : vector<8x1024xi1>, vector<8x1024xf32>
    %jit3A_1256 = arith.constant 108 : i32
    %broadcast_in_dim3A_1257 = vector.broadcast %jit3A_1256 : i32 to vector<8x1024xi32>
    %select_n3A_1258 = arith.select %lt3A_1254, %broadcast_in_dim3A_1257, %select_n3A_1247 : vector<8x1024xi1>, vector<8x1024xi32>
    %slice3A_1259 = vector.extract_strided_slice %dot_general3A_681 {offsets = [416, 0], sizes = [8, 1024], strides = [1, 1]} : vector<456x1024xf32> to vector<8x1024xf32>
    %add3A_1260 = vector.broadcast %get3A_30 : vector<1x1024xf32> to vector<8x1024xf32>
    %add3A_1261 = arith.addf %add3A_1260, %slice3A_1259 : vector<8x1024xf32>
    %slice3A_1262 = vector.extract_strided_slice %get3A_686 {offsets = [416, 0], sizes = [8, 1], strides = [1, 1]} : vector<456x1xf32> to vector<8x1xf32>
    %add3A_1263 = vector.broadcast %slice3A_1262 : vector<8x1xf32> to vector<8x1024xf32>
    %add3A_1264 = arith.addf %add3A_1261, %add3A_1263 : vector<8x1024xf32>
    %lt3A_1265 = arith.cmpf olt, %add3A_1264, %select_n3A_1255 : vector<8x1024xf32>
    %select_n3A_1266 = arith.select %lt3A_1265, %add3A_1264, %select_n3A_1255 : vector<8x1024xi1>, vector<8x1024xf32>
    %jit3A_1267 = arith.constant 109 : i32
    %broadcast_in_dim3A_1268 = vector.broadcast %jit3A_1267 : i32 to vector<8x1024xi32>
    %select_n3A_1269 = arith.select %lt3A_1265, %broadcast_in_dim3A_1268, %select_n3A_1258 : vector<8x1024xi1>, vector<8x1024xi32>
    %slice3A_1270 = vector.extract_strided_slice %dot_general3A_681 {offsets = [424, 0], sizes = [8, 1024], strides = [1, 1]} : vector<456x1024xf32> to vector<8x1024xf32>
    %add3A_1271 = vector.broadcast %get3A_30 : vector<1x1024xf32> to vector<8x1024xf32>
    %add3A_1272 = arith.addf %add3A_1271, %slice3A_1270 : vector<8x1024xf32>
    %slice3A_1273 = vector.extract_strided_slice %get3A_686 {offsets = [424, 0], sizes = [8, 1], strides = [1, 1]} : vector<456x1xf32> to vector<8x1xf32>
    %add3A_1274 = vector.broadcast %slice3A_1273 : vector<8x1xf32> to vector<8x1024xf32>
    %add3A_1275 = arith.addf %add3A_1272, %add3A_1274 : vector<8x1024xf32>
    %lt3A_1276 = arith.cmpf olt, %add3A_1275, %select_n3A_1266 : vector<8x1024xf32>
    %select_n3A_1277 = arith.select %lt3A_1276, %add3A_1275, %select_n3A_1266 : vector<8x1024xi1>, vector<8x1024xf32>
    %jit3A_1278 = arith.constant 110 : i32
    %broadcast_in_dim3A_1279 = vector.broadcast %jit3A_1278 : i32 to vector<8x1024xi32>
    %select_n3A_1280 = arith.select %lt3A_1276, %broadcast_in_dim3A_1279, %select_n3A_1269 : vector<8x1024xi1>, vector<8x1024xi32>
    %slice3A_1281 = vector.extract_strided_slice %dot_general3A_681 {offsets = [432, 0], sizes = [8, 1024], strides = [1, 1]} : vector<456x1024xf32> to vector<8x1024xf32>
    %add3A_1282 = vector.broadcast %get3A_30 : vector<1x1024xf32> to vector<8x1024xf32>
    %add3A_1283 = arith.addf %add3A_1282, %slice3A_1281 : vector<8x1024xf32>
    %slice3A_1284 = vector.extract_strided_slice %get3A_686 {offsets = [432, 0], sizes = [8, 1], strides = [1, 1]} : vector<456x1xf32> to vector<8x1xf32>
    %add3A_1285 = vector.broadcast %slice3A_1284 : vector<8x1xf32> to vector<8x1024xf32>
    %add3A_1286 = arith.addf %add3A_1283, %add3A_1285 : vector<8x1024xf32>
    %lt3A_1287 = arith.cmpf olt, %add3A_1286, %select_n3A_1277 : vector<8x1024xf32>
    %select_n3A_1288 = arith.select %lt3A_1287, %add3A_1286, %select_n3A_1277 : vector<8x1024xi1>, vector<8x1024xf32>
    %jit3A_1289 = arith.constant 111 : i32
    %broadcast_in_dim3A_1290 = vector.broadcast %jit3A_1289 : i32 to vector<8x1024xi32>
    %select_n3A_1291 = arith.select %lt3A_1287, %broadcast_in_dim3A_1290, %select_n3A_1280 : vector<8x1024xi1>, vector<8x1024xi32>
    %slice3A_1292 = vector.extract_strided_slice %dot_general3A_681 {offsets = [440, 0], sizes = [8, 1024], strides = [1, 1]} : vector<456x1024xf32> to vector<8x1024xf32>
    %add3A_1293 = vector.broadcast %get3A_30 : vector<1x1024xf32> to vector<8x1024xf32>
    %add3A_1294 = arith.addf %add3A_1293, %slice3A_1292 : vector<8x1024xf32>
    %slice3A_1295 = vector.extract_strided_slice %get3A_686 {offsets = [440, 0], sizes = [8, 1], strides = [1, 1]} : vector<456x1xf32> to vector<8x1xf32>
    %add3A_1296 = vector.broadcast %slice3A_1295 : vector<8x1xf32> to vector<8x1024xf32>
    %add3A_1297 = arith.addf %add3A_1294, %add3A_1296 : vector<8x1024xf32>
    %lt3A_1298 = arith.cmpf olt, %add3A_1297, %select_n3A_1288 : vector<8x1024xf32>
    %select_n3A_1299 = arith.select %lt3A_1298, %add3A_1297, %select_n3A_1288 : vector<8x1024xi1>, vector<8x1024xf32>
    %jit3A_1300 = arith.constant 112 : i32
    %broadcast_in_dim3A_1301 = vector.broadcast %jit3A_1300 : i32 to vector<8x1024xi32>
    %select_n3A_1302 = arith.select %lt3A_1298, %broadcast_in_dim3A_1301, %select_n3A_1291 : vector<8x1024xi1>, vector<8x1024xi32>
    %slice3A_1303 = vector.extract_strided_slice %dot_general3A_681 {offsets = [448, 0], sizes = [8, 1024], strides = [1, 1]} : vector<456x1024xf32> to vector<8x1024xf32>
    %add3A_1304 = vector.broadcast %get3A_30 : vector<1x1024xf32> to vector<8x1024xf32>
    %add3A_1305 = arith.addf %add3A_1304, %slice3A_1303 : vector<8x1024xf32>
    %slice3A_1306 = vector.extract_strided_slice %get3A_686 {offsets = [448, 0], sizes = [8, 1], strides = [1, 1]} : vector<456x1xf32> to vector<8x1xf32>
    %add3A_1307 = vector.broadcast %slice3A_1306 : vector<8x1xf32> to vector<8x1024xf32>
    %add3A_1308 = arith.addf %add3A_1305, %add3A_1307 : vector<8x1024xf32>
    %lt3A_1309 = arith.cmpf olt, %add3A_1308, %select_n3A_1299 : vector<8x1024xf32>
    %select_n3A_1310 = arith.select %lt3A_1309, %add3A_1308, %select_n3A_1299 : vector<8x1024xi1>, vector<8x1024xf32>
    %jit3A_1311 = arith.constant 113 : i32
    %broadcast_in_dim3A_1312 = vector.broadcast %jit3A_1311 : i32 to vector<8x1024xi32>
    %select_n3A_1313 = arith.select %lt3A_1309, %broadcast_in_dim3A_1312, %select_n3A_1302 : vector<8x1024xi1>, vector<8x1024xi32>
    %add3A_1314 = arith.constant 912 : i32
    %add3A_1315 = arith.addi %sub3A_19, %add3A_1314 : i32
    %get3A_1316 = arith.index_cast %add3A_1315 : i32 to index
    %get3A_1317 = arith.constant 0 : index
    %get3A_1318 = vector.load %arg2[%get3A_1316, %get3A_1317] : memref<8192x256xf32, #tpu.memory_space<vmem>>, vector<456x256xf32>
    %dot_general3A_1319 = arith.constant dense<0.000000e+00> : vector<456x1024xf32>
    %dot_general3A_1320 = tpu.matmul %get3A_1318, %mul3A_27, %dot_general3A_1319 {dimension_numbers = #tpu.dot_dimension_numbers<[1], [0], [0], [1], [0, 0, 1, 1], [], []>, transpose_lhs_hint = false} : vector<456x256xf32>, vector<256x1024xf32>, vector<456x1024xf32> -> vector<456x1024xf32>
    %add3A_1321 = arith.constant 912 : i32
    %add3A_1322 = arith.addi %sub3A_19, %add3A_1321 : i32
    %get3A_1323 = arith.index_cast %add3A_1322 : i32 to index
    %get3A_1324 = arith.constant 0 : index
    %get3A_1325 = vector.load %arg5[%get3A_1323, %get3A_1324] : memref<8192x1xf32, #tpu.memory_space<vmem>>, vector<456x1xf32>
    %slice3A_1326 = vector.extract_strided_slice %dot_general3A_1320 {offsets = [0, 0], sizes = [8, 1024], strides = [1, 1]} : vector<456x1024xf32> to vector<8x1024xf32>
    %add3A_1327 = vector.broadcast %get3A_30 : vector<1x1024xf32> to vector<8x1024xf32>
    %add3A_1328 = arith.addf %add3A_1327, %slice3A_1326 : vector<8x1024xf32>
    %slice3A_1329 = vector.extract_strided_slice %get3A_1325 {offsets = [0, 0], sizes = [8, 1], strides = [1, 1]} : vector<456x1xf32> to vector<8x1xf32>
    %add3A_1330 = vector.broadcast %slice3A_1329 : vector<8x1xf32> to vector<8x1024xf32>
    %add3A_1331 = arith.addf %add3A_1328, %add3A_1330 : vector<8x1024xf32>
    %lt3A_1332 = arith.cmpf olt, %add3A_1331, %select_n3A_1310 : vector<8x1024xf32>
    %select_n3A_1333 = arith.select %lt3A_1332, %add3A_1331, %select_n3A_1310 : vector<8x1024xi1>, vector<8x1024xf32>
    %jit3A_1334 = arith.constant 114 : i32
    %broadcast_in_dim3A_1335 = vector.broadcast %jit3A_1334 : i32 to vector<8x1024xi32>
    %select_n3A_1336 = arith.select %lt3A_1332, %broadcast_in_dim3A_1335, %select_n3A_1313 : vector<8x1024xi1>, vector<8x1024xi32>
    %slice3A_1337 = vector.extract_strided_slice %dot_general3A_1320 {offsets = [8, 0], sizes = [8, 1024], strides = [1, 1]} : vector<456x1024xf32> to vector<8x1024xf32>
    %add3A_1338 = vector.broadcast %get3A_30 : vector<1x1024xf32> to vector<8x1024xf32>
    %add3A_1339 = arith.addf %add3A_1338, %slice3A_1337 : vector<8x1024xf32>
    %slice3A_1340 = vector.extract_strided_slice %get3A_1325 {offsets = [8, 0], sizes = [8, 1], strides = [1, 1]} : vector<456x1xf32> to vector<8x1xf32>
    %add3A_1341 = vector.broadcast %slice3A_1340 : vector<8x1xf32> to vector<8x1024xf32>
    %add3A_1342 = arith.addf %add3A_1339, %add3A_1341 : vector<8x1024xf32>
    %lt3A_1343 = arith.cmpf olt, %add3A_1342, %select_n3A_1333 : vector<8x1024xf32>
    %select_n3A_1344 = arith.select %lt3A_1343, %add3A_1342, %select_n3A_1333 : vector<8x1024xi1>, vector<8x1024xf32>
    %jit3A_1345 = arith.constant 115 : i32
    %broadcast_in_dim3A_1346 = vector.broadcast %jit3A_1345 : i32 to vector<8x1024xi32>
    %select_n3A_1347 = arith.select %lt3A_1343, %broadcast_in_dim3A_1346, %select_n3A_1336 : vector<8x1024xi1>, vector<8x1024xi32>
    %slice3A_1348 = vector.extract_strided_slice %dot_general3A_1320 {offsets = [16, 0], sizes = [8, 1024], strides = [1, 1]} : vector<456x1024xf32> to vector<8x1024xf32>
    %add3A_1349 = vector.broadcast %get3A_30 : vector<1x1024xf32> to vector<8x1024xf32>
    %add3A_1350 = arith.addf %add3A_1349, %slice3A_1348 : vector<8x1024xf32>
    %slice3A_1351 = vector.extract_strided_slice %get3A_1325 {offsets = [16, 0], sizes = [8, 1], strides = [1, 1]} : vector<456x1xf32> to vector<8x1xf32>
    %add3A_1352 = vector.broadcast %slice3A_1351 : vector<8x1xf32> to vector<8x1024xf32>
    %add3A_1353 = arith.addf %add3A_1350, %add3A_1352 : vector<8x1024xf32>
    %lt3A_1354 = arith.cmpf olt, %add3A_1353, %select_n3A_1344 : vector<8x1024xf32>
    %select_n3A_1355 = arith.select %lt3A_1354, %add3A_1353, %select_n3A_1344 : vector<8x1024xi1>, vector<8x1024xf32>
    %jit3A_1356 = arith.constant 116 : i32
    %broadcast_in_dim3A_1357 = vector.broadcast %jit3A_1356 : i32 to vector<8x1024xi32>
    %select_n3A_1358 = arith.select %lt3A_1354, %broadcast_in_dim3A_1357, %select_n3A_1347 : vector<8x1024xi1>, vector<8x1024xi32>
    %slice3A_1359 = vector.extract_strided_slice %dot_general3A_1320 {offsets = [24, 0], sizes = [8, 1024], strides = [1, 1]} : vector<456x1024xf32> to vector<8x1024xf32>
    %add3A_1360 = vector.broadcast %get3A_30 : vector<1x1024xf32> to vector<8x1024xf32>
    %add3A_1361 = arith.addf %add3A_1360, %slice3A_1359 : vector<8x1024xf32>
    %slice3A_1362 = vector.extract_strided_slice %get3A_1325 {offsets = [24, 0], sizes = [8, 1], strides = [1, 1]} : vector<456x1xf32> to vector<8x1xf32>
    %add3A_1363 = vector.broadcast %slice3A_1362 : vector<8x1xf32> to vector<8x1024xf32>
    %add3A_1364 = arith.addf %add3A_1361, %add3A_1363 : vector<8x1024xf32>
    %lt3A_1365 = arith.cmpf olt, %add3A_1364, %select_n3A_1355 : vector<8x1024xf32>
    %select_n3A_1366 = arith.select %lt3A_1365, %add3A_1364, %select_n3A_1355 : vector<8x1024xi1>, vector<8x1024xf32>
    %jit3A_1367 = arith.constant 117 : i32
    %broadcast_in_dim3A_1368 = vector.broadcast %jit3A_1367 : i32 to vector<8x1024xi32>
    %select_n3A_1369 = arith.select %lt3A_1365, %broadcast_in_dim3A_1368, %select_n3A_1358 : vector<8x1024xi1>, vector<8x1024xi32>
    %slice3A_1370 = vector.extract_strided_slice %dot_general3A_1320 {offsets = [32, 0], sizes = [8, 1024], strides = [1, 1]} : vector<456x1024xf32> to vector<8x1024xf32>
    %add3A_1371 = vector.broadcast %get3A_30 : vector<1x1024xf32> to vector<8x1024xf32>
    %add3A_1372 = arith.addf %add3A_1371, %slice3A_1370 : vector<8x1024xf32>
    %slice3A_1373 = vector.extract_strided_slice %get3A_1325 {offsets = [32, 0], sizes = [8, 1], strides = [1, 1]} : vector<456x1xf32> to vector<8x1xf32>
    %add3A_1374 = vector.broadcast %slice3A_1373 : vector<8x1xf32> to vector<8x1024xf32>
    %add3A_1375 = arith.addf %add3A_1372, %add3A_1374 : vector<8x1024xf32>
    %lt3A_1376 = arith.cmpf olt, %add3A_1375, %select_n3A_1366 : vector<8x1024xf32>
    %select_n3A_1377 = arith.select %lt3A_1376, %add3A_1375, %select_n3A_1366 : vector<8x1024xi1>, vector<8x1024xf32>
    %jit3A_1378 = arith.constant 118 : i32
    %broadcast_in_dim3A_1379 = vector.broadcast %jit3A_1378 : i32 to vector<8x1024xi32>
    %select_n3A_1380 = arith.select %lt3A_1376, %broadcast_in_dim3A_1379, %select_n3A_1369 : vector<8x1024xi1>, vector<8x1024xi32>
    %slice3A_1381 = vector.extract_strided_slice %dot_general3A_1320 {offsets = [40, 0], sizes = [8, 1024], strides = [1, 1]} : vector<456x1024xf32> to vector<8x1024xf32>
    %add3A_1382 = vector.broadcast %get3A_30 : vector<1x1024xf32> to vector<8x1024xf32>
    %add3A_1383 = arith.addf %add3A_1382, %slice3A_1381 : vector<8x1024xf32>
    %slice3A_1384 = vector.extract_strided_slice %get3A_1325 {offsets = [40, 0], sizes = [8, 1], strides = [1, 1]} : vector<456x1xf32> to vector<8x1xf32>
    %add3A_1385 = vector.broadcast %slice3A_1384 : vector<8x1xf32> to vector<8x1024xf32>
    %add3A_1386 = arith.addf %add3A_1383, %add3A_1385 : vector<8x1024xf32>
    %lt3A_1387 = arith.cmpf olt, %add3A_1386, %select_n3A_1377 : vector<8x1024xf32>
    %select_n3A_1388 = arith.select %lt3A_1387, %add3A_1386, %select_n3A_1377 : vector<8x1024xi1>, vector<8x1024xf32>
    %jit3A_1389 = arith.constant 119 : i32
    %broadcast_in_dim3A_1390 = vector.broadcast %jit3A_1389 : i32 to vector<8x1024xi32>
    %select_n3A_1391 = arith.select %lt3A_1387, %broadcast_in_dim3A_1390, %select_n3A_1380 : vector<8x1024xi1>, vector<8x1024xi32>
    %slice3A_1392 = vector.extract_strided_slice %dot_general3A_1320 {offsets = [48, 0], sizes = [8, 1024], strides = [1, 1]} : vector<456x1024xf32> to vector<8x1024xf32>
    %add3A_1393 = vector.broadcast %get3A_30 : vector<1x1024xf32> to vector<8x1024xf32>
    %add3A_1394 = arith.addf %add3A_1393, %slice3A_1392 : vector<8x1024xf32>
    %slice3A_1395 = vector.extract_strided_slice %get3A_1325 {offsets = [48, 0], sizes = [8, 1], strides = [1, 1]} : vector<456x1xf32> to vector<8x1xf32>
    %add3A_1396 = vector.broadcast %slice3A_1395 : vector<8x1xf32> to vector<8x1024xf32>
    %add3A_1397 = arith.addf %add3A_1394, %add3A_1396 : vector<8x1024xf32>
    %lt3A_1398 = arith.cmpf olt, %add3A_1397, %select_n3A_1388 : vector<8x1024xf32>
    %select_n3A_1399 = arith.select %lt3A_1398, %add3A_1397, %select_n3A_1388 : vector<8x1024xi1>, vector<8x1024xf32>
    %jit3A_1400 = arith.constant 120 : i32
    %broadcast_in_dim3A_1401 = vector.broadcast %jit3A_1400 : i32 to vector<8x1024xi32>
    %select_n3A_1402 = arith.select %lt3A_1398, %broadcast_in_dim3A_1401, %select_n3A_1391 : vector<8x1024xi1>, vector<8x1024xi32>
    %slice3A_1403 = vector.extract_strided_slice %dot_general3A_1320 {offsets = [56, 0], sizes = [8, 1024], strides = [1, 1]} : vector<456x1024xf32> to vector<8x1024xf32>
    %add3A_1404 = vector.broadcast %get3A_30 : vector<1x1024xf32> to vector<8x1024xf32>
    %add3A_1405 = arith.addf %add3A_1404, %slice3A_1403 : vector<8x1024xf32>
    %slice3A_1406 = vector.extract_strided_slice %get3A_1325 {offsets = [56, 0], sizes = [8, 1], strides = [1, 1]} : vector<456x1xf32> to vector<8x1xf32>
    %add3A_1407 = vector.broadcast %slice3A_1406 : vector<8x1xf32> to vector<8x1024xf32>
    %add3A_1408 = arith.addf %add3A_1405, %add3A_1407 : vector<8x1024xf32>
    %lt3A_1409 = arith.cmpf olt, %add3A_1408, %select_n3A_1399 : vector<8x1024xf32>
    %select_n3A_1410 = arith.select %lt3A_1409, %add3A_1408, %select_n3A_1399 : vector<8x1024xi1>, vector<8x1024xf32>
    %jit3A_1411 = arith.constant 121 : i32
    %broadcast_in_dim3A_1412 = vector.broadcast %jit3A_1411 : i32 to vector<8x1024xi32>
    %select_n3A_1413 = arith.select %lt3A_1409, %broadcast_in_dim3A_1412, %select_n3A_1402 : vector<8x1024xi1>, vector<8x1024xi32>
    %slice3A_1414 = vector.extract_strided_slice %dot_general3A_1320 {offsets = [64, 0], sizes = [8, 1024], strides = [1, 1]} : vector<456x1024xf32> to vector<8x1024xf32>
    %add3A_1415 = vector.broadcast %get3A_30 : vector<1x1024xf32> to vector<8x1024xf32>
    %add3A_1416 = arith.addf %add3A_1415, %slice3A_1414 : vector<8x1024xf32>
    %slice3A_1417 = vector.extract_strided_slice %get3A_1325 {offsets = [64, 0], sizes = [8, 1], strides = [1, 1]} : vector<456x1xf32> to vector<8x1xf32>
    %add3A_1418 = vector.broadcast %slice3A_1417 : vector<8x1xf32> to vector<8x1024xf32>
    %add3A_1419 = arith.addf %add3A_1416, %add3A_1418 : vector<8x1024xf32>
    %lt3A_1420 = arith.cmpf olt, %add3A_1419, %select_n3A_1410 : vector<8x1024xf32>
    %select_n3A_1421 = arith.select %lt3A_1420, %add3A_1419, %select_n3A_1410 : vector<8x1024xi1>, vector<8x1024xf32>
    %jit3A_1422 = arith.constant 122 : i32
    %broadcast_in_dim3A_1423 = vector.broadcast %jit3A_1422 : i32 to vector<8x1024xi32>
    %select_n3A_1424 = arith.select %lt3A_1420, %broadcast_in_dim3A_1423, %select_n3A_1413 : vector<8x1024xi1>, vector<8x1024xi32>
    %slice3A_1425 = vector.extract_strided_slice %dot_general3A_1320 {offsets = [72, 0], sizes = [8, 1024], strides = [1, 1]} : vector<456x1024xf32> to vector<8x1024xf32>
    %add3A_1426 = vector.broadcast %get3A_30 : vector<1x1024xf32> to vector<8x1024xf32>
    %add3A_1427 = arith.addf %add3A_1426, %slice3A_1425 : vector<8x1024xf32>
    %slice3A_1428 = vector.extract_strided_slice %get3A_1325 {offsets = [72, 0], sizes = [8, 1], strides = [1, 1]} : vector<456x1xf32> to vector<8x1xf32>
    %add3A_1429 = vector.broadcast %slice3A_1428 : vector<8x1xf32> to vector<8x1024xf32>
    %add3A_1430 = arith.addf %add3A_1427, %add3A_1429 : vector<8x1024xf32>
    %lt3A_1431 = arith.cmpf olt, %add3A_1430, %select_n3A_1421 : vector<8x1024xf32>
    %select_n3A_1432 = arith.select %lt3A_1431, %add3A_1430, %select_n3A_1421 : vector<8x1024xi1>, vector<8x1024xf32>
    %jit3A_1433 = arith.constant 123 : i32
    %broadcast_in_dim3A_1434 = vector.broadcast %jit3A_1433 : i32 to vector<8x1024xi32>
    %select_n3A_1435 = arith.select %lt3A_1431, %broadcast_in_dim3A_1434, %select_n3A_1424 : vector<8x1024xi1>, vector<8x1024xi32>
    %slice3A_1436 = vector.extract_strided_slice %dot_general3A_1320 {offsets = [80, 0], sizes = [8, 1024], strides = [1, 1]} : vector<456x1024xf32> to vector<8x1024xf32>
    %add3A_1437 = vector.broadcast %get3A_30 : vector<1x1024xf32> to vector<8x1024xf32>
    %add3A_1438 = arith.addf %add3A_1437, %slice3A_1436 : vector<8x1024xf32>
    %slice3A_1439 = vector.extract_strided_slice %get3A_1325 {offsets = [80, 0], sizes = [8, 1], strides = [1, 1]} : vector<456x1xf32> to vector<8x1xf32>
    %add3A_1440 = vector.broadcast %slice3A_1439 : vector<8x1xf32> to vector<8x1024xf32>
    %add3A_1441 = arith.addf %add3A_1438, %add3A_1440 : vector<8x1024xf32>
    %lt3A_1442 = arith.cmpf olt, %add3A_1441, %select_n3A_1432 : vector<8x1024xf32>
    %select_n3A_1443 = arith.select %lt3A_1442, %add3A_1441, %select_n3A_1432 : vector<8x1024xi1>, vector<8x1024xf32>
    %jit3A_1444 = arith.constant 124 : i32
    %broadcast_in_dim3A_1445 = vector.broadcast %jit3A_1444 : i32 to vector<8x1024xi32>
    %select_n3A_1446 = arith.select %lt3A_1442, %broadcast_in_dim3A_1445, %select_n3A_1435 : vector<8x1024xi1>, vector<8x1024xi32>
    %slice3A_1447 = vector.extract_strided_slice %dot_general3A_1320 {offsets = [88, 0], sizes = [8, 1024], strides = [1, 1]} : vector<456x1024xf32> to vector<8x1024xf32>
    %add3A_1448 = vector.broadcast %get3A_30 : vector<1x1024xf32> to vector<8x1024xf32>
    %add3A_1449 = arith.addf %add3A_1448, %slice3A_1447 : vector<8x1024xf32>
    %slice3A_1450 = vector.extract_strided_slice %get3A_1325 {offsets = [88, 0], sizes = [8, 1], strides = [1, 1]} : vector<456x1xf32> to vector<8x1xf32>
    %add3A_1451 = vector.broadcast %slice3A_1450 : vector<8x1xf32> to vector<8x1024xf32>
    %add3A_1452 = arith.addf %add3A_1449, %add3A_1451 : vector<8x1024xf32>
    %lt3A_1453 = arith.cmpf olt, %add3A_1452, %select_n3A_1443 : vector<8x1024xf32>
    %select_n3A_1454 = arith.select %lt3A_1453, %add3A_1452, %select_n3A_1443 : vector<8x1024xi1>, vector<8x1024xf32>
    %jit3A_1455 = arith.constant 125 : i32
    %broadcast_in_dim3A_1456 = vector.broadcast %jit3A_1455 : i32 to vector<8x1024xi32>
    %select_n3A_1457 = arith.select %lt3A_1453, %broadcast_in_dim3A_1456, %select_n3A_1446 : vector<8x1024xi1>, vector<8x1024xi32>
    %slice3A_1458 = vector.extract_strided_slice %dot_general3A_1320 {offsets = [96, 0], sizes = [8, 1024], strides = [1, 1]} : vector<456x1024xf32> to vector<8x1024xf32>
    %add3A_1459 = vector.broadcast %get3A_30 : vector<1x1024xf32> to vector<8x1024xf32>
    %add3A_1460 = arith.addf %add3A_1459, %slice3A_1458 : vector<8x1024xf32>
    %slice3A_1461 = vector.extract_strided_slice %get3A_1325 {offsets = [96, 0], sizes = [8, 1], strides = [1, 1]} : vector<456x1xf32> to vector<8x1xf32>
    %add3A_1462 = vector.broadcast %slice3A_1461 : vector<8x1xf32> to vector<8x1024xf32>
    %add3A_1463 = arith.addf %add3A_1460, %add3A_1462 : vector<8x1024xf32>
    %lt3A_1464 = arith.cmpf olt, %add3A_1463, %select_n3A_1454 : vector<8x1024xf32>
    %select_n3A_1465 = arith.select %lt3A_1464, %add3A_1463, %select_n3A_1454 : vector<8x1024xi1>, vector<8x1024xf32>
    %jit3A_1466 = arith.constant 126 : i32
    %broadcast_in_dim3A_1467 = vector.broadcast %jit3A_1466 : i32 to vector<8x1024xi32>
    %select_n3A_1468 = arith.select %lt3A_1464, %broadcast_in_dim3A_1467, %select_n3A_1457 : vector<8x1024xi1>, vector<8x1024xi32>
    %slice3A_1469 = vector.extract_strided_slice %dot_general3A_1320 {offsets = [104, 0], sizes = [8, 1024], strides = [1, 1]} : vector<456x1024xf32> to vector<8x1024xf32>
    %add3A_1470 = vector.broadcast %get3A_30 : vector<1x1024xf32> to vector<8x1024xf32>
    %add3A_1471 = arith.addf %add3A_1470, %slice3A_1469 : vector<8x1024xf32>
    %slice3A_1472 = vector.extract_strided_slice %get3A_1325 {offsets = [104, 0], sizes = [8, 1], strides = [1, 1]} : vector<456x1xf32> to vector<8x1xf32>
    %add3A_1473 = vector.broadcast %slice3A_1472 : vector<8x1xf32> to vector<8x1024xf32>
    %add3A_1474 = arith.addf %add3A_1471, %add3A_1473 : vector<8x1024xf32>
    %lt3A_1475 = arith.cmpf olt, %add3A_1474, %select_n3A_1465 : vector<8x1024xf32>
    %select_n3A_1476 = arith.select %lt3A_1475, %add3A_1474, %select_n3A_1465 : vector<8x1024xi1>, vector<8x1024xf32>
    %jit3A_1477 = arith.constant 127 : i32
    %broadcast_in_dim3A_1478 = vector.broadcast %jit3A_1477 : i32 to vector<8x1024xi32>
    %select_n3A_1479 = arith.select %lt3A_1475, %broadcast_in_dim3A_1478, %select_n3A_1468 : vector<8x1024xi1>, vector<8x1024xi32>
    %slice3A_1480 = vector.extract_strided_slice %dot_general3A_1320 {offsets = [112, 0], sizes = [8, 1024], strides = [1, 1]} : vector<456x1024xf32> to vector<8x1024xf32>
    %add3A_1481 = vector.broadcast %get3A_30 : vector<1x1024xf32> to vector<8x1024xf32>
    %add3A_1482 = arith.addf %add3A_1481, %slice3A_1480 : vector<8x1024xf32>
    %slice3A_1483 = vector.extract_strided_slice %get3A_1325 {offsets = [112, 0], sizes = [8, 1], strides = [1, 1]} : vector<456x1xf32> to vector<8x1xf32>
    %add3A_1484 = vector.broadcast %slice3A_1483 : vector<8x1xf32> to vector<8x1024xf32>
    %add3A_1485 = arith.addf %add3A_1482, %add3A_1484 : vector<8x1024xf32>
    %lt3A_1486 = arith.cmpf olt, %add3A_1485, %select_n3A_1476 : vector<8x1024xf32>
    %select_n3A_1487 = arith.select %lt3A_1486, %add3A_1485, %select_n3A_1476 : vector<8x1024xi1>, vector<8x1024xf32>
    %jit3A_1488 = arith.constant 128 : i32
    %broadcast_in_dim3A_1489 = vector.broadcast %jit3A_1488 : i32 to vector<8x1024xi32>
    %select_n3A_1490 = arith.select %lt3A_1486, %broadcast_in_dim3A_1489, %select_n3A_1479 : vector<8x1024xi1>, vector<8x1024xi32>
    %slice3A_1491 = vector.extract_strided_slice %dot_general3A_1320 {offsets = [120, 0], sizes = [8, 1024], strides = [1, 1]} : vector<456x1024xf32> to vector<8x1024xf32>
    %add3A_1492 = vector.broadcast %get3A_30 : vector<1x1024xf32> to vector<8x1024xf32>
    %add3A_1493 = arith.addf %add3A_1492, %slice3A_1491 : vector<8x1024xf32>
    %slice3A_1494 = vector.extract_strided_slice %get3A_1325 {offsets = [120, 0], sizes = [8, 1], strides = [1, 1]} : vector<456x1xf32> to vector<8x1xf32>
    %add3A_1495 = vector.broadcast %slice3A_1494 : vector<8x1xf32> to vector<8x1024xf32>
    %add3A_1496 = arith.addf %add3A_1493, %add3A_1495 : vector<8x1024xf32>
    %lt3A_1497 = arith.cmpf olt, %add3A_1496, %select_n3A_1487 : vector<8x1024xf32>
    %select_n3A_1498 = arith.select %lt3A_1497, %add3A_1496, %select_n3A_1487 : vector<8x1024xi1>, vector<8x1024xf32>
    %jit3A_1499 = arith.constant 129 : i32
    %broadcast_in_dim3A_1500 = vector.broadcast %jit3A_1499 : i32 to vector<8x1024xi32>
    %select_n3A_1501 = arith.select %lt3A_1497, %broadcast_in_dim3A_1500, %select_n3A_1490 : vector<8x1024xi1>, vector<8x1024xi32>
    %slice3A_1502 = vector.extract_strided_slice %dot_general3A_1320 {offsets = [128, 0], sizes = [8, 1024], strides = [1, 1]} : vector<456x1024xf32> to vector<8x1024xf32>
    %add3A_1503 = vector.broadcast %get3A_30 : vector<1x1024xf32> to vector<8x1024xf32>
    %add3A_1504 = arith.addf %add3A_1503, %slice3A_1502 : vector<8x1024xf32>
    %slice3A_1505 = vector.extract_strided_slice %get3A_1325 {offsets = [128, 0], sizes = [8, 1], strides = [1, 1]} : vector<456x1xf32> to vector<8x1xf32>
    %add3A_1506 = vector.broadcast %slice3A_1505 : vector<8x1xf32> to vector<8x1024xf32>
    %add3A_1507 = arith.addf %add3A_1504, %add3A_1506 : vector<8x1024xf32>
    %lt3A_1508 = arith.cmpf olt, %add3A_1507, %select_n3A_1498 : vector<8x1024xf32>
    %select_n3A_1509 = arith.select %lt3A_1508, %add3A_1507, %select_n3A_1498 : vector<8x1024xi1>, vector<8x1024xf32>
    %jit3A_1510 = arith.constant 130 : i32
    %broadcast_in_dim3A_1511 = vector.broadcast %jit3A_1510 : i32 to vector<8x1024xi32>
    %select_n3A_1512 = arith.select %lt3A_1508, %broadcast_in_dim3A_1511, %select_n3A_1501 : vector<8x1024xi1>, vector<8x1024xi32>
    %slice3A_1513 = vector.extract_strided_slice %dot_general3A_1320 {offsets = [136, 0], sizes = [8, 1024], strides = [1, 1]} : vector<456x1024xf32> to vector<8x1024xf32>
    %add3A_1514 = vector.broadcast %get3A_30 : vector<1x1024xf32> to vector<8x1024xf32>
    %add3A_1515 = arith.addf %add3A_1514, %slice3A_1513 : vector<8x1024xf32>
    %slice3A_1516 = vector.extract_strided_slice %get3A_1325 {offsets = [136, 0], sizes = [8, 1], strides = [1, 1]} : vector<456x1xf32> to vector<8x1xf32>
    %add3A_1517 = vector.broadcast %slice3A_1516 : vector<8x1xf32> to vector<8x1024xf32>
    %add3A_1518 = arith.addf %add3A_1515, %add3A_1517 : vector<8x1024xf32>
    %lt3A_1519 = arith.cmpf olt, %add3A_1518, %select_n3A_1509 : vector<8x1024xf32>
    %select_n3A_1520 = arith.select %lt3A_1519, %add3A_1518, %select_n3A_1509 : vector<8x1024xi1>, vector<8x1024xf32>
    %jit3A_1521 = arith.constant 131 : i32
    %broadcast_in_dim3A_1522 = vector.broadcast %jit3A_1521 : i32 to vector<8x1024xi32>
    %select_n3A_1523 = arith.select %lt3A_1519, %broadcast_in_dim3A_1522, %select_n3A_1512 : vector<8x1024xi1>, vector<8x1024xi32>
    %slice3A_1524 = vector.extract_strided_slice %dot_general3A_1320 {offsets = [144, 0], sizes = [8, 1024], strides = [1, 1]} : vector<456x1024xf32> to vector<8x1024xf32>
    %add3A_1525 = vector.broadcast %get3A_30 : vector<1x1024xf32> to vector<8x1024xf32>
    %add3A_1526 = arith.addf %add3A_1525, %slice3A_1524 : vector<8x1024xf32>
    %slice3A_1527 = vector.extract_strided_slice %get3A_1325 {offsets = [144, 0], sizes = [8, 1], strides = [1, 1]} : vector<456x1xf32> to vector<8x1xf32>
    %add3A_1528 = vector.broadcast %slice3A_1527 : vector<8x1xf32> to vector<8x1024xf32>
    %add3A_1529 = arith.addf %add3A_1526, %add3A_1528 : vector<8x1024xf32>
    %lt3A_1530 = arith.cmpf olt, %add3A_1529, %select_n3A_1520 : vector<8x1024xf32>
    %select_n3A_1531 = arith.select %lt3A_1530, %add3A_1529, %select_n3A_1520 : vector<8x1024xi1>, vector<8x1024xf32>
    %jit3A_1532 = arith.constant 132 : i32
    %broadcast_in_dim3A_1533 = vector.broadcast %jit3A_1532 : i32 to vector<8x1024xi32>
    %select_n3A_1534 = arith.select %lt3A_1530, %broadcast_in_dim3A_1533, %select_n3A_1523 : vector<8x1024xi1>, vector<8x1024xi32>
    %slice3A_1535 = vector.extract_strided_slice %dot_general3A_1320 {offsets = [152, 0], sizes = [8, 1024], strides = [1, 1]} : vector<456x1024xf32> to vector<8x1024xf32>
    %add3A_1536 = vector.broadcast %get3A_30 : vector<1x1024xf32> to vector<8x1024xf32>
    %add3A_1537 = arith.addf %add3A_1536, %slice3A_1535 : vector<8x1024xf32>
    %slice3A_1538 = vector.extract_strided_slice %get3A_1325 {offsets = [152, 0], sizes = [8, 1], strides = [1, 1]} : vector<456x1xf32> to vector<8x1xf32>
    %add3A_1539 = vector.broadcast %slice3A_1538 : vector<8x1xf32> to vector<8x1024xf32>
    %add3A_1540 = arith.addf %add3A_1537, %add3A_1539 : vector<8x1024xf32>
    %lt3A_1541 = arith.cmpf olt, %add3A_1540, %select_n3A_1531 : vector<8x1024xf32>
    %select_n3A_1542 = arith.select %lt3A_1541, %add3A_1540, %select_n3A_1531 : vector<8x1024xi1>, vector<8x1024xf32>
    %jit3A_1543 = arith.constant 133 : i32
    %broadcast_in_dim3A_1544 = vector.broadcast %jit3A_1543 : i32 to vector<8x1024xi32>
    %select_n3A_1545 = arith.select %lt3A_1541, %broadcast_in_dim3A_1544, %select_n3A_1534 : vector<8x1024xi1>, vector<8x1024xi32>
    %slice3A_1546 = vector.extract_strided_slice %dot_general3A_1320 {offsets = [160, 0], sizes = [8, 1024], strides = [1, 1]} : vector<456x1024xf32> to vector<8x1024xf32>
    %add3A_1547 = vector.broadcast %get3A_30 : vector<1x1024xf32> to vector<8x1024xf32>
    %add3A_1548 = arith.addf %add3A_1547, %slice3A_1546 : vector<8x1024xf32>
    %slice3A_1549 = vector.extract_strided_slice %get3A_1325 {offsets = [160, 0], sizes = [8, 1], strides = [1, 1]} : vector<456x1xf32> to vector<8x1xf32>
    %add3A_1550 = vector.broadcast %slice3A_1549 : vector<8x1xf32> to vector<8x1024xf32>
    %add3A_1551 = arith.addf %add3A_1548, %add3A_1550 : vector<8x1024xf32>
    %lt3A_1552 = arith.cmpf olt, %add3A_1551, %select_n3A_1542 : vector<8x1024xf32>
    %select_n3A_1553 = arith.select %lt3A_1552, %add3A_1551, %select_n3A_1542 : vector<8x1024xi1>, vector<8x1024xf32>
    %jit3A_1554 = arith.constant 134 : i32
    %broadcast_in_dim3A_1555 = vector.broadcast %jit3A_1554 : i32 to vector<8x1024xi32>
    %select_n3A_1556 = arith.select %lt3A_1552, %broadcast_in_dim3A_1555, %select_n3A_1545 : vector<8x1024xi1>, vector<8x1024xi32>
    %slice3A_1557 = vector.extract_strided_slice %dot_general3A_1320 {offsets = [168, 0], sizes = [8, 1024], strides = [1, 1]} : vector<456x1024xf32> to vector<8x1024xf32>
    %add3A_1558 = vector.broadcast %get3A_30 : vector<1x1024xf32> to vector<8x1024xf32>
    %add3A_1559 = arith.addf %add3A_1558, %slice3A_1557 : vector<8x1024xf32>
    %slice3A_1560 = vector.extract_strided_slice %get3A_1325 {offsets = [168, 0], sizes = [8, 1], strides = [1, 1]} : vector<456x1xf32> to vector<8x1xf32>
    %add3A_1561 = vector.broadcast %slice3A_1560 : vector<8x1xf32> to vector<8x1024xf32>
    %add3A_1562 = arith.addf %add3A_1559, %add3A_1561 : vector<8x1024xf32>
    %lt3A_1563 = arith.cmpf olt, %add3A_1562, %select_n3A_1553 : vector<8x1024xf32>
    %select_n3A_1564 = arith.select %lt3A_1563, %add3A_1562, %select_n3A_1553 : vector<8x1024xi1>, vector<8x1024xf32>
    %jit3A_1565 = arith.constant 135 : i32
    %broadcast_in_dim3A_1566 = vector.broadcast %jit3A_1565 : i32 to vector<8x1024xi32>
    %select_n3A_1567 = arith.select %lt3A_1563, %broadcast_in_dim3A_1566, %select_n3A_1556 : vector<8x1024xi1>, vector<8x1024xi32>
    %slice3A_1568 = vector.extract_strided_slice %dot_general3A_1320 {offsets = [176, 0], sizes = [8, 1024], strides = [1, 1]} : vector<456x1024xf32> to vector<8x1024xf32>
    %add3A_1569 = vector.broadcast %get3A_30 : vector<1x1024xf32> to vector<8x1024xf32>
    %add3A_1570 = arith.addf %add3A_1569, %slice3A_1568 : vector<8x1024xf32>
    %slice3A_1571 = vector.extract_strided_slice %get3A_1325 {offsets = [176, 0], sizes = [8, 1], strides = [1, 1]} : vector<456x1xf32> to vector<8x1xf32>
    %add3A_1572 = vector.broadcast %slice3A_1571 : vector<8x1xf32> to vector<8x1024xf32>
    %add3A_1573 = arith.addf %add3A_1570, %add3A_1572 : vector<8x1024xf32>
    %lt3A_1574 = arith.cmpf olt, %add3A_1573, %select_n3A_1564 : vector<8x1024xf32>
    %select_n3A_1575 = arith.select %lt3A_1574, %add3A_1573, %select_n3A_1564 : vector<8x1024xi1>, vector<8x1024xf32>
    %jit3A_1576 = arith.constant 136 : i32
    %broadcast_in_dim3A_1577 = vector.broadcast %jit3A_1576 : i32 to vector<8x1024xi32>
    %select_n3A_1578 = arith.select %lt3A_1574, %broadcast_in_dim3A_1577, %select_n3A_1567 : vector<8x1024xi1>, vector<8x1024xi32>
    %slice3A_1579 = vector.extract_strided_slice %dot_general3A_1320 {offsets = [184, 0], sizes = [8, 1024], strides = [1, 1]} : vector<456x1024xf32> to vector<8x1024xf32>
    %add3A_1580 = vector.broadcast %get3A_30 : vector<1x1024xf32> to vector<8x1024xf32>
    %add3A_1581 = arith.addf %add3A_1580, %slice3A_1579 : vector<8x1024xf32>
    %slice3A_1582 = vector.extract_strided_slice %get3A_1325 {offsets = [184, 0], sizes = [8, 1], strides = [1, 1]} : vector<456x1xf32> to vector<8x1xf32>
    %add3A_1583 = vector.broadcast %slice3A_1582 : vector<8x1xf32> to vector<8x1024xf32>
    %add3A_1584 = arith.addf %add3A_1581, %add3A_1583 : vector<8x1024xf32>
    %lt3A_1585 = arith.cmpf olt, %add3A_1584, %select_n3A_1575 : vector<8x1024xf32>
    %select_n3A_1586 = arith.select %lt3A_1585, %add3A_1584, %select_n3A_1575 : vector<8x1024xi1>, vector<8x1024xf32>
    %jit3A_1587 = arith.constant 137 : i32
    %broadcast_in_dim3A_1588 = vector.broadcast %jit3A_1587 : i32 to vector<8x1024xi32>
    %select_n3A_1589 = arith.select %lt3A_1585, %broadcast_in_dim3A_1588, %select_n3A_1578 : vector<8x1024xi1>, vector<8x1024xi32>
    %slice3A_1590 = vector.extract_strided_slice %dot_general3A_1320 {offsets = [192, 0], sizes = [8, 1024], strides = [1, 1]} : vector<456x1024xf32> to vector<8x1024xf32>
    %add3A_1591 = vector.broadcast %get3A_30 : vector<1x1024xf32> to vector<8x1024xf32>
    %add3A_1592 = arith.addf %add3A_1591, %slice3A_1590 : vector<8x1024xf32>
    %slice3A_1593 = vector.extract_strided_slice %get3A_1325 {offsets = [192, 0], sizes = [8, 1], strides = [1, 1]} : vector<456x1xf32> to vector<8x1xf32>
    %add3A_1594 = vector.broadcast %slice3A_1593 : vector<8x1xf32> to vector<8x1024xf32>
    %add3A_1595 = arith.addf %add3A_1592, %add3A_1594 : vector<8x1024xf32>
    %lt3A_1596 = arith.cmpf olt, %add3A_1595, %select_n3A_1586 : vector<8x1024xf32>
    %select_n3A_1597 = arith.select %lt3A_1596, %add3A_1595, %select_n3A_1586 : vector<8x1024xi1>, vector<8x1024xf32>
    %jit3A_1598 = arith.constant 138 : i32
    %broadcast_in_dim3A_1599 = vector.broadcast %jit3A_1598 : i32 to vector<8x1024xi32>
    %select_n3A_1600 = arith.select %lt3A_1596, %broadcast_in_dim3A_1599, %select_n3A_1589 : vector<8x1024xi1>, vector<8x1024xi32>
    %slice3A_1601 = vector.extract_strided_slice %dot_general3A_1320 {offsets = [200, 0], sizes = [8, 1024], strides = [1, 1]} : vector<456x1024xf32> to vector<8x1024xf32>
    %add3A_1602 = vector.broadcast %get3A_30 : vector<1x1024xf32> to vector<8x1024xf32>
    %add3A_1603 = arith.addf %add3A_1602, %slice3A_1601 : vector<8x1024xf32>
    %slice3A_1604 = vector.extract_strided_slice %get3A_1325 {offsets = [200, 0], sizes = [8, 1], strides = [1, 1]} : vector<456x1xf32> to vector<8x1xf32>
    %add3A_1605 = vector.broadcast %slice3A_1604 : vector<8x1xf32> to vector<8x1024xf32>
    %add3A_1606 = arith.addf %add3A_1603, %add3A_1605 : vector<8x1024xf32>
    %lt3A_1607 = arith.cmpf olt, %add3A_1606, %select_n3A_1597 : vector<8x1024xf32>
    %select_n3A_1608 = arith.select %lt3A_1607, %add3A_1606, %select_n3A_1597 : vector<8x1024xi1>, vector<8x1024xf32>
    %jit3A_1609 = arith.constant 139 : i32
    %broadcast_in_dim3A_1610 = vector.broadcast %jit3A_1609 : i32 to vector<8x1024xi32>
    %select_n3A_1611 = arith.select %lt3A_1607, %broadcast_in_dim3A_1610, %select_n3A_1600 : vector<8x1024xi1>, vector<8x1024xi32>
    %slice3A_1612 = vector.extract_strided_slice %dot_general3A_1320 {offsets = [208, 0], sizes = [8, 1024], strides = [1, 1]} : vector<456x1024xf32> to vector<8x1024xf32>
    %add3A_1613 = vector.broadcast %get3A_30 : vector<1x1024xf32> to vector<8x1024xf32>
    %add3A_1614 = arith.addf %add3A_1613, %slice3A_1612 : vector<8x1024xf32>
    %slice3A_1615 = vector.extract_strided_slice %get3A_1325 {offsets = [208, 0], sizes = [8, 1], strides = [1, 1]} : vector<456x1xf32> to vector<8x1xf32>
    %add3A_1616 = vector.broadcast %slice3A_1615 : vector<8x1xf32> to vector<8x1024xf32>
    %add3A_1617 = arith.addf %add3A_1614, %add3A_1616 : vector<8x1024xf32>
    %lt3A_1618 = arith.cmpf olt, %add3A_1617, %select_n3A_1608 : vector<8x1024xf32>
    %select_n3A_1619 = arith.select %lt3A_1618, %add3A_1617, %select_n3A_1608 : vector<8x1024xi1>, vector<8x1024xf32>
    %jit3A_1620 = arith.constant 140 : i32
    %broadcast_in_dim3A_1621 = vector.broadcast %jit3A_1620 : i32 to vector<8x1024xi32>
    %select_n3A_1622 = arith.select %lt3A_1618, %broadcast_in_dim3A_1621, %select_n3A_1611 : vector<8x1024xi1>, vector<8x1024xi32>
    %slice3A_1623 = vector.extract_strided_slice %dot_general3A_1320 {offsets = [216, 0], sizes = [8, 1024], strides = [1, 1]} : vector<456x1024xf32> to vector<8x1024xf32>
    %add3A_1624 = vector.broadcast %get3A_30 : vector<1x1024xf32> to vector<8x1024xf32>
    %add3A_1625 = arith.addf %add3A_1624, %slice3A_1623 : vector<8x1024xf32>
    %slice3A_1626 = vector.extract_strided_slice %get3A_1325 {offsets = [216, 0], sizes = [8, 1], strides = [1, 1]} : vector<456x1xf32> to vector<8x1xf32>
    %add3A_1627 = vector.broadcast %slice3A_1626 : vector<8x1xf32> to vector<8x1024xf32>
    %add3A_1628 = arith.addf %add3A_1625, %add3A_1627 : vector<8x1024xf32>
    %lt3A_1629 = arith.cmpf olt, %add3A_1628, %select_n3A_1619 : vector<8x1024xf32>
    %select_n3A_1630 = arith.select %lt3A_1629, %add3A_1628, %select_n3A_1619 : vector<8x1024xi1>, vector<8x1024xf32>
    %jit3A_1631 = arith.constant 141 : i32
    %broadcast_in_dim3A_1632 = vector.broadcast %jit3A_1631 : i32 to vector<8x1024xi32>
    %select_n3A_1633 = arith.select %lt3A_1629, %broadcast_in_dim3A_1632, %select_n3A_1622 : vector<8x1024xi1>, vector<8x1024xi32>
    %slice3A_1634 = vector.extract_strided_slice %dot_general3A_1320 {offsets = [224, 0], sizes = [8, 1024], strides = [1, 1]} : vector<456x1024xf32> to vector<8x1024xf32>
    %add3A_1635 = vector.broadcast %get3A_30 : vector<1x1024xf32> to vector<8x1024xf32>
    %add3A_1636 = arith.addf %add3A_1635, %slice3A_1634 : vector<8x1024xf32>
    %slice3A_1637 = vector.extract_strided_slice %get3A_1325 {offsets = [224, 0], sizes = [8, 1], strides = [1, 1]} : vector<456x1xf32> to vector<8x1xf32>
    %add3A_1638 = vector.broadcast %slice3A_1637 : vector<8x1xf32> to vector<8x1024xf32>
    %add3A_1639 = arith.addf %add3A_1636, %add3A_1638 : vector<8x1024xf32>
    %lt3A_1640 = arith.cmpf olt, %add3A_1639, %select_n3A_1630 : vector<8x1024xf32>
    %select_n3A_1641 = arith.select %lt3A_1640, %add3A_1639, %select_n3A_1630 : vector<8x1024xi1>, vector<8x1024xf32>
    %jit3A_1642 = arith.constant 142 : i32
    %broadcast_in_dim3A_1643 = vector.broadcast %jit3A_1642 : i32 to vector<8x1024xi32>
    %select_n3A_1644 = arith.select %lt3A_1640, %broadcast_in_dim3A_1643, %select_n3A_1633 : vector<8x1024xi1>, vector<8x1024xi32>
    %slice3A_1645 = vector.extract_strided_slice %dot_general3A_1320 {offsets = [232, 0], sizes = [8, 1024], strides = [1, 1]} : vector<456x1024xf32> to vector<8x1024xf32>
    %add3A_1646 = vector.broadcast %get3A_30 : vector<1x1024xf32> to vector<8x1024xf32>
    %add3A_1647 = arith.addf %add3A_1646, %slice3A_1645 : vector<8x1024xf32>
    %slice3A_1648 = vector.extract_strided_slice %get3A_1325 {offsets = [232, 0], sizes = [8, 1], strides = [1, 1]} : vector<456x1xf32> to vector<8x1xf32>
    %add3A_1649 = vector.broadcast %slice3A_1648 : vector<8x1xf32> to vector<8x1024xf32>
    %add3A_1650 = arith.addf %add3A_1647, %add3A_1649 : vector<8x1024xf32>
    %lt3A_1651 = arith.cmpf olt, %add3A_1650, %select_n3A_1641 : vector<8x1024xf32>
    %select_n3A_1652 = arith.select %lt3A_1651, %add3A_1650, %select_n3A_1641 : vector<8x1024xi1>, vector<8x1024xf32>
    %jit3A_1653 = arith.constant 143 : i32
    %broadcast_in_dim3A_1654 = vector.broadcast %jit3A_1653 : i32 to vector<8x1024xi32>
    %select_n3A_1655 = arith.select %lt3A_1651, %broadcast_in_dim3A_1654, %select_n3A_1644 : vector<8x1024xi1>, vector<8x1024xi32>
    %slice3A_1656 = vector.extract_strided_slice %dot_general3A_1320 {offsets = [240, 0], sizes = [8, 1024], strides = [1, 1]} : vector<456x1024xf32> to vector<8x1024xf32>
    %add3A_1657 = vector.broadcast %get3A_30 : vector<1x1024xf32> to vector<8x1024xf32>
    %add3A_1658 = arith.addf %add3A_1657, %slice3A_1656 : vector<8x1024xf32>
    %slice3A_1659 = vector.extract_strided_slice %get3A_1325 {offsets = [240, 0], sizes = [8, 1], strides = [1, 1]} : vector<456x1xf32> to vector<8x1xf32>
    %add3A_1660 = vector.broadcast %slice3A_1659 : vector<8x1xf32> to vector<8x1024xf32>
    %add3A_1661 = arith.addf %add3A_1658, %add3A_1660 : vector<8x1024xf32>
    %lt3A_1662 = arith.cmpf olt, %add3A_1661, %select_n3A_1652 : vector<8x1024xf32>
    %select_n3A_1663 = arith.select %lt3A_1662, %add3A_1661, %select_n3A_1652 : vector<8x1024xi1>, vector<8x1024xf32>
    %jit3A_1664 = arith.constant 144 : i32
    %broadcast_in_dim3A_1665 = vector.broadcast %jit3A_1664 : i32 to vector<8x1024xi32>
    %select_n3A_1666 = arith.select %lt3A_1662, %broadcast_in_dim3A_1665, %select_n3A_1655 : vector<8x1024xi1>, vector<8x1024xi32>
    %slice3A_1667 = vector.extract_strided_slice %dot_general3A_1320 {offsets = [248, 0], sizes = [8, 1024], strides = [1, 1]} : vector<456x1024xf32> to vector<8x1024xf32>
    %add3A_1668 = vector.broadcast %get3A_30 : vector<1x1024xf32> to vector<8x1024xf32>
    %add3A_1669 = arith.addf %add3A_1668, %slice3A_1667 : vector<8x1024xf32>
    %slice3A_1670 = vector.extract_strided_slice %get3A_1325 {offsets = [248, 0], sizes = [8, 1], strides = [1, 1]} : vector<456x1xf32> to vector<8x1xf32>
    %add3A_1671 = vector.broadcast %slice3A_1670 : vector<8x1xf32> to vector<8x1024xf32>
    %add3A_1672 = arith.addf %add3A_1669, %add3A_1671 : vector<8x1024xf32>
    %lt3A_1673 = arith.cmpf olt, %add3A_1672, %select_n3A_1663 : vector<8x1024xf32>
    %select_n3A_1674 = arith.select %lt3A_1673, %add3A_1672, %select_n3A_1663 : vector<8x1024xi1>, vector<8x1024xf32>
    %jit3A_1675 = arith.constant 145 : i32
    %broadcast_in_dim3A_1676 = vector.broadcast %jit3A_1675 : i32 to vector<8x1024xi32>
    %select_n3A_1677 = arith.select %lt3A_1673, %broadcast_in_dim3A_1676, %select_n3A_1666 : vector<8x1024xi1>, vector<8x1024xi32>
    %slice3A_1678 = vector.extract_strided_slice %dot_general3A_1320 {offsets = [256, 0], sizes = [8, 1024], strides = [1, 1]} : vector<456x1024xf32> to vector<8x1024xf32>
    %add3A_1679 = vector.broadcast %get3A_30 : vector<1x1024xf32> to vector<8x1024xf32>
    %add3A_1680 = arith.addf %add3A_1679, %slice3A_1678 : vector<8x1024xf32>
    %slice3A_1681 = vector.extract_strided_slice %get3A_1325 {offsets = [256, 0], sizes = [8, 1], strides = [1, 1]} : vector<456x1xf32> to vector<8x1xf32>
    %add3A_1682 = vector.broadcast %slice3A_1681 : vector<8x1xf32> to vector<8x1024xf32>
    %add3A_1683 = arith.addf %add3A_1680, %add3A_1682 : vector<8x1024xf32>
    %lt3A_1684 = arith.cmpf olt, %add3A_1683, %select_n3A_1674 : vector<8x1024xf32>
    %select_n3A_1685 = arith.select %lt3A_1684, %add3A_1683, %select_n3A_1674 : vector<8x1024xi1>, vector<8x1024xf32>
    %jit3A_1686 = arith.constant 146 : i32
    %broadcast_in_dim3A_1687 = vector.broadcast %jit3A_1686 : i32 to vector<8x1024xi32>
    %select_n3A_1688 = arith.select %lt3A_1684, %broadcast_in_dim3A_1687, %select_n3A_1677 : vector<8x1024xi1>, vector<8x1024xi32>
    %slice3A_1689 = vector.extract_strided_slice %dot_general3A_1320 {offsets = [264, 0], sizes = [8, 1024], strides = [1, 1]} : vector<456x1024xf32> to vector<8x1024xf32>
    %add3A_1690 = vector.broadcast %get3A_30 : vector<1x1024xf32> to vector<8x1024xf32>
    %add3A_1691 = arith.addf %add3A_1690, %slice3A_1689 : vector<8x1024xf32>
    %slice3A_1692 = vector.extract_strided_slice %get3A_1325 {offsets = [264, 0], sizes = [8, 1], strides = [1, 1]} : vector<456x1xf32> to vector<8x1xf32>
    %add3A_1693 = vector.broadcast %slice3A_1692 : vector<8x1xf32> to vector<8x1024xf32>
    %add3A_1694 = arith.addf %add3A_1691, %add3A_1693 : vector<8x1024xf32>
    %lt3A_1695 = arith.cmpf olt, %add3A_1694, %select_n3A_1685 : vector<8x1024xf32>
    %select_n3A_1696 = arith.select %lt3A_1695, %add3A_1694, %select_n3A_1685 : vector<8x1024xi1>, vector<8x1024xf32>
    %jit3A_1697 = arith.constant 147 : i32
    %broadcast_in_dim3A_1698 = vector.broadcast %jit3A_1697 : i32 to vector<8x1024xi32>
    %select_n3A_1699 = arith.select %lt3A_1695, %broadcast_in_dim3A_1698, %select_n3A_1688 : vector<8x1024xi1>, vector<8x1024xi32>
    %slice3A_1700 = vector.extract_strided_slice %dot_general3A_1320 {offsets = [272, 0], sizes = [8, 1024], strides = [1, 1]} : vector<456x1024xf32> to vector<8x1024xf32>
    %add3A_1701 = vector.broadcast %get3A_30 : vector<1x1024xf32> to vector<8x1024xf32>
    %add3A_1702 = arith.addf %add3A_1701, %slice3A_1700 : vector<8x1024xf32>
    %slice3A_1703 = vector.extract_strided_slice %get3A_1325 {offsets = [272, 0], sizes = [8, 1], strides = [1, 1]} : vector<456x1xf32> to vector<8x1xf32>
    %add3A_1704 = vector.broadcast %slice3A_1703 : vector<8x1xf32> to vector<8x1024xf32>
    %add3A_1705 = arith.addf %add3A_1702, %add3A_1704 : vector<8x1024xf32>
    %lt3A_1706 = arith.cmpf olt, %add3A_1705, %select_n3A_1696 : vector<8x1024xf32>
    %select_n3A_1707 = arith.select %lt3A_1706, %add3A_1705, %select_n3A_1696 : vector<8x1024xi1>, vector<8x1024xf32>
    %jit3A_1708 = arith.constant 148 : i32
    %broadcast_in_dim3A_1709 = vector.broadcast %jit3A_1708 : i32 to vector<8x1024xi32>
    %select_n3A_1710 = arith.select %lt3A_1706, %broadcast_in_dim3A_1709, %select_n3A_1699 : vector<8x1024xi1>, vector<8x1024xi32>
    %slice3A_1711 = vector.extract_strided_slice %dot_general3A_1320 {offsets = [280, 0], sizes = [8, 1024], strides = [1, 1]} : vector<456x1024xf32> to vector<8x1024xf32>
    %add3A_1712 = vector.broadcast %get3A_30 : vector<1x1024xf32> to vector<8x1024xf32>
    %add3A_1713 = arith.addf %add3A_1712, %slice3A_1711 : vector<8x1024xf32>
    %slice3A_1714 = vector.extract_strided_slice %get3A_1325 {offsets = [280, 0], sizes = [8, 1], strides = [1, 1]} : vector<456x1xf32> to vector<8x1xf32>
    %add3A_1715 = vector.broadcast %slice3A_1714 : vector<8x1xf32> to vector<8x1024xf32>
    %add3A_1716 = arith.addf %add3A_1713, %add3A_1715 : vector<8x1024xf32>
    %lt3A_1717 = arith.cmpf olt, %add3A_1716, %select_n3A_1707 : vector<8x1024xf32>
    %select_n3A_1718 = arith.select %lt3A_1717, %add3A_1716, %select_n3A_1707 : vector<8x1024xi1>, vector<8x1024xf32>
    %jit3A_1719 = arith.constant 149 : i32
    %broadcast_in_dim3A_1720 = vector.broadcast %jit3A_1719 : i32 to vector<8x1024xi32>
    %select_n3A_1721 = arith.select %lt3A_1717, %broadcast_in_dim3A_1720, %select_n3A_1710 : vector<8x1024xi1>, vector<8x1024xi32>
    %slice3A_1722 = vector.extract_strided_slice %dot_general3A_1320 {offsets = [288, 0], sizes = [8, 1024], strides = [1, 1]} : vector<456x1024xf32> to vector<8x1024xf32>
    %add3A_1723 = vector.broadcast %get3A_30 : vector<1x1024xf32> to vector<8x1024xf32>
    %add3A_1724 = arith.addf %add3A_1723, %slice3A_1722 : vector<8x1024xf32>
    %slice3A_1725 = vector.extract_strided_slice %get3A_1325 {offsets = [288, 0], sizes = [8, 1], strides = [1, 1]} : vector<456x1xf32> to vector<8x1xf32>
    %add3A_1726 = vector.broadcast %slice3A_1725 : vector<8x1xf32> to vector<8x1024xf32>
    %add3A_1727 = arith.addf %add3A_1724, %add3A_1726 : vector<8x1024xf32>
    %lt3A_1728 = arith.cmpf olt, %add3A_1727, %select_n3A_1718 : vector<8x1024xf32>
    %select_n3A_1729 = arith.select %lt3A_1728, %add3A_1727, %select_n3A_1718 : vector<8x1024xi1>, vector<8x1024xf32>
    %jit3A_1730 = arith.constant 150 : i32
    %broadcast_in_dim3A_1731 = vector.broadcast %jit3A_1730 : i32 to vector<8x1024xi32>
    %select_n3A_1732 = arith.select %lt3A_1728, %broadcast_in_dim3A_1731, %select_n3A_1721 : vector<8x1024xi1>, vector<8x1024xi32>
    %slice3A_1733 = vector.extract_strided_slice %dot_general3A_1320 {offsets = [296, 0], sizes = [8, 1024], strides = [1, 1]} : vector<456x1024xf32> to vector<8x1024xf32>
    %add3A_1734 = vector.broadcast %get3A_30 : vector<1x1024xf32> to vector<8x1024xf32>
    %add3A_1735 = arith.addf %add3A_1734, %slice3A_1733 : vector<8x1024xf32>
    %slice3A_1736 = vector.extract_strided_slice %get3A_1325 {offsets = [296, 0], sizes = [8, 1], strides = [1, 1]} : vector<456x1xf32> to vector<8x1xf32>
    %add3A_1737 = vector.broadcast %slice3A_1736 : vector<8x1xf32> to vector<8x1024xf32>
    %add3A_1738 = arith.addf %add3A_1735, %add3A_1737 : vector<8x1024xf32>
    %lt3A_1739 = arith.cmpf olt, %add3A_1738, %select_n3A_1729 : vector<8x1024xf32>
    %select_n3A_1740 = arith.select %lt3A_1739, %add3A_1738, %select_n3A_1729 : vector<8x1024xi1>, vector<8x1024xf32>
    %jit3A_1741 = arith.constant 151 : i32
    %broadcast_in_dim3A_1742 = vector.broadcast %jit3A_1741 : i32 to vector<8x1024xi32>
    %select_n3A_1743 = arith.select %lt3A_1739, %broadcast_in_dim3A_1742, %select_n3A_1732 : vector<8x1024xi1>, vector<8x1024xi32>
    %slice3A_1744 = vector.extract_strided_slice %dot_general3A_1320 {offsets = [304, 0], sizes = [8, 1024], strides = [1, 1]} : vector<456x1024xf32> to vector<8x1024xf32>
    %add3A_1745 = vector.broadcast %get3A_30 : vector<1x1024xf32> to vector<8x1024xf32>
    %add3A_1746 = arith.addf %add3A_1745, %slice3A_1744 : vector<8x1024xf32>
    %slice3A_1747 = vector.extract_strided_slice %get3A_1325 {offsets = [304, 0], sizes = [8, 1], strides = [1, 1]} : vector<456x1xf32> to vector<8x1xf32>
    %add3A_1748 = vector.broadcast %slice3A_1747 : vector<8x1xf32> to vector<8x1024xf32>
    %add3A_1749 = arith.addf %add3A_1746, %add3A_1748 : vector<8x1024xf32>
    %lt3A_1750 = arith.cmpf olt, %add3A_1749, %select_n3A_1740 : vector<8x1024xf32>
    %select_n3A_1751 = arith.select %lt3A_1750, %add3A_1749, %select_n3A_1740 : vector<8x1024xi1>, vector<8x1024xf32>
    %jit3A_1752 = arith.constant 152 : i32
    %broadcast_in_dim3A_1753 = vector.broadcast %jit3A_1752 : i32 to vector<8x1024xi32>
    %select_n3A_1754 = arith.select %lt3A_1750, %broadcast_in_dim3A_1753, %select_n3A_1743 : vector<8x1024xi1>, vector<8x1024xi32>
    %slice3A_1755 = vector.extract_strided_slice %dot_general3A_1320 {offsets = [312, 0], sizes = [8, 1024], strides = [1, 1]} : vector<456x1024xf32> to vector<8x1024xf32>
    %add3A_1756 = vector.broadcast %get3A_30 : vector<1x1024xf32> to vector<8x1024xf32>
    %add3A_1757 = arith.addf %add3A_1756, %slice3A_1755 : vector<8x1024xf32>
    %slice3A_1758 = vector.extract_strided_slice %get3A_1325 {offsets = [312, 0], sizes = [8, 1], strides = [1, 1]} : vector<456x1xf32> to vector<8x1xf32>
    %add3A_1759 = vector.broadcast %slice3A_1758 : vector<8x1xf32> to vector<8x1024xf32>
    %add3A_1760 = arith.addf %add3A_1757, %add3A_1759 : vector<8x1024xf32>
    %lt3A_1761 = arith.cmpf olt, %add3A_1760, %select_n3A_1751 : vector<8x1024xf32>
    %select_n3A_1762 = arith.select %lt3A_1761, %add3A_1760, %select_n3A_1751 : vector<8x1024xi1>, vector<8x1024xf32>
    %jit3A_1763 = arith.constant 153 : i32
    %broadcast_in_dim3A_1764 = vector.broadcast %jit3A_1763 : i32 to vector<8x1024xi32>
    %select_n3A_1765 = arith.select %lt3A_1761, %broadcast_in_dim3A_1764, %select_n3A_1754 : vector<8x1024xi1>, vector<8x1024xi32>
    %slice3A_1766 = vector.extract_strided_slice %dot_general3A_1320 {offsets = [320, 0], sizes = [8, 1024], strides = [1, 1]} : vector<456x1024xf32> to vector<8x1024xf32>
    %add3A_1767 = vector.broadcast %get3A_30 : vector<1x1024xf32> to vector<8x1024xf32>
    %add3A_1768 = arith.addf %add3A_1767, %slice3A_1766 : vector<8x1024xf32>
    %slice3A_1769 = vector.extract_strided_slice %get3A_1325 {offsets = [320, 0], sizes = [8, 1], strides = [1, 1]} : vector<456x1xf32> to vector<8x1xf32>
    %add3A_1770 = vector.broadcast %slice3A_1769 : vector<8x1xf32> to vector<8x1024xf32>
    %add3A_1771 = arith.addf %add3A_1768, %add3A_1770 : vector<8x1024xf32>
    %lt3A_1772 = arith.cmpf olt, %add3A_1771, %select_n3A_1762 : vector<8x1024xf32>
    %select_n3A_1773 = arith.select %lt3A_1772, %add3A_1771, %select_n3A_1762 : vector<8x1024xi1>, vector<8x1024xf32>
    %jit3A_1774 = arith.constant 154 : i32
    %broadcast_in_dim3A_1775 = vector.broadcast %jit3A_1774 : i32 to vector<8x1024xi32>
    %select_n3A_1776 = arith.select %lt3A_1772, %broadcast_in_dim3A_1775, %select_n3A_1765 : vector<8x1024xi1>, vector<8x1024xi32>
    %slice3A_1777 = vector.extract_strided_slice %dot_general3A_1320 {offsets = [328, 0], sizes = [8, 1024], strides = [1, 1]} : vector<456x1024xf32> to vector<8x1024xf32>
    %add3A_1778 = vector.broadcast %get3A_30 : vector<1x1024xf32> to vector<8x1024xf32>
    %add3A_1779 = arith.addf %add3A_1778, %slice3A_1777 : vector<8x1024xf32>
    %slice3A_1780 = vector.extract_strided_slice %get3A_1325 {offsets = [328, 0], sizes = [8, 1], strides = [1, 1]} : vector<456x1xf32> to vector<8x1xf32>
    %add3A_1781 = vector.broadcast %slice3A_1780 : vector<8x1xf32> to vector<8x1024xf32>
    %add3A_1782 = arith.addf %add3A_1779, %add3A_1781 : vector<8x1024xf32>
    %lt3A_1783 = arith.cmpf olt, %add3A_1782, %select_n3A_1773 : vector<8x1024xf32>
    %select_n3A_1784 = arith.select %lt3A_1783, %add3A_1782, %select_n3A_1773 : vector<8x1024xi1>, vector<8x1024xf32>
    %jit3A_1785 = arith.constant 155 : i32
    %broadcast_in_dim3A_1786 = vector.broadcast %jit3A_1785 : i32 to vector<8x1024xi32>
    %select_n3A_1787 = arith.select %lt3A_1783, %broadcast_in_dim3A_1786, %select_n3A_1776 : vector<8x1024xi1>, vector<8x1024xi32>
    %slice3A_1788 = vector.extract_strided_slice %dot_general3A_1320 {offsets = [336, 0], sizes = [8, 1024], strides = [1, 1]} : vector<456x1024xf32> to vector<8x1024xf32>
    %add3A_1789 = vector.broadcast %get3A_30 : vector<1x1024xf32> to vector<8x1024xf32>
    %add3A_1790 = arith.addf %add3A_1789, %slice3A_1788 : vector<8x1024xf32>
    %slice3A_1791 = vector.extract_strided_slice %get3A_1325 {offsets = [336, 0], sizes = [8, 1], strides = [1, 1]} : vector<456x1xf32> to vector<8x1xf32>
    %add3A_1792 = vector.broadcast %slice3A_1791 : vector<8x1xf32> to vector<8x1024xf32>
    %add3A_1793 = arith.addf %add3A_1790, %add3A_1792 : vector<8x1024xf32>
    %lt3A_1794 = arith.cmpf olt, %add3A_1793, %select_n3A_1784 : vector<8x1024xf32>
    %select_n3A_1795 = arith.select %lt3A_1794, %add3A_1793, %select_n3A_1784 : vector<8x1024xi1>, vector<8x1024xf32>
    %jit3A_1796 = arith.constant 156 : i32
    %broadcast_in_dim3A_1797 = vector.broadcast %jit3A_1796 : i32 to vector<8x1024xi32>
    %select_n3A_1798 = arith.select %lt3A_1794, %broadcast_in_dim3A_1797, %select_n3A_1787 : vector<8x1024xi1>, vector<8x1024xi32>
    %slice3A_1799 = vector.extract_strided_slice %dot_general3A_1320 {offsets = [344, 0], sizes = [8, 1024], strides = [1, 1]} : vector<456x1024xf32> to vector<8x1024xf32>
    %add3A_1800 = vector.broadcast %get3A_30 : vector<1x1024xf32> to vector<8x1024xf32>
    %add3A_1801 = arith.addf %add3A_1800, %slice3A_1799 : vector<8x1024xf32>
    %slice3A_1802 = vector.extract_strided_slice %get3A_1325 {offsets = [344, 0], sizes = [8, 1], strides = [1, 1]} : vector<456x1xf32> to vector<8x1xf32>
    %add3A_1803 = vector.broadcast %slice3A_1802 : vector<8x1xf32> to vector<8x1024xf32>
    %add3A_1804 = arith.addf %add3A_1801, %add3A_1803 : vector<8x1024xf32>
    %lt3A_1805 = arith.cmpf olt, %add3A_1804, %select_n3A_1795 : vector<8x1024xf32>
    %select_n3A_1806 = arith.select %lt3A_1805, %add3A_1804, %select_n3A_1795 : vector<8x1024xi1>, vector<8x1024xf32>
    %jit3A_1807 = arith.constant 157 : i32
    %broadcast_in_dim3A_1808 = vector.broadcast %jit3A_1807 : i32 to vector<8x1024xi32>
    %select_n3A_1809 = arith.select %lt3A_1805, %broadcast_in_dim3A_1808, %select_n3A_1798 : vector<8x1024xi1>, vector<8x1024xi32>
    %slice3A_1810 = vector.extract_strided_slice %dot_general3A_1320 {offsets = [352, 0], sizes = [8, 1024], strides = [1, 1]} : vector<456x1024xf32> to vector<8x1024xf32>
    %add3A_1811 = vector.broadcast %get3A_30 : vector<1x1024xf32> to vector<8x1024xf32>
    %add3A_1812 = arith.addf %add3A_1811, %slice3A_1810 : vector<8x1024xf32>
    %slice3A_1813 = vector.extract_strided_slice %get3A_1325 {offsets = [352, 0], sizes = [8, 1], strides = [1, 1]} : vector<456x1xf32> to vector<8x1xf32>
    %add3A_1814 = vector.broadcast %slice3A_1813 : vector<8x1xf32> to vector<8x1024xf32>
    %add3A_1815 = arith.addf %add3A_1812, %add3A_1814 : vector<8x1024xf32>
    %lt3A_1816 = arith.cmpf olt, %add3A_1815, %select_n3A_1806 : vector<8x1024xf32>
    %select_n3A_1817 = arith.select %lt3A_1816, %add3A_1815, %select_n3A_1806 : vector<8x1024xi1>, vector<8x1024xf32>
    %jit3A_1818 = arith.constant 158 : i32
    %broadcast_in_dim3A_1819 = vector.broadcast %jit3A_1818 : i32 to vector<8x1024xi32>
    %select_n3A_1820 = arith.select %lt3A_1816, %broadcast_in_dim3A_1819, %select_n3A_1809 : vector<8x1024xi1>, vector<8x1024xi32>
    %slice3A_1821 = vector.extract_strided_slice %dot_general3A_1320 {offsets = [360, 0], sizes = [8, 1024], strides = [1, 1]} : vector<456x1024xf32> to vector<8x1024xf32>
    %add3A_1822 = vector.broadcast %get3A_30 : vector<1x1024xf32> to vector<8x1024xf32>
    %add3A_1823 = arith.addf %add3A_1822, %slice3A_1821 : vector<8x1024xf32>
    %slice3A_1824 = vector.extract_strided_slice %get3A_1325 {offsets = [360, 0], sizes = [8, 1], strides = [1, 1]} : vector<456x1xf32> to vector<8x1xf32>
    %add3A_1825 = vector.broadcast %slice3A_1824 : vector<8x1xf32> to vector<8x1024xf32>
    %add3A_1826 = arith.addf %add3A_1823, %add3A_1825 : vector<8x1024xf32>
    %lt3A_1827 = arith.cmpf olt, %add3A_1826, %select_n3A_1817 : vector<8x1024xf32>
    %select_n3A_1828 = arith.select %lt3A_1827, %add3A_1826, %select_n3A_1817 : vector<8x1024xi1>, vector<8x1024xf32>
    %jit3A_1829 = arith.constant 159 : i32
    %broadcast_in_dim3A_1830 = vector.broadcast %jit3A_1829 : i32 to vector<8x1024xi32>
    %select_n3A_1831 = arith.select %lt3A_1827, %broadcast_in_dim3A_1830, %select_n3A_1820 : vector<8x1024xi1>, vector<8x1024xi32>
    %slice3A_1832 = vector.extract_strided_slice %dot_general3A_1320 {offsets = [368, 0], sizes = [8, 1024], strides = [1, 1]} : vector<456x1024xf32> to vector<8x1024xf32>
    %add3A_1833 = vector.broadcast %get3A_30 : vector<1x1024xf32> to vector<8x1024xf32>
    %add3A_1834 = arith.addf %add3A_1833, %slice3A_1832 : vector<8x1024xf32>
    %slice3A_1835 = vector.extract_strided_slice %get3A_1325 {offsets = [368, 0], sizes = [8, 1], strides = [1, 1]} : vector<456x1xf32> to vector<8x1xf32>
    %add3A_1836 = vector.broadcast %slice3A_1835 : vector<8x1xf32> to vector<8x1024xf32>
    %add3A_1837 = arith.addf %add3A_1834, %add3A_1836 : vector<8x1024xf32>
    %lt3A_1838 = arith.cmpf olt, %add3A_1837, %select_n3A_1828 : vector<8x1024xf32>
    %select_n3A_1839 = arith.select %lt3A_1838, %add3A_1837, %select_n3A_1828 : vector<8x1024xi1>, vector<8x1024xf32>
    %jit3A_1840 = arith.constant 160 : i32
    %broadcast_in_dim3A_1841 = vector.broadcast %jit3A_1840 : i32 to vector<8x1024xi32>
    %select_n3A_1842 = arith.select %lt3A_1838, %broadcast_in_dim3A_1841, %select_n3A_1831 : vector<8x1024xi1>, vector<8x1024xi32>
    %slice3A_1843 = vector.extract_strided_slice %dot_general3A_1320 {offsets = [376, 0], sizes = [8, 1024], strides = [1, 1]} : vector<456x1024xf32> to vector<8x1024xf32>
    %add3A_1844 = vector.broadcast %get3A_30 : vector<1x1024xf32> to vector<8x1024xf32>
    %add3A_1845 = arith.addf %add3A_1844, %slice3A_1843 : vector<8x1024xf32>
    %slice3A_1846 = vector.extract_strided_slice %get3A_1325 {offsets = [376, 0], sizes = [8, 1], strides = [1, 1]} : vector<456x1xf32> to vector<8x1xf32>
    %add3A_1847 = vector.broadcast %slice3A_1846 : vector<8x1xf32> to vector<8x1024xf32>
    %add3A_1848 = arith.addf %add3A_1845, %add3A_1847 : vector<8x1024xf32>
    %lt3A_1849 = arith.cmpf olt, %add3A_1848, %select_n3A_1839 : vector<8x1024xf32>
    %select_n3A_1850 = arith.select %lt3A_1849, %add3A_1848, %select_n3A_1839 : vector<8x1024xi1>, vector<8x1024xf32>
    %jit3A_1851 = arith.constant 161 : i32
    %broadcast_in_dim3A_1852 = vector.broadcast %jit3A_1851 : i32 to vector<8x1024xi32>
    %select_n3A_1853 = arith.select %lt3A_1849, %broadcast_in_dim3A_1852, %select_n3A_1842 : vector<8x1024xi1>, vector<8x1024xi32>
    %slice3A_1854 = vector.extract_strided_slice %dot_general3A_1320 {offsets = [384, 0], sizes = [8, 1024], strides = [1, 1]} : vector<456x1024xf32> to vector<8x1024xf32>
    %add3A_1855 = vector.broadcast %get3A_30 : vector<1x1024xf32> to vector<8x1024xf32>
    %add3A_1856 = arith.addf %add3A_1855, %slice3A_1854 : vector<8x1024xf32>
    %slice3A_1857 = vector.extract_strided_slice %get3A_1325 {offsets = [384, 0], sizes = [8, 1], strides = [1, 1]} : vector<456x1xf32> to vector<8x1xf32>
    %add3A_1858 = vector.broadcast %slice3A_1857 : vector<8x1xf32> to vector<8x1024xf32>
    %add3A_1859 = arith.addf %add3A_1856, %add3A_1858 : vector<8x1024xf32>
    %lt3A_1860 = arith.cmpf olt, %add3A_1859, %select_n3A_1850 : vector<8x1024xf32>
    %select_n3A_1861 = arith.select %lt3A_1860, %add3A_1859, %select_n3A_1850 : vector<8x1024xi1>, vector<8x1024xf32>
    %jit3A_1862 = arith.constant 162 : i32
    %broadcast_in_dim3A_1863 = vector.broadcast %jit3A_1862 : i32 to vector<8x1024xi32>
    %select_n3A_1864 = arith.select %lt3A_1860, %broadcast_in_dim3A_1863, %select_n3A_1853 : vector<8x1024xi1>, vector<8x1024xi32>
    %slice3A_1865 = vector.extract_strided_slice %dot_general3A_1320 {offsets = [392, 0], sizes = [8, 1024], strides = [1, 1]} : vector<456x1024xf32> to vector<8x1024xf32>
    %add3A_1866 = vector.broadcast %get3A_30 : vector<1x1024xf32> to vector<8x1024xf32>
    %add3A_1867 = arith.addf %add3A_1866, %slice3A_1865 : vector<8x1024xf32>
    %slice3A_1868 = vector.extract_strided_slice %get3A_1325 {offsets = [392, 0], sizes = [8, 1], strides = [1, 1]} : vector<456x1xf32> to vector<8x1xf32>
    %add3A_1869 = vector.broadcast %slice3A_1868 : vector<8x1xf32> to vector<8x1024xf32>
    %add3A_1870 = arith.addf %add3A_1867, %add3A_1869 : vector<8x1024xf32>
    %lt3A_1871 = arith.cmpf olt, %add3A_1870, %select_n3A_1861 : vector<8x1024xf32>
    %select_n3A_1872 = arith.select %lt3A_1871, %add3A_1870, %select_n3A_1861 : vector<8x1024xi1>, vector<8x1024xf32>
    %jit3A_1873 = arith.constant 163 : i32
    %broadcast_in_dim3A_1874 = vector.broadcast %jit3A_1873 : i32 to vector<8x1024xi32>
    %select_n3A_1875 = arith.select %lt3A_1871, %broadcast_in_dim3A_1874, %select_n3A_1864 : vector<8x1024xi1>, vector<8x1024xi32>
    %slice3A_1876 = vector.extract_strided_slice %dot_general3A_1320 {offsets = [400, 0], sizes = [8, 1024], strides = [1, 1]} : vector<456x1024xf32> to vector<8x1024xf32>
    %add3A_1877 = vector.broadcast %get3A_30 : vector<1x1024xf32> to vector<8x1024xf32>
    %add3A_1878 = arith.addf %add3A_1877, %slice3A_1876 : vector<8x1024xf32>
    %slice3A_1879 = vector.extract_strided_slice %get3A_1325 {offsets = [400, 0], sizes = [8, 1], strides = [1, 1]} : vector<456x1xf32> to vector<8x1xf32>
    %add3A_1880 = vector.broadcast %slice3A_1879 : vector<8x1xf32> to vector<8x1024xf32>
    %add3A_1881 = arith.addf %add3A_1878, %add3A_1880 : vector<8x1024xf32>
    %lt3A_1882 = arith.cmpf olt, %add3A_1881, %select_n3A_1872 : vector<8x1024xf32>
    %select_n3A_1883 = arith.select %lt3A_1882, %add3A_1881, %select_n3A_1872 : vector<8x1024xi1>, vector<8x1024xf32>
    %jit3A_1884 = arith.constant 164 : i32
    %broadcast_in_dim3A_1885 = vector.broadcast %jit3A_1884 : i32 to vector<8x1024xi32>
    %select_n3A_1886 = arith.select %lt3A_1882, %broadcast_in_dim3A_1885, %select_n3A_1875 : vector<8x1024xi1>, vector<8x1024xi32>
    %slice3A_1887 = vector.extract_strided_slice %dot_general3A_1320 {offsets = [408, 0], sizes = [8, 1024], strides = [1, 1]} : vector<456x1024xf32> to vector<8x1024xf32>
    %add3A_1888 = vector.broadcast %get3A_30 : vector<1x1024xf32> to vector<8x1024xf32>
    %add3A_1889 = arith.addf %add3A_1888, %slice3A_1887 : vector<8x1024xf32>
    %slice3A_1890 = vector.extract_strided_slice %get3A_1325 {offsets = [408, 0], sizes = [8, 1], strides = [1, 1]} : vector<456x1xf32> to vector<8x1xf32>
    %add3A_1891 = vector.broadcast %slice3A_1890 : vector<8x1xf32> to vector<8x1024xf32>
    %add3A_1892 = arith.addf %add3A_1889, %add3A_1891 : vector<8x1024xf32>
    %lt3A_1893 = arith.cmpf olt, %add3A_1892, %select_n3A_1883 : vector<8x1024xf32>
    %select_n3A_1894 = arith.select %lt3A_1893, %add3A_1892, %select_n3A_1883 : vector<8x1024xi1>, vector<8x1024xf32>
    %jit3A_1895 = arith.constant 165 : i32
    %broadcast_in_dim3A_1896 = vector.broadcast %jit3A_1895 : i32 to vector<8x1024xi32>
    %select_n3A_1897 = arith.select %lt3A_1893, %broadcast_in_dim3A_1896, %select_n3A_1886 : vector<8x1024xi1>, vector<8x1024xi32>
    %slice3A_1898 = vector.extract_strided_slice %dot_general3A_1320 {offsets = [416, 0], sizes = [8, 1024], strides = [1, 1]} : vector<456x1024xf32> to vector<8x1024xf32>
    %add3A_1899 = vector.broadcast %get3A_30 : vector<1x1024xf32> to vector<8x1024xf32>
    %add3A_1900 = arith.addf %add3A_1899, %slice3A_1898 : vector<8x1024xf32>
    %slice3A_1901 = vector.extract_strided_slice %get3A_1325 {offsets = [416, 0], sizes = [8, 1], strides = [1, 1]} : vector<456x1xf32> to vector<8x1xf32>
    %add3A_1902 = vector.broadcast %slice3A_1901 : vector<8x1xf32> to vector<8x1024xf32>
    %add3A_1903 = arith.addf %add3A_1900, %add3A_1902 : vector<8x1024xf32>
    %lt3A_1904 = arith.cmpf olt, %add3A_1903, %select_n3A_1894 : vector<8x1024xf32>
    %select_n3A_1905 = arith.select %lt3A_1904, %add3A_1903, %select_n3A_1894 : vector<8x1024xi1>, vector<8x1024xf32>
    %jit3A_1906 = arith.constant 166 : i32
    %broadcast_in_dim3A_1907 = vector.broadcast %jit3A_1906 : i32 to vector<8x1024xi32>
    %select_n3A_1908 = arith.select %lt3A_1904, %broadcast_in_dim3A_1907, %select_n3A_1897 : vector<8x1024xi1>, vector<8x1024xi32>
    %slice3A_1909 = vector.extract_strided_slice %dot_general3A_1320 {offsets = [424, 0], sizes = [8, 1024], strides = [1, 1]} : vector<456x1024xf32> to vector<8x1024xf32>
    %add3A_1910 = vector.broadcast %get3A_30 : vector<1x1024xf32> to vector<8x1024xf32>
    %add3A_1911 = arith.addf %add3A_1910, %slice3A_1909 : vector<8x1024xf32>
    %slice3A_1912 = vector.extract_strided_slice %get3A_1325 {offsets = [424, 0], sizes = [8, 1], strides = [1, 1]} : vector<456x1xf32> to vector<8x1xf32>
    %add3A_1913 = vector.broadcast %slice3A_1912 : vector<8x1xf32> to vector<8x1024xf32>
    %add3A_1914 = arith.addf %add3A_1911, %add3A_1913 : vector<8x1024xf32>
    %lt3A_1915 = arith.cmpf olt, %add3A_1914, %select_n3A_1905 : vector<8x1024xf32>
    %select_n3A_1916 = arith.select %lt3A_1915, %add3A_1914, %select_n3A_1905 : vector<8x1024xi1>, vector<8x1024xf32>
    %jit3A_1917 = arith.constant 167 : i32
    %broadcast_in_dim3A_1918 = vector.broadcast %jit3A_1917 : i32 to vector<8x1024xi32>
    %select_n3A_1919 = arith.select %lt3A_1915, %broadcast_in_dim3A_1918, %select_n3A_1908 : vector<8x1024xi1>, vector<8x1024xi32>
    %slice3A_1920 = vector.extract_strided_slice %dot_general3A_1320 {offsets = [432, 0], sizes = [8, 1024], strides = [1, 1]} : vector<456x1024xf32> to vector<8x1024xf32>
    %add3A_1921 = vector.broadcast %get3A_30 : vector<1x1024xf32> to vector<8x1024xf32>
    %add3A_1922 = arith.addf %add3A_1921, %slice3A_1920 : vector<8x1024xf32>
    %slice3A_1923 = vector.extract_strided_slice %get3A_1325 {offsets = [432, 0], sizes = [8, 1], strides = [1, 1]} : vector<456x1xf32> to vector<8x1xf32>
    %add3A_1924 = vector.broadcast %slice3A_1923 : vector<8x1xf32> to vector<8x1024xf32>
    %add3A_1925 = arith.addf %add3A_1922, %add3A_1924 : vector<8x1024xf32>
    %lt3A_1926 = arith.cmpf olt, %add3A_1925, %select_n3A_1916 : vector<8x1024xf32>
    %select_n3A_1927 = arith.select %lt3A_1926, %add3A_1925, %select_n3A_1916 : vector<8x1024xi1>, vector<8x1024xf32>
    %jit3A_1928 = arith.constant 168 : i32
    %broadcast_in_dim3A_1929 = vector.broadcast %jit3A_1928 : i32 to vector<8x1024xi32>
    %select_n3A_1930 = arith.select %lt3A_1926, %broadcast_in_dim3A_1929, %select_n3A_1919 : vector<8x1024xi1>, vector<8x1024xi32>
    %slice3A_1931 = vector.extract_strided_slice %dot_general3A_1320 {offsets = [440, 0], sizes = [8, 1024], strides = [1, 1]} : vector<456x1024xf32> to vector<8x1024xf32>
    %add3A_1932 = vector.broadcast %get3A_30 : vector<1x1024xf32> to vector<8x1024xf32>
    %add3A_1933 = arith.addf %add3A_1932, %slice3A_1931 : vector<8x1024xf32>
    %slice3A_1934 = vector.extract_strided_slice %get3A_1325 {offsets = [440, 0], sizes = [8, 1], strides = [1, 1]} : vector<456x1xf32> to vector<8x1xf32>
    %add3A_1935 = vector.broadcast %slice3A_1934 : vector<8x1xf32> to vector<8x1024xf32>
    %add3A_1936 = arith.addf %add3A_1933, %add3A_1935 : vector<8x1024xf32>
    %lt3A_1937 = arith.cmpf olt, %add3A_1936, %select_n3A_1927 : vector<8x1024xf32>
    %select_n3A_1938 = arith.select %lt3A_1937, %add3A_1936, %select_n3A_1927 : vector<8x1024xi1>, vector<8x1024xf32>
    %jit3A_1939 = arith.constant 169 : i32
    %broadcast_in_dim3A_1940 = vector.broadcast %jit3A_1939 : i32 to vector<8x1024xi32>
    %select_n3A_1941 = arith.select %lt3A_1937, %broadcast_in_dim3A_1940, %select_n3A_1930 : vector<8x1024xi1>, vector<8x1024xi32>
    %slice3A_1942 = vector.extract_strided_slice %dot_general3A_1320 {offsets = [448, 0], sizes = [8, 1024], strides = [1, 1]} : vector<456x1024xf32> to vector<8x1024xf32>
    %add3A_1943 = vector.broadcast %get3A_30 : vector<1x1024xf32> to vector<8x1024xf32>
    %add3A_1944 = arith.addf %add3A_1943, %slice3A_1942 : vector<8x1024xf32>
    %slice3A_1945 = vector.extract_strided_slice %get3A_1325 {offsets = [448, 0], sizes = [8, 1], strides = [1, 1]} : vector<456x1xf32> to vector<8x1xf32>
    %add3A_1946 = vector.broadcast %slice3A_1945 : vector<8x1xf32> to vector<8x1024xf32>
    %add3A_1947 = arith.addf %add3A_1944, %add3A_1946 : vector<8x1024xf32>
    %lt3A_1948 = arith.cmpf olt, %add3A_1947, %select_n3A_1938 : vector<8x1024xf32>
    %select_n3A_1949 = arith.select %lt3A_1948, %add3A_1947, %select_n3A_1938 : vector<8x1024xi1>, vector<8x1024xf32>
    %jit3A_1950 = arith.constant 170 : i32
    %broadcast_in_dim3A_1951 = vector.broadcast %jit3A_1950 : i32 to vector<8x1024xi32>
    %select_n3A_1952 = arith.select %lt3A_1948, %broadcast_in_dim3A_1951, %select_n3A_1941 : vector<8x1024xi1>, vector<8x1024xi32>
    %add3A_1953 = arith.constant 1368 : i32
    %add3A_1954 = arith.addi %sub3A_19, %add3A_1953 : i32
    %get3A_1955 = arith.index_cast %add3A_1954 : i32 to index
    %get3A_1956 = arith.constant 0 : index
    %get3A_1957 = vector.load %arg2[%get3A_1955, %get3A_1956] : memref<8192x256xf32, #tpu.memory_space<vmem>>, vector<456x256xf32>
    %dot_general3A_1958 = arith.constant dense<0.000000e+00> : vector<456x1024xf32>
    %dot_general3A_1959 = tpu.matmul %get3A_1957, %mul3A_27, %dot_general3A_1958 {dimension_numbers = #tpu.dot_dimension_numbers<[1], [0], [0], [1], [0, 0, 1, 1], [], []>, transpose_lhs_hint = false} : vector<456x256xf32>, vector<256x1024xf32>, vector<456x1024xf32> -> vector<456x1024xf32>
    %add3A_1960 = arith.constant 1368 : i32
    %add3A_1961 = arith.addi %sub3A_19, %add3A_1960 : i32
    %get3A_1962 = arith.index_cast %add3A_1961 : i32 to index
    %get3A_1963 = arith.constant 0 : index
    %get3A_1964 = vector.load %arg5[%get3A_1962, %get3A_1963] : memref<8192x1xf32, #tpu.memory_space<vmem>>, vector<456x1xf32>
    %slice3A_1965 = vector.extract_strided_slice %dot_general3A_1959 {offsets = [0, 0], sizes = [8, 1024], strides = [1, 1]} : vector<456x1024xf32> to vector<8x1024xf32>
    %add3A_1966 = vector.broadcast %get3A_30 : vector<1x1024xf32> to vector<8x1024xf32>
    %add3A_1967 = arith.addf %add3A_1966, %slice3A_1965 : vector<8x1024xf32>
    %slice3A_1968 = vector.extract_strided_slice %get3A_1964 {offsets = [0, 0], sizes = [8, 1], strides = [1, 1]} : vector<456x1xf32> to vector<8x1xf32>
    %add3A_1969 = vector.broadcast %slice3A_1968 : vector<8x1xf32> to vector<8x1024xf32>
    %add3A_1970 = arith.addf %add3A_1967, %add3A_1969 : vector<8x1024xf32>
    %lt3A_1971 = arith.cmpf olt, %add3A_1970, %select_n3A_1949 : vector<8x1024xf32>
    %select_n3A_1972 = arith.select %lt3A_1971, %add3A_1970, %select_n3A_1949 : vector<8x1024xi1>, vector<8x1024xf32>
    %jit3A_1973 = arith.constant 171 : i32
    %broadcast_in_dim3A_1974 = vector.broadcast %jit3A_1973 : i32 to vector<8x1024xi32>
    %select_n3A_1975 = arith.select %lt3A_1971, %broadcast_in_dim3A_1974, %select_n3A_1952 : vector<8x1024xi1>, vector<8x1024xi32>
    %slice3A_1976 = vector.extract_strided_slice %dot_general3A_1959 {offsets = [8, 0], sizes = [8, 1024], strides = [1, 1]} : vector<456x1024xf32> to vector<8x1024xf32>
    %add3A_1977 = vector.broadcast %get3A_30 : vector<1x1024xf32> to vector<8x1024xf32>
    %add3A_1978 = arith.addf %add3A_1977, %slice3A_1976 : vector<8x1024xf32>
    %slice3A_1979 = vector.extract_strided_slice %get3A_1964 {offsets = [8, 0], sizes = [8, 1], strides = [1, 1]} : vector<456x1xf32> to vector<8x1xf32>
    %add3A_1980 = vector.broadcast %slice3A_1979 : vector<8x1xf32> to vector<8x1024xf32>
    %add3A_1981 = arith.addf %add3A_1978, %add3A_1980 : vector<8x1024xf32>
    %lt3A_1982 = arith.cmpf olt, %add3A_1981, %select_n3A_1972 : vector<8x1024xf32>
    %select_n3A_1983 = arith.select %lt3A_1982, %add3A_1981, %select_n3A_1972 : vector<8x1024xi1>, vector<8x1024xf32>
    %jit3A_1984 = arith.constant 172 : i32
    %broadcast_in_dim3A_1985 = vector.broadcast %jit3A_1984 : i32 to vector<8x1024xi32>
    %select_n3A_1986 = arith.select %lt3A_1982, %broadcast_in_dim3A_1985, %select_n3A_1975 : vector<8x1024xi1>, vector<8x1024xi32>
    %slice3A_1987 = vector.extract_strided_slice %dot_general3A_1959 {offsets = [16, 0], sizes = [8, 1024], strides = [1, 1]} : vector<456x1024xf32> to vector<8x1024xf32>
    %add3A_1988 = vector.broadcast %get3A_30 : vector<1x1024xf32> to vector<8x1024xf32>
    %add3A_1989 = arith.addf %add3A_1988, %slice3A_1987 : vector<8x1024xf32>
    %slice3A_1990 = vector.extract_strided_slice %get3A_1964 {offsets = [16, 0], sizes = [8, 1], strides = [1, 1]} : vector<456x1xf32> to vector<8x1xf32>
    %add3A_1991 = vector.broadcast %slice3A_1990 : vector<8x1xf32> to vector<8x1024xf32>
    %add3A_1992 = arith.addf %add3A_1989, %add3A_1991 : vector<8x1024xf32>
    %lt3A_1993 = arith.cmpf olt, %add3A_1992, %select_n3A_1983 : vector<8x1024xf32>
    %select_n3A_1994 = arith.select %lt3A_1993, %add3A_1992, %select_n3A_1983 : vector<8x1024xi1>, vector<8x1024xf32>
    %jit3A_1995 = arith.constant 173 : i32
    %broadcast_in_dim3A_1996 = vector.broadcast %jit3A_1995 : i32 to vector<8x1024xi32>
    %select_n3A_1997 = arith.select %lt3A_1993, %broadcast_in_dim3A_1996, %select_n3A_1986 : vector<8x1024xi1>, vector<8x1024xi32>
    %slice3A_1998 = vector.extract_strided_slice %dot_general3A_1959 {offsets = [24, 0], sizes = [8, 1024], strides = [1, 1]} : vector<456x1024xf32> to vector<8x1024xf32>
    %add3A_1999 = vector.broadcast %get3A_30 : vector<1x1024xf32> to vector<8x1024xf32>
    %add3A_2000 = arith.addf %add3A_1999, %slice3A_1998 : vector<8x1024xf32>
    %slice3A_2001 = vector.extract_strided_slice %get3A_1964 {offsets = [24, 0], sizes = [8, 1], strides = [1, 1]} : vector<456x1xf32> to vector<8x1xf32>
    %add3A_2002 = vector.broadcast %slice3A_2001 : vector<8x1xf32> to vector<8x1024xf32>
    %add3A_2003 = arith.addf %add3A_2000, %add3A_2002 : vector<8x1024xf32>
    %lt3A_2004 = arith.cmpf olt, %add3A_2003, %select_n3A_1994 : vector<8x1024xf32>
    %select_n3A_2005 = arith.select %lt3A_2004, %add3A_2003, %select_n3A_1994 : vector<8x1024xi1>, vector<8x1024xf32>
    %jit3A_2006 = arith.constant 174 : i32
    %broadcast_in_dim3A_2007 = vector.broadcast %jit3A_2006 : i32 to vector<8x1024xi32>
    %select_n3A_2008 = arith.select %lt3A_2004, %broadcast_in_dim3A_2007, %select_n3A_1997 : vector<8x1024xi1>, vector<8x1024xi32>
    %slice3A_2009 = vector.extract_strided_slice %dot_general3A_1959 {offsets = [32, 0], sizes = [8, 1024], strides = [1, 1]} : vector<456x1024xf32> to vector<8x1024xf32>
    %add3A_2010 = vector.broadcast %get3A_30 : vector<1x1024xf32> to vector<8x1024xf32>
    %add3A_2011 = arith.addf %add3A_2010, %slice3A_2009 : vector<8x1024xf32>
    %slice3A_2012 = vector.extract_strided_slice %get3A_1964 {offsets = [32, 0], sizes = [8, 1], strides = [1, 1]} : vector<456x1xf32> to vector<8x1xf32>
    %add3A_2013 = vector.broadcast %slice3A_2012 : vector<8x1xf32> to vector<8x1024xf32>
    %add3A_2014 = arith.addf %add3A_2011, %add3A_2013 : vector<8x1024xf32>
    %lt3A_2015 = arith.cmpf olt, %add3A_2014, %select_n3A_2005 : vector<8x1024xf32>
    %select_n3A_2016 = arith.select %lt3A_2015, %add3A_2014, %select_n3A_2005 : vector<8x1024xi1>, vector<8x1024xf32>
    %jit3A_2017 = arith.constant 175 : i32
    %broadcast_in_dim3A_2018 = vector.broadcast %jit3A_2017 : i32 to vector<8x1024xi32>
    %select_n3A_2019 = arith.select %lt3A_2015, %broadcast_in_dim3A_2018, %select_n3A_2008 : vector<8x1024xi1>, vector<8x1024xi32>
    %slice3A_2020 = vector.extract_strided_slice %dot_general3A_1959 {offsets = [40, 0], sizes = [8, 1024], strides = [1, 1]} : vector<456x1024xf32> to vector<8x1024xf32>
    %add3A_2021 = vector.broadcast %get3A_30 : vector<1x1024xf32> to vector<8x1024xf32>
    %add3A_2022 = arith.addf %add3A_2021, %slice3A_2020 : vector<8x1024xf32>
    %slice3A_2023 = vector.extract_strided_slice %get3A_1964 {offsets = [40, 0], sizes = [8, 1], strides = [1, 1]} : vector<456x1xf32> to vector<8x1xf32>
    %add3A_2024 = vector.broadcast %slice3A_2023 : vector<8x1xf32> to vector<8x1024xf32>
    %add3A_2025 = arith.addf %add3A_2022, %add3A_2024 : vector<8x1024xf32>
    %lt3A_2026 = arith.cmpf olt, %add3A_2025, %select_n3A_2016 : vector<8x1024xf32>
    %select_n3A_2027 = arith.select %lt3A_2026, %add3A_2025, %select_n3A_2016 : vector<8x1024xi1>, vector<8x1024xf32>
    %jit3A_2028 = arith.constant 176 : i32
    %broadcast_in_dim3A_2029 = vector.broadcast %jit3A_2028 : i32 to vector<8x1024xi32>
    %select_n3A_2030 = arith.select %lt3A_2026, %broadcast_in_dim3A_2029, %select_n3A_2019 : vector<8x1024xi1>, vector<8x1024xi32>
    %slice3A_2031 = vector.extract_strided_slice %dot_general3A_1959 {offsets = [48, 0], sizes = [8, 1024], strides = [1, 1]} : vector<456x1024xf32> to vector<8x1024xf32>
    %add3A_2032 = vector.broadcast %get3A_30 : vector<1x1024xf32> to vector<8x1024xf32>
    %add3A_2033 = arith.addf %add3A_2032, %slice3A_2031 : vector<8x1024xf32>
    %slice3A_2034 = vector.extract_strided_slice %get3A_1964 {offsets = [48, 0], sizes = [8, 1], strides = [1, 1]} : vector<456x1xf32> to vector<8x1xf32>
    %add3A_2035 = vector.broadcast %slice3A_2034 : vector<8x1xf32> to vector<8x1024xf32>
    %add3A_2036 = arith.addf %add3A_2033, %add3A_2035 : vector<8x1024xf32>
    %lt3A_2037 = arith.cmpf olt, %add3A_2036, %select_n3A_2027 : vector<8x1024xf32>
    %select_n3A_2038 = arith.select %lt3A_2037, %add3A_2036, %select_n3A_2027 : vector<8x1024xi1>, vector<8x1024xf32>
    %jit3A_2039 = arith.constant 177 : i32
    %broadcast_in_dim3A_2040 = vector.broadcast %jit3A_2039 : i32 to vector<8x1024xi32>
    %select_n3A_2041 = arith.select %lt3A_2037, %broadcast_in_dim3A_2040, %select_n3A_2030 : vector<8x1024xi1>, vector<8x1024xi32>
    %slice3A_2042 = vector.extract_strided_slice %dot_general3A_1959 {offsets = [56, 0], sizes = [8, 1024], strides = [1, 1]} : vector<456x1024xf32> to vector<8x1024xf32>
    %add3A_2043 = vector.broadcast %get3A_30 : vector<1x1024xf32> to vector<8x1024xf32>
    %add3A_2044 = arith.addf %add3A_2043, %slice3A_2042 : vector<8x1024xf32>
    %slice3A_2045 = vector.extract_strided_slice %get3A_1964 {offsets = [56, 0], sizes = [8, 1], strides = [1, 1]} : vector<456x1xf32> to vector<8x1xf32>
    %add3A_2046 = vector.broadcast %slice3A_2045 : vector<8x1xf32> to vector<8x1024xf32>
    %add3A_2047 = arith.addf %add3A_2044, %add3A_2046 : vector<8x1024xf32>
    %lt3A_2048 = arith.cmpf olt, %add3A_2047, %select_n3A_2038 : vector<8x1024xf32>
    %select_n3A_2049 = arith.select %lt3A_2048, %add3A_2047, %select_n3A_2038 : vector<8x1024xi1>, vector<8x1024xf32>
    %jit3A_2050 = arith.constant 178 : i32
    %broadcast_in_dim3A_2051 = vector.broadcast %jit3A_2050 : i32 to vector<8x1024xi32>
    %select_n3A_2052 = arith.select %lt3A_2048, %broadcast_in_dim3A_2051, %select_n3A_2041 : vector<8x1024xi1>, vector<8x1024xi32>
    %slice3A_2053 = vector.extract_strided_slice %dot_general3A_1959 {offsets = [64, 0], sizes = [8, 1024], strides = [1, 1]} : vector<456x1024xf32> to vector<8x1024xf32>
    %add3A_2054 = vector.broadcast %get3A_30 : vector<1x1024xf32> to vector<8x1024xf32>
    %add3A_2055 = arith.addf %add3A_2054, %slice3A_2053 : vector<8x1024xf32>
    %slice3A_2056 = vector.extract_strided_slice %get3A_1964 {offsets = [64, 0], sizes = [8, 1], strides = [1, 1]} : vector<456x1xf32> to vector<8x1xf32>
    %add3A_2057 = vector.broadcast %slice3A_2056 : vector<8x1xf32> to vector<8x1024xf32>
    %add3A_2058 = arith.addf %add3A_2055, %add3A_2057 : vector<8x1024xf32>
    %lt3A_2059 = arith.cmpf olt, %add3A_2058, %select_n3A_2049 : vector<8x1024xf32>
    %select_n3A_2060 = arith.select %lt3A_2059, %add3A_2058, %select_n3A_2049 : vector<8x1024xi1>, vector<8x1024xf32>
    %jit3A_2061 = arith.constant 179 : i32
    %broadcast_in_dim3A_2062 = vector.broadcast %jit3A_2061 : i32 to vector<8x1024xi32>
    %select_n3A_2063 = arith.select %lt3A_2059, %broadcast_in_dim3A_2062, %select_n3A_2052 : vector<8x1024xi1>, vector<8x1024xi32>
    %slice3A_2064 = vector.extract_strided_slice %dot_general3A_1959 {offsets = [72, 0], sizes = [8, 1024], strides = [1, 1]} : vector<456x1024xf32> to vector<8x1024xf32>
    %add3A_2065 = vector.broadcast %get3A_30 : vector<1x1024xf32> to vector<8x1024xf32>
    %add3A_2066 = arith.addf %add3A_2065, %slice3A_2064 : vector<8x1024xf32>
    %slice3A_2067 = vector.extract_strided_slice %get3A_1964 {offsets = [72, 0], sizes = [8, 1], strides = [1, 1]} : vector<456x1xf32> to vector<8x1xf32>
    %add3A_2068 = vector.broadcast %slice3A_2067 : vector<8x1xf32> to vector<8x1024xf32>
    %add3A_2069 = arith.addf %add3A_2066, %add3A_2068 : vector<8x1024xf32>
    %lt3A_2070 = arith.cmpf olt, %add3A_2069, %select_n3A_2060 : vector<8x1024xf32>
    %select_n3A_2071 = arith.select %lt3A_2070, %add3A_2069, %select_n3A_2060 : vector<8x1024xi1>, vector<8x1024xf32>
    %jit3A_2072 = arith.constant 180 : i32
    %broadcast_in_dim3A_2073 = vector.broadcast %jit3A_2072 : i32 to vector<8x1024xi32>
    %select_n3A_2074 = arith.select %lt3A_2070, %broadcast_in_dim3A_2073, %select_n3A_2063 : vector<8x1024xi1>, vector<8x1024xi32>
    %slice3A_2075 = vector.extract_strided_slice %dot_general3A_1959 {offsets = [80, 0], sizes = [8, 1024], strides = [1, 1]} : vector<456x1024xf32> to vector<8x1024xf32>
    %add3A_2076 = vector.broadcast %get3A_30 : vector<1x1024xf32> to vector<8x1024xf32>
    %add3A_2077 = arith.addf %add3A_2076, %slice3A_2075 : vector<8x1024xf32>
    %slice3A_2078 = vector.extract_strided_slice %get3A_1964 {offsets = [80, 0], sizes = [8, 1], strides = [1, 1]} : vector<456x1xf32> to vector<8x1xf32>
    %add3A_2079 = vector.broadcast %slice3A_2078 : vector<8x1xf32> to vector<8x1024xf32>
    %add3A_2080 = arith.addf %add3A_2077, %add3A_2079 : vector<8x1024xf32>
    %lt3A_2081 = arith.cmpf olt, %add3A_2080, %select_n3A_2071 : vector<8x1024xf32>
    %select_n3A_2082 = arith.select %lt3A_2081, %add3A_2080, %select_n3A_2071 : vector<8x1024xi1>, vector<8x1024xf32>
    %jit3A_2083 = arith.constant 181 : i32
    %broadcast_in_dim3A_2084 = vector.broadcast %jit3A_2083 : i32 to vector<8x1024xi32>
    %select_n3A_2085 = arith.select %lt3A_2081, %broadcast_in_dim3A_2084, %select_n3A_2074 : vector<8x1024xi1>, vector<8x1024xi32>
    %slice3A_2086 = vector.extract_strided_slice %dot_general3A_1959 {offsets = [88, 0], sizes = [8, 1024], strides = [1, 1]} : vector<456x1024xf32> to vector<8x1024xf32>
    %add3A_2087 = vector.broadcast %get3A_30 : vector<1x1024xf32> to vector<8x1024xf32>
    %add3A_2088 = arith.addf %add3A_2087, %slice3A_2086 : vector<8x1024xf32>
    %slice3A_2089 = vector.extract_strided_slice %get3A_1964 {offsets = [88, 0], sizes = [8, 1], strides = [1, 1]} : vector<456x1xf32> to vector<8x1xf32>
    %add3A_2090 = vector.broadcast %slice3A_2089 : vector<8x1xf32> to vector<8x1024xf32>
    %add3A_2091 = arith.addf %add3A_2088, %add3A_2090 : vector<8x1024xf32>
    %lt3A_2092 = arith.cmpf olt, %add3A_2091, %select_n3A_2082 : vector<8x1024xf32>
    %select_n3A_2093 = arith.select %lt3A_2092, %add3A_2091, %select_n3A_2082 : vector<8x1024xi1>, vector<8x1024xf32>
    %jit3A_2094 = arith.constant 182 : i32
    %broadcast_in_dim3A_2095 = vector.broadcast %jit3A_2094 : i32 to vector<8x1024xi32>
    %select_n3A_2096 = arith.select %lt3A_2092, %broadcast_in_dim3A_2095, %select_n3A_2085 : vector<8x1024xi1>, vector<8x1024xi32>
    %slice3A_2097 = vector.extract_strided_slice %dot_general3A_1959 {offsets = [96, 0], sizes = [8, 1024], strides = [1, 1]} : vector<456x1024xf32> to vector<8x1024xf32>
    %add3A_2098 = vector.broadcast %get3A_30 : vector<1x1024xf32> to vector<8x1024xf32>
    %add3A_2099 = arith.addf %add3A_2098, %slice3A_2097 : vector<8x1024xf32>
    %slice3A_2100 = vector.extract_strided_slice %get3A_1964 {offsets = [96, 0], sizes = [8, 1], strides = [1, 1]} : vector<456x1xf32> to vector<8x1xf32>
    %add3A_2101 = vector.broadcast %slice3A_2100 : vector<8x1xf32> to vector<8x1024xf32>
    %add3A_2102 = arith.addf %add3A_2099, %add3A_2101 : vector<8x1024xf32>
    %lt3A_2103 = arith.cmpf olt, %add3A_2102, %select_n3A_2093 : vector<8x1024xf32>
    %select_n3A_2104 = arith.select %lt3A_2103, %add3A_2102, %select_n3A_2093 : vector<8x1024xi1>, vector<8x1024xf32>
    %jit3A_2105 = arith.constant 183 : i32
    %broadcast_in_dim3A_2106 = vector.broadcast %jit3A_2105 : i32 to vector<8x1024xi32>
    %select_n3A_2107 = arith.select %lt3A_2103, %broadcast_in_dim3A_2106, %select_n3A_2096 : vector<8x1024xi1>, vector<8x1024xi32>
    %slice3A_2108 = vector.extract_strided_slice %dot_general3A_1959 {offsets = [104, 0], sizes = [8, 1024], strides = [1, 1]} : vector<456x1024xf32> to vector<8x1024xf32>
    %add3A_2109 = vector.broadcast %get3A_30 : vector<1x1024xf32> to vector<8x1024xf32>
    %add3A_2110 = arith.addf %add3A_2109, %slice3A_2108 : vector<8x1024xf32>
    %slice3A_2111 = vector.extract_strided_slice %get3A_1964 {offsets = [104, 0], sizes = [8, 1], strides = [1, 1]} : vector<456x1xf32> to vector<8x1xf32>
    %add3A_2112 = vector.broadcast %slice3A_2111 : vector<8x1xf32> to vector<8x1024xf32>
    %add3A_2113 = arith.addf %add3A_2110, %add3A_2112 : vector<8x1024xf32>
    %lt3A_2114 = arith.cmpf olt, %add3A_2113, %select_n3A_2104 : vector<8x1024xf32>
    %select_n3A_2115 = arith.select %lt3A_2114, %add3A_2113, %select_n3A_2104 : vector<8x1024xi1>, vector<8x1024xf32>
    %jit3A_2116 = arith.constant 184 : i32
    %broadcast_in_dim3A_2117 = vector.broadcast %jit3A_2116 : i32 to vector<8x1024xi32>
    %select_n3A_2118 = arith.select %lt3A_2114, %broadcast_in_dim3A_2117, %select_n3A_2107 : vector<8x1024xi1>, vector<8x1024xi32>
    %slice3A_2119 = vector.extract_strided_slice %dot_general3A_1959 {offsets = [112, 0], sizes = [8, 1024], strides = [1, 1]} : vector<456x1024xf32> to vector<8x1024xf32>
    %add3A_2120 = vector.broadcast %get3A_30 : vector<1x1024xf32> to vector<8x1024xf32>
    %add3A_2121 = arith.addf %add3A_2120, %slice3A_2119 : vector<8x1024xf32>
    %slice3A_2122 = vector.extract_strided_slice %get3A_1964 {offsets = [112, 0], sizes = [8, 1], strides = [1, 1]} : vector<456x1xf32> to vector<8x1xf32>
    %add3A_2123 = vector.broadcast %slice3A_2122 : vector<8x1xf32> to vector<8x1024xf32>
    %add3A_2124 = arith.addf %add3A_2121, %add3A_2123 : vector<8x1024xf32>
    %lt3A_2125 = arith.cmpf olt, %add3A_2124, %select_n3A_2115 : vector<8x1024xf32>
    %select_n3A_2126 = arith.select %lt3A_2125, %add3A_2124, %select_n3A_2115 : vector<8x1024xi1>, vector<8x1024xf32>
    %jit3A_2127 = arith.constant 185 : i32
    %broadcast_in_dim3A_2128 = vector.broadcast %jit3A_2127 : i32 to vector<8x1024xi32>
    %select_n3A_2129 = arith.select %lt3A_2125, %broadcast_in_dim3A_2128, %select_n3A_2118 : vector<8x1024xi1>, vector<8x1024xi32>
    %slice3A_2130 = vector.extract_strided_slice %dot_general3A_1959 {offsets = [120, 0], sizes = [8, 1024], strides = [1, 1]} : vector<456x1024xf32> to vector<8x1024xf32>
    %add3A_2131 = vector.broadcast %get3A_30 : vector<1x1024xf32> to vector<8x1024xf32>
    %add3A_2132 = arith.addf %add3A_2131, %slice3A_2130 : vector<8x1024xf32>
    %slice3A_2133 = vector.extract_strided_slice %get3A_1964 {offsets = [120, 0], sizes = [8, 1], strides = [1, 1]} : vector<456x1xf32> to vector<8x1xf32>
    %add3A_2134 = vector.broadcast %slice3A_2133 : vector<8x1xf32> to vector<8x1024xf32>
    %add3A_2135 = arith.addf %add3A_2132, %add3A_2134 : vector<8x1024xf32>
    %lt3A_2136 = arith.cmpf olt, %add3A_2135, %select_n3A_2126 : vector<8x1024xf32>
    %select_n3A_2137 = arith.select %lt3A_2136, %add3A_2135, %select_n3A_2126 : vector<8x1024xi1>, vector<8x1024xf32>
    %jit3A_2138 = arith.constant 186 : i32
    %broadcast_in_dim3A_2139 = vector.broadcast %jit3A_2138 : i32 to vector<8x1024xi32>
    %select_n3A_2140 = arith.select %lt3A_2136, %broadcast_in_dim3A_2139, %select_n3A_2129 : vector<8x1024xi1>, vector<8x1024xi32>
    %slice3A_2141 = vector.extract_strided_slice %dot_general3A_1959 {offsets = [128, 0], sizes = [8, 1024], strides = [1, 1]} : vector<456x1024xf32> to vector<8x1024xf32>
    %add3A_2142 = vector.broadcast %get3A_30 : vector<1x1024xf32> to vector<8x1024xf32>
    %add3A_2143 = arith.addf %add3A_2142, %slice3A_2141 : vector<8x1024xf32>
    %slice3A_2144 = vector.extract_strided_slice %get3A_1964 {offsets = [128, 0], sizes = [8, 1], strides = [1, 1]} : vector<456x1xf32> to vector<8x1xf32>
    %add3A_2145 = vector.broadcast %slice3A_2144 : vector<8x1xf32> to vector<8x1024xf32>
    %add3A_2146 = arith.addf %add3A_2143, %add3A_2145 : vector<8x1024xf32>
    %lt3A_2147 = arith.cmpf olt, %add3A_2146, %select_n3A_2137 : vector<8x1024xf32>
    %select_n3A_2148 = arith.select %lt3A_2147, %add3A_2146, %select_n3A_2137 : vector<8x1024xi1>, vector<8x1024xf32>
    %jit3A_2149 = arith.constant 187 : i32
    %broadcast_in_dim3A_2150 = vector.broadcast %jit3A_2149 : i32 to vector<8x1024xi32>
    %select_n3A_2151 = arith.select %lt3A_2147, %broadcast_in_dim3A_2150, %select_n3A_2140 : vector<8x1024xi1>, vector<8x1024xi32>
    %slice3A_2152 = vector.extract_strided_slice %dot_general3A_1959 {offsets = [136, 0], sizes = [8, 1024], strides = [1, 1]} : vector<456x1024xf32> to vector<8x1024xf32>
    %add3A_2153 = vector.broadcast %get3A_30 : vector<1x1024xf32> to vector<8x1024xf32>
    %add3A_2154 = arith.addf %add3A_2153, %slice3A_2152 : vector<8x1024xf32>
    %slice3A_2155 = vector.extract_strided_slice %get3A_1964 {offsets = [136, 0], sizes = [8, 1], strides = [1, 1]} : vector<456x1xf32> to vector<8x1xf32>
    %add3A_2156 = vector.broadcast %slice3A_2155 : vector<8x1xf32> to vector<8x1024xf32>
    %add3A_2157 = arith.addf %add3A_2154, %add3A_2156 : vector<8x1024xf32>
    %lt3A_2158 = arith.cmpf olt, %add3A_2157, %select_n3A_2148 : vector<8x1024xf32>
    %select_n3A_2159 = arith.select %lt3A_2158, %add3A_2157, %select_n3A_2148 : vector<8x1024xi1>, vector<8x1024xf32>
    %jit3A_2160 = arith.constant 188 : i32
    %broadcast_in_dim3A_2161 = vector.broadcast %jit3A_2160 : i32 to vector<8x1024xi32>
    %select_n3A_2162 = arith.select %lt3A_2158, %broadcast_in_dim3A_2161, %select_n3A_2151 : vector<8x1024xi1>, vector<8x1024xi32>
    %slice3A_2163 = vector.extract_strided_slice %dot_general3A_1959 {offsets = [144, 0], sizes = [8, 1024], strides = [1, 1]} : vector<456x1024xf32> to vector<8x1024xf32>
    %add3A_2164 = vector.broadcast %get3A_30 : vector<1x1024xf32> to vector<8x1024xf32>
    %add3A_2165 = arith.addf %add3A_2164, %slice3A_2163 : vector<8x1024xf32>
    %slice3A_2166 = vector.extract_strided_slice %get3A_1964 {offsets = [144, 0], sizes = [8, 1], strides = [1, 1]} : vector<456x1xf32> to vector<8x1xf32>
    %add3A_2167 = vector.broadcast %slice3A_2166 : vector<8x1xf32> to vector<8x1024xf32>
    %add3A_2168 = arith.addf %add3A_2165, %add3A_2167 : vector<8x1024xf32>
    %lt3A_2169 = arith.cmpf olt, %add3A_2168, %select_n3A_2159 : vector<8x1024xf32>
    %select_n3A_2170 = arith.select %lt3A_2169, %add3A_2168, %select_n3A_2159 : vector<8x1024xi1>, vector<8x1024xf32>
    %jit3A_2171 = arith.constant 189 : i32
    %broadcast_in_dim3A_2172 = vector.broadcast %jit3A_2171 : i32 to vector<8x1024xi32>
    %select_n3A_2173 = arith.select %lt3A_2169, %broadcast_in_dim3A_2172, %select_n3A_2162 : vector<8x1024xi1>, vector<8x1024xi32>
    %slice3A_2174 = vector.extract_strided_slice %dot_general3A_1959 {offsets = [152, 0], sizes = [8, 1024], strides = [1, 1]} : vector<456x1024xf32> to vector<8x1024xf32>
    %add3A_2175 = vector.broadcast %get3A_30 : vector<1x1024xf32> to vector<8x1024xf32>
    %add3A_2176 = arith.addf %add3A_2175, %slice3A_2174 : vector<8x1024xf32>
    %slice3A_2177 = vector.extract_strided_slice %get3A_1964 {offsets = [152, 0], sizes = [8, 1], strides = [1, 1]} : vector<456x1xf32> to vector<8x1xf32>
    %add3A_2178 = vector.broadcast %slice3A_2177 : vector<8x1xf32> to vector<8x1024xf32>
    %add3A_2179 = arith.addf %add3A_2176, %add3A_2178 : vector<8x1024xf32>
    %lt3A_2180 = arith.cmpf olt, %add3A_2179, %select_n3A_2170 : vector<8x1024xf32>
    %select_n3A_2181 = arith.select %lt3A_2180, %add3A_2179, %select_n3A_2170 : vector<8x1024xi1>, vector<8x1024xf32>
    %jit3A_2182 = arith.constant 190 : i32
    %broadcast_in_dim3A_2183 = vector.broadcast %jit3A_2182 : i32 to vector<8x1024xi32>
    %select_n3A_2184 = arith.select %lt3A_2180, %broadcast_in_dim3A_2183, %select_n3A_2173 : vector<8x1024xi1>, vector<8x1024xi32>
    %slice3A_2185 = vector.extract_strided_slice %dot_general3A_1959 {offsets = [160, 0], sizes = [8, 1024], strides = [1, 1]} : vector<456x1024xf32> to vector<8x1024xf32>
    %add3A_2186 = vector.broadcast %get3A_30 : vector<1x1024xf32> to vector<8x1024xf32>
    %add3A_2187 = arith.addf %add3A_2186, %slice3A_2185 : vector<8x1024xf32>
    %slice3A_2188 = vector.extract_strided_slice %get3A_1964 {offsets = [160, 0], sizes = [8, 1], strides = [1, 1]} : vector<456x1xf32> to vector<8x1xf32>
    %add3A_2189 = vector.broadcast %slice3A_2188 : vector<8x1xf32> to vector<8x1024xf32>
    %add3A_2190 = arith.addf %add3A_2187, %add3A_2189 : vector<8x1024xf32>
    %lt3A_2191 = arith.cmpf olt, %add3A_2190, %select_n3A_2181 : vector<8x1024xf32>
    %select_n3A_2192 = arith.select %lt3A_2191, %add3A_2190, %select_n3A_2181 : vector<8x1024xi1>, vector<8x1024xf32>
    %jit3A_2193 = arith.constant 191 : i32
    %broadcast_in_dim3A_2194 = vector.broadcast %jit3A_2193 : i32 to vector<8x1024xi32>
    %select_n3A_2195 = arith.select %lt3A_2191, %broadcast_in_dim3A_2194, %select_n3A_2184 : vector<8x1024xi1>, vector<8x1024xi32>
    %slice3A_2196 = vector.extract_strided_slice %dot_general3A_1959 {offsets = [168, 0], sizes = [8, 1024], strides = [1, 1]} : vector<456x1024xf32> to vector<8x1024xf32>
    %add3A_2197 = vector.broadcast %get3A_30 : vector<1x1024xf32> to vector<8x1024xf32>
    %add3A_2198 = arith.addf %add3A_2197, %slice3A_2196 : vector<8x1024xf32>
    %slice3A_2199 = vector.extract_strided_slice %get3A_1964 {offsets = [168, 0], sizes = [8, 1], strides = [1, 1]} : vector<456x1xf32> to vector<8x1xf32>
    %add3A_2200 = vector.broadcast %slice3A_2199 : vector<8x1xf32> to vector<8x1024xf32>
    %add3A_2201 = arith.addf %add3A_2198, %add3A_2200 : vector<8x1024xf32>
    %lt3A_2202 = arith.cmpf olt, %add3A_2201, %select_n3A_2192 : vector<8x1024xf32>
    %select_n3A_2203 = arith.select %lt3A_2202, %add3A_2201, %select_n3A_2192 : vector<8x1024xi1>, vector<8x1024xf32>
    %jit3A_2204 = arith.constant 192 : i32
    %broadcast_in_dim3A_2205 = vector.broadcast %jit3A_2204 : i32 to vector<8x1024xi32>
    %select_n3A_2206 = arith.select %lt3A_2202, %broadcast_in_dim3A_2205, %select_n3A_2195 : vector<8x1024xi1>, vector<8x1024xi32>
    %slice3A_2207 = vector.extract_strided_slice %dot_general3A_1959 {offsets = [176, 0], sizes = [8, 1024], strides = [1, 1]} : vector<456x1024xf32> to vector<8x1024xf32>
    %add3A_2208 = vector.broadcast %get3A_30 : vector<1x1024xf32> to vector<8x1024xf32>
    %add3A_2209 = arith.addf %add3A_2208, %slice3A_2207 : vector<8x1024xf32>
    %slice3A_2210 = vector.extract_strided_slice %get3A_1964 {offsets = [176, 0], sizes = [8, 1], strides = [1, 1]} : vector<456x1xf32> to vector<8x1xf32>
    %add3A_2211 = vector.broadcast %slice3A_2210 : vector<8x1xf32> to vector<8x1024xf32>
    %add3A_2212 = arith.addf %add3A_2209, %add3A_2211 : vector<8x1024xf32>
    %lt3A_2213 = arith.cmpf olt, %add3A_2212, %select_n3A_2203 : vector<8x1024xf32>
    %select_n3A_2214 = arith.select %lt3A_2213, %add3A_2212, %select_n3A_2203 : vector<8x1024xi1>, vector<8x1024xf32>
    %jit3A_2215 = arith.constant 193 : i32
    %broadcast_in_dim3A_2216 = vector.broadcast %jit3A_2215 : i32 to vector<8x1024xi32>
    %select_n3A_2217 = arith.select %lt3A_2213, %broadcast_in_dim3A_2216, %select_n3A_2206 : vector<8x1024xi1>, vector<8x1024xi32>
    %slice3A_2218 = vector.extract_strided_slice %dot_general3A_1959 {offsets = [184, 0], sizes = [8, 1024], strides = [1, 1]} : vector<456x1024xf32> to vector<8x1024xf32>
    %add3A_2219 = vector.broadcast %get3A_30 : vector<1x1024xf32> to vector<8x1024xf32>
    %add3A_2220 = arith.addf %add3A_2219, %slice3A_2218 : vector<8x1024xf32>
    %slice3A_2221 = vector.extract_strided_slice %get3A_1964 {offsets = [184, 0], sizes = [8, 1], strides = [1, 1]} : vector<456x1xf32> to vector<8x1xf32>
    %add3A_2222 = vector.broadcast %slice3A_2221 : vector<8x1xf32> to vector<8x1024xf32>
    %add3A_2223 = arith.addf %add3A_2220, %add3A_2222 : vector<8x1024xf32>
    %lt3A_2224 = arith.cmpf olt, %add3A_2223, %select_n3A_2214 : vector<8x1024xf32>
    %select_n3A_2225 = arith.select %lt3A_2224, %add3A_2223, %select_n3A_2214 : vector<8x1024xi1>, vector<8x1024xf32>
    %jit3A_2226 = arith.constant 194 : i32
    %broadcast_in_dim3A_2227 = vector.broadcast %jit3A_2226 : i32 to vector<8x1024xi32>
    %select_n3A_2228 = arith.select %lt3A_2224, %broadcast_in_dim3A_2227, %select_n3A_2217 : vector<8x1024xi1>, vector<8x1024xi32>
    %slice3A_2229 = vector.extract_strided_slice %dot_general3A_1959 {offsets = [192, 0], sizes = [8, 1024], strides = [1, 1]} : vector<456x1024xf32> to vector<8x1024xf32>
    %add3A_2230 = vector.broadcast %get3A_30 : vector<1x1024xf32> to vector<8x1024xf32>
    %add3A_2231 = arith.addf %add3A_2230, %slice3A_2229 : vector<8x1024xf32>
    %slice3A_2232 = vector.extract_strided_slice %get3A_1964 {offsets = [192, 0], sizes = [8, 1], strides = [1, 1]} : vector<456x1xf32> to vector<8x1xf32>
    %add3A_2233 = vector.broadcast %slice3A_2232 : vector<8x1xf32> to vector<8x1024xf32>
    %add3A_2234 = arith.addf %add3A_2231, %add3A_2233 : vector<8x1024xf32>
    %lt3A_2235 = arith.cmpf olt, %add3A_2234, %select_n3A_2225 : vector<8x1024xf32>
    %select_n3A_2236 = arith.select %lt3A_2235, %add3A_2234, %select_n3A_2225 : vector<8x1024xi1>, vector<8x1024xf32>
    %jit3A_2237 = arith.constant 195 : i32
    %broadcast_in_dim3A_2238 = vector.broadcast %jit3A_2237 : i32 to vector<8x1024xi32>
    %select_n3A_2239 = arith.select %lt3A_2235, %broadcast_in_dim3A_2238, %select_n3A_2228 : vector<8x1024xi1>, vector<8x1024xi32>
    %slice3A_2240 = vector.extract_strided_slice %dot_general3A_1959 {offsets = [200, 0], sizes = [8, 1024], strides = [1, 1]} : vector<456x1024xf32> to vector<8x1024xf32>
    %add3A_2241 = vector.broadcast %get3A_30 : vector<1x1024xf32> to vector<8x1024xf32>
    %add3A_2242 = arith.addf %add3A_2241, %slice3A_2240 : vector<8x1024xf32>
    %slice3A_2243 = vector.extract_strided_slice %get3A_1964 {offsets = [200, 0], sizes = [8, 1], strides = [1, 1]} : vector<456x1xf32> to vector<8x1xf32>
    %add3A_2244 = vector.broadcast %slice3A_2243 : vector<8x1xf32> to vector<8x1024xf32>
    %add3A_2245 = arith.addf %add3A_2242, %add3A_2244 : vector<8x1024xf32>
    %lt3A_2246 = arith.cmpf olt, %add3A_2245, %select_n3A_2236 : vector<8x1024xf32>
    %select_n3A_2247 = arith.select %lt3A_2246, %add3A_2245, %select_n3A_2236 : vector<8x1024xi1>, vector<8x1024xf32>
    %jit3A_2248 = arith.constant 196 : i32
    %broadcast_in_dim3A_2249 = vector.broadcast %jit3A_2248 : i32 to vector<8x1024xi32>
    %select_n3A_2250 = arith.select %lt3A_2246, %broadcast_in_dim3A_2249, %select_n3A_2239 : vector<8x1024xi1>, vector<8x1024xi32>
    %slice3A_2251 = vector.extract_strided_slice %dot_general3A_1959 {offsets = [208, 0], sizes = [8, 1024], strides = [1, 1]} : vector<456x1024xf32> to vector<8x1024xf32>
    %add3A_2252 = vector.broadcast %get3A_30 : vector<1x1024xf32> to vector<8x1024xf32>
    %add3A_2253 = arith.addf %add3A_2252, %slice3A_2251 : vector<8x1024xf32>
    %slice3A_2254 = vector.extract_strided_slice %get3A_1964 {offsets = [208, 0], sizes = [8, 1], strides = [1, 1]} : vector<456x1xf32> to vector<8x1xf32>
    %add3A_2255 = vector.broadcast %slice3A_2254 : vector<8x1xf32> to vector<8x1024xf32>
    %add3A_2256 = arith.addf %add3A_2253, %add3A_2255 : vector<8x1024xf32>
    %lt3A_2257 = arith.cmpf olt, %add3A_2256, %select_n3A_2247 : vector<8x1024xf32>
    %select_n3A_2258 = arith.select %lt3A_2257, %add3A_2256, %select_n3A_2247 : vector<8x1024xi1>, vector<8x1024xf32>
    %jit3A_2259 = arith.constant 197 : i32
    %broadcast_in_dim3A_2260 = vector.broadcast %jit3A_2259 : i32 to vector<8x1024xi32>
    %select_n3A_2261 = arith.select %lt3A_2257, %broadcast_in_dim3A_2260, %select_n3A_2250 : vector<8x1024xi1>, vector<8x1024xi32>
    %slice3A_2262 = vector.extract_strided_slice %dot_general3A_1959 {offsets = [216, 0], sizes = [8, 1024], strides = [1, 1]} : vector<456x1024xf32> to vector<8x1024xf32>
    %add3A_2263 = vector.broadcast %get3A_30 : vector<1x1024xf32> to vector<8x1024xf32>
    %add3A_2264 = arith.addf %add3A_2263, %slice3A_2262 : vector<8x1024xf32>
    %slice3A_2265 = vector.extract_strided_slice %get3A_1964 {offsets = [216, 0], sizes = [8, 1], strides = [1, 1]} : vector<456x1xf32> to vector<8x1xf32>
    %add3A_2266 = vector.broadcast %slice3A_2265 : vector<8x1xf32> to vector<8x1024xf32>
    %add3A_2267 = arith.addf %add3A_2264, %add3A_2266 : vector<8x1024xf32>
    %lt3A_2268 = arith.cmpf olt, %add3A_2267, %select_n3A_2258 : vector<8x1024xf32>
    %select_n3A_2269 = arith.select %lt3A_2268, %add3A_2267, %select_n3A_2258 : vector<8x1024xi1>, vector<8x1024xf32>
    %jit3A_2270 = arith.constant 198 : i32
    %broadcast_in_dim3A_2271 = vector.broadcast %jit3A_2270 : i32 to vector<8x1024xi32>
    %select_n3A_2272 = arith.select %lt3A_2268, %broadcast_in_dim3A_2271, %select_n3A_2261 : vector<8x1024xi1>, vector<8x1024xi32>
    %slice3A_2273 = vector.extract_strided_slice %dot_general3A_1959 {offsets = [224, 0], sizes = [8, 1024], strides = [1, 1]} : vector<456x1024xf32> to vector<8x1024xf32>
    %add3A_2274 = vector.broadcast %get3A_30 : vector<1x1024xf32> to vector<8x1024xf32>
    %add3A_2275 = arith.addf %add3A_2274, %slice3A_2273 : vector<8x1024xf32>
    %slice3A_2276 = vector.extract_strided_slice %get3A_1964 {offsets = [224, 0], sizes = [8, 1], strides = [1, 1]} : vector<456x1xf32> to vector<8x1xf32>
    %add3A_2277 = vector.broadcast %slice3A_2276 : vector<8x1xf32> to vector<8x1024xf32>
    %add3A_2278 = arith.addf %add3A_2275, %add3A_2277 : vector<8x1024xf32>
    %lt3A_2279 = arith.cmpf olt, %add3A_2278, %select_n3A_2269 : vector<8x1024xf32>
    %select_n3A_2280 = arith.select %lt3A_2279, %add3A_2278, %select_n3A_2269 : vector<8x1024xi1>, vector<8x1024xf32>
    %jit3A_2281 = arith.constant 199 : i32
    %broadcast_in_dim3A_2282 = vector.broadcast %jit3A_2281 : i32 to vector<8x1024xi32>
    %select_n3A_2283 = arith.select %lt3A_2279, %broadcast_in_dim3A_2282, %select_n3A_2272 : vector<8x1024xi1>, vector<8x1024xi32>
    %slice3A_2284 = vector.extract_strided_slice %dot_general3A_1959 {offsets = [232, 0], sizes = [8, 1024], strides = [1, 1]} : vector<456x1024xf32> to vector<8x1024xf32>
    %add3A_2285 = vector.broadcast %get3A_30 : vector<1x1024xf32> to vector<8x1024xf32>
    %add3A_2286 = arith.addf %add3A_2285, %slice3A_2284 : vector<8x1024xf32>
    %slice3A_2287 = vector.extract_strided_slice %get3A_1964 {offsets = [232, 0], sizes = [8, 1], strides = [1, 1]} : vector<456x1xf32> to vector<8x1xf32>
    %add3A_2288 = vector.broadcast %slice3A_2287 : vector<8x1xf32> to vector<8x1024xf32>
    %add3A_2289 = arith.addf %add3A_2286, %add3A_2288 : vector<8x1024xf32>
    %lt3A_2290 = arith.cmpf olt, %add3A_2289, %select_n3A_2280 : vector<8x1024xf32>
    %select_n3A_2291 = arith.select %lt3A_2290, %add3A_2289, %select_n3A_2280 : vector<8x1024xi1>, vector<8x1024xf32>
    %jit3A_2292 = arith.constant 200 : i32
    %broadcast_in_dim3A_2293 = vector.broadcast %jit3A_2292 : i32 to vector<8x1024xi32>
    %select_n3A_2294 = arith.select %lt3A_2290, %broadcast_in_dim3A_2293, %select_n3A_2283 : vector<8x1024xi1>, vector<8x1024xi32>
    %slice3A_2295 = vector.extract_strided_slice %dot_general3A_1959 {offsets = [240, 0], sizes = [8, 1024], strides = [1, 1]} : vector<456x1024xf32> to vector<8x1024xf32>
    %add3A_2296 = vector.broadcast %get3A_30 : vector<1x1024xf32> to vector<8x1024xf32>
    %add3A_2297 = arith.addf %add3A_2296, %slice3A_2295 : vector<8x1024xf32>
    %slice3A_2298 = vector.extract_strided_slice %get3A_1964 {offsets = [240, 0], sizes = [8, 1], strides = [1, 1]} : vector<456x1xf32> to vector<8x1xf32>
    %add3A_2299 = vector.broadcast %slice3A_2298 : vector<8x1xf32> to vector<8x1024xf32>
    %add3A_2300 = arith.addf %add3A_2297, %add3A_2299 : vector<8x1024xf32>
    %lt3A_2301 = arith.cmpf olt, %add3A_2300, %select_n3A_2291 : vector<8x1024xf32>
    %select_n3A_2302 = arith.select %lt3A_2301, %add3A_2300, %select_n3A_2291 : vector<8x1024xi1>, vector<8x1024xf32>
    %jit3A_2303 = arith.constant 201 : i32
    %broadcast_in_dim3A_2304 = vector.broadcast %jit3A_2303 : i32 to vector<8x1024xi32>
    %select_n3A_2305 = arith.select %lt3A_2301, %broadcast_in_dim3A_2304, %select_n3A_2294 : vector<8x1024xi1>, vector<8x1024xi32>
    %slice3A_2306 = vector.extract_strided_slice %dot_general3A_1959 {offsets = [248, 0], sizes = [8, 1024], strides = [1, 1]} : vector<456x1024xf32> to vector<8x1024xf32>
    %add3A_2307 = vector.broadcast %get3A_30 : vector<1x1024xf32> to vector<8x1024xf32>
    %add3A_2308 = arith.addf %add3A_2307, %slice3A_2306 : vector<8x1024xf32>
    %slice3A_2309 = vector.extract_strided_slice %get3A_1964 {offsets = [248, 0], sizes = [8, 1], strides = [1, 1]} : vector<456x1xf32> to vector<8x1xf32>
    %add3A_2310 = vector.broadcast %slice3A_2309 : vector<8x1xf32> to vector<8x1024xf32>
    %add3A_2311 = arith.addf %add3A_2308, %add3A_2310 : vector<8x1024xf32>
    %lt3A_2312 = arith.cmpf olt, %add3A_2311, %select_n3A_2302 : vector<8x1024xf32>
    %select_n3A_2313 = arith.select %lt3A_2312, %add3A_2311, %select_n3A_2302 : vector<8x1024xi1>, vector<8x1024xf32>
    %jit3A_2314 = arith.constant 202 : i32
    %broadcast_in_dim3A_2315 = vector.broadcast %jit3A_2314 : i32 to vector<8x1024xi32>
    %select_n3A_2316 = arith.select %lt3A_2312, %broadcast_in_dim3A_2315, %select_n3A_2305 : vector<8x1024xi1>, vector<8x1024xi32>
    %slice3A_2317 = vector.extract_strided_slice %dot_general3A_1959 {offsets = [256, 0], sizes = [8, 1024], strides = [1, 1]} : vector<456x1024xf32> to vector<8x1024xf32>
    %add3A_2318 = vector.broadcast %get3A_30 : vector<1x1024xf32> to vector<8x1024xf32>
    %add3A_2319 = arith.addf %add3A_2318, %slice3A_2317 : vector<8x1024xf32>
    %slice3A_2320 = vector.extract_strided_slice %get3A_1964 {offsets = [256, 0], sizes = [8, 1], strides = [1, 1]} : vector<456x1xf32> to vector<8x1xf32>
    %add3A_2321 = vector.broadcast %slice3A_2320 : vector<8x1xf32> to vector<8x1024xf32>
    %add3A_2322 = arith.addf %add3A_2319, %add3A_2321 : vector<8x1024xf32>
    %lt3A_2323 = arith.cmpf olt, %add3A_2322, %select_n3A_2313 : vector<8x1024xf32>
    %select_n3A_2324 = arith.select %lt3A_2323, %add3A_2322, %select_n3A_2313 : vector<8x1024xi1>, vector<8x1024xf32>
    %jit3A_2325 = arith.constant 203 : i32
    %broadcast_in_dim3A_2326 = vector.broadcast %jit3A_2325 : i32 to vector<8x1024xi32>
    %select_n3A_2327 = arith.select %lt3A_2323, %broadcast_in_dim3A_2326, %select_n3A_2316 : vector<8x1024xi1>, vector<8x1024xi32>
    %slice3A_2328 = vector.extract_strided_slice %dot_general3A_1959 {offsets = [264, 0], sizes = [8, 1024], strides = [1, 1]} : vector<456x1024xf32> to vector<8x1024xf32>
    %add3A_2329 = vector.broadcast %get3A_30 : vector<1x1024xf32> to vector<8x1024xf32>
    %add3A_2330 = arith.addf %add3A_2329, %slice3A_2328 : vector<8x1024xf32>
    %slice3A_2331 = vector.extract_strided_slice %get3A_1964 {offsets = [264, 0], sizes = [8, 1], strides = [1, 1]} : vector<456x1xf32> to vector<8x1xf32>
    %add3A_2332 = vector.broadcast %slice3A_2331 : vector<8x1xf32> to vector<8x1024xf32>
    %add3A_2333 = arith.addf %add3A_2330, %add3A_2332 : vector<8x1024xf32>
    %lt3A_2334 = arith.cmpf olt, %add3A_2333, %select_n3A_2324 : vector<8x1024xf32>
    %select_n3A_2335 = arith.select %lt3A_2334, %add3A_2333, %select_n3A_2324 : vector<8x1024xi1>, vector<8x1024xf32>
    %jit3A_2336 = arith.constant 204 : i32
    %broadcast_in_dim3A_2337 = vector.broadcast %jit3A_2336 : i32 to vector<8x1024xi32>
    %select_n3A_2338 = arith.select %lt3A_2334, %broadcast_in_dim3A_2337, %select_n3A_2327 : vector<8x1024xi1>, vector<8x1024xi32>
    %slice3A_2339 = vector.extract_strided_slice %dot_general3A_1959 {offsets = [272, 0], sizes = [8, 1024], strides = [1, 1]} : vector<456x1024xf32> to vector<8x1024xf32>
    %add3A_2340 = vector.broadcast %get3A_30 : vector<1x1024xf32> to vector<8x1024xf32>
    %add3A_2341 = arith.addf %add3A_2340, %slice3A_2339 : vector<8x1024xf32>
    %slice3A_2342 = vector.extract_strided_slice %get3A_1964 {offsets = [272, 0], sizes = [8, 1], strides = [1, 1]} : vector<456x1xf32> to vector<8x1xf32>
    %add3A_2343 = vector.broadcast %slice3A_2342 : vector<8x1xf32> to vector<8x1024xf32>
    %add3A_2344 = arith.addf %add3A_2341, %add3A_2343 : vector<8x1024xf32>
    %lt3A_2345 = arith.cmpf olt, %add3A_2344, %select_n3A_2335 : vector<8x1024xf32>
    %select_n3A_2346 = arith.select %lt3A_2345, %add3A_2344, %select_n3A_2335 : vector<8x1024xi1>, vector<8x1024xf32>
    %jit3A_2347 = arith.constant 205 : i32
    %broadcast_in_dim3A_2348 = vector.broadcast %jit3A_2347 : i32 to vector<8x1024xi32>
    %select_n3A_2349 = arith.select %lt3A_2345, %broadcast_in_dim3A_2348, %select_n3A_2338 : vector<8x1024xi1>, vector<8x1024xi32>
    %slice3A_2350 = vector.extract_strided_slice %dot_general3A_1959 {offsets = [280, 0], sizes = [8, 1024], strides = [1, 1]} : vector<456x1024xf32> to vector<8x1024xf32>
    %add3A_2351 = vector.broadcast %get3A_30 : vector<1x1024xf32> to vector<8x1024xf32>
    %add3A_2352 = arith.addf %add3A_2351, %slice3A_2350 : vector<8x1024xf32>
    %slice3A_2353 = vector.extract_strided_slice %get3A_1964 {offsets = [280, 0], sizes = [8, 1], strides = [1, 1]} : vector<456x1xf32> to vector<8x1xf32>
    %add3A_2354 = vector.broadcast %slice3A_2353 : vector<8x1xf32> to vector<8x1024xf32>
    %add3A_2355 = arith.addf %add3A_2352, %add3A_2354 : vector<8x1024xf32>
    %lt3A_2356 = arith.cmpf olt, %add3A_2355, %select_n3A_2346 : vector<8x1024xf32>
    %select_n3A_2357 = arith.select %lt3A_2356, %add3A_2355, %select_n3A_2346 : vector<8x1024xi1>, vector<8x1024xf32>
    %jit3A_2358 = arith.constant 206 : i32
    %broadcast_in_dim3A_2359 = vector.broadcast %jit3A_2358 : i32 to vector<8x1024xi32>
    %select_n3A_2360 = arith.select %lt3A_2356, %broadcast_in_dim3A_2359, %select_n3A_2349 : vector<8x1024xi1>, vector<8x1024xi32>
    %slice3A_2361 = vector.extract_strided_slice %dot_general3A_1959 {offsets = [288, 0], sizes = [8, 1024], strides = [1, 1]} : vector<456x1024xf32> to vector<8x1024xf32>
    %add3A_2362 = vector.broadcast %get3A_30 : vector<1x1024xf32> to vector<8x1024xf32>
    %add3A_2363 = arith.addf %add3A_2362, %slice3A_2361 : vector<8x1024xf32>
    %slice3A_2364 = vector.extract_strided_slice %get3A_1964 {offsets = [288, 0], sizes = [8, 1], strides = [1, 1]} : vector<456x1xf32> to vector<8x1xf32>
    %add3A_2365 = vector.broadcast %slice3A_2364 : vector<8x1xf32> to vector<8x1024xf32>
    %add3A_2366 = arith.addf %add3A_2363, %add3A_2365 : vector<8x1024xf32>
    %lt3A_2367 = arith.cmpf olt, %add3A_2366, %select_n3A_2357 : vector<8x1024xf32>
    %select_n3A_2368 = arith.select %lt3A_2367, %add3A_2366, %select_n3A_2357 : vector<8x1024xi1>, vector<8x1024xf32>
    %jit3A_2369 = arith.constant 207 : i32
    %broadcast_in_dim3A_2370 = vector.broadcast %jit3A_2369 : i32 to vector<8x1024xi32>
    %select_n3A_2371 = arith.select %lt3A_2367, %broadcast_in_dim3A_2370, %select_n3A_2360 : vector<8x1024xi1>, vector<8x1024xi32>
    %slice3A_2372 = vector.extract_strided_slice %dot_general3A_1959 {offsets = [296, 0], sizes = [8, 1024], strides = [1, 1]} : vector<456x1024xf32> to vector<8x1024xf32>
    %add3A_2373 = vector.broadcast %get3A_30 : vector<1x1024xf32> to vector<8x1024xf32>
    %add3A_2374 = arith.addf %add3A_2373, %slice3A_2372 : vector<8x1024xf32>
    %slice3A_2375 = vector.extract_strided_slice %get3A_1964 {offsets = [296, 0], sizes = [8, 1], strides = [1, 1]} : vector<456x1xf32> to vector<8x1xf32>
    %add3A_2376 = vector.broadcast %slice3A_2375 : vector<8x1xf32> to vector<8x1024xf32>
    %add3A_2377 = arith.addf %add3A_2374, %add3A_2376 : vector<8x1024xf32>
    %lt3A_2378 = arith.cmpf olt, %add3A_2377, %select_n3A_2368 : vector<8x1024xf32>
    %select_n3A_2379 = arith.select %lt3A_2378, %add3A_2377, %select_n3A_2368 : vector<8x1024xi1>, vector<8x1024xf32>
    %jit3A_2380 = arith.constant 208 : i32
    %broadcast_in_dim3A_2381 = vector.broadcast %jit3A_2380 : i32 to vector<8x1024xi32>
    %select_n3A_2382 = arith.select %lt3A_2378, %broadcast_in_dim3A_2381, %select_n3A_2371 : vector<8x1024xi1>, vector<8x1024xi32>
    %slice3A_2383 = vector.extract_strided_slice %dot_general3A_1959 {offsets = [304, 0], sizes = [8, 1024], strides = [1, 1]} : vector<456x1024xf32> to vector<8x1024xf32>
    %add3A_2384 = vector.broadcast %get3A_30 : vector<1x1024xf32> to vector<8x1024xf32>
    %add3A_2385 = arith.addf %add3A_2384, %slice3A_2383 : vector<8x1024xf32>
    %slice3A_2386 = vector.extract_strided_slice %get3A_1964 {offsets = [304, 0], sizes = [8, 1], strides = [1, 1]} : vector<456x1xf32> to vector<8x1xf32>
    %add3A_2387 = vector.broadcast %slice3A_2386 : vector<8x1xf32> to vector<8x1024xf32>
    %add3A_2388 = arith.addf %add3A_2385, %add3A_2387 : vector<8x1024xf32>
    %lt3A_2389 = arith.cmpf olt, %add3A_2388, %select_n3A_2379 : vector<8x1024xf32>
    %select_n3A_2390 = arith.select %lt3A_2389, %add3A_2388, %select_n3A_2379 : vector<8x1024xi1>, vector<8x1024xf32>
    %jit3A_2391 = arith.constant 209 : i32
    %broadcast_in_dim3A_2392 = vector.broadcast %jit3A_2391 : i32 to vector<8x1024xi32>
    %select_n3A_2393 = arith.select %lt3A_2389, %broadcast_in_dim3A_2392, %select_n3A_2382 : vector<8x1024xi1>, vector<8x1024xi32>
    %slice3A_2394 = vector.extract_strided_slice %dot_general3A_1959 {offsets = [312, 0], sizes = [8, 1024], strides = [1, 1]} : vector<456x1024xf32> to vector<8x1024xf32>
    %add3A_2395 = vector.broadcast %get3A_30 : vector<1x1024xf32> to vector<8x1024xf32>
    %add3A_2396 = arith.addf %add3A_2395, %slice3A_2394 : vector<8x1024xf32>
    %slice3A_2397 = vector.extract_strided_slice %get3A_1964 {offsets = [312, 0], sizes = [8, 1], strides = [1, 1]} : vector<456x1xf32> to vector<8x1xf32>
    %add3A_2398 = vector.broadcast %slice3A_2397 : vector<8x1xf32> to vector<8x1024xf32>
    %add3A_2399 = arith.addf %add3A_2396, %add3A_2398 : vector<8x1024xf32>
    %lt3A_2400 = arith.cmpf olt, %add3A_2399, %select_n3A_2390 : vector<8x1024xf32>
    %select_n3A_2401 = arith.select %lt3A_2400, %add3A_2399, %select_n3A_2390 : vector<8x1024xi1>, vector<8x1024xf32>
    %jit3A_2402 = arith.constant 210 : i32
    %broadcast_in_dim3A_2403 = vector.broadcast %jit3A_2402 : i32 to vector<8x1024xi32>
    %select_n3A_2404 = arith.select %lt3A_2400, %broadcast_in_dim3A_2403, %select_n3A_2393 : vector<8x1024xi1>, vector<8x1024xi32>
    %slice3A_2405 = vector.extract_strided_slice %dot_general3A_1959 {offsets = [320, 0], sizes = [8, 1024], strides = [1, 1]} : vector<456x1024xf32> to vector<8x1024xf32>
    %add3A_2406 = vector.broadcast %get3A_30 : vector<1x1024xf32> to vector<8x1024xf32>
    %add3A_2407 = arith.addf %add3A_2406, %slice3A_2405 : vector<8x1024xf32>
    %slice3A_2408 = vector.extract_strided_slice %get3A_1964 {offsets = [320, 0], sizes = [8, 1], strides = [1, 1]} : vector<456x1xf32> to vector<8x1xf32>
    %add3A_2409 = vector.broadcast %slice3A_2408 : vector<8x1xf32> to vector<8x1024xf32>
    %add3A_2410 = arith.addf %add3A_2407, %add3A_2409 : vector<8x1024xf32>
    %lt3A_2411 = arith.cmpf olt, %add3A_2410, %select_n3A_2401 : vector<8x1024xf32>
    %select_n3A_2412 = arith.select %lt3A_2411, %add3A_2410, %select_n3A_2401 : vector<8x1024xi1>, vector<8x1024xf32>
    %jit3A_2413 = arith.constant 211 : i32
    %broadcast_in_dim3A_2414 = vector.broadcast %jit3A_2413 : i32 to vector<8x1024xi32>
    %select_n3A_2415 = arith.select %lt3A_2411, %broadcast_in_dim3A_2414, %select_n3A_2404 : vector<8x1024xi1>, vector<8x1024xi32>
    %slice3A_2416 = vector.extract_strided_slice %dot_general3A_1959 {offsets = [328, 0], sizes = [8, 1024], strides = [1, 1]} : vector<456x1024xf32> to vector<8x1024xf32>
    %add3A_2417 = vector.broadcast %get3A_30 : vector<1x1024xf32> to vector<8x1024xf32>
    %add3A_2418 = arith.addf %add3A_2417, %slice3A_2416 : vector<8x1024xf32>
    %slice3A_2419 = vector.extract_strided_slice %get3A_1964 {offsets = [328, 0], sizes = [8, 1], strides = [1, 1]} : vector<456x1xf32> to vector<8x1xf32>
    %add3A_2420 = vector.broadcast %slice3A_2419 : vector<8x1xf32> to vector<8x1024xf32>
    %add3A_2421 = arith.addf %add3A_2418, %add3A_2420 : vector<8x1024xf32>
    %lt3A_2422 = arith.cmpf olt, %add3A_2421, %select_n3A_2412 : vector<8x1024xf32>
    %select_n3A_2423 = arith.select %lt3A_2422, %add3A_2421, %select_n3A_2412 : vector<8x1024xi1>, vector<8x1024xf32>
    %jit3A_2424 = arith.constant 212 : i32
    %broadcast_in_dim3A_2425 = vector.broadcast %jit3A_2424 : i32 to vector<8x1024xi32>
    %select_n3A_2426 = arith.select %lt3A_2422, %broadcast_in_dim3A_2425, %select_n3A_2415 : vector<8x1024xi1>, vector<8x1024xi32>
    %slice3A_2427 = vector.extract_strided_slice %dot_general3A_1959 {offsets = [336, 0], sizes = [8, 1024], strides = [1, 1]} : vector<456x1024xf32> to vector<8x1024xf32>
    %add3A_2428 = vector.broadcast %get3A_30 : vector<1x1024xf32> to vector<8x1024xf32>
    %add3A_2429 = arith.addf %add3A_2428, %slice3A_2427 : vector<8x1024xf32>
    %slice3A_2430 = vector.extract_strided_slice %get3A_1964 {offsets = [336, 0], sizes = [8, 1], strides = [1, 1]} : vector<456x1xf32> to vector<8x1xf32>
    %add3A_2431 = vector.broadcast %slice3A_2430 : vector<8x1xf32> to vector<8x1024xf32>
    %add3A_2432 = arith.addf %add3A_2429, %add3A_2431 : vector<8x1024xf32>
    %lt3A_2433 = arith.cmpf olt, %add3A_2432, %select_n3A_2423 : vector<8x1024xf32>
    %select_n3A_2434 = arith.select %lt3A_2433, %add3A_2432, %select_n3A_2423 : vector<8x1024xi1>, vector<8x1024xf32>
    %jit3A_2435 = arith.constant 213 : i32
    %broadcast_in_dim3A_2436 = vector.broadcast %jit3A_2435 : i32 to vector<8x1024xi32>
    %select_n3A_2437 = arith.select %lt3A_2433, %broadcast_in_dim3A_2436, %select_n3A_2426 : vector<8x1024xi1>, vector<8x1024xi32>
    %slice3A_2438 = vector.extract_strided_slice %dot_general3A_1959 {offsets = [344, 0], sizes = [8, 1024], strides = [1, 1]} : vector<456x1024xf32> to vector<8x1024xf32>
    %add3A_2439 = vector.broadcast %get3A_30 : vector<1x1024xf32> to vector<8x1024xf32>
    %add3A_2440 = arith.addf %add3A_2439, %slice3A_2438 : vector<8x1024xf32>
    %slice3A_2441 = vector.extract_strided_slice %get3A_1964 {offsets = [344, 0], sizes = [8, 1], strides = [1, 1]} : vector<456x1xf32> to vector<8x1xf32>
    %add3A_2442 = vector.broadcast %slice3A_2441 : vector<8x1xf32> to vector<8x1024xf32>
    %add3A_2443 = arith.addf %add3A_2440, %add3A_2442 : vector<8x1024xf32>
    %lt3A_2444 = arith.cmpf olt, %add3A_2443, %select_n3A_2434 : vector<8x1024xf32>
    %select_n3A_2445 = arith.select %lt3A_2444, %add3A_2443, %select_n3A_2434 : vector<8x1024xi1>, vector<8x1024xf32>
    %jit3A_2446 = arith.constant 214 : i32
    %broadcast_in_dim3A_2447 = vector.broadcast %jit3A_2446 : i32 to vector<8x1024xi32>
    %select_n3A_2448 = arith.select %lt3A_2444, %broadcast_in_dim3A_2447, %select_n3A_2437 : vector<8x1024xi1>, vector<8x1024xi32>
    %slice3A_2449 = vector.extract_strided_slice %dot_general3A_1959 {offsets = [352, 0], sizes = [8, 1024], strides = [1, 1]} : vector<456x1024xf32> to vector<8x1024xf32>
    %add3A_2450 = vector.broadcast %get3A_30 : vector<1x1024xf32> to vector<8x1024xf32>
    %add3A_2451 = arith.addf %add3A_2450, %slice3A_2449 : vector<8x1024xf32>
    %slice3A_2452 = vector.extract_strided_slice %get3A_1964 {offsets = [352, 0], sizes = [8, 1], strides = [1, 1]} : vector<456x1xf32> to vector<8x1xf32>
    %add3A_2453 = vector.broadcast %slice3A_2452 : vector<8x1xf32> to vector<8x1024xf32>
    %add3A_2454 = arith.addf %add3A_2451, %add3A_2453 : vector<8x1024xf32>
    %lt3A_2455 = arith.cmpf olt, %add3A_2454, %select_n3A_2445 : vector<8x1024xf32>
    %select_n3A_2456 = arith.select %lt3A_2455, %add3A_2454, %select_n3A_2445 : vector<8x1024xi1>, vector<8x1024xf32>
    %jit3A_2457 = arith.constant 215 : i32
    %broadcast_in_dim3A_2458 = vector.broadcast %jit3A_2457 : i32 to vector<8x1024xi32>
    %select_n3A_2459 = arith.select %lt3A_2455, %broadcast_in_dim3A_2458, %select_n3A_2448 : vector<8x1024xi1>, vector<8x1024xi32>
    %slice3A_2460 = vector.extract_strided_slice %dot_general3A_1959 {offsets = [360, 0], sizes = [8, 1024], strides = [1, 1]} : vector<456x1024xf32> to vector<8x1024xf32>
    %add3A_2461 = vector.broadcast %get3A_30 : vector<1x1024xf32> to vector<8x1024xf32>
    %add3A_2462 = arith.addf %add3A_2461, %slice3A_2460 : vector<8x1024xf32>
    %slice3A_2463 = vector.extract_strided_slice %get3A_1964 {offsets = [360, 0], sizes = [8, 1], strides = [1, 1]} : vector<456x1xf32> to vector<8x1xf32>
    %add3A_2464 = vector.broadcast %slice3A_2463 : vector<8x1xf32> to vector<8x1024xf32>
    %add3A_2465 = arith.addf %add3A_2462, %add3A_2464 : vector<8x1024xf32>
    %lt3A_2466 = arith.cmpf olt, %add3A_2465, %select_n3A_2456 : vector<8x1024xf32>
    %select_n3A_2467 = arith.select %lt3A_2466, %add3A_2465, %select_n3A_2456 : vector<8x1024xi1>, vector<8x1024xf32>
    %jit3A_2468 = arith.constant 216 : i32
    %broadcast_in_dim3A_2469 = vector.broadcast %jit3A_2468 : i32 to vector<8x1024xi32>
    %select_n3A_2470 = arith.select %lt3A_2466, %broadcast_in_dim3A_2469, %select_n3A_2459 : vector<8x1024xi1>, vector<8x1024xi32>
    %slice3A_2471 = vector.extract_strided_slice %dot_general3A_1959 {offsets = [368, 0], sizes = [8, 1024], strides = [1, 1]} : vector<456x1024xf32> to vector<8x1024xf32>
    %add3A_2472 = vector.broadcast %get3A_30 : vector<1x1024xf32> to vector<8x1024xf32>
    %add3A_2473 = arith.addf %add3A_2472, %slice3A_2471 : vector<8x1024xf32>
    %slice3A_2474 = vector.extract_strided_slice %get3A_1964 {offsets = [368, 0], sizes = [8, 1], strides = [1, 1]} : vector<456x1xf32> to vector<8x1xf32>
    %add3A_2475 = vector.broadcast %slice3A_2474 : vector<8x1xf32> to vector<8x1024xf32>
    %add3A_2476 = arith.addf %add3A_2473, %add3A_2475 : vector<8x1024xf32>
    %lt3A_2477 = arith.cmpf olt, %add3A_2476, %select_n3A_2467 : vector<8x1024xf32>
    %select_n3A_2478 = arith.select %lt3A_2477, %add3A_2476, %select_n3A_2467 : vector<8x1024xi1>, vector<8x1024xf32>
    %jit3A_2479 = arith.constant 217 : i32
    %broadcast_in_dim3A_2480 = vector.broadcast %jit3A_2479 : i32 to vector<8x1024xi32>
    %select_n3A_2481 = arith.select %lt3A_2477, %broadcast_in_dim3A_2480, %select_n3A_2470 : vector<8x1024xi1>, vector<8x1024xi32>
    %slice3A_2482 = vector.extract_strided_slice %dot_general3A_1959 {offsets = [376, 0], sizes = [8, 1024], strides = [1, 1]} : vector<456x1024xf32> to vector<8x1024xf32>
    %add3A_2483 = vector.broadcast %get3A_30 : vector<1x1024xf32> to vector<8x1024xf32>
    %add3A_2484 = arith.addf %add3A_2483, %slice3A_2482 : vector<8x1024xf32>
    %slice3A_2485 = vector.extract_strided_slice %get3A_1964 {offsets = [376, 0], sizes = [8, 1], strides = [1, 1]} : vector<456x1xf32> to vector<8x1xf32>
    %add3A_2486 = vector.broadcast %slice3A_2485 : vector<8x1xf32> to vector<8x1024xf32>
    %add3A_2487 = arith.addf %add3A_2484, %add3A_2486 : vector<8x1024xf32>
    %lt3A_2488 = arith.cmpf olt, %add3A_2487, %select_n3A_2478 : vector<8x1024xf32>
    %select_n3A_2489 = arith.select %lt3A_2488, %add3A_2487, %select_n3A_2478 : vector<8x1024xi1>, vector<8x1024xf32>
    %jit3A_2490 = arith.constant 218 : i32
    %broadcast_in_dim3A_2491 = vector.broadcast %jit3A_2490 : i32 to vector<8x1024xi32>
    %select_n3A_2492 = arith.select %lt3A_2488, %broadcast_in_dim3A_2491, %select_n3A_2481 : vector<8x1024xi1>, vector<8x1024xi32>
    %slice3A_2493 = vector.extract_strided_slice %dot_general3A_1959 {offsets = [384, 0], sizes = [8, 1024], strides = [1, 1]} : vector<456x1024xf32> to vector<8x1024xf32>
    %add3A_2494 = vector.broadcast %get3A_30 : vector<1x1024xf32> to vector<8x1024xf32>
    %add3A_2495 = arith.addf %add3A_2494, %slice3A_2493 : vector<8x1024xf32>
    %slice3A_2496 = vector.extract_strided_slice %get3A_1964 {offsets = [384, 0], sizes = [8, 1], strides = [1, 1]} : vector<456x1xf32> to vector<8x1xf32>
    %add3A_2497 = vector.broadcast %slice3A_2496 : vector<8x1xf32> to vector<8x1024xf32>
    %add3A_2498 = arith.addf %add3A_2495, %add3A_2497 : vector<8x1024xf32>
    %lt3A_2499 = arith.cmpf olt, %add3A_2498, %select_n3A_2489 : vector<8x1024xf32>
    %select_n3A_2500 = arith.select %lt3A_2499, %add3A_2498, %select_n3A_2489 : vector<8x1024xi1>, vector<8x1024xf32>
    %jit3A_2501 = arith.constant 219 : i32
    %broadcast_in_dim3A_2502 = vector.broadcast %jit3A_2501 : i32 to vector<8x1024xi32>
    %select_n3A_2503 = arith.select %lt3A_2499, %broadcast_in_dim3A_2502, %select_n3A_2492 : vector<8x1024xi1>, vector<8x1024xi32>
    %slice3A_2504 = vector.extract_strided_slice %dot_general3A_1959 {offsets = [392, 0], sizes = [8, 1024], strides = [1, 1]} : vector<456x1024xf32> to vector<8x1024xf32>
    %add3A_2505 = vector.broadcast %get3A_30 : vector<1x1024xf32> to vector<8x1024xf32>
    %add3A_2506 = arith.addf %add3A_2505, %slice3A_2504 : vector<8x1024xf32>
    %slice3A_2507 = vector.extract_strided_slice %get3A_1964 {offsets = [392, 0], sizes = [8, 1], strides = [1, 1]} : vector<456x1xf32> to vector<8x1xf32>
    %add3A_2508 = vector.broadcast %slice3A_2507 : vector<8x1xf32> to vector<8x1024xf32>
    %add3A_2509 = arith.addf %add3A_2506, %add3A_2508 : vector<8x1024xf32>
    %lt3A_2510 = arith.cmpf olt, %add3A_2509, %select_n3A_2500 : vector<8x1024xf32>
    %select_n3A_2511 = arith.select %lt3A_2510, %add3A_2509, %select_n3A_2500 : vector<8x1024xi1>, vector<8x1024xf32>
    %jit3A_2512 = arith.constant 220 : i32
    %broadcast_in_dim3A_2513 = vector.broadcast %jit3A_2512 : i32 to vector<8x1024xi32>
    %select_n3A_2514 = arith.select %lt3A_2510, %broadcast_in_dim3A_2513, %select_n3A_2503 : vector<8x1024xi1>, vector<8x1024xi32>
    %slice3A_2515 = vector.extract_strided_slice %dot_general3A_1959 {offsets = [400, 0], sizes = [8, 1024], strides = [1, 1]} : vector<456x1024xf32> to vector<8x1024xf32>
    %add3A_2516 = vector.broadcast %get3A_30 : vector<1x1024xf32> to vector<8x1024xf32>
    %add3A_2517 = arith.addf %add3A_2516, %slice3A_2515 : vector<8x1024xf32>
    %slice3A_2518 = vector.extract_strided_slice %get3A_1964 {offsets = [400, 0], sizes = [8, 1], strides = [1, 1]} : vector<456x1xf32> to vector<8x1xf32>
    %add3A_2519 = vector.broadcast %slice3A_2518 : vector<8x1xf32> to vector<8x1024xf32>
    %add3A_2520 = arith.addf %add3A_2517, %add3A_2519 : vector<8x1024xf32>
    %lt3A_2521 = arith.cmpf olt, %add3A_2520, %select_n3A_2511 : vector<8x1024xf32>
    %select_n3A_2522 = arith.select %lt3A_2521, %add3A_2520, %select_n3A_2511 : vector<8x1024xi1>, vector<8x1024xf32>
    %jit3A_2523 = arith.constant 221 : i32
    %broadcast_in_dim3A_2524 = vector.broadcast %jit3A_2523 : i32 to vector<8x1024xi32>
    %select_n3A_2525 = arith.select %lt3A_2521, %broadcast_in_dim3A_2524, %select_n3A_2514 : vector<8x1024xi1>, vector<8x1024xi32>
    %slice3A_2526 = vector.extract_strided_slice %dot_general3A_1959 {offsets = [408, 0], sizes = [8, 1024], strides = [1, 1]} : vector<456x1024xf32> to vector<8x1024xf32>
    %add3A_2527 = vector.broadcast %get3A_30 : vector<1x1024xf32> to vector<8x1024xf32>
    %add3A_2528 = arith.addf %add3A_2527, %slice3A_2526 : vector<8x1024xf32>
    %slice3A_2529 = vector.extract_strided_slice %get3A_1964 {offsets = [408, 0], sizes = [8, 1], strides = [1, 1]} : vector<456x1xf32> to vector<8x1xf32>
    %add3A_2530 = vector.broadcast %slice3A_2529 : vector<8x1xf32> to vector<8x1024xf32>
    %add3A_2531 = arith.addf %add3A_2528, %add3A_2530 : vector<8x1024xf32>
    %lt3A_2532 = arith.cmpf olt, %add3A_2531, %select_n3A_2522 : vector<8x1024xf32>
    %select_n3A_2533 = arith.select %lt3A_2532, %add3A_2531, %select_n3A_2522 : vector<8x1024xi1>, vector<8x1024xf32>
    %jit3A_2534 = arith.constant 222 : i32
    %broadcast_in_dim3A_2535 = vector.broadcast %jit3A_2534 : i32 to vector<8x1024xi32>
    %select_n3A_2536 = arith.select %lt3A_2532, %broadcast_in_dim3A_2535, %select_n3A_2525 : vector<8x1024xi1>, vector<8x1024xi32>
    %slice3A_2537 = vector.extract_strided_slice %dot_general3A_1959 {offsets = [416, 0], sizes = [8, 1024], strides = [1, 1]} : vector<456x1024xf32> to vector<8x1024xf32>
    %add3A_2538 = vector.broadcast %get3A_30 : vector<1x1024xf32> to vector<8x1024xf32>
    %add3A_2539 = arith.addf %add3A_2538, %slice3A_2537 : vector<8x1024xf32>
    %slice3A_2540 = vector.extract_strided_slice %get3A_1964 {offsets = [416, 0], sizes = [8, 1], strides = [1, 1]} : vector<456x1xf32> to vector<8x1xf32>
    %add3A_2541 = vector.broadcast %slice3A_2540 : vector<8x1xf32> to vector<8x1024xf32>
    %add3A_2542 = arith.addf %add3A_2539, %add3A_2541 : vector<8x1024xf32>
    %lt3A_2543 = arith.cmpf olt, %add3A_2542, %select_n3A_2533 : vector<8x1024xf32>
    %select_n3A_2544 = arith.select %lt3A_2543, %add3A_2542, %select_n3A_2533 : vector<8x1024xi1>, vector<8x1024xf32>
    %jit3A_2545 = arith.constant 223 : i32
    %broadcast_in_dim3A_2546 = vector.broadcast %jit3A_2545 : i32 to vector<8x1024xi32>
    %select_n3A_2547 = arith.select %lt3A_2543, %broadcast_in_dim3A_2546, %select_n3A_2536 : vector<8x1024xi1>, vector<8x1024xi32>
    %slice3A_2548 = vector.extract_strided_slice %dot_general3A_1959 {offsets = [424, 0], sizes = [8, 1024], strides = [1, 1]} : vector<456x1024xf32> to vector<8x1024xf32>
    %add3A_2549 = vector.broadcast %get3A_30 : vector<1x1024xf32> to vector<8x1024xf32>
    %add3A_2550 = arith.addf %add3A_2549, %slice3A_2548 : vector<8x1024xf32>
    %slice3A_2551 = vector.extract_strided_slice %get3A_1964 {offsets = [424, 0], sizes = [8, 1], strides = [1, 1]} : vector<456x1xf32> to vector<8x1xf32>
    %add3A_2552 = vector.broadcast %slice3A_2551 : vector<8x1xf32> to vector<8x1024xf32>
    %add3A_2553 = arith.addf %add3A_2550, %add3A_2552 : vector<8x1024xf32>
    %lt3A_2554 = arith.cmpf olt, %add3A_2553, %select_n3A_2544 : vector<8x1024xf32>
    %select_n3A_2555 = arith.select %lt3A_2554, %add3A_2553, %select_n3A_2544 : vector<8x1024xi1>, vector<8x1024xf32>
    %jit3A_2556 = arith.constant 224 : i32
    %broadcast_in_dim3A_2557 = vector.broadcast %jit3A_2556 : i32 to vector<8x1024xi32>
    %select_n3A_2558 = arith.select %lt3A_2554, %broadcast_in_dim3A_2557, %select_n3A_2547 : vector<8x1024xi1>, vector<8x1024xi32>
    %slice3A_2559 = vector.extract_strided_slice %dot_general3A_1959 {offsets = [432, 0], sizes = [8, 1024], strides = [1, 1]} : vector<456x1024xf32> to vector<8x1024xf32>
    %add3A_2560 = vector.broadcast %get3A_30 : vector<1x1024xf32> to vector<8x1024xf32>
    %add3A_2561 = arith.addf %add3A_2560, %slice3A_2559 : vector<8x1024xf32>
    %slice3A_2562 = vector.extract_strided_slice %get3A_1964 {offsets = [432, 0], sizes = [8, 1], strides = [1, 1]} : vector<456x1xf32> to vector<8x1xf32>
    %add3A_2563 = vector.broadcast %slice3A_2562 : vector<8x1xf32> to vector<8x1024xf32>
    %add3A_2564 = arith.addf %add3A_2561, %add3A_2563 : vector<8x1024xf32>
    %lt3A_2565 = arith.cmpf olt, %add3A_2564, %select_n3A_2555 : vector<8x1024xf32>
    %select_n3A_2566 = arith.select %lt3A_2565, %add3A_2564, %select_n3A_2555 : vector<8x1024xi1>, vector<8x1024xf32>
    %jit3A_2567 = arith.constant 225 : i32
    %broadcast_in_dim3A_2568 = vector.broadcast %jit3A_2567 : i32 to vector<8x1024xi32>
    %select_n3A_2569 = arith.select %lt3A_2565, %broadcast_in_dim3A_2568, %select_n3A_2558 : vector<8x1024xi1>, vector<8x1024xi32>
    %slice3A_2570 = vector.extract_strided_slice %dot_general3A_1959 {offsets = [440, 0], sizes = [8, 1024], strides = [1, 1]} : vector<456x1024xf32> to vector<8x1024xf32>
    %add3A_2571 = vector.broadcast %get3A_30 : vector<1x1024xf32> to vector<8x1024xf32>
    %add3A_2572 = arith.addf %add3A_2571, %slice3A_2570 : vector<8x1024xf32>
    %slice3A_2573 = vector.extract_strided_slice %get3A_1964 {offsets = [440, 0], sizes = [8, 1], strides = [1, 1]} : vector<456x1xf32> to vector<8x1xf32>
    %add3A_2574 = vector.broadcast %slice3A_2573 : vector<8x1xf32> to vector<8x1024xf32>
    %add3A_2575 = arith.addf %add3A_2572, %add3A_2574 : vector<8x1024xf32>
    %lt3A_2576 = arith.cmpf olt, %add3A_2575, %select_n3A_2566 : vector<8x1024xf32>
    %select_n3A_2577 = arith.select %lt3A_2576, %add3A_2575, %select_n3A_2566 : vector<8x1024xi1>, vector<8x1024xf32>
    %jit3A_2578 = arith.constant 226 : i32
    %broadcast_in_dim3A_2579 = vector.broadcast %jit3A_2578 : i32 to vector<8x1024xi32>
    %select_n3A_2580 = arith.select %lt3A_2576, %broadcast_in_dim3A_2579, %select_n3A_2569 : vector<8x1024xi1>, vector<8x1024xi32>
    %slice3A_2581 = vector.extract_strided_slice %dot_general3A_1959 {offsets = [448, 0], sizes = [8, 1024], strides = [1, 1]} : vector<456x1024xf32> to vector<8x1024xf32>
    %add3A_2582 = vector.broadcast %get3A_30 : vector<1x1024xf32> to vector<8x1024xf32>
    %add3A_2583 = arith.addf %add3A_2582, %slice3A_2581 : vector<8x1024xf32>
    %slice3A_2584 = vector.extract_strided_slice %get3A_1964 {offsets = [448, 0], sizes = [8, 1], strides = [1, 1]} : vector<456x1xf32> to vector<8x1xf32>
    %add3A_2585 = vector.broadcast %slice3A_2584 : vector<8x1xf32> to vector<8x1024xf32>
    %add3A_2586 = arith.addf %add3A_2583, %add3A_2585 : vector<8x1024xf32>
    %lt3A_2587 = arith.cmpf olt, %add3A_2586, %select_n3A_2577 : vector<8x1024xf32>
    %select_n3A_2588 = arith.select %lt3A_2587, %add3A_2586, %select_n3A_2577 : vector<8x1024xi1>, vector<8x1024xf32>
    %jit3A_2589 = arith.constant 227 : i32
    %broadcast_in_dim3A_2590 = vector.broadcast %jit3A_2589 : i32 to vector<8x1024xi32>
    %select_n3A_2591 = arith.select %lt3A_2587, %broadcast_in_dim3A_2590, %select_n3A_2580 : vector<8x1024xi1>, vector<8x1024xi32>
    %add3A_2592 = arith.constant 1824 : i32
    %add3A_2593 = arith.addi %sub3A_19, %add3A_2592 : i32
    %get3A_2594 = arith.index_cast %add3A_2593 : i32 to index
    %get3A_2595 = arith.constant 0 : index
    %get3A_2596 = vector.load %arg2[%get3A_2594, %get3A_2595] : memref<8192x256xf32, #tpu.memory_space<vmem>>, vector<456x256xf32>
    %dot_general3A_2597 = arith.constant dense<0.000000e+00> : vector<456x1024xf32>
    %dot_general3A_2598 = tpu.matmul %get3A_2596, %mul3A_27, %dot_general3A_2597 {dimension_numbers = #tpu.dot_dimension_numbers<[1], [0], [0], [1], [0, 0, 1, 1], [], []>, transpose_lhs_hint = false} : vector<456x256xf32>, vector<256x1024xf32>, vector<456x1024xf32> -> vector<456x1024xf32>
    %add3A_2599 = arith.constant 1824 : i32
    %add3A_2600 = arith.addi %sub3A_19, %add3A_2599 : i32
    %get3A_2601 = arith.index_cast %add3A_2600 : i32 to index
    %get3A_2602 = arith.constant 0 : index
    %get3A_2603 = vector.load %arg5[%get3A_2601, %get3A_2602] : memref<8192x1xf32, #tpu.memory_space<vmem>>, vector<456x1xf32>
    %slice3A_2604 = vector.extract_strided_slice %dot_general3A_2598 {offsets = [0, 0], sizes = [8, 1024], strides = [1, 1]} : vector<456x1024xf32> to vector<8x1024xf32>
    %add3A_2605 = vector.broadcast %get3A_30 : vector<1x1024xf32> to vector<8x1024xf32>
    %add3A_2606 = arith.addf %add3A_2605, %slice3A_2604 : vector<8x1024xf32>
    %slice3A_2607 = vector.extract_strided_slice %get3A_2603 {offsets = [0, 0], sizes = [8, 1], strides = [1, 1]} : vector<456x1xf32> to vector<8x1xf32>
    %add3A_2608 = vector.broadcast %slice3A_2607 : vector<8x1xf32> to vector<8x1024xf32>
    %add3A_2609 = arith.addf %add3A_2606, %add3A_2608 : vector<8x1024xf32>
    %lt3A_2610 = arith.cmpf olt, %add3A_2609, %select_n3A_2588 : vector<8x1024xf32>
    %select_n3A_2611 = arith.select %lt3A_2610, %add3A_2609, %select_n3A_2588 : vector<8x1024xi1>, vector<8x1024xf32>
    %jit3A_2612 = arith.constant 228 : i32
    %broadcast_in_dim3A_2613 = vector.broadcast %jit3A_2612 : i32 to vector<8x1024xi32>
    %select_n3A_2614 = arith.select %lt3A_2610, %broadcast_in_dim3A_2613, %select_n3A_2591 : vector<8x1024xi1>, vector<8x1024xi32>
    %slice3A_2615 = vector.extract_strided_slice %dot_general3A_2598 {offsets = [8, 0], sizes = [8, 1024], strides = [1, 1]} : vector<456x1024xf32> to vector<8x1024xf32>
    %add3A_2616 = vector.broadcast %get3A_30 : vector<1x1024xf32> to vector<8x1024xf32>
    %add3A_2617 = arith.addf %add3A_2616, %slice3A_2615 : vector<8x1024xf32>
    %slice3A_2618 = vector.extract_strided_slice %get3A_2603 {offsets = [8, 0], sizes = [8, 1], strides = [1, 1]} : vector<456x1xf32> to vector<8x1xf32>
    %add3A_2619 = vector.broadcast %slice3A_2618 : vector<8x1xf32> to vector<8x1024xf32>
    %add3A_2620 = arith.addf %add3A_2617, %add3A_2619 : vector<8x1024xf32>
    %lt3A_2621 = arith.cmpf olt, %add3A_2620, %select_n3A_2611 : vector<8x1024xf32>
    %select_n3A_2622 = arith.select %lt3A_2621, %add3A_2620, %select_n3A_2611 : vector<8x1024xi1>, vector<8x1024xf32>
    %jit3A_2623 = arith.constant 229 : i32
    %broadcast_in_dim3A_2624 = vector.broadcast %jit3A_2623 : i32 to vector<8x1024xi32>
    %select_n3A_2625 = arith.select %lt3A_2621, %broadcast_in_dim3A_2624, %select_n3A_2614 : vector<8x1024xi1>, vector<8x1024xi32>
    %slice3A_2626 = vector.extract_strided_slice %dot_general3A_2598 {offsets = [16, 0], sizes = [8, 1024], strides = [1, 1]} : vector<456x1024xf32> to vector<8x1024xf32>
    %add3A_2627 = vector.broadcast %get3A_30 : vector<1x1024xf32> to vector<8x1024xf32>
    %add3A_2628 = arith.addf %add3A_2627, %slice3A_2626 : vector<8x1024xf32>
    %slice3A_2629 = vector.extract_strided_slice %get3A_2603 {offsets = [16, 0], sizes = [8, 1], strides = [1, 1]} : vector<456x1xf32> to vector<8x1xf32>
    %add3A_2630 = vector.broadcast %slice3A_2629 : vector<8x1xf32> to vector<8x1024xf32>
    %add3A_2631 = arith.addf %add3A_2628, %add3A_2630 : vector<8x1024xf32>
    %lt3A_2632 = arith.cmpf olt, %add3A_2631, %select_n3A_2622 : vector<8x1024xf32>
    %select_n3A_2633 = arith.select %lt3A_2632, %add3A_2631, %select_n3A_2622 : vector<8x1024xi1>, vector<8x1024xf32>
    %jit3A_2634 = arith.constant 230 : i32
    %broadcast_in_dim3A_2635 = vector.broadcast %jit3A_2634 : i32 to vector<8x1024xi32>
    %select_n3A_2636 = arith.select %lt3A_2632, %broadcast_in_dim3A_2635, %select_n3A_2625 : vector<8x1024xi1>, vector<8x1024xi32>
    %slice3A_2637 = vector.extract_strided_slice %dot_general3A_2598 {offsets = [24, 0], sizes = [8, 1024], strides = [1, 1]} : vector<456x1024xf32> to vector<8x1024xf32>
    %add3A_2638 = vector.broadcast %get3A_30 : vector<1x1024xf32> to vector<8x1024xf32>
    %add3A_2639 = arith.addf %add3A_2638, %slice3A_2637 : vector<8x1024xf32>
    %slice3A_2640 = vector.extract_strided_slice %get3A_2603 {offsets = [24, 0], sizes = [8, 1], strides = [1, 1]} : vector<456x1xf32> to vector<8x1xf32>
    %add3A_2641 = vector.broadcast %slice3A_2640 : vector<8x1xf32> to vector<8x1024xf32>
    %add3A_2642 = arith.addf %add3A_2639, %add3A_2641 : vector<8x1024xf32>
    %lt3A_2643 = arith.cmpf olt, %add3A_2642, %select_n3A_2633 : vector<8x1024xf32>
    %select_n3A_2644 = arith.select %lt3A_2643, %add3A_2642, %select_n3A_2633 : vector<8x1024xi1>, vector<8x1024xf32>
    %jit3A_2645 = arith.constant 231 : i32
    %broadcast_in_dim3A_2646 = vector.broadcast %jit3A_2645 : i32 to vector<8x1024xi32>
    %select_n3A_2647 = arith.select %lt3A_2643, %broadcast_in_dim3A_2646, %select_n3A_2636 : vector<8x1024xi1>, vector<8x1024xi32>
    %slice3A_2648 = vector.extract_strided_slice %dot_general3A_2598 {offsets = [32, 0], sizes = [8, 1024], strides = [1, 1]} : vector<456x1024xf32> to vector<8x1024xf32>
    %add3A_2649 = vector.broadcast %get3A_30 : vector<1x1024xf32> to vector<8x1024xf32>
    %add3A_2650 = arith.addf %add3A_2649, %slice3A_2648 : vector<8x1024xf32>
    %slice3A_2651 = vector.extract_strided_slice %get3A_2603 {offsets = [32, 0], sizes = [8, 1], strides = [1, 1]} : vector<456x1xf32> to vector<8x1xf32>
    %add3A_2652 = vector.broadcast %slice3A_2651 : vector<8x1xf32> to vector<8x1024xf32>
    %add3A_2653 = arith.addf %add3A_2650, %add3A_2652 : vector<8x1024xf32>
    %lt3A_2654 = arith.cmpf olt, %add3A_2653, %select_n3A_2644 : vector<8x1024xf32>
    %select_n3A_2655 = arith.select %lt3A_2654, %add3A_2653, %select_n3A_2644 : vector<8x1024xi1>, vector<8x1024xf32>
    %jit3A_2656 = arith.constant 232 : i32
    %broadcast_in_dim3A_2657 = vector.broadcast %jit3A_2656 : i32 to vector<8x1024xi32>
    %select_n3A_2658 = arith.select %lt3A_2654, %broadcast_in_dim3A_2657, %select_n3A_2647 : vector<8x1024xi1>, vector<8x1024xi32>
    %slice3A_2659 = vector.extract_strided_slice %dot_general3A_2598 {offsets = [40, 0], sizes = [8, 1024], strides = [1, 1]} : vector<456x1024xf32> to vector<8x1024xf32>
    %add3A_2660 = vector.broadcast %get3A_30 : vector<1x1024xf32> to vector<8x1024xf32>
    %add3A_2661 = arith.addf %add3A_2660, %slice3A_2659 : vector<8x1024xf32>
    %slice3A_2662 = vector.extract_strided_slice %get3A_2603 {offsets = [40, 0], sizes = [8, 1], strides = [1, 1]} : vector<456x1xf32> to vector<8x1xf32>
    %add3A_2663 = vector.broadcast %slice3A_2662 : vector<8x1xf32> to vector<8x1024xf32>
    %add3A_2664 = arith.addf %add3A_2661, %add3A_2663 : vector<8x1024xf32>
    %lt3A_2665 = arith.cmpf olt, %add3A_2664, %select_n3A_2655 : vector<8x1024xf32>
    %select_n3A_2666 = arith.select %lt3A_2665, %add3A_2664, %select_n3A_2655 : vector<8x1024xi1>, vector<8x1024xf32>
    %jit3A_2667 = arith.constant 233 : i32
    %broadcast_in_dim3A_2668 = vector.broadcast %jit3A_2667 : i32 to vector<8x1024xi32>
    %select_n3A_2669 = arith.select %lt3A_2665, %broadcast_in_dim3A_2668, %select_n3A_2658 : vector<8x1024xi1>, vector<8x1024xi32>
    %slice3A_2670 = vector.extract_strided_slice %dot_general3A_2598 {offsets = [48, 0], sizes = [8, 1024], strides = [1, 1]} : vector<456x1024xf32> to vector<8x1024xf32>
    %add3A_2671 = vector.broadcast %get3A_30 : vector<1x1024xf32> to vector<8x1024xf32>
    %add3A_2672 = arith.addf %add3A_2671, %slice3A_2670 : vector<8x1024xf32>
    %slice3A_2673 = vector.extract_strided_slice %get3A_2603 {offsets = [48, 0], sizes = [8, 1], strides = [1, 1]} : vector<456x1xf32> to vector<8x1xf32>
    %add3A_2674 = vector.broadcast %slice3A_2673 : vector<8x1xf32> to vector<8x1024xf32>
    %add3A_2675 = arith.addf %add3A_2672, %add3A_2674 : vector<8x1024xf32>
    %lt3A_2676 = arith.cmpf olt, %add3A_2675, %select_n3A_2666 : vector<8x1024xf32>
    %select_n3A_2677 = arith.select %lt3A_2676, %add3A_2675, %select_n3A_2666 : vector<8x1024xi1>, vector<8x1024xf32>
    %jit3A_2678 = arith.constant 234 : i32
    %broadcast_in_dim3A_2679 = vector.broadcast %jit3A_2678 : i32 to vector<8x1024xi32>
    %select_n3A_2680 = arith.select %lt3A_2676, %broadcast_in_dim3A_2679, %select_n3A_2669 : vector<8x1024xi1>, vector<8x1024xi32>
    %slice3A_2681 = vector.extract_strided_slice %dot_general3A_2598 {offsets = [56, 0], sizes = [8, 1024], strides = [1, 1]} : vector<456x1024xf32> to vector<8x1024xf32>
    %add3A_2682 = vector.broadcast %get3A_30 : vector<1x1024xf32> to vector<8x1024xf32>
    %add3A_2683 = arith.addf %add3A_2682, %slice3A_2681 : vector<8x1024xf32>
    %slice3A_2684 = vector.extract_strided_slice %get3A_2603 {offsets = [56, 0], sizes = [8, 1], strides = [1, 1]} : vector<456x1xf32> to vector<8x1xf32>
    %add3A_2685 = vector.broadcast %slice3A_2684 : vector<8x1xf32> to vector<8x1024xf32>
    %add3A_2686 = arith.addf %add3A_2683, %add3A_2685 : vector<8x1024xf32>
    %lt3A_2687 = arith.cmpf olt, %add3A_2686, %select_n3A_2677 : vector<8x1024xf32>
    %select_n3A_2688 = arith.select %lt3A_2687, %add3A_2686, %select_n3A_2677 : vector<8x1024xi1>, vector<8x1024xf32>
    %jit3A_2689 = arith.constant 235 : i32
    %broadcast_in_dim3A_2690 = vector.broadcast %jit3A_2689 : i32 to vector<8x1024xi32>
    %select_n3A_2691 = arith.select %lt3A_2687, %broadcast_in_dim3A_2690, %select_n3A_2680 : vector<8x1024xi1>, vector<8x1024xi32>
    %slice3A_2692 = vector.extract_strided_slice %dot_general3A_2598 {offsets = [64, 0], sizes = [8, 1024], strides = [1, 1]} : vector<456x1024xf32> to vector<8x1024xf32>
    %add3A_2693 = vector.broadcast %get3A_30 : vector<1x1024xf32> to vector<8x1024xf32>
    %add3A_2694 = arith.addf %add3A_2693, %slice3A_2692 : vector<8x1024xf32>
    %slice3A_2695 = vector.extract_strided_slice %get3A_2603 {offsets = [64, 0], sizes = [8, 1], strides = [1, 1]} : vector<456x1xf32> to vector<8x1xf32>
    %add3A_2696 = vector.broadcast %slice3A_2695 : vector<8x1xf32> to vector<8x1024xf32>
    %add3A_2697 = arith.addf %add3A_2694, %add3A_2696 : vector<8x1024xf32>
    %lt3A_2698 = arith.cmpf olt, %add3A_2697, %select_n3A_2688 : vector<8x1024xf32>
    %select_n3A_2699 = arith.select %lt3A_2698, %add3A_2697, %select_n3A_2688 : vector<8x1024xi1>, vector<8x1024xf32>
    %jit3A_2700 = arith.constant 236 : i32
    %broadcast_in_dim3A_2701 = vector.broadcast %jit3A_2700 : i32 to vector<8x1024xi32>
    %select_n3A_2702 = arith.select %lt3A_2698, %broadcast_in_dim3A_2701, %select_n3A_2691 : vector<8x1024xi1>, vector<8x1024xi32>
    %slice3A_2703 = vector.extract_strided_slice %dot_general3A_2598 {offsets = [72, 0], sizes = [8, 1024], strides = [1, 1]} : vector<456x1024xf32> to vector<8x1024xf32>
    %add3A_2704 = vector.broadcast %get3A_30 : vector<1x1024xf32> to vector<8x1024xf32>
    %add3A_2705 = arith.addf %add3A_2704, %slice3A_2703 : vector<8x1024xf32>
    %slice3A_2706 = vector.extract_strided_slice %get3A_2603 {offsets = [72, 0], sizes = [8, 1], strides = [1, 1]} : vector<456x1xf32> to vector<8x1xf32>
    %add3A_2707 = vector.broadcast %slice3A_2706 : vector<8x1xf32> to vector<8x1024xf32>
    %add3A_2708 = arith.addf %add3A_2705, %add3A_2707 : vector<8x1024xf32>
    %lt3A_2709 = arith.cmpf olt, %add3A_2708, %select_n3A_2699 : vector<8x1024xf32>
    %select_n3A_2710 = arith.select %lt3A_2709, %add3A_2708, %select_n3A_2699 : vector<8x1024xi1>, vector<8x1024xf32>
    %jit3A_2711 = arith.constant 237 : i32
    %broadcast_in_dim3A_2712 = vector.broadcast %jit3A_2711 : i32 to vector<8x1024xi32>
    %select_n3A_2713 = arith.select %lt3A_2709, %broadcast_in_dim3A_2712, %select_n3A_2702 : vector<8x1024xi1>, vector<8x1024xi32>
    %slice3A_2714 = vector.extract_strided_slice %dot_general3A_2598 {offsets = [80, 0], sizes = [8, 1024], strides = [1, 1]} : vector<456x1024xf32> to vector<8x1024xf32>
    %add3A_2715 = vector.broadcast %get3A_30 : vector<1x1024xf32> to vector<8x1024xf32>
    %add3A_2716 = arith.addf %add3A_2715, %slice3A_2714 : vector<8x1024xf32>
    %slice3A_2717 = vector.extract_strided_slice %get3A_2603 {offsets = [80, 0], sizes = [8, 1], strides = [1, 1]} : vector<456x1xf32> to vector<8x1xf32>
    %add3A_2718 = vector.broadcast %slice3A_2717 : vector<8x1xf32> to vector<8x1024xf32>
    %add3A_2719 = arith.addf %add3A_2716, %add3A_2718 : vector<8x1024xf32>
    %lt3A_2720 = arith.cmpf olt, %add3A_2719, %select_n3A_2710 : vector<8x1024xf32>
    %select_n3A_2721 = arith.select %lt3A_2720, %add3A_2719, %select_n3A_2710 : vector<8x1024xi1>, vector<8x1024xf32>
    %jit3A_2722 = arith.constant 238 : i32
    %broadcast_in_dim3A_2723 = vector.broadcast %jit3A_2722 : i32 to vector<8x1024xi32>
    %select_n3A_2724 = arith.select %lt3A_2720, %broadcast_in_dim3A_2723, %select_n3A_2713 : vector<8x1024xi1>, vector<8x1024xi32>
    %slice3A_2725 = vector.extract_strided_slice %dot_general3A_2598 {offsets = [88, 0], sizes = [8, 1024], strides = [1, 1]} : vector<456x1024xf32> to vector<8x1024xf32>
    %add3A_2726 = vector.broadcast %get3A_30 : vector<1x1024xf32> to vector<8x1024xf32>
    %add3A_2727 = arith.addf %add3A_2726, %slice3A_2725 : vector<8x1024xf32>
    %slice3A_2728 = vector.extract_strided_slice %get3A_2603 {offsets = [88, 0], sizes = [8, 1], strides = [1, 1]} : vector<456x1xf32> to vector<8x1xf32>
    %add3A_2729 = vector.broadcast %slice3A_2728 : vector<8x1xf32> to vector<8x1024xf32>
    %add3A_2730 = arith.addf %add3A_2727, %add3A_2729 : vector<8x1024xf32>
    %lt3A_2731 = arith.cmpf olt, %add3A_2730, %select_n3A_2721 : vector<8x1024xf32>
    %select_n3A_2732 = arith.select %lt3A_2731, %add3A_2730, %select_n3A_2721 : vector<8x1024xi1>, vector<8x1024xf32>
    %jit3A_2733 = arith.constant 239 : i32
    %broadcast_in_dim3A_2734 = vector.broadcast %jit3A_2733 : i32 to vector<8x1024xi32>
    %select_n3A_2735 = arith.select %lt3A_2731, %broadcast_in_dim3A_2734, %select_n3A_2724 : vector<8x1024xi1>, vector<8x1024xi32>
    %slice3A_2736 = vector.extract_strided_slice %dot_general3A_2598 {offsets = [96, 0], sizes = [8, 1024], strides = [1, 1]} : vector<456x1024xf32> to vector<8x1024xf32>
    %add3A_2737 = vector.broadcast %get3A_30 : vector<1x1024xf32> to vector<8x1024xf32>
    %add3A_2738 = arith.addf %add3A_2737, %slice3A_2736 : vector<8x1024xf32>
    %slice3A_2739 = vector.extract_strided_slice %get3A_2603 {offsets = [96, 0], sizes = [8, 1], strides = [1, 1]} : vector<456x1xf32> to vector<8x1xf32>
    %add3A_2740 = vector.broadcast %slice3A_2739 : vector<8x1xf32> to vector<8x1024xf32>
    %add3A_2741 = arith.addf %add3A_2738, %add3A_2740 : vector<8x1024xf32>
    %lt3A_2742 = arith.cmpf olt, %add3A_2741, %select_n3A_2732 : vector<8x1024xf32>
    %select_n3A_2743 = arith.select %lt3A_2742, %add3A_2741, %select_n3A_2732 : vector<8x1024xi1>, vector<8x1024xf32>
    %jit3A_2744 = arith.constant 240 : i32
    %broadcast_in_dim3A_2745 = vector.broadcast %jit3A_2744 : i32 to vector<8x1024xi32>
    %select_n3A_2746 = arith.select %lt3A_2742, %broadcast_in_dim3A_2745, %select_n3A_2735 : vector<8x1024xi1>, vector<8x1024xi32>
    %slice3A_2747 = vector.extract_strided_slice %dot_general3A_2598 {offsets = [104, 0], sizes = [8, 1024], strides = [1, 1]} : vector<456x1024xf32> to vector<8x1024xf32>
    %add3A_2748 = vector.broadcast %get3A_30 : vector<1x1024xf32> to vector<8x1024xf32>
    %add3A_2749 = arith.addf %add3A_2748, %slice3A_2747 : vector<8x1024xf32>
    %slice3A_2750 = vector.extract_strided_slice %get3A_2603 {offsets = [104, 0], sizes = [8, 1], strides = [1, 1]} : vector<456x1xf32> to vector<8x1xf32>
    %add3A_2751 = vector.broadcast %slice3A_2750 : vector<8x1xf32> to vector<8x1024xf32>
    %add3A_2752 = arith.addf %add3A_2749, %add3A_2751 : vector<8x1024xf32>
    %lt3A_2753 = arith.cmpf olt, %add3A_2752, %select_n3A_2743 : vector<8x1024xf32>
    %select_n3A_2754 = arith.select %lt3A_2753, %add3A_2752, %select_n3A_2743 : vector<8x1024xi1>, vector<8x1024xf32>
    %jit3A_2755 = arith.constant 241 : i32
    %broadcast_in_dim3A_2756 = vector.broadcast %jit3A_2755 : i32 to vector<8x1024xi32>
    %select_n3A_2757 = arith.select %lt3A_2753, %broadcast_in_dim3A_2756, %select_n3A_2746 : vector<8x1024xi1>, vector<8x1024xi32>
    %slice3A_2758 = vector.extract_strided_slice %dot_general3A_2598 {offsets = [112, 0], sizes = [8, 1024], strides = [1, 1]} : vector<456x1024xf32> to vector<8x1024xf32>
    %add3A_2759 = vector.broadcast %get3A_30 : vector<1x1024xf32> to vector<8x1024xf32>
    %add3A_2760 = arith.addf %add3A_2759, %slice3A_2758 : vector<8x1024xf32>
    %slice3A_2761 = vector.extract_strided_slice %get3A_2603 {offsets = [112, 0], sizes = [8, 1], strides = [1, 1]} : vector<456x1xf32> to vector<8x1xf32>
    %add3A_2762 = vector.broadcast %slice3A_2761 : vector<8x1xf32> to vector<8x1024xf32>
    %add3A_2763 = arith.addf %add3A_2760, %add3A_2762 : vector<8x1024xf32>
    %lt3A_2764 = arith.cmpf olt, %add3A_2763, %select_n3A_2754 : vector<8x1024xf32>
    %select_n3A_2765 = arith.select %lt3A_2764, %add3A_2763, %select_n3A_2754 : vector<8x1024xi1>, vector<8x1024xf32>
    %jit3A_2766 = arith.constant 242 : i32
    %broadcast_in_dim3A_2767 = vector.broadcast %jit3A_2766 : i32 to vector<8x1024xi32>
    %select_n3A_2768 = arith.select %lt3A_2764, %broadcast_in_dim3A_2767, %select_n3A_2757 : vector<8x1024xi1>, vector<8x1024xi32>
    %slice3A_2769 = vector.extract_strided_slice %dot_general3A_2598 {offsets = [120, 0], sizes = [8, 1024], strides = [1, 1]} : vector<456x1024xf32> to vector<8x1024xf32>
    %add3A_2770 = vector.broadcast %get3A_30 : vector<1x1024xf32> to vector<8x1024xf32>
    %add3A_2771 = arith.addf %add3A_2770, %slice3A_2769 : vector<8x1024xf32>
    %slice3A_2772 = vector.extract_strided_slice %get3A_2603 {offsets = [120, 0], sizes = [8, 1], strides = [1, 1]} : vector<456x1xf32> to vector<8x1xf32>
    %add3A_2773 = vector.broadcast %slice3A_2772 : vector<8x1xf32> to vector<8x1024xf32>
    %add3A_2774 = arith.addf %add3A_2771, %add3A_2773 : vector<8x1024xf32>
    %lt3A_2775 = arith.cmpf olt, %add3A_2774, %select_n3A_2765 : vector<8x1024xf32>
    %select_n3A_2776 = arith.select %lt3A_2775, %add3A_2774, %select_n3A_2765 : vector<8x1024xi1>, vector<8x1024xf32>
    %jit3A_2777 = arith.constant 243 : i32
    %broadcast_in_dim3A_2778 = vector.broadcast %jit3A_2777 : i32 to vector<8x1024xi32>
    %select_n3A_2779 = arith.select %lt3A_2775, %broadcast_in_dim3A_2778, %select_n3A_2768 : vector<8x1024xi1>, vector<8x1024xi32>
    %slice3A_2780 = vector.extract_strided_slice %dot_general3A_2598 {offsets = [128, 0], sizes = [8, 1024], strides = [1, 1]} : vector<456x1024xf32> to vector<8x1024xf32>
    %add3A_2781 = vector.broadcast %get3A_30 : vector<1x1024xf32> to vector<8x1024xf32>
    %add3A_2782 = arith.addf %add3A_2781, %slice3A_2780 : vector<8x1024xf32>
    %slice3A_2783 = vector.extract_strided_slice %get3A_2603 {offsets = [128, 0], sizes = [8, 1], strides = [1, 1]} : vector<456x1xf32> to vector<8x1xf32>
    %add3A_2784 = vector.broadcast %slice3A_2783 : vector<8x1xf32> to vector<8x1024xf32>
    %add3A_2785 = arith.addf %add3A_2782, %add3A_2784 : vector<8x1024xf32>
    %lt3A_2786 = arith.cmpf olt, %add3A_2785, %select_n3A_2776 : vector<8x1024xf32>
    %select_n3A_2787 = arith.select %lt3A_2786, %add3A_2785, %select_n3A_2776 : vector<8x1024xi1>, vector<8x1024xf32>
    %jit3A_2788 = arith.constant 244 : i32
    %broadcast_in_dim3A_2789 = vector.broadcast %jit3A_2788 : i32 to vector<8x1024xi32>
    %select_n3A_2790 = arith.select %lt3A_2786, %broadcast_in_dim3A_2789, %select_n3A_2779 : vector<8x1024xi1>, vector<8x1024xi32>
    %slice3A_2791 = vector.extract_strided_slice %dot_general3A_2598 {offsets = [136, 0], sizes = [8, 1024], strides = [1, 1]} : vector<456x1024xf32> to vector<8x1024xf32>
    %add3A_2792 = vector.broadcast %get3A_30 : vector<1x1024xf32> to vector<8x1024xf32>
    %add3A_2793 = arith.addf %add3A_2792, %slice3A_2791 : vector<8x1024xf32>
    %slice3A_2794 = vector.extract_strided_slice %get3A_2603 {offsets = [136, 0], sizes = [8, 1], strides = [1, 1]} : vector<456x1xf32> to vector<8x1xf32>
    %add3A_2795 = vector.broadcast %slice3A_2794 : vector<8x1xf32> to vector<8x1024xf32>
    %add3A_2796 = arith.addf %add3A_2793, %add3A_2795 : vector<8x1024xf32>
    %lt3A_2797 = arith.cmpf olt, %add3A_2796, %select_n3A_2787 : vector<8x1024xf32>
    %select_n3A_2798 = arith.select %lt3A_2797, %add3A_2796, %select_n3A_2787 : vector<8x1024xi1>, vector<8x1024xf32>
    %jit3A_2799 = arith.constant 245 : i32
    %broadcast_in_dim3A_2800 = vector.broadcast %jit3A_2799 : i32 to vector<8x1024xi32>
    %select_n3A_2801 = arith.select %lt3A_2797, %broadcast_in_dim3A_2800, %select_n3A_2790 : vector<8x1024xi1>, vector<8x1024xi32>
    %slice3A_2802 = vector.extract_strided_slice %dot_general3A_2598 {offsets = [144, 0], sizes = [8, 1024], strides = [1, 1]} : vector<456x1024xf32> to vector<8x1024xf32>
    %add3A_2803 = vector.broadcast %get3A_30 : vector<1x1024xf32> to vector<8x1024xf32>
    %add3A_2804 = arith.addf %add3A_2803, %slice3A_2802 : vector<8x1024xf32>
    %slice3A_2805 = vector.extract_strided_slice %get3A_2603 {offsets = [144, 0], sizes = [8, 1], strides = [1, 1]} : vector<456x1xf32> to vector<8x1xf32>
    %add3A_2806 = vector.broadcast %slice3A_2805 : vector<8x1xf32> to vector<8x1024xf32>
    %add3A_2807 = arith.addf %add3A_2804, %add3A_2806 : vector<8x1024xf32>
    %lt3A_2808 = arith.cmpf olt, %add3A_2807, %select_n3A_2798 : vector<8x1024xf32>
    %select_n3A_2809 = arith.select %lt3A_2808, %add3A_2807, %select_n3A_2798 : vector<8x1024xi1>, vector<8x1024xf32>
    %jit3A_2810 = arith.constant 246 : i32
    %broadcast_in_dim3A_2811 = vector.broadcast %jit3A_2810 : i32 to vector<8x1024xi32>
    %select_n3A_2812 = arith.select %lt3A_2808, %broadcast_in_dim3A_2811, %select_n3A_2801 : vector<8x1024xi1>, vector<8x1024xi32>
    %slice3A_2813 = vector.extract_strided_slice %dot_general3A_2598 {offsets = [152, 0], sizes = [8, 1024], strides = [1, 1]} : vector<456x1024xf32> to vector<8x1024xf32>
    %add3A_2814 = vector.broadcast %get3A_30 : vector<1x1024xf32> to vector<8x1024xf32>
    %add3A_2815 = arith.addf %add3A_2814, %slice3A_2813 : vector<8x1024xf32>
    %slice3A_2816 = vector.extract_strided_slice %get3A_2603 {offsets = [152, 0], sizes = [8, 1], strides = [1, 1]} : vector<456x1xf32> to vector<8x1xf32>
    %add3A_2817 = vector.broadcast %slice3A_2816 : vector<8x1xf32> to vector<8x1024xf32>
    %add3A_2818 = arith.addf %add3A_2815, %add3A_2817 : vector<8x1024xf32>
    %lt3A_2819 = arith.cmpf olt, %add3A_2818, %select_n3A_2809 : vector<8x1024xf32>
    %select_n3A_2820 = arith.select %lt3A_2819, %add3A_2818, %select_n3A_2809 : vector<8x1024xi1>, vector<8x1024xf32>
    %jit3A_2821 = arith.constant 247 : i32
    %broadcast_in_dim3A_2822 = vector.broadcast %jit3A_2821 : i32 to vector<8x1024xi32>
    %select_n3A_2823 = arith.select %lt3A_2819, %broadcast_in_dim3A_2822, %select_n3A_2812 : vector<8x1024xi1>, vector<8x1024xi32>
    %slice3A_2824 = vector.extract_strided_slice %dot_general3A_2598 {offsets = [160, 0], sizes = [8, 1024], strides = [1, 1]} : vector<456x1024xf32> to vector<8x1024xf32>
    %add3A_2825 = vector.broadcast %get3A_30 : vector<1x1024xf32> to vector<8x1024xf32>
    %add3A_2826 = arith.addf %add3A_2825, %slice3A_2824 : vector<8x1024xf32>
    %slice3A_2827 = vector.extract_strided_slice %get3A_2603 {offsets = [160, 0], sizes = [8, 1], strides = [1, 1]} : vector<456x1xf32> to vector<8x1xf32>
    %add3A_2828 = vector.broadcast %slice3A_2827 : vector<8x1xf32> to vector<8x1024xf32>
    %add3A_2829 = arith.addf %add3A_2826, %add3A_2828 : vector<8x1024xf32>
    %lt3A_2830 = arith.cmpf olt, %add3A_2829, %select_n3A_2820 : vector<8x1024xf32>
    %select_n3A_2831 = arith.select %lt3A_2830, %add3A_2829, %select_n3A_2820 : vector<8x1024xi1>, vector<8x1024xf32>
    %jit3A_2832 = arith.constant 248 : i32
    %broadcast_in_dim3A_2833 = vector.broadcast %jit3A_2832 : i32 to vector<8x1024xi32>
    %select_n3A_2834 = arith.select %lt3A_2830, %broadcast_in_dim3A_2833, %select_n3A_2823 : vector<8x1024xi1>, vector<8x1024xi32>
    %slice3A_2835 = vector.extract_strided_slice %dot_general3A_2598 {offsets = [168, 0], sizes = [8, 1024], strides = [1, 1]} : vector<456x1024xf32> to vector<8x1024xf32>
    %add3A_2836 = vector.broadcast %get3A_30 : vector<1x1024xf32> to vector<8x1024xf32>
    %add3A_2837 = arith.addf %add3A_2836, %slice3A_2835 : vector<8x1024xf32>
    %slice3A_2838 = vector.extract_strided_slice %get3A_2603 {offsets = [168, 0], sizes = [8, 1], strides = [1, 1]} : vector<456x1xf32> to vector<8x1xf32>
    %add3A_2839 = vector.broadcast %slice3A_2838 : vector<8x1xf32> to vector<8x1024xf32>
    %add3A_2840 = arith.addf %add3A_2837, %add3A_2839 : vector<8x1024xf32>
    %lt3A_2841 = arith.cmpf olt, %add3A_2840, %select_n3A_2831 : vector<8x1024xf32>
    %select_n3A_2842 = arith.select %lt3A_2841, %add3A_2840, %select_n3A_2831 : vector<8x1024xi1>, vector<8x1024xf32>
    %jit3A_2843 = arith.constant 249 : i32
    %broadcast_in_dim3A_2844 = vector.broadcast %jit3A_2843 : i32 to vector<8x1024xi32>
    %select_n3A_2845 = arith.select %lt3A_2841, %broadcast_in_dim3A_2844, %select_n3A_2834 : vector<8x1024xi1>, vector<8x1024xi32>
    %slice3A_2846 = vector.extract_strided_slice %dot_general3A_2598 {offsets = [176, 0], sizes = [8, 1024], strides = [1, 1]} : vector<456x1024xf32> to vector<8x1024xf32>
    %add3A_2847 = vector.broadcast %get3A_30 : vector<1x1024xf32> to vector<8x1024xf32>
    %add3A_2848 = arith.addf %add3A_2847, %slice3A_2846 : vector<8x1024xf32>
    %slice3A_2849 = vector.extract_strided_slice %get3A_2603 {offsets = [176, 0], sizes = [8, 1], strides = [1, 1]} : vector<456x1xf32> to vector<8x1xf32>
    %add3A_2850 = vector.broadcast %slice3A_2849 : vector<8x1xf32> to vector<8x1024xf32>
    %add3A_2851 = arith.addf %add3A_2848, %add3A_2850 : vector<8x1024xf32>
    %lt3A_2852 = arith.cmpf olt, %add3A_2851, %select_n3A_2842 : vector<8x1024xf32>
    %select_n3A_2853 = arith.select %lt3A_2852, %add3A_2851, %select_n3A_2842 : vector<8x1024xi1>, vector<8x1024xf32>
    %jit3A_2854 = arith.constant 250 : i32
    %broadcast_in_dim3A_2855 = vector.broadcast %jit3A_2854 : i32 to vector<8x1024xi32>
    %select_n3A_2856 = arith.select %lt3A_2852, %broadcast_in_dim3A_2855, %select_n3A_2845 : vector<8x1024xi1>, vector<8x1024xi32>
    %slice3A_2857 = vector.extract_strided_slice %dot_general3A_2598 {offsets = [184, 0], sizes = [8, 1024], strides = [1, 1]} : vector<456x1024xf32> to vector<8x1024xf32>
    %add3A_2858 = vector.broadcast %get3A_30 : vector<1x1024xf32> to vector<8x1024xf32>
    %add3A_2859 = arith.addf %add3A_2858, %slice3A_2857 : vector<8x1024xf32>
    %slice3A_2860 = vector.extract_strided_slice %get3A_2603 {offsets = [184, 0], sizes = [8, 1], strides = [1, 1]} : vector<456x1xf32> to vector<8x1xf32>
    %add3A_2861 = vector.broadcast %slice3A_2860 : vector<8x1xf32> to vector<8x1024xf32>
    %add3A_2862 = arith.addf %add3A_2859, %add3A_2861 : vector<8x1024xf32>
    %lt3A_2863 = arith.cmpf olt, %add3A_2862, %select_n3A_2853 : vector<8x1024xf32>
    %select_n3A_2864 = arith.select %lt3A_2863, %add3A_2862, %select_n3A_2853 : vector<8x1024xi1>, vector<8x1024xf32>
    %jit3A_2865 = arith.constant 251 : i32
    %broadcast_in_dim3A_2866 = vector.broadcast %jit3A_2865 : i32 to vector<8x1024xi32>
    %select_n3A_2867 = arith.select %lt3A_2863, %broadcast_in_dim3A_2866, %select_n3A_2856 : vector<8x1024xi1>, vector<8x1024xi32>
    %slice3A_2868 = vector.extract_strided_slice %dot_general3A_2598 {offsets = [192, 0], sizes = [8, 1024], strides = [1, 1]} : vector<456x1024xf32> to vector<8x1024xf32>
    %add3A_2869 = vector.broadcast %get3A_30 : vector<1x1024xf32> to vector<8x1024xf32>
    %add3A_2870 = arith.addf %add3A_2869, %slice3A_2868 : vector<8x1024xf32>
    %slice3A_2871 = vector.extract_strided_slice %get3A_2603 {offsets = [192, 0], sizes = [8, 1], strides = [1, 1]} : vector<456x1xf32> to vector<8x1xf32>
    %add3A_2872 = vector.broadcast %slice3A_2871 : vector<8x1xf32> to vector<8x1024xf32>
    %add3A_2873 = arith.addf %add3A_2870, %add3A_2872 : vector<8x1024xf32>
    %lt3A_2874 = arith.cmpf olt, %add3A_2873, %select_n3A_2864 : vector<8x1024xf32>
    %select_n3A_2875 = arith.select %lt3A_2874, %add3A_2873, %select_n3A_2864 : vector<8x1024xi1>, vector<8x1024xf32>
    %jit3A_2876 = arith.constant 252 : i32
    %broadcast_in_dim3A_2877 = vector.broadcast %jit3A_2876 : i32 to vector<8x1024xi32>
    %select_n3A_2878 = arith.select %lt3A_2874, %broadcast_in_dim3A_2877, %select_n3A_2867 : vector<8x1024xi1>, vector<8x1024xi32>
    %slice3A_2879 = vector.extract_strided_slice %dot_general3A_2598 {offsets = [200, 0], sizes = [8, 1024], strides = [1, 1]} : vector<456x1024xf32> to vector<8x1024xf32>
    %add3A_2880 = vector.broadcast %get3A_30 : vector<1x1024xf32> to vector<8x1024xf32>
    %add3A_2881 = arith.addf %add3A_2880, %slice3A_2879 : vector<8x1024xf32>
    %slice3A_2882 = vector.extract_strided_slice %get3A_2603 {offsets = [200, 0], sizes = [8, 1], strides = [1, 1]} : vector<456x1xf32> to vector<8x1xf32>
    %add3A_2883 = vector.broadcast %slice3A_2882 : vector<8x1xf32> to vector<8x1024xf32>
    %add3A_2884 = arith.addf %add3A_2881, %add3A_2883 : vector<8x1024xf32>
    %lt3A_2885 = arith.cmpf olt, %add3A_2884, %select_n3A_2875 : vector<8x1024xf32>
    %select_n3A_2886 = arith.select %lt3A_2885, %add3A_2884, %select_n3A_2875 : vector<8x1024xi1>, vector<8x1024xf32>
    %jit3A_2887 = arith.constant 253 : i32
    %broadcast_in_dim3A_2888 = vector.broadcast %jit3A_2887 : i32 to vector<8x1024xi32>
    %select_n3A_2889 = arith.select %lt3A_2885, %broadcast_in_dim3A_2888, %select_n3A_2878 : vector<8x1024xi1>, vector<8x1024xi32>
    %slice3A_2890 = vector.extract_strided_slice %dot_general3A_2598 {offsets = [208, 0], sizes = [8, 1024], strides = [1, 1]} : vector<456x1024xf32> to vector<8x1024xf32>
    %add3A_2891 = vector.broadcast %get3A_30 : vector<1x1024xf32> to vector<8x1024xf32>
    %add3A_2892 = arith.addf %add3A_2891, %slice3A_2890 : vector<8x1024xf32>
    %slice3A_2893 = vector.extract_strided_slice %get3A_2603 {offsets = [208, 0], sizes = [8, 1], strides = [1, 1]} : vector<456x1xf32> to vector<8x1xf32>
    %add3A_2894 = vector.broadcast %slice3A_2893 : vector<8x1xf32> to vector<8x1024xf32>
    %add3A_2895 = arith.addf %add3A_2892, %add3A_2894 : vector<8x1024xf32>
    %lt3A_2896 = arith.cmpf olt, %add3A_2895, %select_n3A_2886 : vector<8x1024xf32>
    %select_n3A_2897 = arith.select %lt3A_2896, %add3A_2895, %select_n3A_2886 : vector<8x1024xi1>, vector<8x1024xf32>
    %jit3A_2898 = arith.constant 254 : i32
    %broadcast_in_dim3A_2899 = vector.broadcast %jit3A_2898 : i32 to vector<8x1024xi32>
    %select_n3A_2900 = arith.select %lt3A_2896, %broadcast_in_dim3A_2899, %select_n3A_2889 : vector<8x1024xi1>, vector<8x1024xi32>
    %slice3A_2901 = vector.extract_strided_slice %dot_general3A_2598 {offsets = [216, 0], sizes = [8, 1024], strides = [1, 1]} : vector<456x1024xf32> to vector<8x1024xf32>
    %add3A_2902 = vector.broadcast %get3A_30 : vector<1x1024xf32> to vector<8x1024xf32>
    %add3A_2903 = arith.addf %add3A_2902, %slice3A_2901 : vector<8x1024xf32>
    %slice3A_2904 = vector.extract_strided_slice %get3A_2603 {offsets = [216, 0], sizes = [8, 1], strides = [1, 1]} : vector<456x1xf32> to vector<8x1xf32>
    %add3A_2905 = vector.broadcast %slice3A_2904 : vector<8x1xf32> to vector<8x1024xf32>
    %add3A_2906 = arith.addf %add3A_2903, %add3A_2905 : vector<8x1024xf32>
    %lt3A_2907 = arith.cmpf olt, %add3A_2906, %select_n3A_2897 : vector<8x1024xf32>
    %select_n3A_2908 = arith.select %lt3A_2907, %add3A_2906, %select_n3A_2897 : vector<8x1024xi1>, vector<8x1024xf32>
    %jit3A_2909 = arith.constant 255 : i32
    %broadcast_in_dim3A_2910 = vector.broadcast %jit3A_2909 : i32 to vector<8x1024xi32>
    %select_n3A_2911 = arith.select %lt3A_2907, %broadcast_in_dim3A_2910, %select_n3A_2900 : vector<8x1024xi1>, vector<8x1024xi32>
    %slice3A_2912 = vector.extract_strided_slice %dot_general3A_2598 {offsets = [224, 0], sizes = [8, 1024], strides = [1, 1]} : vector<456x1024xf32> to vector<8x1024xf32>
    %add3A_2913 = vector.broadcast %get3A_30 : vector<1x1024xf32> to vector<8x1024xf32>
    %add3A_2914 = arith.addf %add3A_2913, %slice3A_2912 : vector<8x1024xf32>
    %slice3A_2915 = vector.extract_strided_slice %get3A_2603 {offsets = [224, 0], sizes = [8, 1], strides = [1, 1]} : vector<456x1xf32> to vector<8x1xf32>
    %add3A_2916 = vector.broadcast %slice3A_2915 : vector<8x1xf32> to vector<8x1024xf32>
    %add3A_2917 = arith.addf %add3A_2914, %add3A_2916 : vector<8x1024xf32>
    %lt3A_2918 = arith.cmpf olt, %add3A_2917, %select_n3A_2908 : vector<8x1024xf32>
    %select_n3A_2919 = arith.select %lt3A_2918, %add3A_2917, %select_n3A_2908 : vector<8x1024xi1>, vector<8x1024xf32>
    %jit3A_2920 = arith.constant 256 : i32
    %broadcast_in_dim3A_2921 = vector.broadcast %jit3A_2920 : i32 to vector<8x1024xi32>
    %select_n3A_2922 = arith.select %lt3A_2918, %broadcast_in_dim3A_2921, %select_n3A_2911 : vector<8x1024xi1>, vector<8x1024xi32>
    %slice3A_2923 = vector.extract_strided_slice %dot_general3A_2598 {offsets = [232, 0], sizes = [8, 1024], strides = [1, 1]} : vector<456x1024xf32> to vector<8x1024xf32>
    %add3A_2924 = vector.broadcast %get3A_30 : vector<1x1024xf32> to vector<8x1024xf32>
    %add3A_2925 = arith.addf %add3A_2924, %slice3A_2923 : vector<8x1024xf32>
    %slice3A_2926 = vector.extract_strided_slice %get3A_2603 {offsets = [232, 0], sizes = [8, 1], strides = [1, 1]} : vector<456x1xf32> to vector<8x1xf32>
    %add3A_2927 = vector.broadcast %slice3A_2926 : vector<8x1xf32> to vector<8x1024xf32>
    %add3A_2928 = arith.addf %add3A_2925, %add3A_2927 : vector<8x1024xf32>
    %lt3A_2929 = arith.cmpf olt, %add3A_2928, %select_n3A_2919 : vector<8x1024xf32>
    %select_n3A_2930 = arith.select %lt3A_2929, %add3A_2928, %select_n3A_2919 : vector<8x1024xi1>, vector<8x1024xf32>
    %jit3A_2931 = arith.constant 257 : i32
    %broadcast_in_dim3A_2932 = vector.broadcast %jit3A_2931 : i32 to vector<8x1024xi32>
    %select_n3A_2933 = arith.select %lt3A_2929, %broadcast_in_dim3A_2932, %select_n3A_2922 : vector<8x1024xi1>, vector<8x1024xi32>
    %slice3A_2934 = vector.extract_strided_slice %dot_general3A_2598 {offsets = [240, 0], sizes = [8, 1024], strides = [1, 1]} : vector<456x1024xf32> to vector<8x1024xf32>
    %add3A_2935 = vector.broadcast %get3A_30 : vector<1x1024xf32> to vector<8x1024xf32>
    %add3A_2936 = arith.addf %add3A_2935, %slice3A_2934 : vector<8x1024xf32>
    %slice3A_2937 = vector.extract_strided_slice %get3A_2603 {offsets = [240, 0], sizes = [8, 1], strides = [1, 1]} : vector<456x1xf32> to vector<8x1xf32>
    %add3A_2938 = vector.broadcast %slice3A_2937 : vector<8x1xf32> to vector<8x1024xf32>
    %add3A_2939 = arith.addf %add3A_2936, %add3A_2938 : vector<8x1024xf32>
    %lt3A_2940 = arith.cmpf olt, %add3A_2939, %select_n3A_2930 : vector<8x1024xf32>
    %select_n3A_2941 = arith.select %lt3A_2940, %add3A_2939, %select_n3A_2930 : vector<8x1024xi1>, vector<8x1024xf32>
    %jit3A_2942 = arith.constant 258 : i32
    %broadcast_in_dim3A_2943 = vector.broadcast %jit3A_2942 : i32 to vector<8x1024xi32>
    %select_n3A_2944 = arith.select %lt3A_2940, %broadcast_in_dim3A_2943, %select_n3A_2933 : vector<8x1024xi1>, vector<8x1024xi32>
    %slice3A_2945 = vector.extract_strided_slice %dot_general3A_2598 {offsets = [248, 0], sizes = [8, 1024], strides = [1, 1]} : vector<456x1024xf32> to vector<8x1024xf32>
    %add3A_2946 = vector.broadcast %get3A_30 : vector<1x1024xf32> to vector<8x1024xf32>
    %add3A_2947 = arith.addf %add3A_2946, %slice3A_2945 : vector<8x1024xf32>
    %slice3A_2948 = vector.extract_strided_slice %get3A_2603 {offsets = [248, 0], sizes = [8, 1], strides = [1, 1]} : vector<456x1xf32> to vector<8x1xf32>
    %add3A_2949 = vector.broadcast %slice3A_2948 : vector<8x1xf32> to vector<8x1024xf32>
    %add3A_2950 = arith.addf %add3A_2947, %add3A_2949 : vector<8x1024xf32>
    %lt3A_2951 = arith.cmpf olt, %add3A_2950, %select_n3A_2941 : vector<8x1024xf32>
    %select_n3A_2952 = arith.select %lt3A_2951, %add3A_2950, %select_n3A_2941 : vector<8x1024xi1>, vector<8x1024xf32>
    %jit3A_2953 = arith.constant 259 : i32
    %broadcast_in_dim3A_2954 = vector.broadcast %jit3A_2953 : i32 to vector<8x1024xi32>
    %select_n3A_2955 = arith.select %lt3A_2951, %broadcast_in_dim3A_2954, %select_n3A_2944 : vector<8x1024xi1>, vector<8x1024xi32>
    %slice3A_2956 = vector.extract_strided_slice %dot_general3A_2598 {offsets = [256, 0], sizes = [8, 1024], strides = [1, 1]} : vector<456x1024xf32> to vector<8x1024xf32>
    %add3A_2957 = vector.broadcast %get3A_30 : vector<1x1024xf32> to vector<8x1024xf32>
    %add3A_2958 = arith.addf %add3A_2957, %slice3A_2956 : vector<8x1024xf32>
    %slice3A_2959 = vector.extract_strided_slice %get3A_2603 {offsets = [256, 0], sizes = [8, 1], strides = [1, 1]} : vector<456x1xf32> to vector<8x1xf32>
    %add3A_2960 = vector.broadcast %slice3A_2959 : vector<8x1xf32> to vector<8x1024xf32>
    %add3A_2961 = arith.addf %add3A_2958, %add3A_2960 : vector<8x1024xf32>
    %lt3A_2962 = arith.cmpf olt, %add3A_2961, %select_n3A_2952 : vector<8x1024xf32>
    %select_n3A_2963 = arith.select %lt3A_2962, %add3A_2961, %select_n3A_2952 : vector<8x1024xi1>, vector<8x1024xf32>
    %jit3A_2964 = arith.constant 260 : i32
    %broadcast_in_dim3A_2965 = vector.broadcast %jit3A_2964 : i32 to vector<8x1024xi32>
    %select_n3A_2966 = arith.select %lt3A_2962, %broadcast_in_dim3A_2965, %select_n3A_2955 : vector<8x1024xi1>, vector<8x1024xi32>
    %slice3A_2967 = vector.extract_strided_slice %dot_general3A_2598 {offsets = [264, 0], sizes = [8, 1024], strides = [1, 1]} : vector<456x1024xf32> to vector<8x1024xf32>
    %add3A_2968 = vector.broadcast %get3A_30 : vector<1x1024xf32> to vector<8x1024xf32>
    %add3A_2969 = arith.addf %add3A_2968, %slice3A_2967 : vector<8x1024xf32>
    %slice3A_2970 = vector.extract_strided_slice %get3A_2603 {offsets = [264, 0], sizes = [8, 1], strides = [1, 1]} : vector<456x1xf32> to vector<8x1xf32>
    %add3A_2971 = vector.broadcast %slice3A_2970 : vector<8x1xf32> to vector<8x1024xf32>
    %add3A_2972 = arith.addf %add3A_2969, %add3A_2971 : vector<8x1024xf32>
    %lt3A_2973 = arith.cmpf olt, %add3A_2972, %select_n3A_2963 : vector<8x1024xf32>
    %select_n3A_2974 = arith.select %lt3A_2973, %add3A_2972, %select_n3A_2963 : vector<8x1024xi1>, vector<8x1024xf32>
    %jit3A_2975 = arith.constant 261 : i32
    %broadcast_in_dim3A_2976 = vector.broadcast %jit3A_2975 : i32 to vector<8x1024xi32>
    %select_n3A_2977 = arith.select %lt3A_2973, %broadcast_in_dim3A_2976, %select_n3A_2966 : vector<8x1024xi1>, vector<8x1024xi32>
    %slice3A_2978 = vector.extract_strided_slice %dot_general3A_2598 {offsets = [272, 0], sizes = [8, 1024], strides = [1, 1]} : vector<456x1024xf32> to vector<8x1024xf32>
    %add3A_2979 = vector.broadcast %get3A_30 : vector<1x1024xf32> to vector<8x1024xf32>
    %add3A_2980 = arith.addf %add3A_2979, %slice3A_2978 : vector<8x1024xf32>
    %slice3A_2981 = vector.extract_strided_slice %get3A_2603 {offsets = [272, 0], sizes = [8, 1], strides = [1, 1]} : vector<456x1xf32> to vector<8x1xf32>
    %add3A_2982 = vector.broadcast %slice3A_2981 : vector<8x1xf32> to vector<8x1024xf32>
    %add3A_2983 = arith.addf %add3A_2980, %add3A_2982 : vector<8x1024xf32>
    %lt3A_2984 = arith.cmpf olt, %add3A_2983, %select_n3A_2974 : vector<8x1024xf32>
    %select_n3A_2985 = arith.select %lt3A_2984, %add3A_2983, %select_n3A_2974 : vector<8x1024xi1>, vector<8x1024xf32>
    %jit3A_2986 = arith.constant 262 : i32
    %broadcast_in_dim3A_2987 = vector.broadcast %jit3A_2986 : i32 to vector<8x1024xi32>
    %select_n3A_2988 = arith.select %lt3A_2984, %broadcast_in_dim3A_2987, %select_n3A_2977 : vector<8x1024xi1>, vector<8x1024xi32>
    %slice3A_2989 = vector.extract_strided_slice %dot_general3A_2598 {offsets = [280, 0], sizes = [8, 1024], strides = [1, 1]} : vector<456x1024xf32> to vector<8x1024xf32>
    %add3A_2990 = vector.broadcast %get3A_30 : vector<1x1024xf32> to vector<8x1024xf32>
    %add3A_2991 = arith.addf %add3A_2990, %slice3A_2989 : vector<8x1024xf32>
    %slice3A_2992 = vector.extract_strided_slice %get3A_2603 {offsets = [280, 0], sizes = [8, 1], strides = [1, 1]} : vector<456x1xf32> to vector<8x1xf32>
    %add3A_2993 = vector.broadcast %slice3A_2992 : vector<8x1xf32> to vector<8x1024xf32>
    %add3A_2994 = arith.addf %add3A_2991, %add3A_2993 : vector<8x1024xf32>
    %lt3A_2995 = arith.cmpf olt, %add3A_2994, %select_n3A_2985 : vector<8x1024xf32>
    %select_n3A_2996 = arith.select %lt3A_2995, %add3A_2994, %select_n3A_2985 : vector<8x1024xi1>, vector<8x1024xf32>
    %jit3A_2997 = arith.constant 263 : i32
    %broadcast_in_dim3A_2998 = vector.broadcast %jit3A_2997 : i32 to vector<8x1024xi32>
    %select_n3A_2999 = arith.select %lt3A_2995, %broadcast_in_dim3A_2998, %select_n3A_2988 : vector<8x1024xi1>, vector<8x1024xi32>
    %slice3A_3000 = vector.extract_strided_slice %dot_general3A_2598 {offsets = [288, 0], sizes = [8, 1024], strides = [1, 1]} : vector<456x1024xf32> to vector<8x1024xf32>
    %add3A_3001 = vector.broadcast %get3A_30 : vector<1x1024xf32> to vector<8x1024xf32>
    %add3A_3002 = arith.addf %add3A_3001, %slice3A_3000 : vector<8x1024xf32>
    %slice3A_3003 = vector.extract_strided_slice %get3A_2603 {offsets = [288, 0], sizes = [8, 1], strides = [1, 1]} : vector<456x1xf32> to vector<8x1xf32>
    %add3A_3004 = vector.broadcast %slice3A_3003 : vector<8x1xf32> to vector<8x1024xf32>
    %add3A_3005 = arith.addf %add3A_3002, %add3A_3004 : vector<8x1024xf32>
    %lt3A_3006 = arith.cmpf olt, %add3A_3005, %select_n3A_2996 : vector<8x1024xf32>
    %select_n3A_3007 = arith.select %lt3A_3006, %add3A_3005, %select_n3A_2996 : vector<8x1024xi1>, vector<8x1024xf32>
    %jit3A_3008 = arith.constant 264 : i32
    %broadcast_in_dim3A_3009 = vector.broadcast %jit3A_3008 : i32 to vector<8x1024xi32>
    %select_n3A_3010 = arith.select %lt3A_3006, %broadcast_in_dim3A_3009, %select_n3A_2999 : vector<8x1024xi1>, vector<8x1024xi32>
    %slice3A_3011 = vector.extract_strided_slice %dot_general3A_2598 {offsets = [296, 0], sizes = [8, 1024], strides = [1, 1]} : vector<456x1024xf32> to vector<8x1024xf32>
    %add3A_3012 = vector.broadcast %get3A_30 : vector<1x1024xf32> to vector<8x1024xf32>
    %add3A_3013 = arith.addf %add3A_3012, %slice3A_3011 : vector<8x1024xf32>
    %slice3A_3014 = vector.extract_strided_slice %get3A_2603 {offsets = [296, 0], sizes = [8, 1], strides = [1, 1]} : vector<456x1xf32> to vector<8x1xf32>
    %add3A_3015 = vector.broadcast %slice3A_3014 : vector<8x1xf32> to vector<8x1024xf32>
    %add3A_3016 = arith.addf %add3A_3013, %add3A_3015 : vector<8x1024xf32>
    %lt3A_3017 = arith.cmpf olt, %add3A_3016, %select_n3A_3007 : vector<8x1024xf32>
    %select_n3A_3018 = arith.select %lt3A_3017, %add3A_3016, %select_n3A_3007 : vector<8x1024xi1>, vector<8x1024xf32>
    %jit3A_3019 = arith.constant 265 : i32
    %broadcast_in_dim3A_3020 = vector.broadcast %jit3A_3019 : i32 to vector<8x1024xi32>
    %select_n3A_3021 = arith.select %lt3A_3017, %broadcast_in_dim3A_3020, %select_n3A_3010 : vector<8x1024xi1>, vector<8x1024xi32>
    %slice3A_3022 = vector.extract_strided_slice %dot_general3A_2598 {offsets = [304, 0], sizes = [8, 1024], strides = [1, 1]} : vector<456x1024xf32> to vector<8x1024xf32>
    %add3A_3023 = vector.broadcast %get3A_30 : vector<1x1024xf32> to vector<8x1024xf32>
    %add3A_3024 = arith.addf %add3A_3023, %slice3A_3022 : vector<8x1024xf32>
    %slice3A_3025 = vector.extract_strided_slice %get3A_2603 {offsets = [304, 0], sizes = [8, 1], strides = [1, 1]} : vector<456x1xf32> to vector<8x1xf32>
    %add3A_3026 = vector.broadcast %slice3A_3025 : vector<8x1xf32> to vector<8x1024xf32>
    %add3A_3027 = arith.addf %add3A_3024, %add3A_3026 : vector<8x1024xf32>
    %lt3A_3028 = arith.cmpf olt, %add3A_3027, %select_n3A_3018 : vector<8x1024xf32>
    %select_n3A_3029 = arith.select %lt3A_3028, %add3A_3027, %select_n3A_3018 : vector<8x1024xi1>, vector<8x1024xf32>
    %jit3A_3030 = arith.constant 266 : i32
    %broadcast_in_dim3A_3031 = vector.broadcast %jit3A_3030 : i32 to vector<8x1024xi32>
    %select_n3A_3032 = arith.select %lt3A_3028, %broadcast_in_dim3A_3031, %select_n3A_3021 : vector<8x1024xi1>, vector<8x1024xi32>
    %slice3A_3033 = vector.extract_strided_slice %dot_general3A_2598 {offsets = [312, 0], sizes = [8, 1024], strides = [1, 1]} : vector<456x1024xf32> to vector<8x1024xf32>
    %add3A_3034 = vector.broadcast %get3A_30 : vector<1x1024xf32> to vector<8x1024xf32>
    %add3A_3035 = arith.addf %add3A_3034, %slice3A_3033 : vector<8x1024xf32>
    %slice3A_3036 = vector.extract_strided_slice %get3A_2603 {offsets = [312, 0], sizes = [8, 1], strides = [1, 1]} : vector<456x1xf32> to vector<8x1xf32>
    %add3A_3037 = vector.broadcast %slice3A_3036 : vector<8x1xf32> to vector<8x1024xf32>
    %add3A_3038 = arith.addf %add3A_3035, %add3A_3037 : vector<8x1024xf32>
    %lt3A_3039 = arith.cmpf olt, %add3A_3038, %select_n3A_3029 : vector<8x1024xf32>
    %select_n3A_3040 = arith.select %lt3A_3039, %add3A_3038, %select_n3A_3029 : vector<8x1024xi1>, vector<8x1024xf32>
    %jit3A_3041 = arith.constant 267 : i32
    %broadcast_in_dim3A_3042 = vector.broadcast %jit3A_3041 : i32 to vector<8x1024xi32>
    %select_n3A_3043 = arith.select %lt3A_3039, %broadcast_in_dim3A_3042, %select_n3A_3032 : vector<8x1024xi1>, vector<8x1024xi32>
    %slice3A_3044 = vector.extract_strided_slice %dot_general3A_2598 {offsets = [320, 0], sizes = [8, 1024], strides = [1, 1]} : vector<456x1024xf32> to vector<8x1024xf32>
    %add3A_3045 = vector.broadcast %get3A_30 : vector<1x1024xf32> to vector<8x1024xf32>
    %add3A_3046 = arith.addf %add3A_3045, %slice3A_3044 : vector<8x1024xf32>
    %slice3A_3047 = vector.extract_strided_slice %get3A_2603 {offsets = [320, 0], sizes = [8, 1], strides = [1, 1]} : vector<456x1xf32> to vector<8x1xf32>
    %add3A_3048 = vector.broadcast %slice3A_3047 : vector<8x1xf32> to vector<8x1024xf32>
    %add3A_3049 = arith.addf %add3A_3046, %add3A_3048 : vector<8x1024xf32>
    %lt3A_3050 = arith.cmpf olt, %add3A_3049, %select_n3A_3040 : vector<8x1024xf32>
    %select_n3A_3051 = arith.select %lt3A_3050, %add3A_3049, %select_n3A_3040 : vector<8x1024xi1>, vector<8x1024xf32>
    %jit3A_3052 = arith.constant 268 : i32
    %broadcast_in_dim3A_3053 = vector.broadcast %jit3A_3052 : i32 to vector<8x1024xi32>
    %select_n3A_3054 = arith.select %lt3A_3050, %broadcast_in_dim3A_3053, %select_n3A_3043 : vector<8x1024xi1>, vector<8x1024xi32>
    %slice3A_3055 = vector.extract_strided_slice %dot_general3A_2598 {offsets = [328, 0], sizes = [8, 1024], strides = [1, 1]} : vector<456x1024xf32> to vector<8x1024xf32>
    %add3A_3056 = vector.broadcast %get3A_30 : vector<1x1024xf32> to vector<8x1024xf32>
    %add3A_3057 = arith.addf %add3A_3056, %slice3A_3055 : vector<8x1024xf32>
    %slice3A_3058 = vector.extract_strided_slice %get3A_2603 {offsets = [328, 0], sizes = [8, 1], strides = [1, 1]} : vector<456x1xf32> to vector<8x1xf32>
    %add3A_3059 = vector.broadcast %slice3A_3058 : vector<8x1xf32> to vector<8x1024xf32>
    %add3A_3060 = arith.addf %add3A_3057, %add3A_3059 : vector<8x1024xf32>
    %lt3A_3061 = arith.cmpf olt, %add3A_3060, %select_n3A_3051 : vector<8x1024xf32>
    %select_n3A_3062 = arith.select %lt3A_3061, %add3A_3060, %select_n3A_3051 : vector<8x1024xi1>, vector<8x1024xf32>
    %jit3A_3063 = arith.constant 269 : i32
    %broadcast_in_dim3A_3064 = vector.broadcast %jit3A_3063 : i32 to vector<8x1024xi32>
    %select_n3A_3065 = arith.select %lt3A_3061, %broadcast_in_dim3A_3064, %select_n3A_3054 : vector<8x1024xi1>, vector<8x1024xi32>
    %slice3A_3066 = vector.extract_strided_slice %dot_general3A_2598 {offsets = [336, 0], sizes = [8, 1024], strides = [1, 1]} : vector<456x1024xf32> to vector<8x1024xf32>
    %add3A_3067 = vector.broadcast %get3A_30 : vector<1x1024xf32> to vector<8x1024xf32>
    %add3A_3068 = arith.addf %add3A_3067, %slice3A_3066 : vector<8x1024xf32>
    %slice3A_3069 = vector.extract_strided_slice %get3A_2603 {offsets = [336, 0], sizes = [8, 1], strides = [1, 1]} : vector<456x1xf32> to vector<8x1xf32>
    %add3A_3070 = vector.broadcast %slice3A_3069 : vector<8x1xf32> to vector<8x1024xf32>
    %add3A_3071 = arith.addf %add3A_3068, %add3A_3070 : vector<8x1024xf32>
    %lt3A_3072 = arith.cmpf olt, %add3A_3071, %select_n3A_3062 : vector<8x1024xf32>
    %select_n3A_3073 = arith.select %lt3A_3072, %add3A_3071, %select_n3A_3062 : vector<8x1024xi1>, vector<8x1024xf32>
    %jit3A_3074 = arith.constant 270 : i32
    %broadcast_in_dim3A_3075 = vector.broadcast %jit3A_3074 : i32 to vector<8x1024xi32>
    %select_n3A_3076 = arith.select %lt3A_3072, %broadcast_in_dim3A_3075, %select_n3A_3065 : vector<8x1024xi1>, vector<8x1024xi32>
    %slice3A_3077 = vector.extract_strided_slice %dot_general3A_2598 {offsets = [344, 0], sizes = [8, 1024], strides = [1, 1]} : vector<456x1024xf32> to vector<8x1024xf32>
    %add3A_3078 = vector.broadcast %get3A_30 : vector<1x1024xf32> to vector<8x1024xf32>
    %add3A_3079 = arith.addf %add3A_3078, %slice3A_3077 : vector<8x1024xf32>
    %slice3A_3080 = vector.extract_strided_slice %get3A_2603 {offsets = [344, 0], sizes = [8, 1], strides = [1, 1]} : vector<456x1xf32> to vector<8x1xf32>
    %add3A_3081 = vector.broadcast %slice3A_3080 : vector<8x1xf32> to vector<8x1024xf32>
    %add3A_3082 = arith.addf %add3A_3079, %add3A_3081 : vector<8x1024xf32>
    %lt3A_3083 = arith.cmpf olt, %add3A_3082, %select_n3A_3073 : vector<8x1024xf32>
    %select_n3A_3084 = arith.select %lt3A_3083, %add3A_3082, %select_n3A_3073 : vector<8x1024xi1>, vector<8x1024xf32>
    %jit3A_3085 = arith.constant 271 : i32
    %broadcast_in_dim3A_3086 = vector.broadcast %jit3A_3085 : i32 to vector<8x1024xi32>
    %select_n3A_3087 = arith.select %lt3A_3083, %broadcast_in_dim3A_3086, %select_n3A_3076 : vector<8x1024xi1>, vector<8x1024xi32>
    %slice3A_3088 = vector.extract_strided_slice %dot_general3A_2598 {offsets = [352, 0], sizes = [8, 1024], strides = [1, 1]} : vector<456x1024xf32> to vector<8x1024xf32>
    %add3A_3089 = vector.broadcast %get3A_30 : vector<1x1024xf32> to vector<8x1024xf32>
    %add3A_3090 = arith.addf %add3A_3089, %slice3A_3088 : vector<8x1024xf32>
    %slice3A_3091 = vector.extract_strided_slice %get3A_2603 {offsets = [352, 0], sizes = [8, 1], strides = [1, 1]} : vector<456x1xf32> to vector<8x1xf32>
    %add3A_3092 = vector.broadcast %slice3A_3091 : vector<8x1xf32> to vector<8x1024xf32>
    %add3A_3093 = arith.addf %add3A_3090, %add3A_3092 : vector<8x1024xf32>
    %lt3A_3094 = arith.cmpf olt, %add3A_3093, %select_n3A_3084 : vector<8x1024xf32>
    %select_n3A_3095 = arith.select %lt3A_3094, %add3A_3093, %select_n3A_3084 : vector<8x1024xi1>, vector<8x1024xf32>
    %jit3A_3096 = arith.constant 272 : i32
    %broadcast_in_dim3A_3097 = vector.broadcast %jit3A_3096 : i32 to vector<8x1024xi32>
    %select_n3A_3098 = arith.select %lt3A_3094, %broadcast_in_dim3A_3097, %select_n3A_3087 : vector<8x1024xi1>, vector<8x1024xi32>
    %slice3A_3099 = vector.extract_strided_slice %dot_general3A_2598 {offsets = [360, 0], sizes = [8, 1024], strides = [1, 1]} : vector<456x1024xf32> to vector<8x1024xf32>
    %add3A_3100 = vector.broadcast %get3A_30 : vector<1x1024xf32> to vector<8x1024xf32>
    %add3A_3101 = arith.addf %add3A_3100, %slice3A_3099 : vector<8x1024xf32>
    %slice3A_3102 = vector.extract_strided_slice %get3A_2603 {offsets = [360, 0], sizes = [8, 1], strides = [1, 1]} : vector<456x1xf32> to vector<8x1xf32>
    %add3A_3103 = vector.broadcast %slice3A_3102 : vector<8x1xf32> to vector<8x1024xf32>
    %add3A_3104 = arith.addf %add3A_3101, %add3A_3103 : vector<8x1024xf32>
    %lt3A_3105 = arith.cmpf olt, %add3A_3104, %select_n3A_3095 : vector<8x1024xf32>
    %select_n3A_3106 = arith.select %lt3A_3105, %add3A_3104, %select_n3A_3095 : vector<8x1024xi1>, vector<8x1024xf32>
    %jit3A_3107 = arith.constant 273 : i32
    %broadcast_in_dim3A_3108 = vector.broadcast %jit3A_3107 : i32 to vector<8x1024xi32>
    %select_n3A_3109 = arith.select %lt3A_3105, %broadcast_in_dim3A_3108, %select_n3A_3098 : vector<8x1024xi1>, vector<8x1024xi32>
    %slice3A_3110 = vector.extract_strided_slice %dot_general3A_2598 {offsets = [368, 0], sizes = [8, 1024], strides = [1, 1]} : vector<456x1024xf32> to vector<8x1024xf32>
    %add3A_3111 = vector.broadcast %get3A_30 : vector<1x1024xf32> to vector<8x1024xf32>
    %add3A_3112 = arith.addf %add3A_3111, %slice3A_3110 : vector<8x1024xf32>
    %slice3A_3113 = vector.extract_strided_slice %get3A_2603 {offsets = [368, 0], sizes = [8, 1], strides = [1, 1]} : vector<456x1xf32> to vector<8x1xf32>
    %add3A_3114 = vector.broadcast %slice3A_3113 : vector<8x1xf32> to vector<8x1024xf32>
    %add3A_3115 = arith.addf %add3A_3112, %add3A_3114 : vector<8x1024xf32>
    %lt3A_3116 = arith.cmpf olt, %add3A_3115, %select_n3A_3106 : vector<8x1024xf32>
    %select_n3A_3117 = arith.select %lt3A_3116, %add3A_3115, %select_n3A_3106 : vector<8x1024xi1>, vector<8x1024xf32>
    %jit3A_3118 = arith.constant 274 : i32
    %broadcast_in_dim3A_3119 = vector.broadcast %jit3A_3118 : i32 to vector<8x1024xi32>
    %select_n3A_3120 = arith.select %lt3A_3116, %broadcast_in_dim3A_3119, %select_n3A_3109 : vector<8x1024xi1>, vector<8x1024xi32>
    %slice3A_3121 = vector.extract_strided_slice %dot_general3A_2598 {offsets = [376, 0], sizes = [8, 1024], strides = [1, 1]} : vector<456x1024xf32> to vector<8x1024xf32>
    %add3A_3122 = vector.broadcast %get3A_30 : vector<1x1024xf32> to vector<8x1024xf32>
    %add3A_3123 = arith.addf %add3A_3122, %slice3A_3121 : vector<8x1024xf32>
    %slice3A_3124 = vector.extract_strided_slice %get3A_2603 {offsets = [376, 0], sizes = [8, 1], strides = [1, 1]} : vector<456x1xf32> to vector<8x1xf32>
    %add3A_3125 = vector.broadcast %slice3A_3124 : vector<8x1xf32> to vector<8x1024xf32>
    %add3A_3126 = arith.addf %add3A_3123, %add3A_3125 : vector<8x1024xf32>
    %lt3A_3127 = arith.cmpf olt, %add3A_3126, %select_n3A_3117 : vector<8x1024xf32>
    %select_n3A_3128 = arith.select %lt3A_3127, %add3A_3126, %select_n3A_3117 : vector<8x1024xi1>, vector<8x1024xf32>
    %jit3A_3129 = arith.constant 275 : i32
    %broadcast_in_dim3A_3130 = vector.broadcast %jit3A_3129 : i32 to vector<8x1024xi32>
    %select_n3A_3131 = arith.select %lt3A_3127, %broadcast_in_dim3A_3130, %select_n3A_3120 : vector<8x1024xi1>, vector<8x1024xi32>
    %slice3A_3132 = vector.extract_strided_slice %dot_general3A_2598 {offsets = [384, 0], sizes = [8, 1024], strides = [1, 1]} : vector<456x1024xf32> to vector<8x1024xf32>
    %add3A_3133 = vector.broadcast %get3A_30 : vector<1x1024xf32> to vector<8x1024xf32>
    %add3A_3134 = arith.addf %add3A_3133, %slice3A_3132 : vector<8x1024xf32>
    %slice3A_3135 = vector.extract_strided_slice %get3A_2603 {offsets = [384, 0], sizes = [8, 1], strides = [1, 1]} : vector<456x1xf32> to vector<8x1xf32>
    %add3A_3136 = vector.broadcast %slice3A_3135 : vector<8x1xf32> to vector<8x1024xf32>
    %add3A_3137 = arith.addf %add3A_3134, %add3A_3136 : vector<8x1024xf32>
    %lt3A_3138 = arith.cmpf olt, %add3A_3137, %select_n3A_3128 : vector<8x1024xf32>
    %select_n3A_3139 = arith.select %lt3A_3138, %add3A_3137, %select_n3A_3128 : vector<8x1024xi1>, vector<8x1024xf32>
    %jit3A_3140 = arith.constant 276 : i32
    %broadcast_in_dim3A_3141 = vector.broadcast %jit3A_3140 : i32 to vector<8x1024xi32>
    %select_n3A_3142 = arith.select %lt3A_3138, %broadcast_in_dim3A_3141, %select_n3A_3131 : vector<8x1024xi1>, vector<8x1024xi32>
    %slice3A_3143 = vector.extract_strided_slice %dot_general3A_2598 {offsets = [392, 0], sizes = [8, 1024], strides = [1, 1]} : vector<456x1024xf32> to vector<8x1024xf32>
    %add3A_3144 = vector.broadcast %get3A_30 : vector<1x1024xf32> to vector<8x1024xf32>
    %add3A_3145 = arith.addf %add3A_3144, %slice3A_3143 : vector<8x1024xf32>
    %slice3A_3146 = vector.extract_strided_slice %get3A_2603 {offsets = [392, 0], sizes = [8, 1], strides = [1, 1]} : vector<456x1xf32> to vector<8x1xf32>
    %add3A_3147 = vector.broadcast %slice3A_3146 : vector<8x1xf32> to vector<8x1024xf32>
    %add3A_3148 = arith.addf %add3A_3145, %add3A_3147 : vector<8x1024xf32>
    %lt3A_3149 = arith.cmpf olt, %add3A_3148, %select_n3A_3139 : vector<8x1024xf32>
    %select_n3A_3150 = arith.select %lt3A_3149, %add3A_3148, %select_n3A_3139 : vector<8x1024xi1>, vector<8x1024xf32>
    %jit3A_3151 = arith.constant 277 : i32
    %broadcast_in_dim3A_3152 = vector.broadcast %jit3A_3151 : i32 to vector<8x1024xi32>
    %select_n3A_3153 = arith.select %lt3A_3149, %broadcast_in_dim3A_3152, %select_n3A_3142 : vector<8x1024xi1>, vector<8x1024xi32>
    %slice3A_3154 = vector.extract_strided_slice %dot_general3A_2598 {offsets = [400, 0], sizes = [8, 1024], strides = [1, 1]} : vector<456x1024xf32> to vector<8x1024xf32>
    %add3A_3155 = vector.broadcast %get3A_30 : vector<1x1024xf32> to vector<8x1024xf32>
    %add3A_3156 = arith.addf %add3A_3155, %slice3A_3154 : vector<8x1024xf32>
    %slice3A_3157 = vector.extract_strided_slice %get3A_2603 {offsets = [400, 0], sizes = [8, 1], strides = [1, 1]} : vector<456x1xf32> to vector<8x1xf32>
    %add3A_3158 = vector.broadcast %slice3A_3157 : vector<8x1xf32> to vector<8x1024xf32>
    %add3A_3159 = arith.addf %add3A_3156, %add3A_3158 : vector<8x1024xf32>
    %lt3A_3160 = arith.cmpf olt, %add3A_3159, %select_n3A_3150 : vector<8x1024xf32>
    %select_n3A_3161 = arith.select %lt3A_3160, %add3A_3159, %select_n3A_3150 : vector<8x1024xi1>, vector<8x1024xf32>
    %jit3A_3162 = arith.constant 278 : i32
    %broadcast_in_dim3A_3163 = vector.broadcast %jit3A_3162 : i32 to vector<8x1024xi32>
    %select_n3A_3164 = arith.select %lt3A_3160, %broadcast_in_dim3A_3163, %select_n3A_3153 : vector<8x1024xi1>, vector<8x1024xi32>
    %slice3A_3165 = vector.extract_strided_slice %dot_general3A_2598 {offsets = [408, 0], sizes = [8, 1024], strides = [1, 1]} : vector<456x1024xf32> to vector<8x1024xf32>
    %add3A_3166 = vector.broadcast %get3A_30 : vector<1x1024xf32> to vector<8x1024xf32>
    %add3A_3167 = arith.addf %add3A_3166, %slice3A_3165 : vector<8x1024xf32>
    %slice3A_3168 = vector.extract_strided_slice %get3A_2603 {offsets = [408, 0], sizes = [8, 1], strides = [1, 1]} : vector<456x1xf32> to vector<8x1xf32>
    %add3A_3169 = vector.broadcast %slice3A_3168 : vector<8x1xf32> to vector<8x1024xf32>
    %add3A_3170 = arith.addf %add3A_3167, %add3A_3169 : vector<8x1024xf32>
    %lt3A_3171 = arith.cmpf olt, %add3A_3170, %select_n3A_3161 : vector<8x1024xf32>
    %select_n3A_3172 = arith.select %lt3A_3171, %add3A_3170, %select_n3A_3161 : vector<8x1024xi1>, vector<8x1024xf32>
    %jit3A_3173 = arith.constant 279 : i32
    %broadcast_in_dim3A_3174 = vector.broadcast %jit3A_3173 : i32 to vector<8x1024xi32>
    %select_n3A_3175 = arith.select %lt3A_3171, %broadcast_in_dim3A_3174, %select_n3A_3164 : vector<8x1024xi1>, vector<8x1024xi32>
    %slice3A_3176 = vector.extract_strided_slice %dot_general3A_2598 {offsets = [416, 0], sizes = [8, 1024], strides = [1, 1]} : vector<456x1024xf32> to vector<8x1024xf32>
    %add3A_3177 = vector.broadcast %get3A_30 : vector<1x1024xf32> to vector<8x1024xf32>
    %add3A_3178 = arith.addf %add3A_3177, %slice3A_3176 : vector<8x1024xf32>
    %slice3A_3179 = vector.extract_strided_slice %get3A_2603 {offsets = [416, 0], sizes = [8, 1], strides = [1, 1]} : vector<456x1xf32> to vector<8x1xf32>
    %add3A_3180 = vector.broadcast %slice3A_3179 : vector<8x1xf32> to vector<8x1024xf32>
    %add3A_3181 = arith.addf %add3A_3178, %add3A_3180 : vector<8x1024xf32>
    %lt3A_3182 = arith.cmpf olt, %add3A_3181, %select_n3A_3172 : vector<8x1024xf32>
    %select_n3A_3183 = arith.select %lt3A_3182, %add3A_3181, %select_n3A_3172 : vector<8x1024xi1>, vector<8x1024xf32>
    %jit3A_3184 = arith.constant 280 : i32
    %broadcast_in_dim3A_3185 = vector.broadcast %jit3A_3184 : i32 to vector<8x1024xi32>
    %select_n3A_3186 = arith.select %lt3A_3182, %broadcast_in_dim3A_3185, %select_n3A_3175 : vector<8x1024xi1>, vector<8x1024xi32>
    %slice3A_3187 = vector.extract_strided_slice %dot_general3A_2598 {offsets = [424, 0], sizes = [8, 1024], strides = [1, 1]} : vector<456x1024xf32> to vector<8x1024xf32>
    %add3A_3188 = vector.broadcast %get3A_30 : vector<1x1024xf32> to vector<8x1024xf32>
    %add3A_3189 = arith.addf %add3A_3188, %slice3A_3187 : vector<8x1024xf32>
    %slice3A_3190 = vector.extract_strided_slice %get3A_2603 {offsets = [424, 0], sizes = [8, 1], strides = [1, 1]} : vector<456x1xf32> to vector<8x1xf32>
    %add3A_3191 = vector.broadcast %slice3A_3190 : vector<8x1xf32> to vector<8x1024xf32>
    %add3A_3192 = arith.addf %add3A_3189, %add3A_3191 : vector<8x1024xf32>
    %lt3A_3193 = arith.cmpf olt, %add3A_3192, %select_n3A_3183 : vector<8x1024xf32>
    %select_n3A_3194 = arith.select %lt3A_3193, %add3A_3192, %select_n3A_3183 : vector<8x1024xi1>, vector<8x1024xf32>
    %jit3A_3195 = arith.constant 281 : i32
    %broadcast_in_dim3A_3196 = vector.broadcast %jit3A_3195 : i32 to vector<8x1024xi32>
    %select_n3A_3197 = arith.select %lt3A_3193, %broadcast_in_dim3A_3196, %select_n3A_3186 : vector<8x1024xi1>, vector<8x1024xi32>
    %slice3A_3198 = vector.extract_strided_slice %dot_general3A_2598 {offsets = [432, 0], sizes = [8, 1024], strides = [1, 1]} : vector<456x1024xf32> to vector<8x1024xf32>
    %add3A_3199 = vector.broadcast %get3A_30 : vector<1x1024xf32> to vector<8x1024xf32>
    %add3A_3200 = arith.addf %add3A_3199, %slice3A_3198 : vector<8x1024xf32>
    %slice3A_3201 = vector.extract_strided_slice %get3A_2603 {offsets = [432, 0], sizes = [8, 1], strides = [1, 1]} : vector<456x1xf32> to vector<8x1xf32>
    %add3A_3202 = vector.broadcast %slice3A_3201 : vector<8x1xf32> to vector<8x1024xf32>
    %add3A_3203 = arith.addf %add3A_3200, %add3A_3202 : vector<8x1024xf32>
    %lt3A_3204 = arith.cmpf olt, %add3A_3203, %select_n3A_3194 : vector<8x1024xf32>
    %select_n3A_3205 = arith.select %lt3A_3204, %add3A_3203, %select_n3A_3194 : vector<8x1024xi1>, vector<8x1024xf32>
    %jit3A_3206 = arith.constant 282 : i32
    %broadcast_in_dim3A_3207 = vector.broadcast %jit3A_3206 : i32 to vector<8x1024xi32>
    %select_n3A_3208 = arith.select %lt3A_3204, %broadcast_in_dim3A_3207, %select_n3A_3197 : vector<8x1024xi1>, vector<8x1024xi32>
    %slice3A_3209 = vector.extract_strided_slice %dot_general3A_2598 {offsets = [440, 0], sizes = [8, 1024], strides = [1, 1]} : vector<456x1024xf32> to vector<8x1024xf32>
    %add3A_3210 = vector.broadcast %get3A_30 : vector<1x1024xf32> to vector<8x1024xf32>
    %add3A_3211 = arith.addf %add3A_3210, %slice3A_3209 : vector<8x1024xf32>
    %slice3A_3212 = vector.extract_strided_slice %get3A_2603 {offsets = [440, 0], sizes = [8, 1], strides = [1, 1]} : vector<456x1xf32> to vector<8x1xf32>
    %add3A_3213 = vector.broadcast %slice3A_3212 : vector<8x1xf32> to vector<8x1024xf32>
    %add3A_3214 = arith.addf %add3A_3211, %add3A_3213 : vector<8x1024xf32>
    %lt3A_3215 = arith.cmpf olt, %add3A_3214, %select_n3A_3205 : vector<8x1024xf32>
    %select_n3A_3216 = arith.select %lt3A_3215, %add3A_3214, %select_n3A_3205 : vector<8x1024xi1>, vector<8x1024xf32>
    %jit3A_3217 = arith.constant 283 : i32
    %broadcast_in_dim3A_3218 = vector.broadcast %jit3A_3217 : i32 to vector<8x1024xi32>
    %select_n3A_3219 = arith.select %lt3A_3215, %broadcast_in_dim3A_3218, %select_n3A_3208 : vector<8x1024xi1>, vector<8x1024xi32>
    %slice3A_3220 = vector.extract_strided_slice %dot_general3A_2598 {offsets = [448, 0], sizes = [8, 1024], strides = [1, 1]} : vector<456x1024xf32> to vector<8x1024xf32>
    %add3A_3221 = vector.broadcast %get3A_30 : vector<1x1024xf32> to vector<8x1024xf32>
    %add3A_3222 = arith.addf %add3A_3221, %slice3A_3220 : vector<8x1024xf32>
    %slice3A_3223 = vector.extract_strided_slice %get3A_2603 {offsets = [448, 0], sizes = [8, 1], strides = [1, 1]} : vector<456x1xf32> to vector<8x1xf32>
    %add3A_3224 = vector.broadcast %slice3A_3223 : vector<8x1xf32> to vector<8x1024xf32>
    %add3A_3225 = arith.addf %add3A_3222, %add3A_3224 : vector<8x1024xf32>
    %lt3A_3226 = arith.cmpf olt, %add3A_3225, %select_n3A_3216 : vector<8x1024xf32>
    %select_n3A_3227 = arith.select %lt3A_3226, %add3A_3225, %select_n3A_3216 : vector<8x1024xi1>, vector<8x1024xf32>
    %jit3A_3228 = arith.constant 284 : i32
    %broadcast_in_dim3A_3229 = vector.broadcast %jit3A_3228 : i32 to vector<8x1024xi32>
    %select_n3A_3230 = arith.select %lt3A_3226, %broadcast_in_dim3A_3229, %select_n3A_3219 : vector<8x1024xi1>, vector<8x1024xi32>
    %add3A_3231 = arith.constant 2280 : i32
    %add3A_3232 = arith.addi %sub3A_19, %add3A_3231 : i32
    %get3A_3233 = arith.index_cast %add3A_3232 : i32 to index
    %get3A_3234 = arith.constant 0 : index
    %get3A_3235 = vector.load %arg2[%get3A_3233, %get3A_3234] : memref<8192x256xf32, #tpu.memory_space<vmem>>, vector<456x256xf32>
    %dot_general3A_3236 = arith.constant dense<0.000000e+00> : vector<456x1024xf32>
    %dot_general3A_3237 = tpu.matmul %get3A_3235, %mul3A_27, %dot_general3A_3236 {dimension_numbers = #tpu.dot_dimension_numbers<[1], [0], [0], [1], [0, 0, 1, 1], [], []>, transpose_lhs_hint = false} : vector<456x256xf32>, vector<256x1024xf32>, vector<456x1024xf32> -> vector<456x1024xf32>
    %add3A_3238 = arith.constant 2280 : i32
    %add3A_3239 = arith.addi %sub3A_19, %add3A_3238 : i32
    %get3A_3240 = arith.index_cast %add3A_3239 : i32 to index
    %get3A_3241 = arith.constant 0 : index
    %get3A_3242 = vector.load %arg5[%get3A_3240, %get3A_3241] : memref<8192x1xf32, #tpu.memory_space<vmem>>, vector<456x1xf32>
    %slice3A_3243 = vector.extract_strided_slice %dot_general3A_3237 {offsets = [0, 0], sizes = [8, 1024], strides = [1, 1]} : vector<456x1024xf32> to vector<8x1024xf32>
    %add3A_3244 = vector.broadcast %get3A_30 : vector<1x1024xf32> to vector<8x1024xf32>
    %add3A_3245 = arith.addf %add3A_3244, %slice3A_3243 : vector<8x1024xf32>
    %slice3A_3246 = vector.extract_strided_slice %get3A_3242 {offsets = [0, 0], sizes = [8, 1], strides = [1, 1]} : vector<456x1xf32> to vector<8x1xf32>
    %add3A_3247 = vector.broadcast %slice3A_3246 : vector<8x1xf32> to vector<8x1024xf32>
    %add3A_3248 = arith.addf %add3A_3245, %add3A_3247 : vector<8x1024xf32>
    %lt3A_3249 = arith.cmpf olt, %add3A_3248, %select_n3A_3227 : vector<8x1024xf32>
    %select_n3A_3250 = arith.select %lt3A_3249, %add3A_3248, %select_n3A_3227 : vector<8x1024xi1>, vector<8x1024xf32>
    %jit3A_3251 = arith.constant 285 : i32
    %broadcast_in_dim3A_3252 = vector.broadcast %jit3A_3251 : i32 to vector<8x1024xi32>
    %select_n3A_3253 = arith.select %lt3A_3249, %broadcast_in_dim3A_3252, %select_n3A_3230 : vector<8x1024xi1>, vector<8x1024xi32>
    %slice3A_3254 = vector.extract_strided_slice %dot_general3A_3237 {offsets = [8, 0], sizes = [8, 1024], strides = [1, 1]} : vector<456x1024xf32> to vector<8x1024xf32>
    %add3A_3255 = vector.broadcast %get3A_30 : vector<1x1024xf32> to vector<8x1024xf32>
    %add3A_3256 = arith.addf %add3A_3255, %slice3A_3254 : vector<8x1024xf32>
    %slice3A_3257 = vector.extract_strided_slice %get3A_3242 {offsets = [8, 0], sizes = [8, 1], strides = [1, 1]} : vector<456x1xf32> to vector<8x1xf32>
    %add3A_3258 = vector.broadcast %slice3A_3257 : vector<8x1xf32> to vector<8x1024xf32>
    %add3A_3259 = arith.addf %add3A_3256, %add3A_3258 : vector<8x1024xf32>
    %lt3A_3260 = arith.cmpf olt, %add3A_3259, %select_n3A_3250 : vector<8x1024xf32>
    %select_n3A_3261 = arith.select %lt3A_3260, %add3A_3259, %select_n3A_3250 : vector<8x1024xi1>, vector<8x1024xf32>
    %jit3A_3262 = arith.constant 286 : i32
    %broadcast_in_dim3A_3263 = vector.broadcast %jit3A_3262 : i32 to vector<8x1024xi32>
    %select_n3A_3264 = arith.select %lt3A_3260, %broadcast_in_dim3A_3263, %select_n3A_3253 : vector<8x1024xi1>, vector<8x1024xi32>
    %slice3A_3265 = vector.extract_strided_slice %dot_general3A_3237 {offsets = [16, 0], sizes = [8, 1024], strides = [1, 1]} : vector<456x1024xf32> to vector<8x1024xf32>
    %add3A_3266 = vector.broadcast %get3A_30 : vector<1x1024xf32> to vector<8x1024xf32>
    %add3A_3267 = arith.addf %add3A_3266, %slice3A_3265 : vector<8x1024xf32>
    %slice3A_3268 = vector.extract_strided_slice %get3A_3242 {offsets = [16, 0], sizes = [8, 1], strides = [1, 1]} : vector<456x1xf32> to vector<8x1xf32>
    %add3A_3269 = vector.broadcast %slice3A_3268 : vector<8x1xf32> to vector<8x1024xf32>
    %add3A_3270 = arith.addf %add3A_3267, %add3A_3269 : vector<8x1024xf32>
    %lt3A_3271 = arith.cmpf olt, %add3A_3270, %select_n3A_3261 : vector<8x1024xf32>
    %select_n3A_3272 = arith.select %lt3A_3271, %add3A_3270, %select_n3A_3261 : vector<8x1024xi1>, vector<8x1024xf32>
    %jit3A_3273 = arith.constant 287 : i32
    %broadcast_in_dim3A_3274 = vector.broadcast %jit3A_3273 : i32 to vector<8x1024xi32>
    %select_n3A_3275 = arith.select %lt3A_3271, %broadcast_in_dim3A_3274, %select_n3A_3264 : vector<8x1024xi1>, vector<8x1024xi32>
    %slice3A_3276 = vector.extract_strided_slice %dot_general3A_3237 {offsets = [24, 0], sizes = [8, 1024], strides = [1, 1]} : vector<456x1024xf32> to vector<8x1024xf32>
    %add3A_3277 = vector.broadcast %get3A_30 : vector<1x1024xf32> to vector<8x1024xf32>
    %add3A_3278 = arith.addf %add3A_3277, %slice3A_3276 : vector<8x1024xf32>
    %slice3A_3279 = vector.extract_strided_slice %get3A_3242 {offsets = [24, 0], sizes = [8, 1], strides = [1, 1]} : vector<456x1xf32> to vector<8x1xf32>
    %add3A_3280 = vector.broadcast %slice3A_3279 : vector<8x1xf32> to vector<8x1024xf32>
    %add3A_3281 = arith.addf %add3A_3278, %add3A_3280 : vector<8x1024xf32>
    %lt3A_3282 = arith.cmpf olt, %add3A_3281, %select_n3A_3272 : vector<8x1024xf32>
    %select_n3A_3283 = arith.select %lt3A_3282, %add3A_3281, %select_n3A_3272 : vector<8x1024xi1>, vector<8x1024xf32>
    %jit3A_3284 = arith.constant 288 : i32
    %broadcast_in_dim3A_3285 = vector.broadcast %jit3A_3284 : i32 to vector<8x1024xi32>
    %select_n3A_3286 = arith.select %lt3A_3282, %broadcast_in_dim3A_3285, %select_n3A_3275 : vector<8x1024xi1>, vector<8x1024xi32>
    %slice3A_3287 = vector.extract_strided_slice %dot_general3A_3237 {offsets = [32, 0], sizes = [8, 1024], strides = [1, 1]} : vector<456x1024xf32> to vector<8x1024xf32>
    %add3A_3288 = vector.broadcast %get3A_30 : vector<1x1024xf32> to vector<8x1024xf32>
    %add3A_3289 = arith.addf %add3A_3288, %slice3A_3287 : vector<8x1024xf32>
    %slice3A_3290 = vector.extract_strided_slice %get3A_3242 {offsets = [32, 0], sizes = [8, 1], strides = [1, 1]} : vector<456x1xf32> to vector<8x1xf32>
    %add3A_3291 = vector.broadcast %slice3A_3290 : vector<8x1xf32> to vector<8x1024xf32>
    %add3A_3292 = arith.addf %add3A_3289, %add3A_3291 : vector<8x1024xf32>
    %lt3A_3293 = arith.cmpf olt, %add3A_3292, %select_n3A_3283 : vector<8x1024xf32>
    %select_n3A_3294 = arith.select %lt3A_3293, %add3A_3292, %select_n3A_3283 : vector<8x1024xi1>, vector<8x1024xf32>
    %jit3A_3295 = arith.constant 289 : i32
    %broadcast_in_dim3A_3296 = vector.broadcast %jit3A_3295 : i32 to vector<8x1024xi32>
    %select_n3A_3297 = arith.select %lt3A_3293, %broadcast_in_dim3A_3296, %select_n3A_3286 : vector<8x1024xi1>, vector<8x1024xi32>
    %slice3A_3298 = vector.extract_strided_slice %dot_general3A_3237 {offsets = [40, 0], sizes = [8, 1024], strides = [1, 1]} : vector<456x1024xf32> to vector<8x1024xf32>
    %add3A_3299 = vector.broadcast %get3A_30 : vector<1x1024xf32> to vector<8x1024xf32>
    %add3A_3300 = arith.addf %add3A_3299, %slice3A_3298 : vector<8x1024xf32>
    %slice3A_3301 = vector.extract_strided_slice %get3A_3242 {offsets = [40, 0], sizes = [8, 1], strides = [1, 1]} : vector<456x1xf32> to vector<8x1xf32>
    %add3A_3302 = vector.broadcast %slice3A_3301 : vector<8x1xf32> to vector<8x1024xf32>
    %add3A_3303 = arith.addf %add3A_3300, %add3A_3302 : vector<8x1024xf32>
    %lt3A_3304 = arith.cmpf olt, %add3A_3303, %select_n3A_3294 : vector<8x1024xf32>
    %select_n3A_3305 = arith.select %lt3A_3304, %add3A_3303, %select_n3A_3294 : vector<8x1024xi1>, vector<8x1024xf32>
    %jit3A_3306 = arith.constant 290 : i32
    %broadcast_in_dim3A_3307 = vector.broadcast %jit3A_3306 : i32 to vector<8x1024xi32>
    %select_n3A_3308 = arith.select %lt3A_3304, %broadcast_in_dim3A_3307, %select_n3A_3297 : vector<8x1024xi1>, vector<8x1024xi32>
    %slice3A_3309 = vector.extract_strided_slice %dot_general3A_3237 {offsets = [48, 0], sizes = [8, 1024], strides = [1, 1]} : vector<456x1024xf32> to vector<8x1024xf32>
    %add3A_3310 = vector.broadcast %get3A_30 : vector<1x1024xf32> to vector<8x1024xf32>
    %add3A_3311 = arith.addf %add3A_3310, %slice3A_3309 : vector<8x1024xf32>
    %slice3A_3312 = vector.extract_strided_slice %get3A_3242 {offsets = [48, 0], sizes = [8, 1], strides = [1, 1]} : vector<456x1xf32> to vector<8x1xf32>
    %add3A_3313 = vector.broadcast %slice3A_3312 : vector<8x1xf32> to vector<8x1024xf32>
    %add3A_3314 = arith.addf %add3A_3311, %add3A_3313 : vector<8x1024xf32>
    %lt3A_3315 = arith.cmpf olt, %add3A_3314, %select_n3A_3305 : vector<8x1024xf32>
    %select_n3A_3316 = arith.select %lt3A_3315, %add3A_3314, %select_n3A_3305 : vector<8x1024xi1>, vector<8x1024xf32>
    %jit3A_3317 = arith.constant 291 : i32
    %broadcast_in_dim3A_3318 = vector.broadcast %jit3A_3317 : i32 to vector<8x1024xi32>
    %select_n3A_3319 = arith.select %lt3A_3315, %broadcast_in_dim3A_3318, %select_n3A_3308 : vector<8x1024xi1>, vector<8x1024xi32>
    %slice3A_3320 = vector.extract_strided_slice %dot_general3A_3237 {offsets = [56, 0], sizes = [8, 1024], strides = [1, 1]} : vector<456x1024xf32> to vector<8x1024xf32>
    %add3A_3321 = vector.broadcast %get3A_30 : vector<1x1024xf32> to vector<8x1024xf32>
    %add3A_3322 = arith.addf %add3A_3321, %slice3A_3320 : vector<8x1024xf32>
    %slice3A_3323 = vector.extract_strided_slice %get3A_3242 {offsets = [56, 0], sizes = [8, 1], strides = [1, 1]} : vector<456x1xf32> to vector<8x1xf32>
    %add3A_3324 = vector.broadcast %slice3A_3323 : vector<8x1xf32> to vector<8x1024xf32>
    %add3A_3325 = arith.addf %add3A_3322, %add3A_3324 : vector<8x1024xf32>
    %lt3A_3326 = arith.cmpf olt, %add3A_3325, %select_n3A_3316 : vector<8x1024xf32>
    %select_n3A_3327 = arith.select %lt3A_3326, %add3A_3325, %select_n3A_3316 : vector<8x1024xi1>, vector<8x1024xf32>
    %jit3A_3328 = arith.constant 292 : i32
    %broadcast_in_dim3A_3329 = vector.broadcast %jit3A_3328 : i32 to vector<8x1024xi32>
    %select_n3A_3330 = arith.select %lt3A_3326, %broadcast_in_dim3A_3329, %select_n3A_3319 : vector<8x1024xi1>, vector<8x1024xi32>
    %slice3A_3331 = vector.extract_strided_slice %dot_general3A_3237 {offsets = [64, 0], sizes = [8, 1024], strides = [1, 1]} : vector<456x1024xf32> to vector<8x1024xf32>
    %add3A_3332 = vector.broadcast %get3A_30 : vector<1x1024xf32> to vector<8x1024xf32>
    %add3A_3333 = arith.addf %add3A_3332, %slice3A_3331 : vector<8x1024xf32>
    %slice3A_3334 = vector.extract_strided_slice %get3A_3242 {offsets = [64, 0], sizes = [8, 1], strides = [1, 1]} : vector<456x1xf32> to vector<8x1xf32>
    %add3A_3335 = vector.broadcast %slice3A_3334 : vector<8x1xf32> to vector<8x1024xf32>
    %add3A_3336 = arith.addf %add3A_3333, %add3A_3335 : vector<8x1024xf32>
    %lt3A_3337 = arith.cmpf olt, %add3A_3336, %select_n3A_3327 : vector<8x1024xf32>
    %select_n3A_3338 = arith.select %lt3A_3337, %add3A_3336, %select_n3A_3327 : vector<8x1024xi1>, vector<8x1024xf32>
    %jit3A_3339 = arith.constant 293 : i32
    %broadcast_in_dim3A_3340 = vector.broadcast %jit3A_3339 : i32 to vector<8x1024xi32>
    %select_n3A_3341 = arith.select %lt3A_3337, %broadcast_in_dim3A_3340, %select_n3A_3330 : vector<8x1024xi1>, vector<8x1024xi32>
    %slice3A_3342 = vector.extract_strided_slice %dot_general3A_3237 {offsets = [72, 0], sizes = [8, 1024], strides = [1, 1]} : vector<456x1024xf32> to vector<8x1024xf32>
    %add3A_3343 = vector.broadcast %get3A_30 : vector<1x1024xf32> to vector<8x1024xf32>
    %add3A_3344 = arith.addf %add3A_3343, %slice3A_3342 : vector<8x1024xf32>
    %slice3A_3345 = vector.extract_strided_slice %get3A_3242 {offsets = [72, 0], sizes = [8, 1], strides = [1, 1]} : vector<456x1xf32> to vector<8x1xf32>
    %add3A_3346 = vector.broadcast %slice3A_3345 : vector<8x1xf32> to vector<8x1024xf32>
    %add3A_3347 = arith.addf %add3A_3344, %add3A_3346 : vector<8x1024xf32>
    %lt3A_3348 = arith.cmpf olt, %add3A_3347, %select_n3A_3338 : vector<8x1024xf32>
    %select_n3A_3349 = arith.select %lt3A_3348, %add3A_3347, %select_n3A_3338 : vector<8x1024xi1>, vector<8x1024xf32>
    %jit3A_3350 = arith.constant 294 : i32
    %broadcast_in_dim3A_3351 = vector.broadcast %jit3A_3350 : i32 to vector<8x1024xi32>
    %select_n3A_3352 = arith.select %lt3A_3348, %broadcast_in_dim3A_3351, %select_n3A_3341 : vector<8x1024xi1>, vector<8x1024xi32>
    %slice3A_3353 = vector.extract_strided_slice %dot_general3A_3237 {offsets = [80, 0], sizes = [8, 1024], strides = [1, 1]} : vector<456x1024xf32> to vector<8x1024xf32>
    %add3A_3354 = vector.broadcast %get3A_30 : vector<1x1024xf32> to vector<8x1024xf32>
    %add3A_3355 = arith.addf %add3A_3354, %slice3A_3353 : vector<8x1024xf32>
    %slice3A_3356 = vector.extract_strided_slice %get3A_3242 {offsets = [80, 0], sizes = [8, 1], strides = [1, 1]} : vector<456x1xf32> to vector<8x1xf32>
    %add3A_3357 = vector.broadcast %slice3A_3356 : vector<8x1xf32> to vector<8x1024xf32>
    %add3A_3358 = arith.addf %add3A_3355, %add3A_3357 : vector<8x1024xf32>
    %lt3A_3359 = arith.cmpf olt, %add3A_3358, %select_n3A_3349 : vector<8x1024xf32>
    %select_n3A_3360 = arith.select %lt3A_3359, %add3A_3358, %select_n3A_3349 : vector<8x1024xi1>, vector<8x1024xf32>
    %jit3A_3361 = arith.constant 295 : i32
    %broadcast_in_dim3A_3362 = vector.broadcast %jit3A_3361 : i32 to vector<8x1024xi32>
    %select_n3A_3363 = arith.select %lt3A_3359, %broadcast_in_dim3A_3362, %select_n3A_3352 : vector<8x1024xi1>, vector<8x1024xi32>
    %slice3A_3364 = vector.extract_strided_slice %dot_general3A_3237 {offsets = [88, 0], sizes = [8, 1024], strides = [1, 1]} : vector<456x1024xf32> to vector<8x1024xf32>
    %add3A_3365 = vector.broadcast %get3A_30 : vector<1x1024xf32> to vector<8x1024xf32>
    %add3A_3366 = arith.addf %add3A_3365, %slice3A_3364 : vector<8x1024xf32>
    %slice3A_3367 = vector.extract_strided_slice %get3A_3242 {offsets = [88, 0], sizes = [8, 1], strides = [1, 1]} : vector<456x1xf32> to vector<8x1xf32>
    %add3A_3368 = vector.broadcast %slice3A_3367 : vector<8x1xf32> to vector<8x1024xf32>
    %add3A_3369 = arith.addf %add3A_3366, %add3A_3368 : vector<8x1024xf32>
    %lt3A_3370 = arith.cmpf olt, %add3A_3369, %select_n3A_3360 : vector<8x1024xf32>
    %select_n3A_3371 = arith.select %lt3A_3370, %add3A_3369, %select_n3A_3360 : vector<8x1024xi1>, vector<8x1024xf32>
    %jit3A_3372 = arith.constant 296 : i32
    %broadcast_in_dim3A_3373 = vector.broadcast %jit3A_3372 : i32 to vector<8x1024xi32>
    %select_n3A_3374 = arith.select %lt3A_3370, %broadcast_in_dim3A_3373, %select_n3A_3363 : vector<8x1024xi1>, vector<8x1024xi32>
    %slice3A_3375 = vector.extract_strided_slice %dot_general3A_3237 {offsets = [96, 0], sizes = [8, 1024], strides = [1, 1]} : vector<456x1024xf32> to vector<8x1024xf32>
    %add3A_3376 = vector.broadcast %get3A_30 : vector<1x1024xf32> to vector<8x1024xf32>
    %add3A_3377 = arith.addf %add3A_3376, %slice3A_3375 : vector<8x1024xf32>
    %slice3A_3378 = vector.extract_strided_slice %get3A_3242 {offsets = [96, 0], sizes = [8, 1], strides = [1, 1]} : vector<456x1xf32> to vector<8x1xf32>
    %add3A_3379 = vector.broadcast %slice3A_3378 : vector<8x1xf32> to vector<8x1024xf32>
    %add3A_3380 = arith.addf %add3A_3377, %add3A_3379 : vector<8x1024xf32>
    %lt3A_3381 = arith.cmpf olt, %add3A_3380, %select_n3A_3371 : vector<8x1024xf32>
    %select_n3A_3382 = arith.select %lt3A_3381, %add3A_3380, %select_n3A_3371 : vector<8x1024xi1>, vector<8x1024xf32>
    %jit3A_3383 = arith.constant 297 : i32
    %broadcast_in_dim3A_3384 = vector.broadcast %jit3A_3383 : i32 to vector<8x1024xi32>
    %select_n3A_3385 = arith.select %lt3A_3381, %broadcast_in_dim3A_3384, %select_n3A_3374 : vector<8x1024xi1>, vector<8x1024xi32>
    %slice3A_3386 = vector.extract_strided_slice %dot_general3A_3237 {offsets = [104, 0], sizes = [8, 1024], strides = [1, 1]} : vector<456x1024xf32> to vector<8x1024xf32>
    %add3A_3387 = vector.broadcast %get3A_30 : vector<1x1024xf32> to vector<8x1024xf32>
    %add3A_3388 = arith.addf %add3A_3387, %slice3A_3386 : vector<8x1024xf32>
    %slice3A_3389 = vector.extract_strided_slice %get3A_3242 {offsets = [104, 0], sizes = [8, 1], strides = [1, 1]} : vector<456x1xf32> to vector<8x1xf32>
    %add3A_3390 = vector.broadcast %slice3A_3389 : vector<8x1xf32> to vector<8x1024xf32>
    %add3A_3391 = arith.addf %add3A_3388, %add3A_3390 : vector<8x1024xf32>
    %lt3A_3392 = arith.cmpf olt, %add3A_3391, %select_n3A_3382 : vector<8x1024xf32>
    %select_n3A_3393 = arith.select %lt3A_3392, %add3A_3391, %select_n3A_3382 : vector<8x1024xi1>, vector<8x1024xf32>
    %jit3A_3394 = arith.constant 298 : i32
    %broadcast_in_dim3A_3395 = vector.broadcast %jit3A_3394 : i32 to vector<8x1024xi32>
    %select_n3A_3396 = arith.select %lt3A_3392, %broadcast_in_dim3A_3395, %select_n3A_3385 : vector<8x1024xi1>, vector<8x1024xi32>
    %slice3A_3397 = vector.extract_strided_slice %dot_general3A_3237 {offsets = [112, 0], sizes = [8, 1024], strides = [1, 1]} : vector<456x1024xf32> to vector<8x1024xf32>
    %add3A_3398 = vector.broadcast %get3A_30 : vector<1x1024xf32> to vector<8x1024xf32>
    %add3A_3399 = arith.addf %add3A_3398, %slice3A_3397 : vector<8x1024xf32>
    %slice3A_3400 = vector.extract_strided_slice %get3A_3242 {offsets = [112, 0], sizes = [8, 1], strides = [1, 1]} : vector<456x1xf32> to vector<8x1xf32>
    %add3A_3401 = vector.broadcast %slice3A_3400 : vector<8x1xf32> to vector<8x1024xf32>
    %add3A_3402 = arith.addf %add3A_3399, %add3A_3401 : vector<8x1024xf32>
    %lt3A_3403 = arith.cmpf olt, %add3A_3402, %select_n3A_3393 : vector<8x1024xf32>
    %select_n3A_3404 = arith.select %lt3A_3403, %add3A_3402, %select_n3A_3393 : vector<8x1024xi1>, vector<8x1024xf32>
    %jit3A_3405 = arith.constant 299 : i32
    %broadcast_in_dim3A_3406 = vector.broadcast %jit3A_3405 : i32 to vector<8x1024xi32>
    %select_n3A_3407 = arith.select %lt3A_3403, %broadcast_in_dim3A_3406, %select_n3A_3396 : vector<8x1024xi1>, vector<8x1024xi32>
    %slice3A_3408 = vector.extract_strided_slice %dot_general3A_3237 {offsets = [120, 0], sizes = [8, 1024], strides = [1, 1]} : vector<456x1024xf32> to vector<8x1024xf32>
    %add3A_3409 = vector.broadcast %get3A_30 : vector<1x1024xf32> to vector<8x1024xf32>
    %add3A_3410 = arith.addf %add3A_3409, %slice3A_3408 : vector<8x1024xf32>
    %slice3A_3411 = vector.extract_strided_slice %get3A_3242 {offsets = [120, 0], sizes = [8, 1], strides = [1, 1]} : vector<456x1xf32> to vector<8x1xf32>
    %add3A_3412 = vector.broadcast %slice3A_3411 : vector<8x1xf32> to vector<8x1024xf32>
    %add3A_3413 = arith.addf %add3A_3410, %add3A_3412 : vector<8x1024xf32>
    %lt3A_3414 = arith.cmpf olt, %add3A_3413, %select_n3A_3404 : vector<8x1024xf32>
    %select_n3A_3415 = arith.select %lt3A_3414, %add3A_3413, %select_n3A_3404 : vector<8x1024xi1>, vector<8x1024xf32>
    %jit3A_3416 = arith.constant 300 : i32
    %broadcast_in_dim3A_3417 = vector.broadcast %jit3A_3416 : i32 to vector<8x1024xi32>
    %select_n3A_3418 = arith.select %lt3A_3414, %broadcast_in_dim3A_3417, %select_n3A_3407 : vector<8x1024xi1>, vector<8x1024xi32>
    %slice3A_3419 = vector.extract_strided_slice %dot_general3A_3237 {offsets = [128, 0], sizes = [8, 1024], strides = [1, 1]} : vector<456x1024xf32> to vector<8x1024xf32>
    %add3A_3420 = vector.broadcast %get3A_30 : vector<1x1024xf32> to vector<8x1024xf32>
    %add3A_3421 = arith.addf %add3A_3420, %slice3A_3419 : vector<8x1024xf32>
    %slice3A_3422 = vector.extract_strided_slice %get3A_3242 {offsets = [128, 0], sizes = [8, 1], strides = [1, 1]} : vector<456x1xf32> to vector<8x1xf32>
    %add3A_3423 = vector.broadcast %slice3A_3422 : vector<8x1xf32> to vector<8x1024xf32>
    %add3A_3424 = arith.addf %add3A_3421, %add3A_3423 : vector<8x1024xf32>
    %lt3A_3425 = arith.cmpf olt, %add3A_3424, %select_n3A_3415 : vector<8x1024xf32>
    %select_n3A_3426 = arith.select %lt3A_3425, %add3A_3424, %select_n3A_3415 : vector<8x1024xi1>, vector<8x1024xf32>
    %jit3A_3427 = arith.constant 301 : i32
    %broadcast_in_dim3A_3428 = vector.broadcast %jit3A_3427 : i32 to vector<8x1024xi32>
    %select_n3A_3429 = arith.select %lt3A_3425, %broadcast_in_dim3A_3428, %select_n3A_3418 : vector<8x1024xi1>, vector<8x1024xi32>
    %slice3A_3430 = vector.extract_strided_slice %dot_general3A_3237 {offsets = [136, 0], sizes = [8, 1024], strides = [1, 1]} : vector<456x1024xf32> to vector<8x1024xf32>
    %add3A_3431 = vector.broadcast %get3A_30 : vector<1x1024xf32> to vector<8x1024xf32>
    %add3A_3432 = arith.addf %add3A_3431, %slice3A_3430 : vector<8x1024xf32>
    %slice3A_3433 = vector.extract_strided_slice %get3A_3242 {offsets = [136, 0], sizes = [8, 1], strides = [1, 1]} : vector<456x1xf32> to vector<8x1xf32>
    %add3A_3434 = vector.broadcast %slice3A_3433 : vector<8x1xf32> to vector<8x1024xf32>
    %add3A_3435 = arith.addf %add3A_3432, %add3A_3434 : vector<8x1024xf32>
    %lt3A_3436 = arith.cmpf olt, %add3A_3435, %select_n3A_3426 : vector<8x1024xf32>
    %select_n3A_3437 = arith.select %lt3A_3436, %add3A_3435, %select_n3A_3426 : vector<8x1024xi1>, vector<8x1024xf32>
    %jit3A_3438 = arith.constant 302 : i32
    %broadcast_in_dim3A_3439 = vector.broadcast %jit3A_3438 : i32 to vector<8x1024xi32>
    %select_n3A_3440 = arith.select %lt3A_3436, %broadcast_in_dim3A_3439, %select_n3A_3429 : vector<8x1024xi1>, vector<8x1024xi32>
    %slice3A_3441 = vector.extract_strided_slice %dot_general3A_3237 {offsets = [144, 0], sizes = [8, 1024], strides = [1, 1]} : vector<456x1024xf32> to vector<8x1024xf32>
    %add3A_3442 = vector.broadcast %get3A_30 : vector<1x1024xf32> to vector<8x1024xf32>
    %add3A_3443 = arith.addf %add3A_3442, %slice3A_3441 : vector<8x1024xf32>
    %slice3A_3444 = vector.extract_strided_slice %get3A_3242 {offsets = [144, 0], sizes = [8, 1], strides = [1, 1]} : vector<456x1xf32> to vector<8x1xf32>
    %add3A_3445 = vector.broadcast %slice3A_3444 : vector<8x1xf32> to vector<8x1024xf32>
    %add3A_3446 = arith.addf %add3A_3443, %add3A_3445 : vector<8x1024xf32>
    %lt3A_3447 = arith.cmpf olt, %add3A_3446, %select_n3A_3437 : vector<8x1024xf32>
    %select_n3A_3448 = arith.select %lt3A_3447, %add3A_3446, %select_n3A_3437 : vector<8x1024xi1>, vector<8x1024xf32>
    %jit3A_3449 = arith.constant 303 : i32
    %broadcast_in_dim3A_3450 = vector.broadcast %jit3A_3449 : i32 to vector<8x1024xi32>
    %select_n3A_3451 = arith.select %lt3A_3447, %broadcast_in_dim3A_3450, %select_n3A_3440 : vector<8x1024xi1>, vector<8x1024xi32>
    %slice3A_3452 = vector.extract_strided_slice %dot_general3A_3237 {offsets = [152, 0], sizes = [8, 1024], strides = [1, 1]} : vector<456x1024xf32> to vector<8x1024xf32>
    %add3A_3453 = vector.broadcast %get3A_30 : vector<1x1024xf32> to vector<8x1024xf32>
    %add3A_3454 = arith.addf %add3A_3453, %slice3A_3452 : vector<8x1024xf32>
    %slice3A_3455 = vector.extract_strided_slice %get3A_3242 {offsets = [152, 0], sizes = [8, 1], strides = [1, 1]} : vector<456x1xf32> to vector<8x1xf32>
    %add3A_3456 = vector.broadcast %slice3A_3455 : vector<8x1xf32> to vector<8x1024xf32>
    %add3A_3457 = arith.addf %add3A_3454, %add3A_3456 : vector<8x1024xf32>
    %lt3A_3458 = arith.cmpf olt, %add3A_3457, %select_n3A_3448 : vector<8x1024xf32>
    %select_n3A_3459 = arith.select %lt3A_3458, %add3A_3457, %select_n3A_3448 : vector<8x1024xi1>, vector<8x1024xf32>
    %jit3A_3460 = arith.constant 304 : i32
    %broadcast_in_dim3A_3461 = vector.broadcast %jit3A_3460 : i32 to vector<8x1024xi32>
    %select_n3A_3462 = arith.select %lt3A_3458, %broadcast_in_dim3A_3461, %select_n3A_3451 : vector<8x1024xi1>, vector<8x1024xi32>
    %slice3A_3463 = vector.extract_strided_slice %dot_general3A_3237 {offsets = [160, 0], sizes = [8, 1024], strides = [1, 1]} : vector<456x1024xf32> to vector<8x1024xf32>
    %add3A_3464 = vector.broadcast %get3A_30 : vector<1x1024xf32> to vector<8x1024xf32>
    %add3A_3465 = arith.addf %add3A_3464, %slice3A_3463 : vector<8x1024xf32>
    %slice3A_3466 = vector.extract_strided_slice %get3A_3242 {offsets = [160, 0], sizes = [8, 1], strides = [1, 1]} : vector<456x1xf32> to vector<8x1xf32>
    %add3A_3467 = vector.broadcast %slice3A_3466 : vector<8x1xf32> to vector<8x1024xf32>
    %add3A_3468 = arith.addf %add3A_3465, %add3A_3467 : vector<8x1024xf32>
    %lt3A_3469 = arith.cmpf olt, %add3A_3468, %select_n3A_3459 : vector<8x1024xf32>
    %select_n3A_3470 = arith.select %lt3A_3469, %add3A_3468, %select_n3A_3459 : vector<8x1024xi1>, vector<8x1024xf32>
    %jit3A_3471 = arith.constant 305 : i32
    %broadcast_in_dim3A_3472 = vector.broadcast %jit3A_3471 : i32 to vector<8x1024xi32>
    %select_n3A_3473 = arith.select %lt3A_3469, %broadcast_in_dim3A_3472, %select_n3A_3462 : vector<8x1024xi1>, vector<8x1024xi32>
    %slice3A_3474 = vector.extract_strided_slice %dot_general3A_3237 {offsets = [168, 0], sizes = [8, 1024], strides = [1, 1]} : vector<456x1024xf32> to vector<8x1024xf32>
    %add3A_3475 = vector.broadcast %get3A_30 : vector<1x1024xf32> to vector<8x1024xf32>
    %add3A_3476 = arith.addf %add3A_3475, %slice3A_3474 : vector<8x1024xf32>
    %slice3A_3477 = vector.extract_strided_slice %get3A_3242 {offsets = [168, 0], sizes = [8, 1], strides = [1, 1]} : vector<456x1xf32> to vector<8x1xf32>
    %add3A_3478 = vector.broadcast %slice3A_3477 : vector<8x1xf32> to vector<8x1024xf32>
    %add3A_3479 = arith.addf %add3A_3476, %add3A_3478 : vector<8x1024xf32>
    %lt3A_3480 = arith.cmpf olt, %add3A_3479, %select_n3A_3470 : vector<8x1024xf32>
    %select_n3A_3481 = arith.select %lt3A_3480, %add3A_3479, %select_n3A_3470 : vector<8x1024xi1>, vector<8x1024xf32>
    %jit3A_3482 = arith.constant 306 : i32
    %broadcast_in_dim3A_3483 = vector.broadcast %jit3A_3482 : i32 to vector<8x1024xi32>
    %select_n3A_3484 = arith.select %lt3A_3480, %broadcast_in_dim3A_3483, %select_n3A_3473 : vector<8x1024xi1>, vector<8x1024xi32>
    %slice3A_3485 = vector.extract_strided_slice %dot_general3A_3237 {offsets = [176, 0], sizes = [8, 1024], strides = [1, 1]} : vector<456x1024xf32> to vector<8x1024xf32>
    %add3A_3486 = vector.broadcast %get3A_30 : vector<1x1024xf32> to vector<8x1024xf32>
    %add3A_3487 = arith.addf %add3A_3486, %slice3A_3485 : vector<8x1024xf32>
    %slice3A_3488 = vector.extract_strided_slice %get3A_3242 {offsets = [176, 0], sizes = [8, 1], strides = [1, 1]} : vector<456x1xf32> to vector<8x1xf32>
    %add3A_3489 = vector.broadcast %slice3A_3488 : vector<8x1xf32> to vector<8x1024xf32>
    %add3A_3490 = arith.addf %add3A_3487, %add3A_3489 : vector<8x1024xf32>
    %lt3A_3491 = arith.cmpf olt, %add3A_3490, %select_n3A_3481 : vector<8x1024xf32>
    %select_n3A_3492 = arith.select %lt3A_3491, %add3A_3490, %select_n3A_3481 : vector<8x1024xi1>, vector<8x1024xf32>
    %jit3A_3493 = arith.constant 307 : i32
    %broadcast_in_dim3A_3494 = vector.broadcast %jit3A_3493 : i32 to vector<8x1024xi32>
    %select_n3A_3495 = arith.select %lt3A_3491, %broadcast_in_dim3A_3494, %select_n3A_3484 : vector<8x1024xi1>, vector<8x1024xi32>
    %slice3A_3496 = vector.extract_strided_slice %dot_general3A_3237 {offsets = [184, 0], sizes = [8, 1024], strides = [1, 1]} : vector<456x1024xf32> to vector<8x1024xf32>
    %add3A_3497 = vector.broadcast %get3A_30 : vector<1x1024xf32> to vector<8x1024xf32>
    %add3A_3498 = arith.addf %add3A_3497, %slice3A_3496 : vector<8x1024xf32>
    %slice3A_3499 = vector.extract_strided_slice %get3A_3242 {offsets = [184, 0], sizes = [8, 1], strides = [1, 1]} : vector<456x1xf32> to vector<8x1xf32>
    %add3A_3500 = vector.broadcast %slice3A_3499 : vector<8x1xf32> to vector<8x1024xf32>
    %add3A_3501 = arith.addf %add3A_3498, %add3A_3500 : vector<8x1024xf32>
    %lt3A_3502 = arith.cmpf olt, %add3A_3501, %select_n3A_3492 : vector<8x1024xf32>
    %select_n3A_3503 = arith.select %lt3A_3502, %add3A_3501, %select_n3A_3492 : vector<8x1024xi1>, vector<8x1024xf32>
    %jit3A_3504 = arith.constant 308 : i32
    %broadcast_in_dim3A_3505 = vector.broadcast %jit3A_3504 : i32 to vector<8x1024xi32>
    %select_n3A_3506 = arith.select %lt3A_3502, %broadcast_in_dim3A_3505, %select_n3A_3495 : vector<8x1024xi1>, vector<8x1024xi32>
    %slice3A_3507 = vector.extract_strided_slice %dot_general3A_3237 {offsets = [192, 0], sizes = [8, 1024], strides = [1, 1]} : vector<456x1024xf32> to vector<8x1024xf32>
    %add3A_3508 = vector.broadcast %get3A_30 : vector<1x1024xf32> to vector<8x1024xf32>
    %add3A_3509 = arith.addf %add3A_3508, %slice3A_3507 : vector<8x1024xf32>
    %slice3A_3510 = vector.extract_strided_slice %get3A_3242 {offsets = [192, 0], sizes = [8, 1], strides = [1, 1]} : vector<456x1xf32> to vector<8x1xf32>
    %add3A_3511 = vector.broadcast %slice3A_3510 : vector<8x1xf32> to vector<8x1024xf32>
    %add3A_3512 = arith.addf %add3A_3509, %add3A_3511 : vector<8x1024xf32>
    %lt3A_3513 = arith.cmpf olt, %add3A_3512, %select_n3A_3503 : vector<8x1024xf32>
    %select_n3A_3514 = arith.select %lt3A_3513, %add3A_3512, %select_n3A_3503 : vector<8x1024xi1>, vector<8x1024xf32>
    %jit3A_3515 = arith.constant 309 : i32
    %broadcast_in_dim3A_3516 = vector.broadcast %jit3A_3515 : i32 to vector<8x1024xi32>
    %select_n3A_3517 = arith.select %lt3A_3513, %broadcast_in_dim3A_3516, %select_n3A_3506 : vector<8x1024xi1>, vector<8x1024xi32>
    %slice3A_3518 = vector.extract_strided_slice %dot_general3A_3237 {offsets = [200, 0], sizes = [8, 1024], strides = [1, 1]} : vector<456x1024xf32> to vector<8x1024xf32>
    %add3A_3519 = vector.broadcast %get3A_30 : vector<1x1024xf32> to vector<8x1024xf32>
    %add3A_3520 = arith.addf %add3A_3519, %slice3A_3518 : vector<8x1024xf32>
    %slice3A_3521 = vector.extract_strided_slice %get3A_3242 {offsets = [200, 0], sizes = [8, 1], strides = [1, 1]} : vector<456x1xf32> to vector<8x1xf32>
    %add3A_3522 = vector.broadcast %slice3A_3521 : vector<8x1xf32> to vector<8x1024xf32>
    %add3A_3523 = arith.addf %add3A_3520, %add3A_3522 : vector<8x1024xf32>
    %lt3A_3524 = arith.cmpf olt, %add3A_3523, %select_n3A_3514 : vector<8x1024xf32>
    %select_n3A_3525 = arith.select %lt3A_3524, %add3A_3523, %select_n3A_3514 : vector<8x1024xi1>, vector<8x1024xf32>
    %jit3A_3526 = arith.constant 310 : i32
    %broadcast_in_dim3A_3527 = vector.broadcast %jit3A_3526 : i32 to vector<8x1024xi32>
    %select_n3A_3528 = arith.select %lt3A_3524, %broadcast_in_dim3A_3527, %select_n3A_3517 : vector<8x1024xi1>, vector<8x1024xi32>
    %slice3A_3529 = vector.extract_strided_slice %dot_general3A_3237 {offsets = [208, 0], sizes = [8, 1024], strides = [1, 1]} : vector<456x1024xf32> to vector<8x1024xf32>
    %add3A_3530 = vector.broadcast %get3A_30 : vector<1x1024xf32> to vector<8x1024xf32>
    %add3A_3531 = arith.addf %add3A_3530, %slice3A_3529 : vector<8x1024xf32>
    %slice3A_3532 = vector.extract_strided_slice %get3A_3242 {offsets = [208, 0], sizes = [8, 1], strides = [1, 1]} : vector<456x1xf32> to vector<8x1xf32>
    %add3A_3533 = vector.broadcast %slice3A_3532 : vector<8x1xf32> to vector<8x1024xf32>
    %add3A_3534 = arith.addf %add3A_3531, %add3A_3533 : vector<8x1024xf32>
    %lt3A_3535 = arith.cmpf olt, %add3A_3534, %select_n3A_3525 : vector<8x1024xf32>
    %select_n3A_3536 = arith.select %lt3A_3535, %add3A_3534, %select_n3A_3525 : vector<8x1024xi1>, vector<8x1024xf32>
    %jit3A_3537 = arith.constant 311 : i32
    %broadcast_in_dim3A_3538 = vector.broadcast %jit3A_3537 : i32 to vector<8x1024xi32>
    %select_n3A_3539 = arith.select %lt3A_3535, %broadcast_in_dim3A_3538, %select_n3A_3528 : vector<8x1024xi1>, vector<8x1024xi32>
    %slice3A_3540 = vector.extract_strided_slice %dot_general3A_3237 {offsets = [216, 0], sizes = [8, 1024], strides = [1, 1]} : vector<456x1024xf32> to vector<8x1024xf32>
    %add3A_3541 = vector.broadcast %get3A_30 : vector<1x1024xf32> to vector<8x1024xf32>
    %add3A_3542 = arith.addf %add3A_3541, %slice3A_3540 : vector<8x1024xf32>
    %slice3A_3543 = vector.extract_strided_slice %get3A_3242 {offsets = [216, 0], sizes = [8, 1], strides = [1, 1]} : vector<456x1xf32> to vector<8x1xf32>
    %add3A_3544 = vector.broadcast %slice3A_3543 : vector<8x1xf32> to vector<8x1024xf32>
    %add3A_3545 = arith.addf %add3A_3542, %add3A_3544 : vector<8x1024xf32>
    %lt3A_3546 = arith.cmpf olt, %add3A_3545, %select_n3A_3536 : vector<8x1024xf32>
    %select_n3A_3547 = arith.select %lt3A_3546, %add3A_3545, %select_n3A_3536 : vector<8x1024xi1>, vector<8x1024xf32>
    %jit3A_3548 = arith.constant 312 : i32
    %broadcast_in_dim3A_3549 = vector.broadcast %jit3A_3548 : i32 to vector<8x1024xi32>
    %select_n3A_3550 = arith.select %lt3A_3546, %broadcast_in_dim3A_3549, %select_n3A_3539 : vector<8x1024xi1>, vector<8x1024xi32>
    %slice3A_3551 = vector.extract_strided_slice %dot_general3A_3237 {offsets = [224, 0], sizes = [8, 1024], strides = [1, 1]} : vector<456x1024xf32> to vector<8x1024xf32>
    %add3A_3552 = vector.broadcast %get3A_30 : vector<1x1024xf32> to vector<8x1024xf32>
    %add3A_3553 = arith.addf %add3A_3552, %slice3A_3551 : vector<8x1024xf32>
    %slice3A_3554 = vector.extract_strided_slice %get3A_3242 {offsets = [224, 0], sizes = [8, 1], strides = [1, 1]} : vector<456x1xf32> to vector<8x1xf32>
    %add3A_3555 = vector.broadcast %slice3A_3554 : vector<8x1xf32> to vector<8x1024xf32>
    %add3A_3556 = arith.addf %add3A_3553, %add3A_3555 : vector<8x1024xf32>
    %lt3A_3557 = arith.cmpf olt, %add3A_3556, %select_n3A_3547 : vector<8x1024xf32>
    %select_n3A_3558 = arith.select %lt3A_3557, %add3A_3556, %select_n3A_3547 : vector<8x1024xi1>, vector<8x1024xf32>
    %jit3A_3559 = arith.constant 313 : i32
    %broadcast_in_dim3A_3560 = vector.broadcast %jit3A_3559 : i32 to vector<8x1024xi32>
    %select_n3A_3561 = arith.select %lt3A_3557, %broadcast_in_dim3A_3560, %select_n3A_3550 : vector<8x1024xi1>, vector<8x1024xi32>
    %slice3A_3562 = vector.extract_strided_slice %dot_general3A_3237 {offsets = [232, 0], sizes = [8, 1024], strides = [1, 1]} : vector<456x1024xf32> to vector<8x1024xf32>
    %add3A_3563 = vector.broadcast %get3A_30 : vector<1x1024xf32> to vector<8x1024xf32>
    %add3A_3564 = arith.addf %add3A_3563, %slice3A_3562 : vector<8x1024xf32>
    %slice3A_3565 = vector.extract_strided_slice %get3A_3242 {offsets = [232, 0], sizes = [8, 1], strides = [1, 1]} : vector<456x1xf32> to vector<8x1xf32>
    %add3A_3566 = vector.broadcast %slice3A_3565 : vector<8x1xf32> to vector<8x1024xf32>
    %add3A_3567 = arith.addf %add3A_3564, %add3A_3566 : vector<8x1024xf32>
    %lt3A_3568 = arith.cmpf olt, %add3A_3567, %select_n3A_3558 : vector<8x1024xf32>
    %select_n3A_3569 = arith.select %lt3A_3568, %add3A_3567, %select_n3A_3558 : vector<8x1024xi1>, vector<8x1024xf32>
    %jit3A_3570 = arith.constant 314 : i32
    %broadcast_in_dim3A_3571 = vector.broadcast %jit3A_3570 : i32 to vector<8x1024xi32>
    %select_n3A_3572 = arith.select %lt3A_3568, %broadcast_in_dim3A_3571, %select_n3A_3561 : vector<8x1024xi1>, vector<8x1024xi32>
    %slice3A_3573 = vector.extract_strided_slice %dot_general3A_3237 {offsets = [240, 0], sizes = [8, 1024], strides = [1, 1]} : vector<456x1024xf32> to vector<8x1024xf32>
    %add3A_3574 = vector.broadcast %get3A_30 : vector<1x1024xf32> to vector<8x1024xf32>
    %add3A_3575 = arith.addf %add3A_3574, %slice3A_3573 : vector<8x1024xf32>
    %slice3A_3576 = vector.extract_strided_slice %get3A_3242 {offsets = [240, 0], sizes = [8, 1], strides = [1, 1]} : vector<456x1xf32> to vector<8x1xf32>
    %add3A_3577 = vector.broadcast %slice3A_3576 : vector<8x1xf32> to vector<8x1024xf32>
    %add3A_3578 = arith.addf %add3A_3575, %add3A_3577 : vector<8x1024xf32>
    %lt3A_3579 = arith.cmpf olt, %add3A_3578, %select_n3A_3569 : vector<8x1024xf32>
    %select_n3A_3580 = arith.select %lt3A_3579, %add3A_3578, %select_n3A_3569 : vector<8x1024xi1>, vector<8x1024xf32>
    %jit3A_3581 = arith.constant 315 : i32
    %broadcast_in_dim3A_3582 = vector.broadcast %jit3A_3581 : i32 to vector<8x1024xi32>
    %select_n3A_3583 = arith.select %lt3A_3579, %broadcast_in_dim3A_3582, %select_n3A_3572 : vector<8x1024xi1>, vector<8x1024xi32>
    %slice3A_3584 = vector.extract_strided_slice %dot_general3A_3237 {offsets = [248, 0], sizes = [8, 1024], strides = [1, 1]} : vector<456x1024xf32> to vector<8x1024xf32>
    %add3A_3585 = vector.broadcast %get3A_30 : vector<1x1024xf32> to vector<8x1024xf32>
    %add3A_3586 = arith.addf %add3A_3585, %slice3A_3584 : vector<8x1024xf32>
    %slice3A_3587 = vector.extract_strided_slice %get3A_3242 {offsets = [248, 0], sizes = [8, 1], strides = [1, 1]} : vector<456x1xf32> to vector<8x1xf32>
    %add3A_3588 = vector.broadcast %slice3A_3587 : vector<8x1xf32> to vector<8x1024xf32>
    %add3A_3589 = arith.addf %add3A_3586, %add3A_3588 : vector<8x1024xf32>
    %lt3A_3590 = arith.cmpf olt, %add3A_3589, %select_n3A_3580 : vector<8x1024xf32>
    %select_n3A_3591 = arith.select %lt3A_3590, %add3A_3589, %select_n3A_3580 : vector<8x1024xi1>, vector<8x1024xf32>
    %jit3A_3592 = arith.constant 316 : i32
    %broadcast_in_dim3A_3593 = vector.broadcast %jit3A_3592 : i32 to vector<8x1024xi32>
    %select_n3A_3594 = arith.select %lt3A_3590, %broadcast_in_dim3A_3593, %select_n3A_3583 : vector<8x1024xi1>, vector<8x1024xi32>
    %slice3A_3595 = vector.extract_strided_slice %dot_general3A_3237 {offsets = [256, 0], sizes = [8, 1024], strides = [1, 1]} : vector<456x1024xf32> to vector<8x1024xf32>
    %add3A_3596 = vector.broadcast %get3A_30 : vector<1x1024xf32> to vector<8x1024xf32>
    %add3A_3597 = arith.addf %add3A_3596, %slice3A_3595 : vector<8x1024xf32>
    %slice3A_3598 = vector.extract_strided_slice %get3A_3242 {offsets = [256, 0], sizes = [8, 1], strides = [1, 1]} : vector<456x1xf32> to vector<8x1xf32>
    %add3A_3599 = vector.broadcast %slice3A_3598 : vector<8x1xf32> to vector<8x1024xf32>
    %add3A_3600 = arith.addf %add3A_3597, %add3A_3599 : vector<8x1024xf32>
    %lt3A_3601 = arith.cmpf olt, %add3A_3600, %select_n3A_3591 : vector<8x1024xf32>
    %select_n3A_3602 = arith.select %lt3A_3601, %add3A_3600, %select_n3A_3591 : vector<8x1024xi1>, vector<8x1024xf32>
    %jit3A_3603 = arith.constant 317 : i32
    %broadcast_in_dim3A_3604 = vector.broadcast %jit3A_3603 : i32 to vector<8x1024xi32>
    %select_n3A_3605 = arith.select %lt3A_3601, %broadcast_in_dim3A_3604, %select_n3A_3594 : vector<8x1024xi1>, vector<8x1024xi32>
    %slice3A_3606 = vector.extract_strided_slice %dot_general3A_3237 {offsets = [264, 0], sizes = [8, 1024], strides = [1, 1]} : vector<456x1024xf32> to vector<8x1024xf32>
    %add3A_3607 = vector.broadcast %get3A_30 : vector<1x1024xf32> to vector<8x1024xf32>
    %add3A_3608 = arith.addf %add3A_3607, %slice3A_3606 : vector<8x1024xf32>
    %slice3A_3609 = vector.extract_strided_slice %get3A_3242 {offsets = [264, 0], sizes = [8, 1], strides = [1, 1]} : vector<456x1xf32> to vector<8x1xf32>
    %add3A_3610 = vector.broadcast %slice3A_3609 : vector<8x1xf32> to vector<8x1024xf32>
    %add3A_3611 = arith.addf %add3A_3608, %add3A_3610 : vector<8x1024xf32>
    %lt3A_3612 = arith.cmpf olt, %add3A_3611, %select_n3A_3602 : vector<8x1024xf32>
    %select_n3A_3613 = arith.select %lt3A_3612, %add3A_3611, %select_n3A_3602 : vector<8x1024xi1>, vector<8x1024xf32>
    %jit3A_3614 = arith.constant 318 : i32
    %broadcast_in_dim3A_3615 = vector.broadcast %jit3A_3614 : i32 to vector<8x1024xi32>
    %select_n3A_3616 = arith.select %lt3A_3612, %broadcast_in_dim3A_3615, %select_n3A_3605 : vector<8x1024xi1>, vector<8x1024xi32>
    %slice3A_3617 = vector.extract_strided_slice %dot_general3A_3237 {offsets = [272, 0], sizes = [8, 1024], strides = [1, 1]} : vector<456x1024xf32> to vector<8x1024xf32>
    %add3A_3618 = vector.broadcast %get3A_30 : vector<1x1024xf32> to vector<8x1024xf32>
    %add3A_3619 = arith.addf %add3A_3618, %slice3A_3617 : vector<8x1024xf32>
    %slice3A_3620 = vector.extract_strided_slice %get3A_3242 {offsets = [272, 0], sizes = [8, 1], strides = [1, 1]} : vector<456x1xf32> to vector<8x1xf32>
    %add3A_3621 = vector.broadcast %slice3A_3620 : vector<8x1xf32> to vector<8x1024xf32>
    %add3A_3622 = arith.addf %add3A_3619, %add3A_3621 : vector<8x1024xf32>
    %lt3A_3623 = arith.cmpf olt, %add3A_3622, %select_n3A_3613 : vector<8x1024xf32>
    %select_n3A_3624 = arith.select %lt3A_3623, %add3A_3622, %select_n3A_3613 : vector<8x1024xi1>, vector<8x1024xf32>
    %jit3A_3625 = arith.constant 319 : i32
    %broadcast_in_dim3A_3626 = vector.broadcast %jit3A_3625 : i32 to vector<8x1024xi32>
    %select_n3A_3627 = arith.select %lt3A_3623, %broadcast_in_dim3A_3626, %select_n3A_3616 : vector<8x1024xi1>, vector<8x1024xi32>
    %slice3A_3628 = vector.extract_strided_slice %dot_general3A_3237 {offsets = [280, 0], sizes = [8, 1024], strides = [1, 1]} : vector<456x1024xf32> to vector<8x1024xf32>
    %add3A_3629 = vector.broadcast %get3A_30 : vector<1x1024xf32> to vector<8x1024xf32>
    %add3A_3630 = arith.addf %add3A_3629, %slice3A_3628 : vector<8x1024xf32>
    %slice3A_3631 = vector.extract_strided_slice %get3A_3242 {offsets = [280, 0], sizes = [8, 1], strides = [1, 1]} : vector<456x1xf32> to vector<8x1xf32>
    %add3A_3632 = vector.broadcast %slice3A_3631 : vector<8x1xf32> to vector<8x1024xf32>
    %add3A_3633 = arith.addf %add3A_3630, %add3A_3632 : vector<8x1024xf32>
    %lt3A_3634 = arith.cmpf olt, %add3A_3633, %select_n3A_3624 : vector<8x1024xf32>
    %select_n3A_3635 = arith.select %lt3A_3634, %add3A_3633, %select_n3A_3624 : vector<8x1024xi1>, vector<8x1024xf32>
    %jit3A_3636 = arith.constant 320 : i32
    %broadcast_in_dim3A_3637 = vector.broadcast %jit3A_3636 : i32 to vector<8x1024xi32>
    %select_n3A_3638 = arith.select %lt3A_3634, %broadcast_in_dim3A_3637, %select_n3A_3627 : vector<8x1024xi1>, vector<8x1024xi32>
    %slice3A_3639 = vector.extract_strided_slice %dot_general3A_3237 {offsets = [288, 0], sizes = [8, 1024], strides = [1, 1]} : vector<456x1024xf32> to vector<8x1024xf32>
    %add3A_3640 = vector.broadcast %get3A_30 : vector<1x1024xf32> to vector<8x1024xf32>
    %add3A_3641 = arith.addf %add3A_3640, %slice3A_3639 : vector<8x1024xf32>
    %slice3A_3642 = vector.extract_strided_slice %get3A_3242 {offsets = [288, 0], sizes = [8, 1], strides = [1, 1]} : vector<456x1xf32> to vector<8x1xf32>
    %add3A_3643 = vector.broadcast %slice3A_3642 : vector<8x1xf32> to vector<8x1024xf32>
    %add3A_3644 = arith.addf %add3A_3641, %add3A_3643 : vector<8x1024xf32>
    %lt3A_3645 = arith.cmpf olt, %add3A_3644, %select_n3A_3635 : vector<8x1024xf32>
    %select_n3A_3646 = arith.select %lt3A_3645, %add3A_3644, %select_n3A_3635 : vector<8x1024xi1>, vector<8x1024xf32>
    %jit3A_3647 = arith.constant 321 : i32
    %broadcast_in_dim3A_3648 = vector.broadcast %jit3A_3647 : i32 to vector<8x1024xi32>
    %select_n3A_3649 = arith.select %lt3A_3645, %broadcast_in_dim3A_3648, %select_n3A_3638 : vector<8x1024xi1>, vector<8x1024xi32>
    %slice3A_3650 = vector.extract_strided_slice %dot_general3A_3237 {offsets = [296, 0], sizes = [8, 1024], strides = [1, 1]} : vector<456x1024xf32> to vector<8x1024xf32>
    %add3A_3651 = vector.broadcast %get3A_30 : vector<1x1024xf32> to vector<8x1024xf32>
    %add3A_3652 = arith.addf %add3A_3651, %slice3A_3650 : vector<8x1024xf32>
    %slice3A_3653 = vector.extract_strided_slice %get3A_3242 {offsets = [296, 0], sizes = [8, 1], strides = [1, 1]} : vector<456x1xf32> to vector<8x1xf32>
    %add3A_3654 = vector.broadcast %slice3A_3653 : vector<8x1xf32> to vector<8x1024xf32>
    %add3A_3655 = arith.addf %add3A_3652, %add3A_3654 : vector<8x1024xf32>
    %lt3A_3656 = arith.cmpf olt, %add3A_3655, %select_n3A_3646 : vector<8x1024xf32>
    %select_n3A_3657 = arith.select %lt3A_3656, %add3A_3655, %select_n3A_3646 : vector<8x1024xi1>, vector<8x1024xf32>
    %jit3A_3658 = arith.constant 322 : i32
    %broadcast_in_dim3A_3659 = vector.broadcast %jit3A_3658 : i32 to vector<8x1024xi32>
    %select_n3A_3660 = arith.select %lt3A_3656, %broadcast_in_dim3A_3659, %select_n3A_3649 : vector<8x1024xi1>, vector<8x1024xi32>
    %slice3A_3661 = vector.extract_strided_slice %dot_general3A_3237 {offsets = [304, 0], sizes = [8, 1024], strides = [1, 1]} : vector<456x1024xf32> to vector<8x1024xf32>
    %add3A_3662 = vector.broadcast %get3A_30 : vector<1x1024xf32> to vector<8x1024xf32>
    %add3A_3663 = arith.addf %add3A_3662, %slice3A_3661 : vector<8x1024xf32>
    %slice3A_3664 = vector.extract_strided_slice %get3A_3242 {offsets = [304, 0], sizes = [8, 1], strides = [1, 1]} : vector<456x1xf32> to vector<8x1xf32>
    %add3A_3665 = vector.broadcast %slice3A_3664 : vector<8x1xf32> to vector<8x1024xf32>
    %add3A_3666 = arith.addf %add3A_3663, %add3A_3665 : vector<8x1024xf32>
    %lt3A_3667 = arith.cmpf olt, %add3A_3666, %select_n3A_3657 : vector<8x1024xf32>
    %select_n3A_3668 = arith.select %lt3A_3667, %add3A_3666, %select_n3A_3657 : vector<8x1024xi1>, vector<8x1024xf32>
    %jit3A_3669 = arith.constant 323 : i32
    %broadcast_in_dim3A_3670 = vector.broadcast %jit3A_3669 : i32 to vector<8x1024xi32>
    %select_n3A_3671 = arith.select %lt3A_3667, %broadcast_in_dim3A_3670, %select_n3A_3660 : vector<8x1024xi1>, vector<8x1024xi32>
    %slice3A_3672 = vector.extract_strided_slice %dot_general3A_3237 {offsets = [312, 0], sizes = [8, 1024], strides = [1, 1]} : vector<456x1024xf32> to vector<8x1024xf32>
    %add3A_3673 = vector.broadcast %get3A_30 : vector<1x1024xf32> to vector<8x1024xf32>
    %add3A_3674 = arith.addf %add3A_3673, %slice3A_3672 : vector<8x1024xf32>
    %slice3A_3675 = vector.extract_strided_slice %get3A_3242 {offsets = [312, 0], sizes = [8, 1], strides = [1, 1]} : vector<456x1xf32> to vector<8x1xf32>
    %add3A_3676 = vector.broadcast %slice3A_3675 : vector<8x1xf32> to vector<8x1024xf32>
    %add3A_3677 = arith.addf %add3A_3674, %add3A_3676 : vector<8x1024xf32>
    %lt3A_3678 = arith.cmpf olt, %add3A_3677, %select_n3A_3668 : vector<8x1024xf32>
    %select_n3A_3679 = arith.select %lt3A_3678, %add3A_3677, %select_n3A_3668 : vector<8x1024xi1>, vector<8x1024xf32>
    %jit3A_3680 = arith.constant 324 : i32
    %broadcast_in_dim3A_3681 = vector.broadcast %jit3A_3680 : i32 to vector<8x1024xi32>
    %select_n3A_3682 = arith.select %lt3A_3678, %broadcast_in_dim3A_3681, %select_n3A_3671 : vector<8x1024xi1>, vector<8x1024xi32>
    %slice3A_3683 = vector.extract_strided_slice %dot_general3A_3237 {offsets = [320, 0], sizes = [8, 1024], strides = [1, 1]} : vector<456x1024xf32> to vector<8x1024xf32>
    %add3A_3684 = vector.broadcast %get3A_30 : vector<1x1024xf32> to vector<8x1024xf32>
    %add3A_3685 = arith.addf %add3A_3684, %slice3A_3683 : vector<8x1024xf32>
    %slice3A_3686 = vector.extract_strided_slice %get3A_3242 {offsets = [320, 0], sizes = [8, 1], strides = [1, 1]} : vector<456x1xf32> to vector<8x1xf32>
    %add3A_3687 = vector.broadcast %slice3A_3686 : vector<8x1xf32> to vector<8x1024xf32>
    %add3A_3688 = arith.addf %add3A_3685, %add3A_3687 : vector<8x1024xf32>
    %lt3A_3689 = arith.cmpf olt, %add3A_3688, %select_n3A_3679 : vector<8x1024xf32>
    %select_n3A_3690 = arith.select %lt3A_3689, %add3A_3688, %select_n3A_3679 : vector<8x1024xi1>, vector<8x1024xf32>
    %jit3A_3691 = arith.constant 325 : i32
    %broadcast_in_dim3A_3692 = vector.broadcast %jit3A_3691 : i32 to vector<8x1024xi32>
    %select_n3A_3693 = arith.select %lt3A_3689, %broadcast_in_dim3A_3692, %select_n3A_3682 : vector<8x1024xi1>, vector<8x1024xi32>
    %slice3A_3694 = vector.extract_strided_slice %dot_general3A_3237 {offsets = [328, 0], sizes = [8, 1024], strides = [1, 1]} : vector<456x1024xf32> to vector<8x1024xf32>
    %add3A_3695 = vector.broadcast %get3A_30 : vector<1x1024xf32> to vector<8x1024xf32>
    %add3A_3696 = arith.addf %add3A_3695, %slice3A_3694 : vector<8x1024xf32>
    %slice3A_3697 = vector.extract_strided_slice %get3A_3242 {offsets = [328, 0], sizes = [8, 1], strides = [1, 1]} : vector<456x1xf32> to vector<8x1xf32>
    %add3A_3698 = vector.broadcast %slice3A_3697 : vector<8x1xf32> to vector<8x1024xf32>
    %add3A_3699 = arith.addf %add3A_3696, %add3A_3698 : vector<8x1024xf32>
    %lt3A_3700 = arith.cmpf olt, %add3A_3699, %select_n3A_3690 : vector<8x1024xf32>
    %select_n3A_3701 = arith.select %lt3A_3700, %add3A_3699, %select_n3A_3690 : vector<8x1024xi1>, vector<8x1024xf32>
    %jit3A_3702 = arith.constant 326 : i32
    %broadcast_in_dim3A_3703 = vector.broadcast %jit3A_3702 : i32 to vector<8x1024xi32>
    %select_n3A_3704 = arith.select %lt3A_3700, %broadcast_in_dim3A_3703, %select_n3A_3693 : vector<8x1024xi1>, vector<8x1024xi32>
    %slice3A_3705 = vector.extract_strided_slice %dot_general3A_3237 {offsets = [336, 0], sizes = [8, 1024], strides = [1, 1]} : vector<456x1024xf32> to vector<8x1024xf32>
    %add3A_3706 = vector.broadcast %get3A_30 : vector<1x1024xf32> to vector<8x1024xf32>
    %add3A_3707 = arith.addf %add3A_3706, %slice3A_3705 : vector<8x1024xf32>
    %slice3A_3708 = vector.extract_strided_slice %get3A_3242 {offsets = [336, 0], sizes = [8, 1], strides = [1, 1]} : vector<456x1xf32> to vector<8x1xf32>
    %add3A_3709 = vector.broadcast %slice3A_3708 : vector<8x1xf32> to vector<8x1024xf32>
    %add3A_3710 = arith.addf %add3A_3707, %add3A_3709 : vector<8x1024xf32>
    %lt3A_3711 = arith.cmpf olt, %add3A_3710, %select_n3A_3701 : vector<8x1024xf32>
    %select_n3A_3712 = arith.select %lt3A_3711, %add3A_3710, %select_n3A_3701 : vector<8x1024xi1>, vector<8x1024xf32>
    %jit3A_3713 = arith.constant 327 : i32
    %broadcast_in_dim3A_3714 = vector.broadcast %jit3A_3713 : i32 to vector<8x1024xi32>
    %select_n3A_3715 = arith.select %lt3A_3711, %broadcast_in_dim3A_3714, %select_n3A_3704 : vector<8x1024xi1>, vector<8x1024xi32>
    %slice3A_3716 = vector.extract_strided_slice %dot_general3A_3237 {offsets = [344, 0], sizes = [8, 1024], strides = [1, 1]} : vector<456x1024xf32> to vector<8x1024xf32>
    %add3A_3717 = vector.broadcast %get3A_30 : vector<1x1024xf32> to vector<8x1024xf32>
    %add3A_3718 = arith.addf %add3A_3717, %slice3A_3716 : vector<8x1024xf32>
    %slice3A_3719 = vector.extract_strided_slice %get3A_3242 {offsets = [344, 0], sizes = [8, 1], strides = [1, 1]} : vector<456x1xf32> to vector<8x1xf32>
    %add3A_3720 = vector.broadcast %slice3A_3719 : vector<8x1xf32> to vector<8x1024xf32>
    %add3A_3721 = arith.addf %add3A_3718, %add3A_3720 : vector<8x1024xf32>
    %lt3A_3722 = arith.cmpf olt, %add3A_3721, %select_n3A_3712 : vector<8x1024xf32>
    %select_n3A_3723 = arith.select %lt3A_3722, %add3A_3721, %select_n3A_3712 : vector<8x1024xi1>, vector<8x1024xf32>
    %jit3A_3724 = arith.constant 328 : i32
    %broadcast_in_dim3A_3725 = vector.broadcast %jit3A_3724 : i32 to vector<8x1024xi32>
    %select_n3A_3726 = arith.select %lt3A_3722, %broadcast_in_dim3A_3725, %select_n3A_3715 : vector<8x1024xi1>, vector<8x1024xi32>
    %slice3A_3727 = vector.extract_strided_slice %dot_general3A_3237 {offsets = [352, 0], sizes = [8, 1024], strides = [1, 1]} : vector<456x1024xf32> to vector<8x1024xf32>
    %add3A_3728 = vector.broadcast %get3A_30 : vector<1x1024xf32> to vector<8x1024xf32>
    %add3A_3729 = arith.addf %add3A_3728, %slice3A_3727 : vector<8x1024xf32>
    %slice3A_3730 = vector.extract_strided_slice %get3A_3242 {offsets = [352, 0], sizes = [8, 1], strides = [1, 1]} : vector<456x1xf32> to vector<8x1xf32>
    %add3A_3731 = vector.broadcast %slice3A_3730 : vector<8x1xf32> to vector<8x1024xf32>
    %add3A_3732 = arith.addf %add3A_3729, %add3A_3731 : vector<8x1024xf32>
    %lt3A_3733 = arith.cmpf olt, %add3A_3732, %select_n3A_3723 : vector<8x1024xf32>
    %select_n3A_3734 = arith.select %lt3A_3733, %add3A_3732, %select_n3A_3723 : vector<8x1024xi1>, vector<8x1024xf32>
    %jit3A_3735 = arith.constant 329 : i32
    %broadcast_in_dim3A_3736 = vector.broadcast %jit3A_3735 : i32 to vector<8x1024xi32>
    %select_n3A_3737 = arith.select %lt3A_3733, %broadcast_in_dim3A_3736, %select_n3A_3726 : vector<8x1024xi1>, vector<8x1024xi32>
    %slice3A_3738 = vector.extract_strided_slice %dot_general3A_3237 {offsets = [360, 0], sizes = [8, 1024], strides = [1, 1]} : vector<456x1024xf32> to vector<8x1024xf32>
    %add3A_3739 = vector.broadcast %get3A_30 : vector<1x1024xf32> to vector<8x1024xf32>
    %add3A_3740 = arith.addf %add3A_3739, %slice3A_3738 : vector<8x1024xf32>
    %slice3A_3741 = vector.extract_strided_slice %get3A_3242 {offsets = [360, 0], sizes = [8, 1], strides = [1, 1]} : vector<456x1xf32> to vector<8x1xf32>
    %add3A_3742 = vector.broadcast %slice3A_3741 : vector<8x1xf32> to vector<8x1024xf32>
    %add3A_3743 = arith.addf %add3A_3740, %add3A_3742 : vector<8x1024xf32>
    %lt3A_3744 = arith.cmpf olt, %add3A_3743, %select_n3A_3734 : vector<8x1024xf32>
    %select_n3A_3745 = arith.select %lt3A_3744, %add3A_3743, %select_n3A_3734 : vector<8x1024xi1>, vector<8x1024xf32>
    %jit3A_3746 = arith.constant 330 : i32
    %broadcast_in_dim3A_3747 = vector.broadcast %jit3A_3746 : i32 to vector<8x1024xi32>
    %select_n3A_3748 = arith.select %lt3A_3744, %broadcast_in_dim3A_3747, %select_n3A_3737 : vector<8x1024xi1>, vector<8x1024xi32>
    %slice3A_3749 = vector.extract_strided_slice %dot_general3A_3237 {offsets = [368, 0], sizes = [8, 1024], strides = [1, 1]} : vector<456x1024xf32> to vector<8x1024xf32>
    %add3A_3750 = vector.broadcast %get3A_30 : vector<1x1024xf32> to vector<8x1024xf32>
    %add3A_3751 = arith.addf %add3A_3750, %slice3A_3749 : vector<8x1024xf32>
    %slice3A_3752 = vector.extract_strided_slice %get3A_3242 {offsets = [368, 0], sizes = [8, 1], strides = [1, 1]} : vector<456x1xf32> to vector<8x1xf32>
    %add3A_3753 = vector.broadcast %slice3A_3752 : vector<8x1xf32> to vector<8x1024xf32>
    %add3A_3754 = arith.addf %add3A_3751, %add3A_3753 : vector<8x1024xf32>
    %lt3A_3755 = arith.cmpf olt, %add3A_3754, %select_n3A_3745 : vector<8x1024xf32>
    %select_n3A_3756 = arith.select %lt3A_3755, %add3A_3754, %select_n3A_3745 : vector<8x1024xi1>, vector<8x1024xf32>
    %jit3A_3757 = arith.constant 331 : i32
    %broadcast_in_dim3A_3758 = vector.broadcast %jit3A_3757 : i32 to vector<8x1024xi32>
    %select_n3A_3759 = arith.select %lt3A_3755, %broadcast_in_dim3A_3758, %select_n3A_3748 : vector<8x1024xi1>, vector<8x1024xi32>
    %slice3A_3760 = vector.extract_strided_slice %dot_general3A_3237 {offsets = [376, 0], sizes = [8, 1024], strides = [1, 1]} : vector<456x1024xf32> to vector<8x1024xf32>
    %add3A_3761 = vector.broadcast %get3A_30 : vector<1x1024xf32> to vector<8x1024xf32>
    %add3A_3762 = arith.addf %add3A_3761, %slice3A_3760 : vector<8x1024xf32>
    %slice3A_3763 = vector.extract_strided_slice %get3A_3242 {offsets = [376, 0], sizes = [8, 1], strides = [1, 1]} : vector<456x1xf32> to vector<8x1xf32>
    %add3A_3764 = vector.broadcast %slice3A_3763 : vector<8x1xf32> to vector<8x1024xf32>
    %add3A_3765 = arith.addf %add3A_3762, %add3A_3764 : vector<8x1024xf32>
    %lt3A_3766 = arith.cmpf olt, %add3A_3765, %select_n3A_3756 : vector<8x1024xf32>
    %select_n3A_3767 = arith.select %lt3A_3766, %add3A_3765, %select_n3A_3756 : vector<8x1024xi1>, vector<8x1024xf32>
    %jit3A_3768 = arith.constant 332 : i32
    %broadcast_in_dim3A_3769 = vector.broadcast %jit3A_3768 : i32 to vector<8x1024xi32>
    %select_n3A_3770 = arith.select %lt3A_3766, %broadcast_in_dim3A_3769, %select_n3A_3759 : vector<8x1024xi1>, vector<8x1024xi32>
    %slice3A_3771 = vector.extract_strided_slice %dot_general3A_3237 {offsets = [384, 0], sizes = [8, 1024], strides = [1, 1]} : vector<456x1024xf32> to vector<8x1024xf32>
    %add3A_3772 = vector.broadcast %get3A_30 : vector<1x1024xf32> to vector<8x1024xf32>
    %add3A_3773 = arith.addf %add3A_3772, %slice3A_3771 : vector<8x1024xf32>
    %slice3A_3774 = vector.extract_strided_slice %get3A_3242 {offsets = [384, 0], sizes = [8, 1], strides = [1, 1]} : vector<456x1xf32> to vector<8x1xf32>
    %add3A_3775 = vector.broadcast %slice3A_3774 : vector<8x1xf32> to vector<8x1024xf32>
    %add3A_3776 = arith.addf %add3A_3773, %add3A_3775 : vector<8x1024xf32>
    %lt3A_3777 = arith.cmpf olt, %add3A_3776, %select_n3A_3767 : vector<8x1024xf32>
    %select_n3A_3778 = arith.select %lt3A_3777, %add3A_3776, %select_n3A_3767 : vector<8x1024xi1>, vector<8x1024xf32>
    %jit3A_3779 = arith.constant 333 : i32
    %broadcast_in_dim3A_3780 = vector.broadcast %jit3A_3779 : i32 to vector<8x1024xi32>
    %select_n3A_3781 = arith.select %lt3A_3777, %broadcast_in_dim3A_3780, %select_n3A_3770 : vector<8x1024xi1>, vector<8x1024xi32>
    %slice3A_3782 = vector.extract_strided_slice %dot_general3A_3237 {offsets = [392, 0], sizes = [8, 1024], strides = [1, 1]} : vector<456x1024xf32> to vector<8x1024xf32>
    %add3A_3783 = vector.broadcast %get3A_30 : vector<1x1024xf32> to vector<8x1024xf32>
    %add3A_3784 = arith.addf %add3A_3783, %slice3A_3782 : vector<8x1024xf32>
    %slice3A_3785 = vector.extract_strided_slice %get3A_3242 {offsets = [392, 0], sizes = [8, 1], strides = [1, 1]} : vector<456x1xf32> to vector<8x1xf32>
    %add3A_3786 = vector.broadcast %slice3A_3785 : vector<8x1xf32> to vector<8x1024xf32>
    %add3A_3787 = arith.addf %add3A_3784, %add3A_3786 : vector<8x1024xf32>
    %lt3A_3788 = arith.cmpf olt, %add3A_3787, %select_n3A_3778 : vector<8x1024xf32>
    %select_n3A_3789 = arith.select %lt3A_3788, %add3A_3787, %select_n3A_3778 : vector<8x1024xi1>, vector<8x1024xf32>
    %jit3A_3790 = arith.constant 334 : i32
    %broadcast_in_dim3A_3791 = vector.broadcast %jit3A_3790 : i32 to vector<8x1024xi32>
    %select_n3A_3792 = arith.select %lt3A_3788, %broadcast_in_dim3A_3791, %select_n3A_3781 : vector<8x1024xi1>, vector<8x1024xi32>
    %slice3A_3793 = vector.extract_strided_slice %dot_general3A_3237 {offsets = [400, 0], sizes = [8, 1024], strides = [1, 1]} : vector<456x1024xf32> to vector<8x1024xf32>
    %add3A_3794 = vector.broadcast %get3A_30 : vector<1x1024xf32> to vector<8x1024xf32>
    %add3A_3795 = arith.addf %add3A_3794, %slice3A_3793 : vector<8x1024xf32>
    %slice3A_3796 = vector.extract_strided_slice %get3A_3242 {offsets = [400, 0], sizes = [8, 1], strides = [1, 1]} : vector<456x1xf32> to vector<8x1xf32>
    %add3A_3797 = vector.broadcast %slice3A_3796 : vector<8x1xf32> to vector<8x1024xf32>
    %add3A_3798 = arith.addf %add3A_3795, %add3A_3797 : vector<8x1024xf32>
    %lt3A_3799 = arith.cmpf olt, %add3A_3798, %select_n3A_3789 : vector<8x1024xf32>
    %select_n3A_3800 = arith.select %lt3A_3799, %add3A_3798, %select_n3A_3789 : vector<8x1024xi1>, vector<8x1024xf32>
    %jit3A_3801 = arith.constant 335 : i32
    %broadcast_in_dim3A_3802 = vector.broadcast %jit3A_3801 : i32 to vector<8x1024xi32>
    %select_n3A_3803 = arith.select %lt3A_3799, %broadcast_in_dim3A_3802, %select_n3A_3792 : vector<8x1024xi1>, vector<8x1024xi32>
    %slice3A_3804 = vector.extract_strided_slice %dot_general3A_3237 {offsets = [408, 0], sizes = [8, 1024], strides = [1, 1]} : vector<456x1024xf32> to vector<8x1024xf32>
    %add3A_3805 = vector.broadcast %get3A_30 : vector<1x1024xf32> to vector<8x1024xf32>
    %add3A_3806 = arith.addf %add3A_3805, %slice3A_3804 : vector<8x1024xf32>
    %slice3A_3807 = vector.extract_strided_slice %get3A_3242 {offsets = [408, 0], sizes = [8, 1], strides = [1, 1]} : vector<456x1xf32> to vector<8x1xf32>
    %add3A_3808 = vector.broadcast %slice3A_3807 : vector<8x1xf32> to vector<8x1024xf32>
    %add3A_3809 = arith.addf %add3A_3806, %add3A_3808 : vector<8x1024xf32>
    %lt3A_3810 = arith.cmpf olt, %add3A_3809, %select_n3A_3800 : vector<8x1024xf32>
    %select_n3A_3811 = arith.select %lt3A_3810, %add3A_3809, %select_n3A_3800 : vector<8x1024xi1>, vector<8x1024xf32>
    %jit3A_3812 = arith.constant 336 : i32
    %broadcast_in_dim3A_3813 = vector.broadcast %jit3A_3812 : i32 to vector<8x1024xi32>
    %select_n3A_3814 = arith.select %lt3A_3810, %broadcast_in_dim3A_3813, %select_n3A_3803 : vector<8x1024xi1>, vector<8x1024xi32>
    %slice3A_3815 = vector.extract_strided_slice %dot_general3A_3237 {offsets = [416, 0], sizes = [8, 1024], strides = [1, 1]} : vector<456x1024xf32> to vector<8x1024xf32>
    %add3A_3816 = vector.broadcast %get3A_30 : vector<1x1024xf32> to vector<8x1024xf32>
    %add3A_3817 = arith.addf %add3A_3816, %slice3A_3815 : vector<8x1024xf32>
    %slice3A_3818 = vector.extract_strided_slice %get3A_3242 {offsets = [416, 0], sizes = [8, 1], strides = [1, 1]} : vector<456x1xf32> to vector<8x1xf32>
    %add3A_3819 = vector.broadcast %slice3A_3818 : vector<8x1xf32> to vector<8x1024xf32>
    %add3A_3820 = arith.addf %add3A_3817, %add3A_3819 : vector<8x1024xf32>
    %lt3A_3821 = arith.cmpf olt, %add3A_3820, %select_n3A_3811 : vector<8x1024xf32>
    %select_n3A_3822 = arith.select %lt3A_3821, %add3A_3820, %select_n3A_3811 : vector<8x1024xi1>, vector<8x1024xf32>
    %jit3A_3823 = arith.constant 337 : i32
    %broadcast_in_dim3A_3824 = vector.broadcast %jit3A_3823 : i32 to vector<8x1024xi32>
    %select_n3A_3825 = arith.select %lt3A_3821, %broadcast_in_dim3A_3824, %select_n3A_3814 : vector<8x1024xi1>, vector<8x1024xi32>
    %slice3A_3826 = vector.extract_strided_slice %dot_general3A_3237 {offsets = [424, 0], sizes = [8, 1024], strides = [1, 1]} : vector<456x1024xf32> to vector<8x1024xf32>
    %add3A_3827 = vector.broadcast %get3A_30 : vector<1x1024xf32> to vector<8x1024xf32>
    %add3A_3828 = arith.addf %add3A_3827, %slice3A_3826 : vector<8x1024xf32>
    %slice3A_3829 = vector.extract_strided_slice %get3A_3242 {offsets = [424, 0], sizes = [8, 1], strides = [1, 1]} : vector<456x1xf32> to vector<8x1xf32>
    %add3A_3830 = vector.broadcast %slice3A_3829 : vector<8x1xf32> to vector<8x1024xf32>
    %add3A_3831 = arith.addf %add3A_3828, %add3A_3830 : vector<8x1024xf32>
    %lt3A_3832 = arith.cmpf olt, %add3A_3831, %select_n3A_3822 : vector<8x1024xf32>
    %select_n3A_3833 = arith.select %lt3A_3832, %add3A_3831, %select_n3A_3822 : vector<8x1024xi1>, vector<8x1024xf32>
    %jit3A_3834 = arith.constant 338 : i32
    %broadcast_in_dim3A_3835 = vector.broadcast %jit3A_3834 : i32 to vector<8x1024xi32>
    %select_n3A_3836 = arith.select %lt3A_3832, %broadcast_in_dim3A_3835, %select_n3A_3825 : vector<8x1024xi1>, vector<8x1024xi32>
    %slice3A_3837 = vector.extract_strided_slice %dot_general3A_3237 {offsets = [432, 0], sizes = [8, 1024], strides = [1, 1]} : vector<456x1024xf32> to vector<8x1024xf32>
    %add3A_3838 = vector.broadcast %get3A_30 : vector<1x1024xf32> to vector<8x1024xf32>
    %add3A_3839 = arith.addf %add3A_3838, %slice3A_3837 : vector<8x1024xf32>
    %slice3A_3840 = vector.extract_strided_slice %get3A_3242 {offsets = [432, 0], sizes = [8, 1], strides = [1, 1]} : vector<456x1xf32> to vector<8x1xf32>
    %add3A_3841 = vector.broadcast %slice3A_3840 : vector<8x1xf32> to vector<8x1024xf32>
    %add3A_3842 = arith.addf %add3A_3839, %add3A_3841 : vector<8x1024xf32>
    %lt3A_3843 = arith.cmpf olt, %add3A_3842, %select_n3A_3833 : vector<8x1024xf32>
    %select_n3A_3844 = arith.select %lt3A_3843, %add3A_3842, %select_n3A_3833 : vector<8x1024xi1>, vector<8x1024xf32>
    %jit3A_3845 = arith.constant 339 : i32
    %broadcast_in_dim3A_3846 = vector.broadcast %jit3A_3845 : i32 to vector<8x1024xi32>
    %select_n3A_3847 = arith.select %lt3A_3843, %broadcast_in_dim3A_3846, %select_n3A_3836 : vector<8x1024xi1>, vector<8x1024xi32>
    %slice3A_3848 = vector.extract_strided_slice %dot_general3A_3237 {offsets = [440, 0], sizes = [8, 1024], strides = [1, 1]} : vector<456x1024xf32> to vector<8x1024xf32>
    %add3A_3849 = vector.broadcast %get3A_30 : vector<1x1024xf32> to vector<8x1024xf32>
    %add3A_3850 = arith.addf %add3A_3849, %slice3A_3848 : vector<8x1024xf32>
    %slice3A_3851 = vector.extract_strided_slice %get3A_3242 {offsets = [440, 0], sizes = [8, 1], strides = [1, 1]} : vector<456x1xf32> to vector<8x1xf32>
    %add3A_3852 = vector.broadcast %slice3A_3851 : vector<8x1xf32> to vector<8x1024xf32>
    %add3A_3853 = arith.addf %add3A_3850, %add3A_3852 : vector<8x1024xf32>
    %lt3A_3854 = arith.cmpf olt, %add3A_3853, %select_n3A_3844 : vector<8x1024xf32>
    %select_n3A_3855 = arith.select %lt3A_3854, %add3A_3853, %select_n3A_3844 : vector<8x1024xi1>, vector<8x1024xf32>
    %jit3A_3856 = arith.constant 340 : i32
    %broadcast_in_dim3A_3857 = vector.broadcast %jit3A_3856 : i32 to vector<8x1024xi32>
    %select_n3A_3858 = arith.select %lt3A_3854, %broadcast_in_dim3A_3857, %select_n3A_3847 : vector<8x1024xi1>, vector<8x1024xi32>
    %slice3A_3859 = vector.extract_strided_slice %dot_general3A_3237 {offsets = [448, 0], sizes = [8, 1024], strides = [1, 1]} : vector<456x1024xf32> to vector<8x1024xf32>
    %add3A_3860 = vector.broadcast %get3A_30 : vector<1x1024xf32> to vector<8x1024xf32>
    %add3A_3861 = arith.addf %add3A_3860, %slice3A_3859 : vector<8x1024xf32>
    %slice3A_3862 = vector.extract_strided_slice %get3A_3242 {offsets = [448, 0], sizes = [8, 1], strides = [1, 1]} : vector<456x1xf32> to vector<8x1xf32>
    %add3A_3863 = vector.broadcast %slice3A_3862 : vector<8x1xf32> to vector<8x1024xf32>
    %add3A_3864 = arith.addf %add3A_3861, %add3A_3863 : vector<8x1024xf32>
    %lt3A_3865 = arith.cmpf olt, %add3A_3864, %select_n3A_3855 : vector<8x1024xf32>
    %select_n3A_3866 = arith.select %lt3A_3865, %add3A_3864, %select_n3A_3855 : vector<8x1024xi1>, vector<8x1024xf32>
    %jit3A_3867 = arith.constant 341 : i32
    %broadcast_in_dim3A_3868 = vector.broadcast %jit3A_3867 : i32 to vector<8x1024xi32>
    %select_n3A_3869 = arith.select %lt3A_3865, %broadcast_in_dim3A_3868, %select_n3A_3858 : vector<8x1024xi1>, vector<8x1024xi32>
    %iota3A = tpu.iota {dimensions = array<i32: 0>} : vector<8x1024xi32>
    %mul3A_3870 = arith.constant 8 : i32
    %mul3A_3871 = vector.broadcast %mul3A_3870 : i32 to vector<8x1024xi32>
    %mul3A_3872 = arith.muli %select_n3A_3869, %mul3A_3871 : vector<8x1024xi32>
    %add3A_3873 = arith.addi %mul3A_3872, %iota3A : vector<8x1024xi32>
    %add3A_3874 = vector.broadcast %sub3A_19 : i32 to vector<8x1024xi32>
    %add3A_3875 = arith.addi %add3A_3873, %add3A_3874 : vector<8x1024xi32>
    %reduce_min3A = arith.constant dense<0x7F800000> : vector<1024xf32>
    %reduce_min3A_3876 = vector.multi_reduction <minimumf>, %select_n3A_3866, %reduce_min3A [0] : vector<8x1024xf32> to vector<1024xf32>
    %broadcast_in_dim3A_3877 = vector.shape_cast %reduce_min3A_3876 : vector<1024xf32> to vector<1x1024xf32>
    %eq3A_3878 = vector.broadcast %broadcast_in_dim3A_3877 : vector<1x1024xf32> to vector<8x1024xf32>
    %eq3A_3879 = arith.cmpf oeq, %select_n3A_3866, %eq3A_3878 : vector<8x1024xf32>
    %jit3A_3880 = arith.constant 1073741824 : i32
    %broadcast_in_dim3A_3881 = vector.broadcast %jit3A_3880 : i32 to vector<8x1024xi32>
    %select_n3A_3882 = arith.select %eq3A_3879, %add3A_3875, %broadcast_in_dim3A_3881 : vector<8x1024xi1>, vector<8x1024xi32>
    %reduce_min3A_3883 = arith.constant dense<2147483647> : vector<1024xi32>
    %reduce_min3A_3884 = vector.multi_reduction <minsi>, %select_n3A_3882, %reduce_min3A_3883 [0] : vector<8x1024xi32> to vector<1024xi32>
    %broadcast_in_dim3A_3885 = vector.shape_cast %reduce_min3A_3884 : vector<1024xi32> to vector<1x1024xi32>
    %eq3A_3886 = arith.constant 0 : i32
    %eq3A_3887 = arith.cmpi eq, %arg1, %eq3A_3886 : i32
    %convert_element_type3A = arith.extui %eq3A_3887 : i1 to i32
    %cond3A = arith.constant 0 : i32
    %cond3A_3888 = arith.cmpi ne, %convert_element_type3A, %cond3A : i32
    scf.if %cond3A_3888 {
      %convert_element_type3A_3898 = arith.truncf %broadcast_in_dim3A_3877 : vector<1x1024xf32> to vector<1x1024xbf16>
      %convert_element_type3A_3899 = arith.extf %convert_element_type3A_3898 : vector<1x1024xbf16> to vector<1x1024xf32>
      %swap3A = arith.constant 0 : index
      %swap3A_3900 = arith.constant 0 : index
      %swap3A_3901 = vector.load %arg7[%swap3A, %swap3A_3900] : memref<1x1024xf32, #tpu.memory_space<vmem>>, vector<1x1024xf32>
      tpu.vector_store %arg7[%swap3A, %swap3A_3900], %convert_element_type3A_3899 {strides = array<i32>} : memref<1x1024xf32, #tpu.memory_space<vmem>>, vector<1x1024xf32>,
      %swap3A_3902 = arith.constant 0 : index
      %swap3A_3903 = arith.constant 0 : index
      %swap3A_3904 = vector.load %arg8[%swap3A_3902, %swap3A_3903] : memref<1x1024xi32, #tpu.memory_space<vmem>>, vector<1x1024xi32>
      tpu.vector_store %arg8[%swap3A_3902, %swap3A_3903], %broadcast_in_dim3A_3885 {strides = array<i32>} : memref<1x1024xi32, #tpu.memory_space<vmem>>, vector<1x1024xi32>,
    } else {
    }
    %gt3A = arith.constant 0 : i32
    %gt3A_3889 = arith.cmpi sgt, %arg1, %gt3A : i32
    %convert_element_type3A_3890 = arith.extui %gt3A_3889 : i1 to i32
    %cond3A_3891 = arith.constant 0 : i32
    %cond3A_3892 = arith.cmpi ne, %convert_element_type3A_3890, %cond3A_3891 : i32
    scf.if %cond3A_3892 {
      %get3A_3898 = arith.constant 0 : index
      %get3A_3899 = arith.constant 0 : index
      %get3A_3900 = vector.load %arg7[%get3A_3898, %get3A_3899] : memref<1x1024xf32, #tpu.memory_space<vmem>>, vector<1x1024xf32>
      %le3A = arith.cmpf ole, %get3A_3900, %broadcast_in_dim3A_3877 : vector<1x1024xf32>
      %select_n3A_3901 = arith.select %le3A, %get3A_3900, %broadcast_in_dim3A_3877 : vector<1x1024xi1>, vector<1x1024xf32>
      %convert_element_type3A_3902 = arith.truncf %select_n3A_3901 : vector<1x1024xf32> to vector<1x1024xbf16>
      %convert_element_type3A_3903 = arith.extf %convert_element_type3A_3902 : vector<1x1024xbf16> to vector<1x1024xf32>
      %swap3A = arith.constant 0 : index
      %swap3A_3904 = arith.constant 0 : index
      %swap3A_3905 = vector.load %arg7[%swap3A, %swap3A_3904] : memref<1x1024xf32, #tpu.memory_space<vmem>>, vector<1x1024xf32>
      tpu.vector_store %arg7[%swap3A, %swap3A_3904], %convert_element_type3A_3903 {strides = array<i32>} : memref<1x1024xf32, #tpu.memory_space<vmem>>, vector<1x1024xf32>,
      %get3A_3906 = arith.constant 0 : index
      %get3A_3907 = arith.constant 0 : index
      %get3A_3908 = vector.load %arg8[%get3A_3906, %get3A_3907] : memref<1x1024xi32, #tpu.memory_space<vmem>>, vector<1x1024xi32>
      %select_n3A_3909 = arith.select %le3A, %get3A_3908, %broadcast_in_dim3A_3885 : vector<1x1024xi1>, vector<1x1024xi32>
      %swap3A_3910 = arith.constant 0 : index
      %swap3A_3911 = arith.constant 0 : index
      %swap3A_3912 = vector.load %arg8[%swap3A_3910, %swap3A_3911] : memref<1x1024xi32, #tpu.memory_space<vmem>>, vector<1x1024xi32>
      tpu.vector_store %arg8[%swap3A_3910, %swap3A_3911], %select_n3A_3909 {strides = array<i32>} : memref<1x1024xi32, #tpu.memory_space<vmem>>, vector<1x1024xi32>,
    } else {
    }
    %eq3A_3893 = arith.constant 2 : i32
    %eq3A_3894 = arith.cmpi eq, %arg1, %eq3A_3893 : i32
    %convert_element_type3A_3895 = arith.extui %eq3A_3894 : i1 to i32
    %cond3A_3896 = arith.constant 0 : i32
    %cond3A_3897 = arith.cmpi ne, %convert_element_type3A_3895, %cond3A_3896 : i32
    scf.if %cond3A_3897 {
      %get3A_3898 = arith.constant 0 : index
      %get3A_3899 = arith.constant 0 : index
      %get3A_3900 = vector.load %arg8[%get3A_3898, %get3A_3899] : memref<1x1024xi32, #tpu.memory_space<vmem>>, vector<1x1024xi32>
      %swap3A = arith.constant 0 : index
      %swap3A_3901 = arith.constant 0 : index
      %swap3A_3902 = vector.load %arg6[%swap3A, %swap3A_3901] : memref<1x1024xi32, #tpu.memory_space<vmem>>, vector<1x1024xi32>
      tpu.vector_store %arg6[%swap3A, %swap3A_3901], %get3A_3900 {strides = array<i32>} : memref<1x1024xi32, #tpu.memory_space<vmem>>, vector<1x1024xi32>,
    } else {
    }
    return
  }
  func.func @transform_0(%arg0: i32, %arg1: i32) -> (i32, i32) {
    %c0_i32 = arith.constant 0 : i32
    %c0_i32_0 = arith.constant 0 : i32
    %c0_i32_1 = arith.constant 0 : i32
    return %c0_i32, %c0_i32_0 : i32, i32
  }
  func.func @transform_1(%arg0: i32, %arg1: i32) -> (i32, i32, i32) {
    %jit3A = arith.constant 1 : i32
    %div3A = arith.divsi %arg0, %jit3A : i32
    %sign3A = arith.constant 0 : i32
    %sign3A_0 = arith.cmpi sgt, %arg0, %sign3A : i32
    %sign3A_1 = arith.extui %sign3A_0 : i1 to i32
    %sign3A_2 = arith.constant 0 : i32
    %sign3A_3 = arith.cmpi slt, %arg0, %sign3A_2 : i32
    %sign3A_4 = arith.extui %sign3A_3 : i1 to i32
    %sign3A_5 = arith.subi %sign3A_1, %sign3A_4 : i32
    %sign3A_6 = arith.constant 0 : i32
    %sign3A_7 = arith.cmpi sgt, %jit3A, %sign3A_6 : i32
    %sign3A_8 = arith.extui %sign3A_7 : i1 to i32
    %sign3A_9 = arith.constant 0 : i32
    %sign3A_10 = arith.cmpi slt, %jit3A, %sign3A_9 : i32
    %sign3A_11 = arith.extui %sign3A_10 : i1 to i32
    %sign3A_12 = arith.subi %sign3A_8, %sign3A_11 : i32
    %ne3A = arith.cmpi ne, %sign3A_5, %sign3A_12 : i32
    %rem3A = arith.remsi %arg0, %jit3A : i32
    %ne3A_13 = arith.constant 0 : i32
    %ne3A_14 = arith.cmpi ne, %rem3A, %ne3A_13 : i32
    %and3A = arith.andi %ne3A, %ne3A_14 : i1
    %sub3A = arith.constant 1 : i32
    %sub3A_15 = arith.subi %div3A, %sub3A : i32
    %select_n3A = arith.select %and3A, %sub3A_15, %div3A : i32
    %jit3A_16 = arith.constant 1 : i32
    %eq3A = arith.constant 0 : i32
    %eq3A_17 = arith.cmpi eq, %jit3A_16, %eq3A : i32
    %jit3A_18 = arith.constant 1 : i32
    %select_n3A_19 = arith.select %eq3A_17, %jit3A_18, %jit3A_16 : i32
    %rem3A_20 = arith.remsi %arg0, %select_n3A_19 : i32
    %ne3A_21 = arith.constant 0 : i32
    %ne3A_22 = arith.cmpi ne, %rem3A_20, %ne3A_21 : i32
    %lt3A = arith.constant 0 : i32
    %lt3A_23 = arith.cmpi slt, %rem3A_20, %lt3A : i32
    %lt3A_24 = arith.constant 0 : i32
    %lt3A_25 = arith.cmpi slt, %select_n3A_19, %lt3A_24 : i32
    %ne3A_26 = arith.xori %lt3A_23, %lt3A_25 : i1
    %and3A_27 = arith.andi %ne3A_26, %ne3A_22 : i1
    %add3A = arith.addi %rem3A_20, %select_n3A_19 : i32
    %select_n3A_28 = arith.select %and3A_27, %add3A, %rem3A_20 : i32
    %c0_i32 = arith.constant 0 : i32
    %c0_i32_29 = arith.constant 0 : i32
    return %select_n3A, %c0_i32, %select_n3A_28 : i32, i32, i32
  }
  func.func @transform_2(%arg0: i32, %arg1: i32) -> (i32, i32) {
    %c0_i32 = arith.constant 0 : i32
    %c0_i32_0 = arith.constant 0 : i32
    return %c0_i32, %arg0 : i32, i32
  }
  func.func @transform_3(%arg0: i32, %arg1: i32) -> (i32, i32) {
    %c0_i32 = arith.constant 0 : i32
    %c0_i32_0 = arith.constant 0 : i32
    %c0_i32_1 = arith.constant 0 : i32
    return %c0_i32, %c0_i32_0 : i32, i32
  }
  func.func @transform_4(%arg0: i32, %arg1: i32) -> (i32, i32) {
    %c0_i32 = arith.constant 0 : i32
    %c0_i32_0 = arith.constant 0 : i32
    return %c0_i32, %arg0 : i32, i32
  }
}

</mosaic_0001>

<sc_bundles>
// kernel: kernel.4.cloned.1.call-start
scs
__scs_entry_jumppad:
0x0: {  	(pc) =	sbr.rel $0x88, $3  }
0x1: {  	(tag) =	ssettag $0x0;
	lr =	simm.s32 $0x1  }
0x2: {  	[smem:$0x3F9F] =	sst lr;
	_ =	strace $0xD0000000  }
0x3: {  	_ = 	snop  }
0x4: {  	_ = 	snop  }
0x5: {  	_ = 	snop  }
0x6: {  	_ = 	snop  }
0x7: {  	_ = 	snop  }
__scs_overlays_trampoline_lowered:
0x8: {  	[smem:$0x3FAE] =	sst s0  }
0x9: {  	[smem:$0x3FAF] =	sst s1  }
0xa: {  	[smem:$0x3FB0] =	sst s2  }
0xb: {  	[smem:$0x3FB1] =	sst s3  }
0xc: {  	[smem:$0x3FB2] =	sst s4  }
0xd: {  	[smem:$0x3FB3] =	sst s5  }
0xe: {  	[smem:$0x3FB4] =	sst s6  }
0xf: {  	[smem:$0x3FB5] =	sst s7  }
0x10: {  	[smem:$0x3FB6] =	sst s8  }
0x11: {  	[smem:$0x3FB7] =	sst s9;
	s0 =	simm.s32 @!p0 $0x0  }
0x12: {  	s1 =	sld [smem:$0x3F9D];
	s0 =	simm.s32 @p0 $0x1  }
0x13: {  	[smem:$0x3FB8] =	sst s0;
	s0 =	simm.s32 @!p1 $0x0  }
0x14: {  	s2 =	sld [smem:$0x3F9C];
	s0 =	simm.s32 @p1 $0x1  }
0x15: {  	[smem:$0x3FB9] =	sst s0;
	s0 =	simm.s32 @!p2 $0x0  }
0x16: {  	s3 =	sld [smem:$0x3FDB];
	s0 =	simm.s32 @p2 $0x1  }
0x17: {  	s4 =	simm.s32 $0x1BF5;
	[smem:$0x3FBB] =	sst s0  }
0x18: {  	s0 =	sld [smem:$0x3F9E];
	_ =	swait.ge [sflag:s4], $0x0  }
0x19: {  	s7 =	sld [smem:$0x3F9F]  }
0x1a: {  	s8 =	sadd.s32 $0xFFFFE003, lr  }
0x1b: {  	s9 =	sadd.s32 $0xFFFFFEF7, lr;
	s5 =	simm.s32 $0xFFFFFFFF;
	p2 =	slt.u32 s8, $0xFFFFF086  }
0x1c: {  	p1 =	slt.u32 s9, $0xF7A;
	s5 =	simm.s32 @!p2 $0x0  }
0x1d: {  	s5 =	simm.s32 @p1 $0x1;
	p0 =	seq.s32 s7, s2  }
0x1e: {  	s7 =	smul.u32 @!p0 $0xF7A, s2;
	p2 =	seq.s32 @!p0 s5, $0x0  }
0x1f: {  	s9 =	smul.u32 $0xF7A, s1;
	s8 =	simm.s32 @!p0 $0x1BF5;
	p2 =	por !p2, p0  }
0x20: {  	[sflag:s8] =	ssyncset.s32 @!p0 $0xFFFFF086;
	s6 =	sadd.s32 @!p0 s3, s7;
	s7 =	simm.s32 @!p0 $0x108  }
0x21: {  	s3 =	sadd.s32 s3, s9;
	s6 =	sadd.s32 @!p0 $0x88, s6;
	s7 =	simm.s32 @p2 $0x1082  }
0x22: {  	[simem:s7], [sflag:s8] =	dma.local @!p0 [hbm:s6], $0xF7A  }
0x23: {  	s9 =	sor.u32 $0xD0000000, s2;
	s6 =	simm.s32 $0x108;
	_ =	swait.ge @!p0 [sflag:s8], $0x0  }
0x24: {  	s3 =	sadd.s32 $0x88, s3;
	s6 =	simm.s32 @!p1 $0x1082;
	[sflag:s4] =	ssyncset.s32 $0xFFFFF086  }
0x25: {  	[simem:s6], [sflag:s4] =	dma.local [hbm:s3], $0xF7A  }
0x26: {  	[smem:$0x3F9F] =	sst s1;
	(tag) =	ssettag s2;
	_ =	strace s9  }
0x27: {  	s1 =	sld [smem:$0x3FAF]  }
0x28: {  	s2 =	sld [smem:$0x3FB0]  }
0x29: {  	s4 =	sld [smem:$0x3FB2]  }
0x2a: {  	p0 =	seq.s32 s5, $0x0;
	s5 =	sld [smem:$0x3FB3]  }
0x2b: {  	s6 =	sld [smem:$0x3FB4]  }
0x2c: {  	s7 =	sld [smem:$0x3FB5]  }
0x2d: {  	s3 =	simm.s32 $0x108;
	s8 =	sld [smem:$0x3FB6]  }
0x2e: {  	s3 =	simm.s32 @!p0 $0x1082;
	s9 =	sld [smem:$0x3FB7]  }
0x2f: {  	lr =	sadd.s32 s0, s3;
	s0 =	sld [smem:$0x3FAE]  }
0x30: {  	s3 =	sld [smem:$0x3FB1]  }
0x31: {  	[smem:$0x3FBA] =	sst s10  }
0x32: {  	s10 =	sld [smem:$0x3FB8];
	_ =	sdelay $0x3  }
0x33: {  	p0 =	seq.s32 s10, $0x1;
	s10 =	sld [smem:$0x3FBA];
	_ =	sdelay $0x3  }
0x34: {  	[smem:$0x3FBA] =	sst s10  }
0x35: {  	s10 =	sld [smem:$0x3FB9];
	_ =	sdelay $0x3  }
0x36: {  	p1 =	seq.s32 s10, $0x1;
	s10 =	sld [smem:$0x3FBA];
	_ =	sdelay $0x3  }
0x37: {  	[smem:$0x3FBA] =	sst s10  }
0x38: {  	s10 =	sld [smem:$0x3FBB]  }
0x39: {  	_ = 	snop;
	(pc) =	sbr.ind lr, $3  }
0x3a: {  	_ = 	snop  }
0x3b: {  	_ = 	snop  }
0x3c: {  	p2 =	seq.s32 s10, $0x1;
	s10 =	sld [smem:$0x3FBA]  }
0x3d: {  	_ =	shalt  }
0x3e: {  	_ =	shalt  }
0x3f: {  	_ =	shalt  }
0x40: {  	_ =	shalt  }
0x41: {  	_ =	shalt  }
0x42: {  	_ =	shalt  }
0x43: {  	_ =	shalt  }
0x44: {  	_ =	shalt  }
0x45: {  	_ =	shalt  }
0x46: {  	_ =	shalt  }
0x47: {  	_ =	shalt  }
0x48: {  	_ =	shalt  }
0x49: {  	_ =	shalt  }
0x4a: {  	_ =	shalt  }
0x4b: {  	_ =	shalt  }
0x4c: {  	_ =	shalt  }
0x4d: {  	_ =	shalt  }
0x4e: {  	_ =	shalt  }
0x4f: {  	_ =	shalt  }
0x50: {  	_ =	shalt  }
0x51: {  	_ =	shalt  }
0x52: {  	_ =	shalt  }
0x53: {  	_ =	shalt  }
0x54: {  	_ =	shalt  }
0x55: {  	_ =	shalt  }
0x56: {  	_ =	shalt  }
0x57: {  	_ =	shalt  }
0x58: {  	_ =	shalt  }
0x59: {  	_ =	shalt  }
0x5a: {  	_ =	shalt  }
0x5b: {  	_ =	shalt  }
0x5c: {  	_ =	shalt  }
0x5d: {  	_ =	shalt  }
0x5e: {  	_ =	shalt  }
0x5f: {  	_ =	shalt  }
0x60: {  	_ =	shalt  }
0x61: {  	_ =	shalt  }
0x62: {  	_ =	shalt  }
0x63: {  	_ =	shalt  }
0x64: {  	_ =	shalt  }
0x65: {  	_ =	shalt  }
0x66: {  	_ =	shalt  }
0x67: {  	_ =	shalt  }
0x68: {  	_ =	shalt  }
0x69: {  	_ =	shalt  }
0x6a: {  	_ =	shalt  }
0x6b: {  	_ =	shalt  }
0x6c: {  	_ =	shalt  }
0x6d: {  	_ =	shalt  }
0x6e: {  	_ =	shalt  }
0x6f: {  	_ =	shalt  }
0x70: {  	_ =	shalt  }
0x71: {  	_ =	shalt  }
0x72: {  	_ =	shalt  }
0x73: {  	_ =	shalt  }
0x74: {  	_ =	shalt  }
0x75: {  	_ =	shalt  }
0x76: {  	_ =	shalt  }
0x77: {  	_ =	shalt  }
0x78: {  	_ =	shalt  }
0x79: {  	_ =	shalt  }
0x7a: {  	_ =	shalt  }
0x7b: {  	_ =	shalt  }
0x7c: {  	_ =	shalt  }
0x7d: {  	_ =	shalt  }
0x7e: {  	_ =	shalt  }
0x7f: {  	_ =	shalt  }
0x80: {  	_ =	shalt  }
0x81: {  	_ =	shalt  }
0x82: {  	_ =	shalt  }
0x83: {  	_ =	shalt  }
0x84: {  	_ =	shalt  }
0x85: {  	_ =	shalt  }
0x86: {  	_ =	shalt  }
0x87: {  	_ =	shalt  }
.Lfunc_end0:
.L_simem_size_0:
called_computation_lowered:
.L_overlay_start_0:
0x88: {  	s2 =	sld [smem:$0x3FD9]  }
0x89: {  	s3 =	sld [smem:$0x3FFE];
	_ =	sdelay $0x1  }
0x8a: {  	s1 =	srdreg.scid  }
0x8b: {  	s0 =	sand.u32 $0x1, s1  }
0x8c: {  	s14 =	sshll.u32 s0, $0xA;
	s2 =	sadd.s32 s3, s2  }
0x8d: {  	s2 =	sadd.s32 s2, s14  }
0x8e: {  	[smem:$0x3FC6] =	sst s2  }
0x8f: {  	_ = 	snop  }
0x90: {  	s2 =	sld [smem:$0x3FD0];
	_ =	sdelay $0x2  }
0x91: {  	s4 =	simm.s32 $0xA;
	s5 =	simm.s32 $0x10;
	s15 =	sld [smem:$0x3FC8]  }
0x92: {  	[smem:s5], [sflag:s4] =	dma.local [hbm:s2], $0x1  }
0x93: {  	_ =	swait.eq [sflag:s4], $0x1  }
0x94: {  	[sflag:s4] =	ssyncset.done $0x0  }
0x95: {  	[sflag:s4] =	ssyncadd.s32 $0xFFFFFFFF  }
0x96: {  	s16 =	sld [smem:$0x10];
	(tm) =	ssettm $0x1  }
0x97: {  	s17 =	sld [smem:$0x3FFB];
	_ =	sdelay $0x3  }
0x98: {  	_ =	strace s17  }
0x99: {  	s4 =	sld [smem:$0x3FFC];
	_ =	sdelay $0x3  }
0x9a: {  	_ =	strace s4  }
0x9b: {  	s4 =	sld [smem:$0x3FFD];
	_ =	sdelay $0x3  }
0x9c: {  	_ =	strace s4  }
0x9d: {  	_ =	strace $0x8FFFFFFF  }
0x9e: {  	s18 =	sld [smem:$0x3FDB];
	_ =	sdelay $0x1  }
0x9f: {  	s19 =	simm.s32 $_scs_section_size  }
0xa0: {  	s6 =	simm.s32 $_size__tile_overlayer_lowered;
	s7 =	simm.s32 $_tile_overlayer_lowered  }
0xa1: {  	s22 =	simm.s32 $0x1BFF;
	s21 =	sshll.u32 s7, $0x1;
	s4 =	sadd.s32 s19, s18  }
0xa2: {  	s8 =	simm.s32 $0x0;
	s20 =	sshll.u32 s6, $0x1;
	s6 =	sadd.s32 s21, s4  }
0xa3: {  	[timem:s8], [sflag:s22] =	dma.local [hbm:s6], s20  }
0xa4: {  	_ =	swait.ge [sflag:s22], s20  }
0xa5: {  	s5 =	ssub.s32 $0x0, s20;
	[sflag:s22] =	ssyncset.done $0x0  }
0xa6: {  	[sflag:s22] =	ssyncadd.s32 s5;
	_ =	sdelay $0x1  }
0xa7: {  	s23 =	simm.s32 $0x1B8B  }
0xa8: {  	_ =	swait.ge [sflag:s23], $0x1  }
0xa9: {  	[sflag:s23] =	ssyncset.done $0x0  }
0xaa: {  	s25 =	simm.s32 $0x1B8E;
	s24 =	sld [smem:$0x3FFE];
	[sflag:s23] =	ssyncadd.s32 $0xFFFFFFFF  }
0xab: {  	s26 =	simm.s32 $execute0_lowered;
	[smem:$0x3FD2] =	sst s25  }
0xac: {  	s6 =	sshll.u32 s26, $0x1;
	_ =	strace $0x80000046;
	[dreg:$0x1] =	wrdreg $0xFFFFFFFF  }
0xad: {  	s28 =	simm.s32 $_size_execute0_lowered;
	s4 =	sadd.s32 s4, s6;
	[dreg:$0x0] =	wrdreg $0x0  }
0xae: {  	s6 =	sshll.u32 s28, $0x1;
	[dreg:$0x2] =	wrdreg s4  }
0xaf: {  	[dreg:$0x3] =	wrdreg s6  }
0xb0: {  	[dreg:$0x4] =	wrdreg $0xC0  }
0xb1: {  	_ =	task [dreg:s8], $0x5FFFF  }
0xb2: {  	[dreg:$0x1] =	wrdreg $0xFFFFFFFF  }
0xb3: {  	[dreg:$0x0] =	wrdreg $0x60  }
0xb4: {  	[dreg:$0x2] =	wrdreg s15  }
0xb5: {  	[dreg:$0x3] =	wrdreg s16  }
0xb6: {  	[dreg:$0x4] =	wrdreg s24  }
0xb7: {  	[dreg:$0x5] =	wrdreg $0x9  }
0xb8: {  	_ =	task.clear_ibuf [dreg:s8], $0x6FFFF;
	_ =	strace $0x90000046  }
0xb9: {  	s29 =	simm.s32 $0x9;
	_ =	strace $0x80000048  }
0xba: {  	_ =	swait.ge [sflag:s29], $0x1  }
0xbb: {  	[sflag:s29] =	ssyncadd.s32 $0xFFFFFFFF  }
0xbc: {  	_ =	strace $0x90000048  }
0xbd: {  	_ =	sfence  }
0xbe: {  	s30 =	sld [smem:$0x0];
	_ =	sdelay $0x2  }
0xbf: {  	s31 =	sshll.u32 s1, $0xD;
	s1 =	sshrl.u32 s1, $0x2  }
0xc0: {  	s3 =	sand.u32 $0x4000, s31;
	s1 =	sadd.s32 s1, s30  }
0xc1: {  	s0 =	sor.u32 s3, s0;
	s1 =	sshll.u32 s1, $0x11  }
0xc2: {  	s0 =	sor.u32 s1, s0  }
0xc3: {  	s0 =	sadd.s32 $0x8F2B, s0  }
0xc4: {  	[sflag:s0] =	ssyncadd.remote.s32 $0x1  }
0xc5: {  	_ =	sfence.sel $0xFFFF  }
0xc6: {  	[dreg:$0x0] =	wrdreg $0xFFFFFFFF;
	(pc) =	sbr.abs _section_cstart, $3  }
0xc7: {  	[dreg:$0x1] =	wrdreg $0xFFFFFFFF  }
0xc8: {  	_ =	task.clear_ibuf [dreg:s8], $0x2FFFF;
	_ =	strace $0x9FFFFFFF  }
0xc9: {  	(tm) =	ssettm $0x7FFFFFFF  }
tec
execute0_lowered:
.L_overlay_start_1:
0x0: {  	(tag) =	ssettag $0x1  }
0x1: {  	s1 =	rddreg [dreg:$0x0];
	s0 =	srdreg.scid  }
0x2: {  	s2 =	rddreg [dreg:$0x1];
	s3 =	stileid.u32  }
0x3: {  	s4 =	rddreg [dreg:$0x2];
	s14 =	simm.s32 $0x3;
	s15 =	simm.s32 $0x2  }
0x4: {  	s28 =	simm.s32 $0x4900;
	s29 =	simm.s32 $0x5100;
	s30 =	simm.s32 $0x5900  }
0x5: {  	s31 =	simm.s32 $0x6100;
	s9 =	simm.s32 $0x8900;
	s10 =	simm.s32 $0x9100  }
0x6: {  	s11 =	simm.s32 $0x9900;
	s12 =	simm.s32 $0xA100;
	s0 =	sand.u32 $0x1, s0  }
0x7: {  	s5 =	sshll.u32 s3, $0xA;
	s3 =	simm.s32 $0x0;
	s6 =	sshll.u32 s0, $0x9  }
0x8: {  	[smem:$0x7FF] =	sst s3;
	s0 =	ssub.s32 $0x2, s0;
	s5 =	sor.u32 s6, s5  }
0x9: {  	_ =	strace $0x80000047;
	s25 =	sshrl.u32 s0, $0x1;
	s6 =	sshrl.u32 s5, $0x3  }
0xa: {  	s7 =	sor.u32 $0x80, s5;
	s17 =	sshll.u32 s5, $0x5;
	s19 =	sor.u32 $0x100, s5  }
0xb: {  	s5 =	sor.u32 $0x180, s5;
	s0 =	ssub.s32 s0, s25;
	s25 =	simm.s32 $0x3900  }
0xc: {  	s6 =	sadd.s32 s2, s6;
	s8 =	sshrl.u32 s7, $0x3;
	s18 =	sadd.s32 s4, s17  }
0xd: {  	s20 =	sshrl.u32 s19, $0x3;
	s7 =	sshll.u32 s7, $0x5;
	s22 =	sshrl.u32 s5, $0x3  }
0xe: {  	s23 =	sshll.u32 s19, $0x5;
	s5 =	sshll.u32 s5, $0x5;
	[dreg:$0x4] =	wrdreg s6  }
0xf: {  	s19 =	simm.s32 $0x1100;
	s16 =	sadd.s32 s2, s8;
	[dreg:$0x6] =	wrdreg s18  }
0x10: {  	s6 =	sadd.s32 s2, s20;
	s21 =	sadd.s32 s4, s7;
	s2 =	sadd.s32 s2, s22  }
0x11: {  	s24 =	sadd.s32 s4, s23;
	s26 =	sadd.s32 s4, s5;
	[dreg:$0x5] =	wrdreg s16  }
0x12: {  	s4 =	smax.u32 s0, $0x1;
	s5 =	simm.s32 $0x5;
	[dreg:$0x7] =	wrdreg s6  }
0x13: {  	s8 =	simm.s32 $0x1;
	s18 =	simm.s32 $0x900;
	[dreg:$0x8] =	wrdreg s21  }
0x14: {  	s20 =	simm.s32 $0x1900;
	s22 =	simm.s32 $0x2900;
	[dreg:$0x9] =	wrdreg s2  }
0x15: {  	v2 =	vlaneseq.u32;
	s7 =	simm.s32 $0x7900;
	s23 =	simm.s32 $0xA900;
	[dreg:$0xa] =	wrdreg s24  }
0x16: {  	vm0 =	vmmov $0xffff;
	v1 =	vshrl.u32 v2, $0x3;
	[dreg:$0xb] =	wrdreg s26;
	s16 =	simm.s32 $0x4;
	s21 =	simm.s32 $0x2100  }
0x17: {  	v0 =	vand.u32 $0x7, v2;
	v2 =	vor.u32 $0x8, v2;
	v1 =	vmul.u32 $0x8, v1;
	s24 =	simm.s32 $0x3100;
	s26 =	simm.s32 $0x4100;
	s6 =	simm.s32 $0x7100  }
.LBB2_1:
0x18: {  	s17 =	rddreg [dreg:$0x4]  }
0x19: {  	[tilespmem:s3], [sflag:$0x5] =	stream.linear.gather [hbm4b:s17+s3], $0x80, $0x38;
	[tilespmem:$0x10100] =	vst v63  }
0x1a: {  	_ =	swait.ge [sflag:s5], $0x80  }
0x1b: {  	[sflag:s5] =	ssyncset.done $0x0  }
0x1c: {  	[sflag:s5] =	ssyncadd.s32 $0xFFFFFF80  }
0x1d: {  	v3 =	vld [tilespmem:$0x0];
	_ =	sdelay $0x4  }
0x1e: {  	v4 =	vshll.u32 v3, $0x1  }
0x1f: {  	v3 =	vand.u32 $0x7, v3;
	v4 =	vand.u32 $0xFFFFFFF0, v4  }
0x20: {  	v3 =	vor.u32 v3, v4  }
0x21: {  	v4 =	vperm.xlane v3, v0;
	_ =	sdelay $0x1  }
0x22: {  	v3 =	vperm.xlane v3, v2;
	v4 =	vadd.s32 v1, v4;
	_ =	sdelay $0x1  }
0x23: {  	v3 =	vadd.s32 v1, v3;
	_ =	sdelay $0x1  }
0x24: {  	s0 =	simm.s32 $0x100  }
0x25: {  	[tilespmem:s0], [sflag:$0x1] =	stream.indirect_vreg.gather [hbm4b:s1+s3], $0x80, v4, vm0, $0xb8;
	[tilespmem:$0x10100] =	vst v63  }
0x26: {  	_ = 	snop  }
0x27: {  	[tilespmem:s18], [sflag:$0x1] =	stream.indirect_vreg.gather [hbm4b:s1+s3], $0x80, v3, vm0, $0xb8;
	[tilespmem:$0x10100] =	vst v63  }
0x28: {  	v3 =	vld [tilespmem:$0x10];
	_ =	sdelay $0x4  }
0x29: {  	v33 =	vshll.u32 v3, $0x1  }
0x2a: {  	v3 =	vand.u32 $0x7, v3;
	v4 =	vand.u32 $0xFFFFFFF0, v33  }
0x2b: {  	v3 =	vor.u32 v3, v4  }
0x2c: {  	v4 =	vperm.xlane v3, v0;
	_ =	sdelay $0x1  }
0x2d: {  	v3 =	vperm.xlane v3, v2;
	v4 =	vadd.s32 v1, v4;
	_ =	sdelay $0x1  }
0x2e: {  	v3 =	vadd.s32 v1, v3;
	_ =	sdelay $0x2  }
0x2f: {  	[tilespmem:s19], [sflag:$0x1] =	stream.indirect_vreg.gather [hbm4b:s1+s3], $0x80, v4, vm0, $0xb8;
	[tilespmem:$0x10100] =	vst v63  }
0x30: {  	_ = 	snop  }
0x31: {  	[tilespmem:s20], [sflag:$0x1] =	stream.indirect_vreg.gather [hbm4b:s1+s3], $0x80, v3, vm0, $0xb8;
	[tilespmem:$0x10100] =	vst v63  }
0x32: {  	v3 =	vld [tilespmem:$0x20];
	_ =	sdelay $0x4  }
0x33: {  	v34 =	vshll.u32 v3, $0x1  }
0x34: {  	v3 =	vand.u32 $0x7, v3;
	v4 =	vand.u32 $0xFFFFFFF0, v34  }
0x35: {  	v3 =	vor.u32 v3, v4  }
0x36: {  	v4 =	vperm.xlane v3, v0;
	_ =	sdelay $0x1  }
0x37: {  	v3 =	vperm.xlane v3, v2;
	v4 =	vadd.s32 v1, v4;
	_ =	sdelay $0x1  }
0x38: {  	v3 =	vadd.s32 v1, v3;
	_ =	sdelay $0x2  }
0x39: {  	[tilespmem:s21], [sflag:$0x1] =	stream.indirect_vreg.gather [hbm4b:s1+s3], $0x80, v4, vm0, $0xb8;
	[tilespmem:$0x10100] =	vst v63  }
0x3a: {  	_ = 	snop  }
0x3b: {  	[tilespmem:s22], [sflag:$0x1] =	stream.indirect_vreg.gather [hbm4b:s1+s3], $0x80, v3, vm0, $0xb8;
	[tilespmem:$0x10100] =	vst v63  }
0x3c: {  	v3 =	vld [tilespmem:$0x30];
	_ =	sdelay $0x4  }
0x3d: {  	v35 =	vshll.u32 v3, $0x1  }
0x3e: {  	v3 =	vand.u32 $0x7, v3;
	v4 =	vand.u32 $0xFFFFFFF0, v35  }
0x3f: {  	v3 =	vor.u32 v3, v4  }
0x40: {  	v4 =	vperm.xlane v3, v0;
	_ =	sdelay $0x1  }
0x41: {  	v3 =	vperm.xlane v3, v2;
	v4 =	vadd.s32 v1, v4;
	_ =	sdelay $0x1  }
0x42: {  	v3 =	vadd.s32 v1, v3;
	_ =	sdelay $0x2  }
0x43: {  	[tilespmem:s24], [sflag:$0x1] =	stream.indirect_vreg.gather [hbm4b:s1+s3], $0x80, v4, vm0, $0xb8;
	[tilespmem:$0x10100] =	vst v63  }
0x44: {  	_ = 	snop  }
0x45: {  	[tilespmem:s25], [sflag:$0x1] =	stream.indirect_vreg.gather [hbm4b:s1+s3], $0x80, v3, vm0, $0xb8;
	[tilespmem:$0x10100] =	vst v63  }
0x46: {  	v3 =	vld [tilespmem:$0x40];
	_ =	sdelay $0x4  }
0x47: {  	v36 =	vshll.u32 v3, $0x1  }
0x48: {  	v3 =	vand.u32 $0x7, v3;
	v4 =	vand.u32 $0xFFFFFFF0, v36  }
0x49: {  	v3 =	vor.u32 v3, v4  }
0x4a: {  	v4 =	vperm.xlane v3, v0;
	_ =	sdelay $0x1  }
0x4b: {  	v3 =	vperm.xlane v3, v2;
	v4 =	vadd.s32 v1, v4;
	_ =	sdelay $0x1  }
0x4c: {  	v3 =	vadd.s32 v1, v3;
	_ =	sdelay $0x2  }
0x4d: {  	[tilespmem:s26], [sflag:$0x1] =	stream.indirect_vreg.gather [hbm4b:s1+s3], $0x80, v4, vm0, $0xb8;
	[tilespmem:$0x10100] =	vst v63  }
0x4e: {  	_ = 	snop  }
0x4f: {  	[tilespmem:s28], [sflag:$0x1] =	stream.indirect_vreg.gather [hbm4b:s1+s3], $0x80, v3, vm0, $0xb8;
	[tilespmem:$0x10100] =	vst v63  }
0x50: {  	v3 =	vld [tilespmem:$0x50];
	_ =	sdelay $0x4  }
0x51: {  	v37 =	vshll.u32 v3, $0x1  }
0x52: {  	v3 =	vand.u32 $0x7, v3;
	v4 =	vand.u32 $0xFFFFFFF0, v37  }
0x53: {  	v3 =	vor.u32 v3, v4  }
0x54: {  	v4 =	vperm.xlane v3, v0;
	_ =	sdelay $0x1  }
0x55: {  	v3 =	vperm.xlane v3, v2;
	v4 =	vadd.s32 v1, v4;
	_ =	sdelay $0x1  }
0x56: {  	v3 =	vadd.s32 v1, v3;
	_ =	sdelay $0x2  }
0x57: {  	[tilespmem:s29], [sflag:$0x1] =	stream.indirect_vreg.gather [hbm4b:s1+s3], $0x80, v4, vm0, $0xb8;
	[tilespmem:$0x10100] =	vst v63  }
0x58: {  	_ = 	snop  }
0x59: {  	[tilespmem:s30], [sflag:$0x1] =	stream.indirect_vreg.gather [hbm4b:s1+s3], $0x80, v3, vm0, $0xb8;
	[tilespmem:$0x10100] =	vst v63  }
0x5a: {  	v3 =	vld [tilespmem:$0x60];
	_ =	sdelay $0x4  }
0x5b: {  	v38 =	vshll.u32 v3, $0x1  }
0x5c: {  	v3 =	vand.u32 $0x7, v3;
	v4 =	vand.u32 $0xFFFFFFF0, v38  }
0x5d: {  	v3 =	vor.u32 v3, v4  }
0x5e: {  	v4 =	vperm.xlane v3, v0;
	_ =	sdelay $0x1  }
0x5f: {  	v3 =	vperm.xlane v3, v2;
	v4 =	vadd.s32 v1, v4;
	_ =	sdelay $0x1  }
0x60: {  	v3 =	vadd.s32 v1, v3;
	_ =	sdelay $0x2  }
0x61: {  	[tilespmem:s31], [sflag:$0x1] =	stream.indirect_vreg.gather [hbm4b:s1+s3], $0x80, v4, vm0, $0xb8;
	[tilespmem:$0x10100] =	vst v63  }
0x62: {  	s2 =	simm.s32 $0x6900  }
0x63: {  	[tilespmem:s2], [sflag:$0x1] =	stream.indirect_vreg.gather [hbm4b:s1+s3], $0x80, v3, vm0, $0xb8;
	[tilespmem:$0x10100] =	vst v63  }
0x64: {  	v3 =	vld [tilespmem:$0x70];
	_ =	sdelay $0x4  }
0x65: {  	v39 =	vshll.u32 v3, $0x1  }
0x66: {  	v3 =	vand.u32 $0x7, v3;
	v4 =	vand.u32 $0xFFFFFFF0, v39  }
0x67: {  	v3 =	vor.u32 v3, v4  }
0x68: {  	v4 =	vperm.xlane v3, v0;
	_ =	sdelay $0x1  }
0x69: {  	v3 =	vperm.xlane v3, v2;
	v4 =	vadd.s32 v1, v4;
	_ =	sdelay $0x1  }
0x6a: {  	v3 =	vadd.s32 v1, v3;
	_ =	sdelay $0x2  }
0x6b: {  	[tilespmem:s6], [sflag:$0x1] =	stream.indirect_vreg.gather [hbm4b:s1+s3], $0x80, v4, vm0, $0xb8;
	[tilespmem:$0x10100] =	vst v63  }
0x6c: {  	_ = 	snop  }
0x6d: {  	[tilespmem:s7], [sflag:$0x1] =	stream.indirect_vreg.gather [hbm4b:s1+s3], $0x80, v3, vm0, $0xb8;
	[tilespmem:$0x10100] =	vst v63  }
0x6e: {  	s13 =	simm.s32 $0x80;
	s0 =	rddreg [dreg:$0x5]  }
0x6f: {  	[tilespmem:s13], [sflag:$0x5] =	stream.linear.gather [hbm4b:s0+s3], $0x80, $0x38;
	[tilespmem:$0x10100] =	vst v63  }
0x70: {  	_ =	swait.ge [sflag:s5], $0x80  }
0x71: {  	[sflag:s5] =	ssyncset.done $0x0  }
0x72: {  	[sflag:s5] =	ssyncadd.s32 $0xFFFFFF80  }
0x73: {  	v3 =	vld [tilespmem:$0x80];
	_ =	sdelay $0x4  }
0x74: {  	v40 =	vshll.u32 v3, $0x1  }
0x75: {  	v3 =	vand.u32 $0x7, v3;
	v4 =	vand.u32 $0xFFFFFFF0, v40  }
0x76: {  	v3 =	vor.u32 v3, v4  }
0x77: {  	v4 =	vperm.xlane v3, v0;
	_ =	sdelay $0x1  }
0x78: {  	v3 =	vperm.xlane v3, v2;
	v4 =	vadd.s32 v1, v4;
	_ =	sdelay $0x1  }
0x79: {  	v3 =	vadd.s32 v1, v3;
	_ =	sdelay $0x1  }
0x7a: {  	s0 =	simm.s32 $0x8100  }
0x7b: {  	[tilespmem:s0], [sflag:$0x2] =	stream.indirect_vreg.gather [hbm4b:s1+s3], $0x80, v4, vm0, $0xb8;
	[tilespmem:$0x10100] =	vst v63  }
0x7c: {  	_ = 	snop  }
0x7d: {  	[tilespmem:s9], [sflag:$0x2] =	stream.indirect_vreg.gather [hbm4b:s1+s3], $0x80, v3, vm0, $0xb8;
	[tilespmem:$0x10100] =	vst v63  }
0x7e: {  	v3 =	vld [tilespmem:$0x90];
	_ =	sdelay $0x4  }
0x7f: {  	v41 =	vshll.u32 v3, $0x1  }
0x80: {  	v3 =	vand.u32 $0x7, v3;
	v4 =	vand.u32 $0xFFFFFFF0, v41  }
0x81: {  	v3 =	vor.u32 v3, v4  }
0x82: {  	v4 =	vperm.xlane v3, v0;
	_ =	sdelay $0x1  }
0x83: {  	v3 =	vperm.xlane v3, v2;
	v4 =	vadd.s32 v1, v4;
	_ =	sdelay $0x1  }
0x84: {  	v3 =	vadd.s32 v1, v3;
	_ =	sdelay $0x2  }
0x85: {  	[tilespmem:s10], [sflag:$0x2] =	stream.indirect_vreg.gather [hbm4b:s1+s3], $0x80, v4, vm0, $0xb8;
	[tilespmem:$0x10100] =	vst v63  }
0x86: {  	_ = 	snop  }
0x87: {  	[tilespmem:s11], [sflag:$0x2] =	stream.indirect_vreg.gather [hbm4b:s1+s3], $0x80, v3, vm0, $0xb8;
	[tilespmem:$0x10100] =	vst v63  }
0x88: {  	v3 =	vld [tilespmem:$0xA0];
	_ =	sdelay $0x4  }
0x89: {  	v42 =	vshll.u32 v3, $0x1  }
0x8a: {  	v3 =	vand.u32 $0x7, v3;
	v4 =	vand.u32 $0xFFFFFFF0, v42  }
0x8b: {  	v3 =	vor.u32 v3, v4  }
0x8c: {  	v4 =	vperm.xlane v3, v0;
	_ =	sdelay $0x1  }
0x8d: {  	v3 =	vperm.xlane v3, v2;
	v4 =	vadd.s32 v1, v4;
	_ =	sdelay $0x1  }
0x8e: {  	v3 =	vadd.s32 v1, v3;
	_ =	sdelay $0x2  }
0x8f: {  	[tilespmem:s12], [sflag:$0x2] =	stream.indirect_vreg.gather [hbm4b:s1+s3], $0x80, v4, vm0, $0xb8;
	[tilespmem:$0x10100] =	vst v63  }
0x90: {  	_ = 	snop  }
0x91: {  	[tilespmem:s23], [sflag:$0x2] =	stream.indirect_vreg.gather [hbm4b:s1+s3], $0x80, v3, vm0, $0xb8;
	[tilespmem:$0x10100] =	vst v63  }
0x92: {  	v3 =	vld [tilespmem:$0xB0];
	_ =	sdelay $0x4  }
0x93: {  	v43 =	vshll.u32 v3, $0x1  }
0x94: {  	v3 =	vand.u32 $0x7, v3;
	v4 =	vand.u32 $0xFFFFFFF0, v43  }
0x95: {  	v3 =	vor.u32 v3, v4  }
0x96: {  	v4 =	vperm.xlane v3, v0;
	_ =	sdelay $0x1  }
0x97: {  	v3 =	vperm.xlane v3, v2;
	v4 =	vadd.s32 v1, v4;
	_ =	sdelay $0x1  }
0x98: {  	v3 =	vadd.s32 v1, v3;
	_ =	sdelay $0x1  }
0x99: {  	s13 =	simm.s32 $0xB100  }
0x9a: {  	[tilespmem:s13], [sflag:$0x2] =	stream.indirect_vreg.gather [hbm4b:s1+s3], $0x80, v4, vm0, $0xb8;
	[tilespmem:$0x10100] =	vst v63  }
0x9b: {  	s17 =	simm.s32 $0xB900  }
0x9c: {  	[tilespmem:s17], [sflag:$0x2] =	stream.indirect_vreg.gather [hbm4b:s1+s3], $0x80, v3, vm0, $0xb8;
	[tilespmem:$0x10100] =	vst v63  }
0x9d: {  	v3 =	vld [tilespmem:$0xC0];
	_ =	sdelay $0x4  }
0x9e: {  	v44 =	vshll.u32 v3, $0x1  }
0x9f: {  	v3 =	vand.u32 $0x7, v3;
	v4 =	vand.u32 $0xFFFFFFF0, v44  }
0xa0: {  	v3 =	vor.u32 v3, v4  }
0xa1: {  	v4 =	vperm.xlane v3, v0;
	_ =	sdelay $0x1  }
0xa2: {  	v3 =	vperm.xlane v3, v2;
	v4 =	vadd.s32 v1, v4;
	_ =	sdelay $0x1  }
0xa3: {  	v3 =	vadd.s32 v1, v3;
	_ =	sdelay $0x1  }
0xa4: {  	s17 =	simm.s32 $0xC100  }
0xa5: {  	[tilespmem:s17], [sflag:$0x2] =	stream.indirect_vreg.gather [hbm4b:s1+s3], $0x80, v4, vm0, $0xb8;
	[tilespmem:$0x10100] =	vst v63  }
0xa6: {  	s17 =	simm.s32 $0xC900  }
0xa7: {  	[tilespmem:s17], [sflag:$0x2] =	stream.indirect_vreg.gather [hbm4b:s1+s3], $0x80, v3, vm0, $0xb8;
	[tilespmem:$0x10100] =	vst v63  }
0xa8: {  	v3 =	vld [tilespmem:$0xD0];
	_ =	sdelay $0x4  }
0xa9: {  	v45 =	vshll.u32 v3, $0x1  }
0xaa: {  	v3 =	vand.u32 $0x7, v3;
	v4 =	vand.u32 $0xFFFFFFF0, v45  }
0xab: {  	v3 =	vor.u32 v3, v4  }
0xac: {  	v4 =	vperm.xlane v3, v0;
	_ =	sdelay $0x1  }
0xad: {  	v3 =	vperm.xlane v3, v2;
	v4 =	vadd.s32 v1, v4;
	_ =	sdelay $0x1  }
0xae: {  	v3 =	vadd.s32 v1, v3;
	_ =	sdelay $0x1  }
0xaf: {  	s17 =	simm.s32 $0xD100  }
0xb0: {  	[tilespmem:s17], [sflag:$0x2] =	stream.indirect_vreg.gather [hbm4b:s1+s3], $0x80, v4, vm0, $0xb8;
	[tilespmem:$0x10100] =	vst v63  }
0xb1: {  	s17 =	simm.s32 $0xD900  }
0xb2: {  	[tilespmem:s17], [sflag:$0x2] =	stream.indirect_vreg.gather [hbm4b:s1+s3], $0x80, v3, vm0, $0xb8;
	[tilespmem:$0x10100] =	vst v63  }
0xb3: {  	v3 =	vld [tilespmem:$0xE0];
	_ =	sdelay $0x4  }
0xb4: {  	v46 =	vshll.u32 v3, $0x1  }
0xb5: {  	v3 =	vand.u32 $0x7, v3;
	v4 =	vand.u32 $0xFFFFFFF0, v46  }
0xb6: {  	v3 =	vor.u32 v3, v4  }
0xb7: {  	v4 =	vperm.xlane v3, v0;
	_ =	sdelay $0x1  }
0xb8: {  	v3 =	vperm.xlane v3, v2;
	v4 =	vadd.s32 v1, v4;
	_ =	sdelay $0x1  }
0xb9: {  	v3 =	vadd.s32 v1, v3;
	_ =	sdelay $0x1  }
0xba: {  	s17 =	simm.s32 $0xE100  }
0xbb: {  	[tilespmem:s17], [sflag:$0x2] =	stream.indirect_vreg.gather [hbm4b:s1+s3], $0x80, v4, vm0, $0xb8;
	[tilespmem:$0x10100] =	vst v63  }
0xbc: {  	s17 =	simm.s32 $0xE900  }
0xbd: {  	[tilespmem:s17], [sflag:$0x2] =	stream.indirect_vreg.gather [hbm4b:s1+s3], $0x80, v3, vm0, $0xb8;
	[tilespmem:$0x10100] =	vst v63  }
0xbe: {  	v3 =	vld [tilespmem:$0xF0];
	_ =	sdelay $0x4  }
0xbf: {  	v47 =	vshll.u32 v3, $0x1  }
0xc0: {  	v3 =	vand.u32 $0x7, v3;
	v4 =	vand.u32 $0xFFFFFFF0, v47  }
0xc1: {  	v3 =	vor.u32 v3, v4  }
0xc2: {  	v4 =	vperm.xlane v3, v0;
	_ =	sdelay $0x1  }
0xc3: {  	v3 =	vperm.xlane v3, v2;
	v4 =	vadd.s32 v1, v4;
	_ =	sdelay $0x1  }
0xc4: {  	v3 =	vadd.s32 v1, v3;
	_ =	sdelay $0x1  }
0xc5: {  	s17 =	simm.s32 $0xF100  }
0xc6: {  	[tilespmem:s17], [sflag:$0x2] =	stream.indirect_vreg.gather [hbm4b:s1+s3], $0x80, v4, vm0, $0xb8;
	[tilespmem:$0x10100] =	vst v63  }
0xc7: {  	s17 =	simm.s32 $0xF900  }
0xc8: {  	[tilespmem:s17], [sflag:$0x2] =	stream.indirect_vreg.gather [hbm4b:s1+s3], $0x80, v3, vm0, $0xb8;
	[tilespmem:$0x10100] =	vst v63  }
0xc9: {  	_ =	swait.ge [sflag:s8], $0x8000  }
0xca: {  	[sflag:s8] =	ssyncset.done $0x0  }
0xcb: {  	s13 =	simm.s32 $0x100;
	s17 =	rddreg [dreg:$0x6];
	[sflag:s8] =	ssyncadd.s32 $0xFFFF8000  }
0xcc: {  	[hbm4b:s17+s3] =	stream.linear.scatter [tilespmem:s13], [sflag:$0x3], $0x8000, $0x38;
	[tilespmem:$0x10100] =	vst v63  }
0xcd: {  	_ =	swait.ge [sflag:s14], $0x8000  }
0xce: {  	[sflag:s14] =	ssyncset.done $0x0  }
0xcf: {  	s17 =	rddreg [dreg:$0x7];
	[sflag:s14] =	ssyncadd.s32 $0xFFFF8000  }
0xd0: {  	[tilespmem:s3], [sflag:$0x5] =	stream.linear.gather [hbm4b:s17+s3], $0x80, $0x38;
	[tilespmem:$0x10100] =	vst v63  }
0xd1: {  	_ =	swait.ge [sflag:s5], $0x80  }
0xd2: {  	[sflag:s5] =	ssyncset.done $0x0  }
0xd3: {  	[sflag:s5] =	ssyncadd.s32 $0xFFFFFF80  }
0xd4: {  	v3 =	vld [tilespmem:$0x0];
	_ =	sdelay $0x4  }
0xd5: {  	v48 =	vshll.u32 v3, $0x1  }
0xd6: {  	v3 =	vand.u32 $0x7, v3;
	v4 =	vand.u32 $0xFFFFFFF0, v48  }
0xd7: {  	v3 =	vor.u32 v3, v4  }
0xd8: {  	v4 =	vperm.xlane v3, v0;
	_ =	sdelay $0x1  }
0xd9: {  	v3 =	vperm.xlane v3, v2;
	v4 =	vadd.s32 v1, v4;
	_ =	sdelay $0x1  }
0xda: {  	v3 =	vadd.s32 v1, v3;
	_ =	sdelay $0x2  }
0xdb: {  	[tilespmem:s13], [sflag:$0x1] =	stream.indirect_vreg.gather [hbm4b:s1+s3], $0x80, v4, vm0, $0xb8;
	[tilespmem:$0x10100] =	vst v63  }
0xdc: {  	_ = 	snop  }
0xdd: {  	[tilespmem:s18], [sflag:$0x1] =	stream.indirect_vreg.gather [hbm4b:s1+s3], $0x80, v3, vm0, $0xb8;
	[tilespmem:$0x10100] =	vst v63  }
0xde: {  	v3 =	vld [tilespmem:$0x10];
	_ =	sdelay $0x4  }
0xdf: {  	v49 =	vshll.u32 v3, $0x1  }
0xe0: {  	v3 =	vand.u32 $0x7, v3;
	v4 =	vand.u32 $0xFFFFFFF0, v49  }
0xe1: {  	v3 =	vor.u32 v3, v4  }
0xe2: {  	v4 =	vperm.xlane v3, v0;
	_ =	sdelay $0x1  }
0xe3: {  	v3 =	vperm.xlane v3, v2;
	v4 =	vadd.s32 v1, v4;
	_ =	sdelay $0x1  }
0xe4: {  	v3 =	vadd.s32 v1, v3;
	_ =	sdelay $0x2  }
0xe5: {  	[tilespmem:s19], [sflag:$0x1] =	stream.indirect_vreg.gather [hbm4b:s1+s3], $0x80, v4, vm0, $0xb8;
	[tilespmem:$0x10100] =	vst v63  }
0xe6: {  	_ = 	snop  }
0xe7: {  	[tilespmem:s20], [sflag:$0x1] =	stream.indirect_vreg.gather [hbm4b:s1+s3], $0x80, v3, vm0, $0xb8;
	[tilespmem:$0x10100] =	vst v63  }
0xe8: {  	v3 =	vld [tilespmem:$0x20];
	_ =	sdelay $0x4  }
0xe9: {  	v50 =	vshll.u32 v3, $0x1  }
0xea: {  	v3 =	vand.u32 $0x7, v3;
	v4 =	vand.u32 $0xFFFFFFF0, v50  }
0xeb: {  	v3 =	vor.u32 v3, v4  }
0xec: {  	v4 =	vperm.xlane v3, v0;
	_ =	sdelay $0x1  }
0xed: {  	v3 =	vperm.xlane v3, v2;
	v4 =	vadd.s32 v1, v4;
	_ =	sdelay $0x1  }
0xee: {  	v3 =	vadd.s32 v1, v3;
	_ =	sdelay $0x2  }
0xef: {  	[tilespmem:s21], [sflag:$0x1] =	stream.indirect_vreg.gather [hbm4b:s1+s3], $0x80, v4, vm0, $0xb8;
	[tilespmem:$0x10100] =	vst v63  }
0xf0: {  	_ = 	snop  }
0xf1: {  	[tilespmem:s22], [sflag:$0x1] =	stream.indirect_vreg.gather [hbm4b:s1+s3], $0x80, v3, vm0, $0xb8;
	[tilespmem:$0x10100] =	vst v63  }
0xf2: {  	v3 =	vld [tilespmem:$0x30];
	_ =	sdelay $0x4  }
0xf3: {  	v51 =	vshll.u32 v3, $0x1  }
0xf4: {  	v3 =	vand.u32 $0x7, v3;
	v4 =	vand.u32 $0xFFFFFFF0, v51  }
0xf5: {  	v3 =	vor.u32 v3, v4  }
0xf6: {  	v4 =	vperm.xlane v3, v0;
	_ =	sdelay $0x1  }
0xf7: {  	v3 =	vperm.xlane v3, v2;
	v4 =	vadd.s32 v1, v4;
	_ =	sdelay $0x1  }
0xf8: {  	v3 =	vadd.s32 v1, v3;
	_ =	sdelay $0x2  }
0xf9: {  	[tilespmem:s24], [sflag:$0x1] =	stream.indirect_vreg.gather [hbm4b:s1+s3], $0x80, v4, vm0, $0xb8;
	[tilespmem:$0x10100] =	vst v63  }
0xfa: {  	_ = 	snop  }
0xfb: {  	[tilespmem:s25], [sflag:$0x1] =	stream.indirect_vreg.gather [hbm4b:s1+s3], $0x80, v3, vm0, $0xb8;
	[tilespmem:$0x10100] =	vst v63  }
0xfc: {  	v3 =	vld [tilespmem:$0x40];
	_ =	sdelay $0x4  }
0xfd: {  	v52 =	vshll.u32 v3, $0x1  }
0xfe: {  	v3 =	vand.u32 $0x7, v3;
	v4 =	vand.u32 $0xFFFFFFF0, v52  }
0xff: {  	v3 =	vor.u32 v3, v4  }
0x100: {  	v4 =	vperm.xlane v3, v0;
	_ =	sdelay $0x1  }
0x101: {  	v3 =	vperm.xlane v3, v2;
	v4 =	vadd.s32 v1, v4;
	_ =	sdelay $0x1  }
0x102: {  	v3 =	vadd.s32 v1, v3;
	_ =	sdelay $0x2  }
0x103: {  	[tilespmem:s26], [sflag:$0x1] =	stream.indirect_vreg.gather [hbm4b:s1+s3], $0x80, v4, vm0, $0xb8;
	[tilespmem:$0x10100] =	vst v63  }
0x104: {  	_ = 	snop  }
0x105: {  	[tilespmem:s28], [sflag:$0x1] =	stream.indirect_vreg.gather [hbm4b:s1+s3], $0x80, v3, vm0, $0xb8;
	[tilespmem:$0x10100] =	vst v63  }
0x106: {  	v3 =	vld [tilespmem:$0x50];
	_ =	sdelay $0x4  }
0x107: {  	v53 =	vshll.u32 v3, $0x1  }
0x108: {  	v3 =	vand.u32 $0x7, v3;
	v4 =	vand.u32 $0xFFFFFFF0, v53  }
0x109: {  	v3 =	vor.u32 v3, v4  }
0x10a: {  	v4 =	vperm.xlane v3, v0;
	_ =	sdelay $0x1  }
0x10b: {  	v3 =	vperm.xlane v3, v2;
	v4 =	vadd.s32 v1, v4;
	_ =	sdelay $0x1  }
0x10c: {  	v3 =	vadd.s32 v1, v3;
	_ =	sdelay $0x2  }
0x10d: {  	[tilespmem:s29], [sflag:$0x1] =	stream.indirect_vreg.gather [hbm4b:s1+s3], $0x80, v4, vm0, $0xb8;
	[tilespmem:$0x10100] =	vst v63  }
0x10e: {  	_ = 	snop  }
0x10f: {  	[tilespmem:s30], [sflag:$0x1] =	stream.indirect_vreg.gather [hbm4b:s1+s3], $0x80, v3, vm0, $0xb8;
	[tilespmem:$0x10100] =	vst v63  }
0x110: {  	v3 =	vld [tilespmem:$0x60];
	_ =	sdelay $0x4  }
0x111: {  	v54 =	vshll.u32 v3, $0x1  }
0x112: {  	v3 =	vand.u32 $0x7, v3;
	v4 =	vand.u32 $0xFFFFFFF0, v54  }
0x113: {  	v3 =	vor.u32 v3, v4  }
0x114: {  	v4 =	vperm.xlane v3, v0;
	_ =	sdelay $0x1  }
0x115: {  	v3 =	vperm.xlane v3, v2;
	v4 =	vadd.s32 v1, v4;
	_ =	sdelay $0x1  }
0x116: {  	v3 =	vadd.s32 v1, v3;
	_ =	sdelay $0x2  }
0x117: {  	[tilespmem:s31], [sflag:$0x1] =	stream.indirect_vreg.gather [hbm4b:s1+s3], $0x80, v4, vm0, $0xb8;
	[tilespmem:$0x10100] =	vst v63  }
0x118: {  	_ = 	snop  }
0x119: {  	[tilespmem:s2], [sflag:$0x1] =	stream.indirect_vreg.gather [hbm4b:s1+s3], $0x80, v3, vm0, $0xb8;
	[tilespmem:$0x10100] =	vst v63  }
0x11a: {  	v3 =	vld [tilespmem:$0x70];
	_ =	sdelay $0x4  }
0x11b: {  	v55 =	vshll.u32 v3, $0x1  }
0x11c: {  	v3 =	vand.u32 $0x7, v3;
	v4 =	vand.u32 $0xFFFFFFF0, v55  }
0x11d: {  	v3 =	vor.u32 v3, v4  }
0x11e: {  	v4 =	vperm.xlane v3, v0;
	_ =	sdelay $0x1  }
0x11f: {  	v3 =	vperm.xlane v3, v2;
	v4 =	vadd.s32 v1, v4;
	_ =	sdelay $0x1  }
0x120: {  	v3 =	vadd.s32 v1, v3;
	_ =	sdelay $0x2  }
0x121: {  	[tilespmem:s6], [sflag:$0x1] =	stream.indirect_vreg.gather [hbm4b:s1+s3], $0x80, v4, vm0, $0xb8;
	[tilespmem:$0x10100] =	vst v63  }
0x122: {  	_ = 	snop  }
0x123: {  	[tilespmem:s7], [sflag:$0x1] =	stream.indirect_vreg.gather [hbm4b:s1+s3], $0x80, v3, vm0, $0xb8;
	[tilespmem:$0x10100] =	vst v63  }
0x124: {  	_ =	swait.ge [sflag:s15], $0x8000  }
0x125: {  	[sflag:s15] =	ssyncset.done $0x0  }
0x126: {  	s2 =	rddreg [dreg:$0x8];
	[sflag:s15] =	ssyncadd.s32 $0xFFFF8000  }
0x127: {  	[hbm4b:s2+s3] =	stream.linear.scatter [tilespmem:s0], [sflag:$0x4], $0x8000, $0x38;
	[tilespmem:$0x10100] =	vst v63  }
0x128: {  	_ =	swait.ge [sflag:s16], $0x8000  }
0x129: {  	[sflag:s16] =	ssyncset.done $0x0  }
0x12a: {  	s2 =	simm.s32 $0x80;
	s17 =	rddreg [dreg:$0x9];
	[sflag:s16] =	ssyncadd.s32 $0xFFFF8000  }
0x12b: {  	[tilespmem:s2], [sflag:$0x5] =	stream.linear.gather [hbm4b:s17+s3], $0x80, $0x38;
	[tilespmem:$0x10100] =	vst v63  }
0x12c: {  	_ =	swait.ge [sflag:s5], $0x80  }
0x12d: {  	[sflag:s5] =	ssyncset.done $0x0  }
0x12e: {  	[sflag:s5] =	ssyncadd.s32 $0xFFFFFF80  }
0x12f: {  	v3 =	vld [tilespmem:$0x80];
	_ =	sdelay $0x4  }
0x130: {  	v56 =	vshll.u32 v3, $0x1  }
0x131: {  	v3 =	vand.u32 $0x7, v3;
	v4 =	vand.u32 $0xFFFFFFF0, v56  }
0x132: {  	v3 =	vor.u32 v3, v4  }
0x133: {  	v4 =	vperm.xlane v3, v0;
	_ =	sdelay $0x1  }
0x134: {  	v3 =	vperm.xlane v3, v2;
	v4 =	vadd.s32 v1, v4;
	_ =	sdelay $0x1  }
0x135: {  	v3 =	vadd.s32 v1, v3;
	_ =	sdelay $0x2  }
0x136: {  	[tilespmem:s0], [sflag:$0x2] =	stream.indirect_vreg.gather [hbm4b:s1+s3], $0x80, v4, vm0, $0xb8;
	[tilespmem:$0x10100] =	vst v63  }
0x137: {  	_ = 	snop  }
0x138: {  	[tilespmem:s9], [sflag:$0x2] =	stream.indirect_vreg.gather [hbm4b:s1+s3], $0x80, v3, vm0, $0xb8;
	[tilespmem:$0x10100] =	vst v63  }
0x139: {  	v3 =	vld [tilespmem:$0x90];
	_ =	sdelay $0x4  }
0x13a: {  	v57 =	vshll.u32 v3, $0x1  }
0x13b: {  	v3 =	vand.u32 $0x7, v3;
	v4 =	vand.u32 $0xFFFFFFF0, v57  }
0x13c: {  	v3 =	vor.u32 v3, v4  }
0x13d: {  	v4 =	vperm.xlane v3, v0;
	_ =	sdelay $0x1  }
0x13e: {  	v3 =	vperm.xlane v3, v2;
	v4 =	vadd.s32 v1, v4;
	_ =	sdelay $0x1  }
0x13f: {  	v3 =	vadd.s32 v1, v3;
	_ =	sdelay $0x2  }
0x140: {  	[tilespmem:s10], [sflag:$0x2] =	stream.indirect_vreg.gather [hbm4b:s1+s3], $0x80, v4, vm0, $0xb8;
	[tilespmem:$0x10100] =	vst v63  }
0x141: {  	_ = 	snop  }
0x142: {  	[tilespmem:s11], [sflag:$0x2] =	stream.indirect_vreg.gather [hbm4b:s1+s3], $0x80, v3, vm0, $0xb8;
	[tilespmem:$0x10100] =	vst v63  }
0x143: {  	v3 =	vld [tilespmem:$0xA0];
	_ =	sdelay $0x4  }
0x144: {  	v58 =	vshll.u32 v3, $0x1  }
0x145: {  	v3 =	vand.u32 $0x7, v3;
	v4 =	vand.u32 $0xFFFFFFF0, v58  }
0x146: {  	v3 =	vor.u32 v3, v4  }
0x147: {  	v4 =	vperm.xlane v3, v0;
	_ =	sdelay $0x1  }
0x148: {  	v3 =	vperm.xlane v3, v2;
	v4 =	vadd.s32 v1, v4;
	_ =	sdelay $0x1  }
0x149: {  	v3 =	vadd.s32 v1, v3;
	_ =	sdelay $0x2  }
0x14a: {  	[tilespmem:s12], [sflag:$0x2] =	stream.indirect_vreg.gather [hbm4b:s1+s3], $0x80, v4, vm0, $0xb8;
	[tilespmem:$0x10100] =	vst v63  }
0x14b: {  	_ = 	snop  }
0x14c: {  	[tilespmem:s23], [sflag:$0x2] =	stream.indirect_vreg.gather [hbm4b:s1+s3], $0x80, v3, vm0, $0xb8;
	[tilespmem:$0x10100] =	vst v63  }
0x14d: {  	v3 =	vld [tilespmem:$0xB0];
	_ =	sdelay $0x4  }
0x14e: {  	v59 =	vshll.u32 v3, $0x1  }
0x14f: {  	v3 =	vand.u32 $0x7, v3;
	v4 =	vand.u32 $0xFFFFFFF0, v59  }
0x150: {  	v3 =	vor.u32 v3, v4  }
0x151: {  	v4 =	vperm.xlane v3, v0;
	_ =	sdelay $0x1  }
0x152: {  	v3 =	vperm.xlane v3, v2;
	v4 =	vadd.s32 v1, v4;
	_ =	sdelay $0x1  }
0x153: {  	v3 =	vadd.s32 v1, v3;
	_ =	sdelay $0x1  }
0x154: {  	s17 =	simm.s32 $0xB100  }
0x155: {  	[tilespmem:s17], [sflag:$0x2] =	stream.indirect_vreg.gather [hbm4b:s1+s3], $0x80, v4, vm0, $0xb8;
	[tilespmem:$0x10100] =	vst v63  }
0x156: {  	s17 =	simm.s32 $0xB900  }
0x157: {  	[tilespmem:s17], [sflag:$0x2] =	stream.indirect_vreg.gather [hbm4b:s1+s3], $0x80, v3, vm0, $0xb8;
	[tilespmem:$0x10100] =	vst v63  }
0x158: {  	v3 =	vld [tilespmem:$0xC0];
	_ =	sdelay $0x4  }
0x159: {  	v60 =	vshll.u32 v3, $0x1  }
0x15a: {  	v3 =	vand.u32 $0x7, v3;
	v4 =	vand.u32 $0xFFFFFFF0, v60  }
0x15b: {  	v3 =	vor.u32 v3, v4  }
0x15c: {  	v4 =	vperm.xlane v3, v0;
	_ =	sdelay $0x1  }
0x15d: {  	v3 =	vperm.xlane v3, v2;
	v4 =	vadd.s32 v1, v4;
	_ =	sdelay $0x1  }
0x15e: {  	v3 =	vadd.s32 v1, v3;
	_ =	sdelay $0x1  }
0x15f: {  	s17 =	simm.s32 $0xC100  }
0x160: {  	[tilespmem:s17], [sflag:$0x2] =	stream.indirect_vreg.gather [hbm4b:s1+s3], $0x80, v4, vm0, $0xb8;
	[tilespmem:$0x10100] =	vst v63  }
0x161: {  	s17 =	simm.s32 $0xC900  }
0x162: {  	[tilespmem:s17], [sflag:$0x2] =	stream.indirect_vreg.gather [hbm4b:s1+s3], $0x80, v3, vm0, $0xb8;
	[tilespmem:$0x10100] =	vst v63  }
0x163: {  	v3 =	vld [tilespmem:$0xD0];
	_ =	sdelay $0x4  }
0x164: {  	v61 =	vshll.u32 v3, $0x1  }
0x165: {  	v3 =	vand.u32 $0x7, v3;
	v4 =	vand.u32 $0xFFFFFFF0, v61  }
0x166: {  	v3 =	vor.u32 v3, v4  }
0x167: {  	v4 =	vperm.xlane v3, v0;
	_ =	sdelay $0x1  }
0x168: {  	v3 =	vperm.xlane v3, v2;
	v4 =	vadd.s32 v1, v4;
	_ =	sdelay $0x1  }
0x169: {  	v3 =	vadd.s32 v1, v3;
	_ =	sdelay $0x1  }
0x16a: {  	s17 =	simm.s32 $0xD100  }
0x16b: {  	[tilespmem:s17], [sflag:$0x2] =	stream.indirect_vreg.gather [hbm4b:s1+s3], $0x80, v4, vm0, $0xb8;
	[tilespmem:$0x10100] =	vst v63  }
0x16c: {  	s17 =	simm.s32 $0xD900  }
0x16d: {  	[tilespmem:s17], [sflag:$0x2] =	stream.indirect_vreg.gather [hbm4b:s1+s3], $0x80, v3, vm0, $0xb8;
	[tilespmem:$0x10100] =	vst v63  }
0x16e: {  	v3 =	vld [tilespmem:$0xE0];
	_ =	sdelay $0x4  }
0x16f: {  	v62 =	vshll.u32 v3, $0x1  }
0x170: {  	v3 =	vand.u32 $0x7, v3;
	v4 =	vand.u32 $0xFFFFFFF0, v62  }
0x171: {  	v3 =	vor.u32 v3, v4  }
0x172: {  	v4 =	vperm.xlane v3, v0;
	_ =	sdelay $0x1  }
0x173: {  	v3 =	vperm.xlane v3, v2;
	v4 =	vadd.s32 v1, v4;
	_ =	sdelay $0x1  }
0x174: {  	v3 =	vadd.s32 v1, v3;
	_ =	sdelay $0x1  }
0x175: {  	s17 =	simm.s32 $0xE100  }
0x176: {  	[tilespmem:s17], [sflag:$0x2] =	stream.indirect_vreg.gather [hbm4b:s1+s3], $0x80, v4, vm0, $0xb8;
	[tilespmem:$0x10100] =	vst v63  }
0x177: {  	s17 =	simm.s32 $0xE900  }
0x178: {  	[tilespmem:s17], [sflag:$0x2] =	stream.indirect_vreg.gather [hbm4b:s1+s3], $0x80, v3, vm0, $0xb8;
	[tilespmem:$0x10100] =	vst v63  }
0x179: {  	v3 =	vld [tilespmem:$0xF0];
	_ =	sdelay $0x4  }
0x17a: {  	v63 =	vshll.u32 v3, $0x1  }
0x17b: {  	v3 =	vand.u32 $0x7, v3;
	v4 =	vand.u32 $0xFFFFFFF0, v63  }
0x17c: {  	v3 =	vor.u32 v3, v4  }
0x17d: {  	v4 =	vperm.xlane v3, v0;
	_ =	sdelay $0x1  }
0x17e: {  	v3 =	vperm.xlane v3, v2;
	v4 =	vadd.s32 v1, v4;
	_ =	sdelay $0x1  }
0x17f: {  	v3 =	vadd.s32 v1, v3;
	_ =	sdelay $0x1  }
0x180: {  	s17 =	simm.s32 $0xF100  }
0x181: {  	[tilespmem:s17], [sflag:$0x2] =	stream.indirect_vreg.gather [hbm4b:s1+s3], $0x80, v4, vm0, $0xb8;
	[tilespmem:$0x10100] =	vst v63  }
0x182: {  	s17 =	simm.s32 $0xF900  }
0x183: {  	[tilespmem:s17], [sflag:$0x2] =	stream.indirect_vreg.gather [hbm4b:s1+s3], $0x80, v3, vm0, $0xb8;
	[tilespmem:$0x10100] =	vst v63  }
0x184: {  	_ =	swait.ge [sflag:s8], $0x8000  }
0x185: {  	[sflag:s8] =	ssyncset.done $0x0  }
0x186: {  	s13 =	simm.s32 $0x100;
	s2 =	rddreg [dreg:$0xa];
	[sflag:s8] =	ssyncadd.s32 $0xFFFF8000  }
0x187: {  	[hbm4b:s2+s3] =	stream.linear.scatter [tilespmem:s13], [sflag:$0x3], $0x8000, $0x38;
	[tilespmem:$0x10100] =	vst v63  }
0x188: {  	_ =	swait.ge [sflag:s15], $0x8000  }
0x189: {  	[sflag:s15] =	ssyncset.done $0x0  }
0x18a: {  	s13 =	rddreg [dreg:$0xb];
	[sflag:s15] =	ssyncadd.s32 $0xFFFF8000  }
0x18b: {  	[hbm4b:s13+s3] =	stream.linear.scatter [tilespmem:s0], [sflag:$0x4], $0x8000, $0x38;
	[tilespmem:$0x10100] =	vst v63  }
0x18c: {  	p0 =	sne.s32 s4, $0x1;
	_ =	swait.ge [sflag:s14], $0x8000  }
.Ltmp0:
0x18d: {  	[sflag:s14] =	ssyncset.done $0x0;
	(pc) =	sbr.rel @p0 .LBB2_1-.Ltmp0, $4  }
0x18e: {  	[sflag:s14] =	ssyncadd.s32 $0xFFFF8000  }
0x18f: {  	_ =	swait.ge [sflag:s16], $0x8000  }
0x190: {  	[sflag:s16] =	ssyncset.done $0x0  }
0x191: {  	s4 =	sadd.s32 $0xFFFFFFFF, s4;
	[sflag:s16] =	ssyncadd.s32 $0xFFFF8000  }
0x192: {  	_ =	sfence.sel $0x180000  }
0x193: {  	[bflag:$0x0] =	sbarrier.arrive $0xFFFF  }
0x194: {  	_ =	strace $0x90000047  }
0x195: {  	s0 =	stileid.u32;
	[bflag:$0x2] =	sbarrier.arrive $0xFFFF  }
0x196: {  	p0 =	sne.s32 s0, $0x0;
	s0 =	rddreg [dreg:$0x3]  }
0x197: {  	s0 =	sadd.s32 @!p0 $0x100000, s0  }
0x198: {  	[sflag:s0] =	ssyncadd.tile.s32 @!p0 $0x1;
	_ =	shalt  }
.Lfunc_end2:
_tile_overlayer_lowered:
.L_overlay_start_2:
0x199: {  	(tag) =	ssettag $0x2  }
0x19a: {  	s0 =	rddreg [dreg:$0x0];
	s2 =	stileid.u32  }
0x19b: {  	s1 =	rddreg [dreg:$0x1];
	p0 =	sne.s32 s2, $0x0  }
0x19c: {  	s3 =	rddreg [dreg:$0x2];
	[bflag:$0x3] =	sbarrier.arrive $0xFFFF;
	s2 =	simm.s32 @!p0 $0x1C05  }
0x19d: {  	[timem:s3], [sflag:s2] =	dma.local @!p0 [hbm:s0], s1  }
0x19e: {  	s0 =	simm.s32 @!p0 $0x5  }
0x19f: {  	_ =	swait.ge @!p0 [sflag:s0], s1  }
0x1a0: {  	s1 =	ssub.s32 @!p0 $0x0, s1;
	[sflag:s0] =	ssyncset.done @!p0 $0x0  }
0x1a1: {  	[sflag:s0] =	ssyncadd.s32 @!p0 s1  }
0x1a2: {  	[bflag:$0x3] =	sbarrier.arrive $0xFFFF  }
0x1a3: {  	_ =	shalt  }

</sc_bundles>
